<compile_context>
chip_gen: v7x
topology: tpu7x:2x2x1
jax: 0.10.2.dev20260603
libtpu: 0.0.44.dev20260713+nightly
codegen_flags: <defaults>
</compile_context>

<pallas_src>
import functools

import jax
import jax.numpy as jnp
from jax import lax
from jax.experimental import pallas as pl
from jax.experimental.pallas import tpu as pltpu
from jax.experimental.pallas import tpu_sc as plsc

N = 10000
E = 320000
D_IN = 128
D_H = 128
D_OUT = 64

NC = 2
NS = 16
EPW = E // NS
C = 125
NCHUNK = EPW // C
RPS = 640
RPS_LAST = N - (NS - 1) * RPS
ZR = 80
DW = 16

_mesh = plsc.VectorSubcoreMesh(core_axis_name="c", subcore_axis_name="s")


def _agg_body(with_deg, dc, nbuf, zr, esplit, h_hbm, src_hbm, dst_hbm,
              *rest):
    if with_deg:
        (acc_out, deg_out, srcv, dstv, rows, zbuf, zbuf_d, onesv,
         gsem, ssem, dsem, isem, acc_sh, deg_sh) = rest
    else:
        acc_out, srcv, dstv, rows, zbuf, gsem, ssem, isem, acc_sh = rest
    cid = lax.axis_index("c")
    sid = lax.axis_index("s")
    nchunk = NCHUNK // NC if esplit else NCHUNK

    if esplit:
        coff = pl.multiple_of((sid * NC + cid) * nchunk, 8)
        src_view = src_hbm.at[0]
    else:
        coff = pl.multiple_of(sid * nchunk, 8)
        src_view = src_hbm.at[cid]
    icopy_s = pltpu.make_async_copy(src_view.at[pl.ds(coff, nchunk)],
                                    srcv, isem)
    icopy_d = pltpu.make_async_copy(dst_hbm.at[pl.ds(coff, nchunk)],
                                    dstv, isem)
    icopy_s.start()
    icopy_d.start()

    nz = jnp.where(sid < NS - 1, RPS // zr, RPS_LAST // zr)
    roff = pl.multiple_of(sid * RPS, 8)

    @pl.loop(0, zr)
    def _(i):
        @pl.loop(0, dc, step=16)
        def _(j):
            zbuf[i, pl.ds(j, 16)] = jnp.zeros((16,), jnp.float32)

    @pl.loop(0, nz)
    def _(k):
        pltpu.sync_copy(zbuf, acc_sh.at[pl.ds(roff + k * zr, zr)])

    if with_deg:
        @pl.loop(0, zr)
        def _(i):
            zbuf_d[i, pl.ds(0, DW)] = jnp.zeros((DW,), jnp.float32)

        @pl.loop(0, C)
        def _(i):
            onesv[i, pl.ds(0, DW)] = jnp.ones((DW,), jnp.float32)

        @pl.loop(0, nz)
        def _(k):
            pltpu.sync_copy(zbuf_d, deg_sh.at[pl.ds(roff + k * zr, zr)])

    plsc.subcore_barrier()

    icopy_s.wait()
    icopy_d.wait()

    def gcopy(j, b):
        return pltpu.make_async_copy(h_hbm.at[srcv.at[j]], rows.at[b],
                                     gsem.at[b])

    def scopy(j, b):
        return pltpu.make_async_copy(rows.at[b], acc_sh.at[dstv.at[j]],
                                     ssem.at[b])

    for b in range(nbuf):
        gcopy(b, b).start()

    @pl.loop(0, nchunk, step=nbuf)
    def _(j):
        for b in range(nbuf):
            gcopy(j + b, b).wait()
            pltpu.async_copy(rows.at[b], acc_sh.at[dstv.at[j + b]],
                             ssem.at[b], add=True)
            if with_deg:
                @pl.when(lax.rem(j + b, 2) == cid)
                def _(b=b):
                    pltpu.async_copy(onesv, deg_sh.at[dstv.at[j + b]],
                                     dsem, add=True)
        for b in range(nbuf):
            scopy(j + b, b).wait()

            @pl.when(j + nbuf + b < nchunk)
            def _(b=b):
                gcopy(j + nbuf + b, b).start()

    if with_deg:
        @pl.loop(0, nchunk, step=2)
        def _(j):
            pltpu.make_async_copy(onesv, deg_sh.at[dstv.at[j + cid]],
                                  dsem).wait()

    plsc.subcore_barrier()

    @pl.when(sid < NS - 1)
    def _():
        pltpu.sync_copy(acc_sh.at[pl.ds(roff, RPS)],
                        acc_out.at[cid].at[pl.ds(roff, RPS)])
        if with_deg:
            pltpu.sync_copy(deg_sh.at[pl.ds(roff, RPS)],
                            deg_out.at[cid].at[pl.ds(roff, RPS)])

    @pl.when(sid == NS - 1)
    def _():
        pltpu.sync_copy(acc_sh.at[pl.ds(roff, RPS_LAST)],
                        acc_out.at[cid].at[pl.ds(roff, RPS_LAST)])
        if with_deg:
            pltpu.sync_copy(deg_sh.at[pl.ds(roff, RPS_LAST)],
                            deg_out.at[cid].at[pl.ds(roff, RPS_LAST)])


def _make_agg(with_deg, dc, nbuf, zr=ZR, esplit=False):
    nchunk = NCHUNK // NC if esplit else NCHUNK
    out_type = [jax.ShapeDtypeStruct((NC, N, dc), jnp.float32)]
    scratch = [
        pltpu.VMEM((nchunk, C), jnp.int32),
        pltpu.VMEM((nchunk, C), jnp.int32),
        pltpu.VMEM((nbuf, C, dc), jnp.float32),
        pltpu.VMEM((zr, dc), jnp.float32),
    ]
    if with_deg:
        out_type.append(jax.ShapeDtypeStruct((NC, N, DW), jnp.float32))
        scratch += [
            pltpu.VMEM((zr, DW), jnp.float32),
            pltpu.VMEM((C, DW), jnp.float32),
        ]
    scratch.append(pltpu.SemaphoreType.DMA((nbuf,)))
    scratch.append(pltpu.SemaphoreType.DMA((nbuf,)))
    if with_deg:
        scratch.append(pltpu.SemaphoreType.DMA)
    scratch.append(pltpu.SemaphoreType.DMA)
    scratch.append(pltpu.VMEM_SHARED((N, dc), jnp.float32))
    if with_deg:
        scratch.append(pltpu.VMEM_SHARED((N, DW), jnp.float32))
    return pl.kernel(
        functools.partial(_agg_body, with_deg, dc, nbuf, zr, esplit),
        out_type=tuple(out_type) if len(out_type) > 1 else out_type[0],
        mesh=_mesh,
        scratch_types=scratch,
        compiler_params=pltpu.CompilerParams(use_tc_tiling_on_sc=False),
    )


def _bn_relu(z, g, be):
    mu = jnp.mean(z, axis=0, keepdims=True)
    var = jnp.mean((z - mu) ** 2, axis=0, keepdims=True)
    z = (z - mu) * lax.rsqrt(var + 1e-5) * g + be
    return jnp.maximum(z, 0.0)


def _combine0_body(h, a, dg, ws0, wn0, b0, g0, be0, ws1, b1,
                   h1_out, zs1_out, recip_out):
    deg = dg[0, :, 0:1] + dg[1, :, 0:1]
    recip = jnp.where(deg > 0, 1.0 / jnp.maximum(deg, 1.0), 0.0)
    hn = jnp.concatenate([a[0], a[1]], axis=1) * recip
    z = jnp.dot(h[...], ws0[...], preferred_element_type=jnp.float32)
    z = z + jnp.dot(hn, wn0[...], preferred_element_type=jnp.float32) + b0[...]
    h1 = _bn_relu(jnp.maximum(z, 0.0), g0[...], be0[...])
    h1_out[...] = h1
    zs1_out[...] = jnp.dot(h1, ws1[...],
                           preferred_element_type=jnp.float32) + b1[...]
    recip_out[...] = recip


def _combine1_body(zs1, a, recip, wn1, g1, be1, wn2, ws2, b2,
                   y2_out, zs2_out):
    hn = jnp.concatenate([a[0], a[1]], axis=1) * recip[...]
    z = zs1[...] + jnp.dot(hn, wn1[...], preferred_element_type=jnp.float32)
    h2 = _bn_relu(jnp.maximum(z, 0.0), g1[...], be1[...])
    y2_out[...] = jnp.dot(h2, wn2[...], preferred_element_type=jnp.float32)
    zs2_out[...] = jnp.dot(h2, ws2[...],
                           preferred_element_type=jnp.float32) + b2[...]


def _final_body(zs, a, recip, out):
    z = zs[...] + jnp.concatenate([a[0], a[1]], axis=1) * recip[...]
    hg = jnp.mean(z, axis=0, keepdims=True)
    m = jnp.max(hg, axis=1, keepdims=True)
    e = jnp.exp(hg - m)
    out[...] = e / jnp.sum(e, axis=1, keepdims=True)


_agg_with_deg = _make_agg(True, 64, 4, 40)
_agg_plain = _make_agg(False, 64, 4)
_agg_out = _make_agg(False, 32, 4)

_f32 = jnp.float32
_combine0 = pl.pallas_call(
    _combine0_body,
    out_shape=(jax.ShapeDtypeStruct((N, D_H), _f32),
               jax.ShapeDtypeStruct((N, D_H), _f32),
               jax.ShapeDtypeStruct((N, 1), _f32)))
_combine1 = pl.pallas_call(
    _combine1_body,
    out_shape=(jax.ShapeDtypeStruct((N, D_OUT), _f32),
               jax.ShapeDtypeStruct((N, D_OUT), _f32)))
_final = pl.pallas_call(
    _final_body, out_shape=jax.ShapeDtypeStruct((1, D_OUT), _f32))


def kernel(features, edge_index, Ws0, Wn0, b0, Ws1, Wn1, b1, Ws2, Wn2, b2,
           g0, be0, g1, be1):
    src2 = edge_index[0] * 2
    srcs = jnp.stack([src2, src2 + 1]).reshape(NC, E // C, C)
    dst2d = edge_index[1].reshape(E // C, C)

    acc0, deg = _agg_with_deg(features.reshape(2 * N, 64), srcs, dst2d)
    h1, zs1, recip = _combine0(features, acc0, deg, Ws0, Wn0,
                               b0.reshape(1, D_H), g0.reshape(1, D_H),
                               be0.reshape(1, D_H), Ws1, b1.reshape(1, D_H))

    acc1 = _agg_plain(h1.reshape(2 * N, 64), srcs, dst2d)
    y2, zs2 = _combine1(zs1, acc1, recip, Wn1, g1.reshape(1, D_H),
                        be1.reshape(1, D_H), Wn2, Ws2,
                        b2.reshape(1, D_OUT))

    acc2 = _agg_out(y2.reshape(2 * N, 32), srcs, dst2d)
    return _final(zs2, acc2, recip)

# --- scband reference (transcript-rebuilt; emitter-appended) ---
"""Pipeline reference for scband-graph-sagemodel-46686294507759 (READ-ONLY COPY).

The authoritative reference and input builder live on the scoring server;
editing this copy changes nothing except your own understanding.
"""

import jax, jax.numpy as jnp
import numpy as np

N = 10000
E = 320000
D_IN = 128
D_H = 128
D_OUT = 64


def setup_inputs(seed: int = 0) -> dict:
    key = jax.random.key(seed)
    ks = jax.random.split(key, 20)
    features = jax.random.normal(ks[0], (N, D_IN), dtype=jnp.float32)
    edge_index = jax.random.randint(ks[1], (2, E), 0, N, dtype=jnp.int32)
    s = 0.05
    # SAGEConv layer 0: in_feats -> n_hidden
    Ws0 = jax.random.normal(ks[2], (D_IN, D_H), dtype=jnp.float32) * s
    Wn0 = jax.random.normal(ks[3], (D_IN, D_H), dtype=jnp.float32) * s
    b0 = jnp.zeros((D_H,), dtype=jnp.float32)
    # SAGEConv layer 1 (hidden): n_hidden -> n_hidden
    Ws1 = jax.random.normal(ks[4], (D_H, D_H), dtype=jnp.float32) * s
    Wn1 = jax.random.normal(ks[5], (D_H, D_H), dtype=jnp.float32) * s
    b1 = jnp.zeros((D_H,), dtype=jnp.float32)
    # SAGEConv layer 2 (output): n_hidden -> out_dim
    Ws2 = jax.random.normal(ks[6], (D_H, D_OUT), dtype=jnp.float32) * s
    Wn2 = jax.random.normal(ks[7], (D_H, D_OUT), dtype=jnp.float32) * s
    b2 = jnp.zeros((D_OUT,), dtype=jnp.float32)
    # BatchNorm params for layers idx 0 and 1
    g0 = jnp.ones((D_H,), dtype=jnp.float32)
    be0 = jnp.zeros((D_H,), dtype=jnp.float32)
    g1 = jnp.ones((D_H,), dtype=jnp.float32)
    be1 = jnp.zeros((D_H,), dtype=jnp.float32)
    return {"features": features, "edge_index": edge_index,
            "Ws0": Ws0, "Wn0": Wn0, "b0": b0,
            "Ws1": Ws1, "Wn1": Wn1, "b1": b1,
            "Ws2": Ws2, "Wn2": Wn2, "b2": b2,
            "g0": g0, "be0": be0, "g1": g1, "be1": be1}


def _sage_mean_layer(h, src, dst, Ws, Wn, b, act):
    # DGL SAGEConv with aggregator_type='mean' (feat_drop=0.0):
    # h_neigh = mean over in-neighbors; out = h @ Ws + h_neigh @ Wn + b
    msg = jnp.take(h, src, axis=0)                       # gather over edges
    ssum = jax.ops.segment_sum(msg, dst, num_segments=N)  # scatter-add
    deg = jax.ops.segment_sum(jnp.ones((src.shape[0], 1), dtype=h.dtype), dst, num_segments=N)
    h_neigh = jnp.where(deg > 0, ssum / jnp.maximum(deg, 1.0), 0.0)
    out = h @ Ws + h_neigh @ Wn + b
    if act:
        out = jax.nn.relu(out)
    return out


def _batch_norm(h, gamma, beta, eps=1e-5):
    mu = jnp.mean(h, axis=0, keepdims=True)
    var = jnp.var(h, axis=0, keepdims=True)
    return (h - mu) / jnp.sqrt(var + eps) * gamma + beta


def reference(features, edge_index, Ws0, Wn0, b0, Ws1, Wn1, b1, Ws2, Wn2, b2, g0, be0, g1, be1):
    src = edge_index[0]
    dst = edge_index[1]
    # layer 0 (internal relu activation), then bn + activation (idx <= n_hidden_layers)
    h = _sage_mean_layer(features, src, dst, Ws0, Wn0, b0, act=True)
    h = jax.nn.relu(_batch_norm(h, g0, be0))
    # layer 1 (hidden)
    h = _sage_mean_layer(h, src, dst, Ws1, Wn1, b1, act=True)
    h = jax.nn.relu(_batch_norm(h, g1, be1))
    # layer 2 (output, no activation, no bn)
    h = _sage_mean_layer(h, src, dst, Ws2, Wn2, b2, act=False)
    # dgl.mean_nodes over the single graph -> [1, out_dim]
    hg = jnp.mean(h, axis=0, keepdims=True)
    return jax.nn.softmax(hg, axis=1)

if __name__ == "__main__":
    import jax
    _d = setup_inputs()
    print(jax.jit(kernel)(*tuple(_d.values())))

</pallas_src>

<mosaic_0001>
#map = affine_map<(d0, d1) -> (0, 0)>
#map1 = affine_map<(d0, d1) -> (0, 0, 0)>
module attributes {stable_mosaic.version = 14 : i64} {
  func.func @_agg_body(%arg0: i32, %arg1: i32, %arg2: memref<20000x32xf32, #tpu.memory_space<hbm>>, %arg3: memref<2x2560x125xi32, #tpu.memory_space<hbm>>, %arg4: memref<2560x125xi32, #tpu.memory_space<hbm>>, %arg5: memref<2x10000x32xf32, #tpu.memory_space<hbm>>, %arg6: memref<160x125xi32, #tpu.memory_space<vmem>>, %arg7: memref<160x125xi32, #tpu.memory_space<vmem>>, %arg8: memref<4x125x32xf32, #tpu.memory_space<vmem>>, %arg9: memref<80x32xf32, #tpu.memory_space<vmem>>, %arg10: memref<4x!tpu.dma_semaphore, #tpu.memory_space<semaphore_mem>>, %arg11: memref<4x!tpu.dma_semaphore, #tpu.memory_space<semaphore_mem>>, %arg12: memref<!tpu.dma_semaphore, #tpu.memory_space<semaphore_mem>>, %arg13: memref<10000x32xf32, #tpu.memory_space<vmem_shared>>) attributes {dimension_semantics = [#tpu.dimension_semantics<core_parallel>, #tpu.dimension_semantics<subcore_parallel>], iteration_bounds = array<i64: 2, 16>, scalar_prefetch = 0 : i64, scratch_operands = 8 : i64, tpu.core_type = #tpu.core_type<sc_vector_subcore>, window_params = [{transform_indices = #map}, {transform_indices = #map1}, {transform_indices = #map}, {transform_indices = #map1}]} {
    %mul3A = arith.constant 160 : i32
    %mul3A_0 = arith.muli %arg1, %mul3A : i32
    %multiple_of3A = tpu.assume_multiple %mul3A_0, 8 : i32
    %dma_start3A = arith.constant 0 : i32
    %dma_start3A_1 = arith.constant 0 : i32
    %dma_start3A_2 = tpu.memref_slice %arg3[%arg0, %dma_start3A, %dma_start3A_1] : memref<2x2560x125xi32, #tpu.memory_space<hbm>> -> memref<1x2560x125xi32, #tpu.memory_space<hbm>>
    %dma_start3A_3 = tpu.memref_squeeze %dma_start3A_2 : memref<1x2560x125xi32, #tpu.memory_space<hbm>> -> memref<2560x125xi32, #tpu.memory_space<hbm>>
    %dma_start3A_4 = arith.constant 0 : i32
    %dma_start3A_5 = tpu.memref_slice %dma_start3A_3[%multiple_of3A, %dma_start3A_4] : memref<2560x125xi32, #tpu.memory_space<hbm>> -> memref<160x125xi32, #tpu.memory_space<hbm>>
    %dma_start3A_6 = arith.constant 0 : i32
    %dma_start3A_7 = arith.constant 0 : i32
    %dma_start3A_8 = tpu.memref_slice %arg3[%arg0, %dma_start3A_6, %dma_start3A_7] : memref<2x2560x125xi32, #tpu.memory_space<hbm>> -> memref<1x2560x125xi32, #tpu.memory_space<hbm>>
    %dma_start3A_9 = tpu.memref_squeeze %dma_start3A_8 : memref<1x2560x125xi32, #tpu.memory_space<hbm>> -> memref<2560x125xi32, #tpu.memory_space<hbm>>
    %dma_start3A_10 = arith.constant 0 : i32
    %dma_start3A_11 = tpu.memref_slice %dma_start3A_9[%multiple_of3A, %dma_start3A_10] : memref<2560x125xi32, #tpu.memory_space<hbm>> -> memref<160x125xi32, #tpu.memory_space<hbm>>
    tpu.enqueue_dma source(%dma_start3A_11 : memref<160x125xi32, #tpu.memory_space<hbm>>) target(%arg6 : memref<160x125xi32, #tpu.memory_space<vmem>>) target_semaphore(%arg12 : memref<!tpu.dma_semaphore, #tpu.memory_space<semaphore_mem>>)
    %dma_start3A_12 = arith.constant 0 : i32
    %dma_start3A_13 = tpu.memref_slice %arg4[%multiple_of3A, %dma_start3A_12] : memref<2560x125xi32, #tpu.memory_space<hbm>> -> memref<160x125xi32, #tpu.memory_space<hbm>>
    %dma_start3A_14 = arith.constant 0 : i32
    %dma_start3A_15 = tpu.memref_slice %arg4[%multiple_of3A, %dma_start3A_14] : memref<2560x125xi32, #tpu.memory_space<hbm>> -> memref<160x125xi32, #tpu.memory_space<hbm>>
    tpu.enqueue_dma source(%dma_start3A_15 : memref<160x125xi32, #tpu.memory_space<hbm>>) target(%arg7 : memref<160x125xi32, #tpu.memory_space<vmem>>) target_semaphore(%arg12 : memref<!tpu.dma_semaphore, #tpu.memory_space<semaphore_mem>>)
    %lt3A = arith.constant 15 : i32
    %lt3A_16 = arith.cmpi slt, %arg1, %lt3A : i32
    %jit3A = arith.constant 8 : i32
    %jit3A_17 = arith.constant 5 : i32
    %select_n3A = arith.select %lt3A_16, %jit3A, %jit3A_17 : i32
    %mul3A_18 = arith.constant 640 : i32
    %mul3A_19 = arith.muli %arg1, %mul3A_18 : i32
    %multiple_of3A_20 = tpu.assume_multiple %mul3A_19, 8 : i32
    %scan3A = arith.constant 0 : i32
    %scan3A_21 = arith.constant 80 : i32
    %scan3A_22 = arith.addi %scan3A, %scan3A_21 : i32
    %scan3A_23 = arith.constant 1 : i32
    scf.for %scan3A_128 = %scan3A to %scan3A_22 step %scan3A_23  : i32 {
      %mul3A_129 = arith.constant 1 : i32
      %mul3A_130 = arith.muli %scan3A_128, %mul3A_129 : i32
      %add3A_131 = arith.constant 0 : i32
      %add3A_132 = arith.addi %add3A_131, %mul3A_130 : i32
      %scan3A_133 = arith.constant 0 : i32
      %scan3A_134 = arith.constant 2 : i32
      %scan3A_135 = arith.addi %scan3A_133, %scan3A_134 : i32
      %scan3A_136 = arith.constant 1 : i32
      scf.for %scan3A_138 = %scan3A_133 to %scan3A_135 step %scan3A_136  : i32 {
        %mul3A_139 = arith.constant 16 : i32
        %mul3A_140 = arith.muli %scan3A_138, %mul3A_139 : i32
        %add3A_141 = arith.constant 0 : i32
        %add3A_142 = arith.addi %add3A_141, %mul3A_140 : i32
        %broadcast_in_dim3A = arith.constant 0.000000e+00 : f32
        %broadcast_in_dim3A_143 = vector.broadcast %broadcast_in_dim3A : f32 to vector<16xf32>
        %swap3A = arith.index_cast %add3A_132 : i32 to index
        %swap3A_144 = arith.index_cast %add3A_142 : i32 to index
        %swap3A_145 = tpu.vector_load %arg9[%swap3A, %swap3A_144] {strides = array<i32>} : memref<80x32xf32, #tpu.memory_space<vmem>>, vector<1x16xf32>,
        %swap3A_146 = vector.shape_cast %swap3A_145 : vector<1x16xf32> to vector<16xf32>
        %swap3A_147 = vector.shape_cast %broadcast_in_dim3A_143 : vector<16xf32> to vector<1x16xf32>
        tpu.vector_store %arg9[%swap3A, %swap3A_144], %swap3A_147 {strides = array<i32>} : memref<80x32xf32, #tpu.memory_space<vmem>>, vector<1x16xf32>,
      }
      %scan3A_137 = arith.constant 2 : i32
    }
    %scan3A_24 = arith.constant 80 : i32
    %sub3A = arith.constant 0 : i32
    %sub3A_25 = arith.subi %select_n3A, %sub3A : i32
    %sub3A_26 = arith.constant 1 : i32
    %sub3A_27 = arith.constant 1 : i32
    %sub3A_28 = arith.subi %sub3A_26, %sub3A_27 : i32
    %add3A = arith.addi %sub3A_25, %sub3A_28 : i32
    %div3A = arith.constant 1 : i32
    %div3A_29 = arith.divsi %add3A, %div3A : i32
    %while3A = arith.constant 1 : i32
    %while3A_30 = arith.constant 0 : i32
    %while3A_31 = arith.constant 0 : i32
    %while3A_32 = arith.subi %div3A_29, %while3A_31 : i32
    %while3A_33 = arith.addi %while3A_31, %while3A_32 : i32
    %while3A_34 = arith.constant 1 : i32
    %while3A_35 = arith.divsi %while3A_32, %while3A_34 : i32
    %while3A_36 = arith.muli %while3A_35, %while3A_34 : i32
    %while3A_37 = arith.addi %while3A_31, %while3A_36 : i32
    %while3A_38 = arith.constant 1 : i32
    scf.for %while3A_128 = %while3A_31 to %while3A_37 step %while3A_38  : i32 {
      %mul3A_129 = arith.muli %while3A_128, %while3A : i32
      %add3A_130 = arith.addi %while3A_30, %mul3A_129 : i32
      %mul3A_131 = arith.constant 80 : i32
      %mul3A_132 = arith.muli %add3A_130, %mul3A_131 : i32
      %add3A_133 = arith.addi %multiple_of3A_20, %mul3A_132 : i32
      "tpu.region"() ({
        %run_scoped3A = tpu.sem_alloc : memref<!tpu.dma_semaphore, #tpu.memory_space<semaphore_mem>>
        %dma_start3A_134 = arith.constant 0 : i32
        %dma_start3A_135 = tpu.memref_slice %arg13[%add3A_133, %dma_start3A_134] : memref<10000x32xf32, #tpu.memory_space<vmem_shared>> -> memref<80x32xf32, #tpu.memory_space<vmem_shared>>
        %dma_start3A_136 = arith.constant 0 : i32
        %dma_start3A_137 = tpu.memref_slice %arg13[%add3A_133, %dma_start3A_136] : memref<10000x32xf32, #tpu.memory_space<vmem_shared>> -> memref<80x32xf32, #tpu.memory_space<vmem_shared>>
        tpu.enqueue_dma source(%arg9 : memref<80x32xf32, #tpu.memory_space<vmem>>) target(%dma_start3A_137 : memref<80x32xf32, #tpu.memory_space<vmem_shared>>) target_semaphore(%run_scoped3A : memref<!tpu.dma_semaphore, #tpu.memory_space<semaphore_mem>>)
        %dma_wait3A_138 = arith.constant 0 : i32
        %dma_wait3A_139 = tpu.memref_slice %arg13[%add3A_133, %dma_wait3A_138] : memref<10000x32xf32, #tpu.memory_space<vmem_shared>> -> memref<80x32xf32, #tpu.memory_space<vmem_shared>>
        %dma_wait3A_140 = arith.constant 0 : i32
        %dma_wait3A_141 = tpu.memref_slice %arg13[%add3A_133, %dma_wait3A_140] : memref<10000x32xf32, #tpu.memory_space<vmem_shared>> -> memref<80x32xf32, #tpu.memory_space<vmem_shared>>
        tpu.wait_dma2 semaphore(%run_scoped3A : memref<!tpu.dma_semaphore, #tpu.memory_space<semaphore_mem>>) src(%arg9 : memref<80x32xf32, #tpu.memory_space<vmem>>) dst(%dma_wait3A_141 : memref<80x32xf32, #tpu.memory_space<vmem_shared>>)
        tpu.yield
      }) : () -> ()
    }
    %while3A_39 = arith.constant 1 : i32
    scf.for %while3A_128 = %while3A_37 to %while3A_33 step %while3A_39  : i32 {
      %mul3A_129 = arith.muli %while3A_128, %while3A : i32
      %add3A_130 = arith.addi %while3A_30, %mul3A_129 : i32
      %mul3A_131 = arith.constant 80 : i32
      %mul3A_132 = arith.muli %add3A_130, %mul3A_131 : i32
      %add3A_133 = arith.addi %multiple_of3A_20, %mul3A_132 : i32
      "tpu.region"() ({
        %run_scoped3A = tpu.sem_alloc : memref<!tpu.dma_semaphore, #tpu.memory_space<semaphore_mem>>
        %dma_start3A_134 = arith.constant 0 : i32
        %dma_start3A_135 = tpu.memref_slice %arg13[%add3A_133, %dma_start3A_134] : memref<10000x32xf32, #tpu.memory_space<vmem_shared>> -> memref<80x32xf32, #tpu.memory_space<vmem_shared>>
        %dma_start3A_136 = arith.constant 0 : i32
        %dma_start3A_137 = tpu.memref_slice %arg13[%add3A_133, %dma_start3A_136] : memref<10000x32xf32, #tpu.memory_space<vmem_shared>> -> memref<80x32xf32, #tpu.memory_space<vmem_shared>>
        tpu.enqueue_dma source(%arg9 : memref<80x32xf32, #tpu.memory_space<vmem>>) target(%dma_start3A_137 : memref<80x32xf32, #tpu.memory_space<vmem_shared>>) target_semaphore(%run_scoped3A : memref<!tpu.dma_semaphore, #tpu.memory_space<semaphore_mem>>)
        %dma_wait3A_138 = arith.constant 0 : i32
        %dma_wait3A_139 = tpu.memref_slice %arg13[%add3A_133, %dma_wait3A_138] : memref<10000x32xf32, #tpu.memory_space<vmem_shared>> -> memref<80x32xf32, #tpu.memory_space<vmem_shared>>
        %dma_wait3A_140 = arith.constant 0 : i32
        %dma_wait3A_141 = tpu.memref_slice %arg13[%add3A_133, %dma_wait3A_140] : memref<10000x32xf32, #tpu.memory_space<vmem_shared>> -> memref<80x32xf32, #tpu.memory_space<vmem_shared>>
        tpu.wait_dma2 semaphore(%run_scoped3A : memref<!tpu.dma_semaphore, #tpu.memory_space<semaphore_mem>>) src(%arg9 : memref<80x32xf32, #tpu.memory_space<vmem>>) dst(%dma_wait3A_141 : memref<80x32xf32, #tpu.memory_space<vmem_shared>>)
        tpu.yield
      }) : () -> ()
    }
    %barrier3A = arith.constant 0 : index
    tpu.barrier barrier_id(%barrier3A)
    %dma_wait3A = arith.constant 0 : i32
    %dma_wait3A_40 = arith.constant 0 : i32
    %dma_wait3A_41 = tpu.memref_slice %arg3[%arg0, %dma_wait3A, %dma_wait3A_40] : memref<2x2560x125xi32, #tpu.memory_space<hbm>> -> memref<1x2560x125xi32, #tpu.memory_space<hbm>>
    %dma_wait3A_42 = tpu.memref_squeeze %dma_wait3A_41 : memref<1x2560x125xi32, #tpu.memory_space<hbm>> -> memref<2560x125xi32, #tpu.memory_space<hbm>>
    %dma_wait3A_43 = arith.constant 0 : i32
    %dma_wait3A_44 = tpu.memref_slice %dma_wait3A_42[%multiple_of3A, %dma_wait3A_43] : memref<2560x125xi32, #tpu.memory_space<hbm>> -> memref<160x125xi32, #tpu.memory_space<hbm>>
    %dma_wait3A_45 = arith.constant 0 : i32
    %dma_wait3A_46 = arith.constant 0 : i32
    %dma_wait3A_47 = tpu.memref_slice %arg3[%arg0, %dma_wait3A_45, %dma_wait3A_46] : memref<2x2560x125xi32, #tpu.memory_space<hbm>> -> memref<1x2560x125xi32, #tpu.memory_space<hbm>>
    %dma_wait3A_48 = tpu.memref_squeeze %dma_wait3A_47 : memref<1x2560x125xi32, #tpu.memory_space<hbm>> -> memref<2560x125xi32, #tpu.memory_space<hbm>>
    %dma_wait3A_49 = arith.constant 0 : i32
    %dma_wait3A_50 = tpu.memref_slice %dma_wait3A_48[%multiple_of3A, %dma_wait3A_49] : memref<2560x125xi32, #tpu.memory_space<hbm>> -> memref<160x125xi32, #tpu.memory_space<hbm>>
    tpu.wait_dma2 semaphore(%arg12 : memref<!tpu.dma_semaphore, #tpu.memory_space<semaphore_mem>>) src(%dma_wait3A_50 : memref<160x125xi32, #tpu.memory_space<hbm>>) dst(%arg6 : memref<160x125xi32, #tpu.memory_space<vmem>>)
    %dma_wait3A_51 = arith.constant 0 : i32
    %dma_wait3A_52 = tpu.memref_slice %arg4[%multiple_of3A, %dma_wait3A_51] : memref<2560x125xi32, #tpu.memory_space<hbm>> -> memref<160x125xi32, #tpu.memory_space<hbm>>
    %dma_wait3A_53 = arith.constant 0 : i32
    %dma_wait3A_54 = tpu.memref_slice %arg4[%multiple_of3A, %dma_wait3A_53] : memref<2560x125xi32, #tpu.memory_space<hbm>> -> memref<160x125xi32, #tpu.memory_space<hbm>>
    tpu.wait_dma2 semaphore(%arg12 : memref<!tpu.dma_semaphore, #tpu.memory_space<semaphore_mem>>) src(%dma_wait3A_54 : memref<160x125xi32, #tpu.memory_space<hbm>>) dst(%arg7 : memref<160x125xi32, #tpu.memory_space<vmem>>)
    %dma_start3A_55 = arith.constant 0 : i32
    %dma_start3A_56 = arith.constant 0 : i32
    %dma_start3A_57 = arith.constant 0 : i32
    %dma_start3A_58 = arith.constant 0 : i32
    %dma_start3A_59 = arith.constant 0 : i32
    %dma_start3A_60 = tpu.memref_slice %arg8[%dma_start3A_56, %dma_start3A_58, %dma_start3A_59] : memref<4x125x32xf32, #tpu.memory_space<vmem>> -> memref<1x125x32xf32, #tpu.memory_space<vmem>>
    %dma_start3A_61 = tpu.memref_squeeze %dma_start3A_60 : memref<1x125x32xf32, #tpu.memory_space<vmem>> -> memref<125x32xf32, #tpu.memory_space<vmem>>
    %dma_start3A_62 = arith.constant 0 : i32
    %dma_start3A_63 = tpu.memref_slice %arg6[%dma_start3A_55, %dma_start3A_62] : memref<160x125xi32, #tpu.memory_space<vmem>> -> memref<1x125xi32, #tpu.memory_space<vmem>>
    %dma_start3A_64 = tpu.memref_squeeze %dma_start3A_63 : memref<1x125xi32, #tpu.memory_space<vmem>> -> memref<125xi32, #tpu.memory_space<vmem>>
    %dma_start3A_65 = arith.constant 0 : i32
    %dma_start3A_66 = arith.constant 0 : i32
    %dma_start3A_67 = tpu.memref_slice %arg2[%dma_start3A_65, %dma_start3A_66] : memref<20000x32xf32, #tpu.memory_space<hbm>> -> memref<20000x32xf32, #tpu.memory_space<hbm>>
    %dma_start3A_68 = tpu.memref_slice %arg10[%dma_start3A_57] : memref<4x!tpu.dma_semaphore, #tpu.memory_space<semaphore_mem>> -> memref<1x!tpu.dma_semaphore, #tpu.memory_space<semaphore_mem>>
    %dma_start3A_69 = tpu.memref_squeeze %dma_start3A_68 : memref<1x!tpu.dma_semaphore, #tpu.memory_space<semaphore_mem>> -> memref<!tpu.dma_semaphore, #tpu.memory_space<semaphore_mem>>
    tpu.enqueue_indirect_dma source(%dma_start3A_67 : memref<20000x32xf32, #tpu.memory_space<hbm>>) target(%dma_start3A_61 : memref<125x32xf32, #tpu.memory_space<vmem>>) offsets(%dma_start3A_64 : memref<125xi32, #tpu.memory_space<vmem>>) semaphore(%dma_start3A_69 : memref<!tpu.dma_semaphore, #tpu.memory_space<semaphore_mem>>)
    %dma_start3A_70 = arith.constant 1 : i32
    %dma_start3A_71 = arith.constant 1 : i32
    %dma_start3A_72 = arith.constant 1 : i32
    %dma_start3A_73 = arith.constant 0 : i32
    %dma_start3A_74 = arith.constant 0 : i32
    %dma_start3A_75 = tpu.memref_slice %arg8[%dma_start3A_71, %dma_start3A_73, %dma_start3A_74] : memref<4x125x32xf32, #tpu.memory_space<vmem>> -> memref<1x125x32xf32, #tpu.memory_space<vmem>>
    %dma_start3A_76 = tpu.memref_squeeze %dma_start3A_75 : memref<1x125x32xf32, #tpu.memory_space<vmem>> -> memref<125x32xf32, #tpu.memory_space<vmem>>
    %dma_start3A_77 = arith.constant 0 : i32
    %dma_start3A_78 = tpu.memref_slice %arg6[%dma_start3A_70, %dma_start3A_77] : memref<160x125xi32, #tpu.memory_space<vmem>> -> memref<1x125xi32, #tpu.memory_space<vmem>>
    %dma_start3A_79 = tpu.memref_squeeze %dma_start3A_78 : memref<1x125xi32, #tpu.memory_space<vmem>> -> memref<125xi32, #tpu.memory_space<vmem>>
    %dma_start3A_80 = arith.constant 0 : i32
    %dma_start3A_81 = arith.constant 0 : i32
    %dma_start3A_82 = tpu.memref_slice %arg2[%dma_start3A_80, %dma_start3A_81] : memref<20000x32xf32, #tpu.memory_space<hbm>> -> memref<20000x32xf32, #tpu.memory_space<hbm>>
    %dma_start3A_83 = tpu.memref_slice %arg10[%dma_start3A_72] : memref<4x!tpu.dma_semaphore, #tpu.memory_space<semaphore_mem>> -> memref<1x!tpu.dma_semaphore, #tpu.memory_space<semaphore_mem>>
    %dma_start3A_84 = tpu.memref_squeeze %dma_start3A_83 : memref<1x!tpu.dma_semaphore, #tpu.memory_space<semaphore_mem>> -> memref<!tpu.dma_semaphore, #tpu.memory_space<semaphore_mem>>
    tpu.enqueue_indirect_dma source(%dma_start3A_82 : memref<20000x32xf32, #tpu.memory_space<hbm>>) target(%dma_start3A_76 : memref<125x32xf32, #tpu.memory_space<vmem>>) offsets(%dma_start3A_79 : memref<125xi32, #tpu.memory_space<vmem>>) semaphore(%dma_start3A_84 : memref<!tpu.dma_semaphore, #tpu.memory_space<semaphore_mem>>)
    %dma_start3A_85 = arith.constant 2 : i32
    %dma_start3A_86 = arith.constant 2 : i32
    %dma_start3A_87 = arith.constant 2 : i32
    %dma_start3A_88 = arith.constant 0 : i32
    %dma_start3A_89 = arith.constant 0 : i32
    %dma_start3A_90 = tpu.memref_slice %arg8[%dma_start3A_86, %dma_start3A_88, %dma_start3A_89] : memref<4x125x32xf32, #tpu.memory_space<vmem>> -> memref<1x125x32xf32, #tpu.memory_space<vmem>>
    %dma_start3A_91 = tpu.memref_squeeze %dma_start3A_90 : memref<1x125x32xf32, #tpu.memory_space<vmem>> -> memref<125x32xf32, #tpu.memory_space<vmem>>
    %dma_start3A_92 = arith.constant 0 : i32
    %dma_start3A_93 = tpu.memref_slice %arg6[%dma_start3A_85, %dma_start3A_92] : memref<160x125xi32, #tpu.memory_space<vmem>> -> memref<1x125xi32, #tpu.memory_space<vmem>>
    %dma_start3A_94 = tpu.memref_squeeze %dma_start3A_93 : memref<1x125xi32, #tpu.memory_space<vmem>> -> memref<125xi32, #tpu.memory_space<vmem>>
    %dma_start3A_95 = arith.constant 0 : i32
    %dma_start3A_96 = arith.constant 0 : i32
    %dma_start3A_97 = tpu.memref_slice %arg2[%dma_start3A_95, %dma_start3A_96] : memref<20000x32xf32, #tpu.memory_space<hbm>> -> memref<20000x32xf32, #tpu.memory_space<hbm>>
    %dma_start3A_98 = tpu.memref_slice %arg10[%dma_start3A_87] : memref<4x!tpu.dma_semaphore, #tpu.memory_space<semaphore_mem>> -> memref<1x!tpu.dma_semaphore, #tpu.memory_space<semaphore_mem>>
    %dma_start3A_99 = tpu.memref_squeeze %dma_start3A_98 : memref<1x!tpu.dma_semaphore, #tpu.memory_space<semaphore_mem>> -> memref<!tpu.dma_semaphore, #tpu.memory_space<semaphore_mem>>
    tpu.enqueue_indirect_dma source(%dma_start3A_97 : memref<20000x32xf32, #tpu.memory_space<hbm>>) target(%dma_start3A_91 : memref<125x32xf32, #tpu.memory_space<vmem>>) offsets(%dma_start3A_94 : memref<125xi32, #tpu.memory_space<vmem>>) semaphore(%dma_start3A_99 : memref<!tpu.dma_semaphore, #tpu.memory_space<semaphore_mem>>)
    %dma_start3A_100 = arith.constant 3 : i32
    %dma_start3A_101 = arith.constant 3 : i32
    %dma_start3A_102 = arith.constant 3 : i32
    %dma_start3A_103 = arith.constant 0 : i32
    %dma_start3A_104 = arith.constant 0 : i32
    %dma_start3A_105 = tpu.memref_slice %arg8[%dma_start3A_101, %dma_start3A_103, %dma_start3A_104] : memref<4x125x32xf32, #tpu.memory_space<vmem>> -> memref<1x125x32xf32, #tpu.memory_space<vmem>>
    %dma_start3A_106 = tpu.memref_squeeze %dma_start3A_105 : memref<1x125x32xf32, #tpu.memory_space<vmem>> -> memref<125x32xf32, #tpu.memory_space<vmem>>
    %dma_start3A_107 = arith.constant 0 : i32
    %dma_start3A_108 = tpu.memref_slice %arg6[%dma_start3A_100, %dma_start3A_107] : memref<160x125xi32, #tpu.memory_space<vmem>> -> memref<1x125xi32, #tpu.memory_space<vmem>>
    %dma_start3A_109 = tpu.memref_squeeze %dma_start3A_108 : memref<1x125xi32, #tpu.memory_space<vmem>> -> memref<125xi32, #tpu.memory_space<vmem>>
    %dma_start3A_110 = arith.constant 0 : i32
    %dma_start3A_111 = arith.constant 0 : i32
    %dma_start3A_112 = tpu.memref_slice %arg2[%dma_start3A_110, %dma_start3A_111] : memref<20000x32xf32, #tpu.memory_space<hbm>> -> memref<20000x32xf32, #tpu.memory_space<hbm>>
    %dma_start3A_113 = tpu.memref_slice %arg10[%dma_start3A_102] : memref<4x!tpu.dma_semaphore, #tpu.memory_space<semaphore_mem>> -> memref<1x!tpu.dma_semaphore, #tpu.memory_space<semaphore_mem>>
    %dma_start3A_114 = tpu.memref_squeeze %dma_start3A_113 : memref<1x!tpu.dma_semaphore, #tpu.memory_space<semaphore_mem>> -> memref<!tpu.dma_semaphore, #tpu.memory_space<semaphore_mem>>
    tpu.enqueue_indirect_dma source(%dma_start3A_112 : memref<20000x32xf32, #tpu.memory_space<hbm>>) target(%dma_start3A_106 : memref<125x32xf32, #tpu.memory_space<vmem>>) offsets(%dma_start3A_109 : memref<125xi32, #tpu.memory_space<vmem>>) semaphore(%dma_start3A_114 : memref<!tpu.dma_semaphore, #tpu.memory_space<semaphore_mem>>)
    %scan3A_115 = arith.constant 0 : i32
    %scan3A_116 = arith.constant 40 : i32
    %scan3A_117 = arith.addi %scan3A_115, %scan3A_116 : i32
    %scan3A_118 = arith.constant 1 : i32
    scf.for %scan3A_128 = %scan3A_115 to %scan3A_117 step %scan3A_118  : i32 {
      %mul3A_129 = arith.constant 4 : i32
      %mul3A_130 = arith.muli %scan3A_128, %mul3A_129 : i32
      %add3A_131 = arith.constant 0 : i32
      %add3A_132 = arith.addi %add3A_131, %mul3A_130 : i32
      %add3A_133 = arith.constant 0 : i32
      %add3A_134 = arith.addi %add3A_132, %add3A_133 : i32
      %dma_wait3A_135 = arith.constant 0 : i32
      %dma_wait3A_136 = arith.constant 0 : i32
      %dma_wait3A_137 = arith.constant 0 : i32
      %dma_wait3A_138 = arith.constant 0 : i32
      %dma_wait3A_139 = tpu.memref_slice %arg8[%dma_wait3A_135, %dma_wait3A_137, %dma_wait3A_138] : memref<4x125x32xf32, #tpu.memory_space<vmem>> -> memref<1x125x32xf32, #tpu.memory_space<vmem>>
      %dma_wait3A_140 = tpu.memref_squeeze %dma_wait3A_139 : memref<1x125x32xf32, #tpu.memory_space<vmem>> -> memref<125x32xf32, #tpu.memory_space<vmem>>
      %dma_wait3A_141 = arith.constant 0 : i32
      %dma_wait3A_142 = tpu.memref_slice %arg6[%add3A_134, %dma_wait3A_141] : memref<160x125xi32, #tpu.memory_space<vmem>> -> memref<1x125xi32, #tpu.memory_space<vmem>>
      %dma_wait3A_143 = tpu.memref_squeeze %dma_wait3A_142 : memref<1x125xi32, #tpu.memory_space<vmem>> -> memref<125xi32, #tpu.memory_space<vmem>>
      %dma_wait3A_144 = arith.constant 0 : i32
      %dma_wait3A_145 = arith.constant 0 : i32
      %dma_wait3A_146 = tpu.memref_slice %arg2[%dma_wait3A_144, %dma_wait3A_145] : memref<20000x32xf32, #tpu.memory_space<hbm>> -> memref<20000x32xf32, #tpu.memory_space<hbm>>
      %dma_wait3A_147 = tpu.memref_slice %arg10[%dma_wait3A_136] : memref<4x!tpu.dma_semaphore, #tpu.memory_space<semaphore_mem>> -> memref<1x!tpu.dma_semaphore, #tpu.memory_space<semaphore_mem>>
      %dma_wait3A_148 = tpu.memref_squeeze %dma_wait3A_147 : memref<1x!tpu.dma_semaphore, #tpu.memory_space<semaphore_mem>> -> memref<!tpu.dma_semaphore, #tpu.memory_space<semaphore_mem>>
      tpu.wait_indirect_dma semaphore(%dma_wait3A_148 : memref<!tpu.dma_semaphore, #tpu.memory_space<semaphore_mem>>) src(%dma_wait3A_146 : memref<20000x32xf32, #tpu.memory_space<hbm>>) dst(%dma_wait3A_140 : memref<125x32xf32, #tpu.memory_space<vmem>>)
      %add3A_149 = arith.constant 0 : i32
      %add3A_150 = arith.addi %add3A_132, %add3A_149 : i32
      %dma_start3A_151 = arith.constant 0 : i32
      %dma_start3A_152 = arith.constant 0 : i32
      %dma_start3A_153 = arith.constant 0 : i32
      %dma_start3A_154 = arith.constant 0 : i32
      %dma_start3A_155 = tpu.memref_slice %arg8[%dma_start3A_151, %dma_start3A_153, %dma_start3A_154] : memref<4x125x32xf32, #tpu.memory_space<vmem>> -> memref<1x125x32xf32, #tpu.memory_space<vmem>>
      %dma_start3A_156 = tpu.memref_squeeze %dma_start3A_155 : memref<1x125x32xf32, #tpu.memory_space<vmem>> -> memref<125x32xf32, #tpu.memory_space<vmem>>
      %dma_start3A_157 = arith.constant 0 : i32
      %dma_start3A_158 = tpu.memref_slice %arg7[%add3A_150, %dma_start3A_157] : memref<160x125xi32, #tpu.memory_space<vmem>> -> memref<1x125xi32, #tpu.memory_space<vmem>>
      %dma_start3A_159 = tpu.memref_squeeze %dma_start3A_158 : memref<1x125xi32, #tpu.memory_space<vmem>> -> memref<125xi32, #tpu.memory_space<vmem>>
      %dma_start3A_160 = arith.constant 0 : i32
      %dma_start3A_161 = arith.constant 0 : i32
      %dma_start3A_162 = tpu.memref_slice %arg13[%dma_start3A_160, %dma_start3A_161] : memref<10000x32xf32, #tpu.memory_space<vmem_shared>> -> memref<10000x32xf32, #tpu.memory_space<vmem_shared>>
      %dma_start3A_163 = tpu.memref_slice %arg11[%dma_start3A_152] : memref<4x!tpu.dma_semaphore, #tpu.memory_space<semaphore_mem>> -> memref<1x!tpu.dma_semaphore, #tpu.memory_space<semaphore_mem>>
      %dma_start3A_164 = tpu.memref_squeeze %dma_start3A_163 : memref<1x!tpu.dma_semaphore, #tpu.memory_space<semaphore_mem>> -> memref<!tpu.dma_semaphore, #tpu.memory_space<semaphore_mem>>
      tpu.enqueue_indirect_dma source(%dma_start3A_156 : memref<125x32xf32, #tpu.memory_space<vmem>>) target(%dma_start3A_162 : memref<10000x32xf32, #tpu.memory_space<vmem_shared>>) offsets(%dma_start3A_159 : memref<125xi32, #tpu.memory_space<vmem>>) semaphore(%dma_start3A_164 : memref<!tpu.dma_semaphore, #tpu.memory_space<semaphore_mem>>) {add = true}
      %add3A_165 = arith.constant 1 : i32
      %add3A_166 = arith.addi %add3A_132, %add3A_165 : i32
      %dma_wait3A_167 = arith.constant 1 : i32
      %dma_wait3A_168 = arith.constant 1 : i32
      %dma_wait3A_169 = arith.constant 0 : i32
      %dma_wait3A_170 = arith.constant 0 : i32
      %dma_wait3A_171 = tpu.memref_slice %arg8[%dma_wait3A_167, %dma_wait3A_169, %dma_wait3A_170] : memref<4x125x32xf32, #tpu.memory_space<vmem>> -> memref<1x125x32xf32, #tpu.memory_space<vmem>>
      %dma_wait3A_172 = tpu.memref_squeeze %dma_wait3A_171 : memref<1x125x32xf32, #tpu.memory_space<vmem>> -> memref<125x32xf32, #tpu.memory_space<vmem>>
      %dma_wait3A_173 = arith.constant 0 : i32
      %dma_wait3A_174 = tpu.memref_slice %arg6[%add3A_166, %dma_wait3A_173] : memref<160x125xi32, #tpu.memory_space<vmem>> -> memref<1x125xi32, #tpu.memory_space<vmem>>
      %dma_wait3A_175 = tpu.memref_squeeze %dma_wait3A_174 : memref<1x125xi32, #tpu.memory_space<vmem>> -> memref<125xi32, #tpu.memory_space<vmem>>
      %dma_wait3A_176 = arith.constant 0 : i32
      %dma_wait3A_177 = arith.constant 0 : i32
      %dma_wait3A_178 = tpu.memref_slice %arg2[%dma_wait3A_176, %dma_wait3A_177] : memref<20000x32xf32, #tpu.memory_space<hbm>> -> memref<20000x32xf32, #tpu.memory_space<hbm>>
      %dma_wait3A_179 = tpu.memref_slice %arg10[%dma_wait3A_168] : memref<4x!tpu.dma_semaphore, #tpu.memory_space<semaphore_mem>> -> memref<1x!tpu.dma_semaphore, #tpu.memory_space<semaphore_mem>>
      %dma_wait3A_180 = tpu.memref_squeeze %dma_wait3A_179 : memref<1x!tpu.dma_semaphore, #tpu.memory_space<semaphore_mem>> -> memref<!tpu.dma_semaphore, #tpu.memory_space<semaphore_mem>>
      tpu.wait_indirect_dma semaphore(%dma_wait3A_180 : memref<!tpu.dma_semaphore, #tpu.memory_space<semaphore_mem>>) src(%dma_wait3A_178 : memref<20000x32xf32, #tpu.memory_space<hbm>>) dst(%dma_wait3A_172 : memref<125x32xf32, #tpu.memory_space<vmem>>)
      %add3A_181 = arith.constant 1 : i32
      %add3A_182 = arith.addi %add3A_132, %add3A_181 : i32
      %dma_start3A_183 = arith.constant 1 : i32
      %dma_start3A_184 = arith.constant 1 : i32
      %dma_start3A_185 = arith.constant 0 : i32
      %dma_start3A_186 = arith.constant 0 : i32
      %dma_start3A_187 = tpu.memref_slice %arg8[%dma_start3A_183, %dma_start3A_185, %dma_start3A_186] : memref<4x125x32xf32, #tpu.memory_space<vmem>> -> memref<1x125x32xf32, #tpu.memory_space<vmem>>
      %dma_start3A_188 = tpu.memref_squeeze %dma_start3A_187 : memref<1x125x32xf32, #tpu.memory_space<vmem>> -> memref<125x32xf32, #tpu.memory_space<vmem>>
      %dma_start3A_189 = arith.constant 0 : i32
      %dma_start3A_190 = tpu.memref_slice %arg7[%add3A_182, %dma_start3A_189] : memref<160x125xi32, #tpu.memory_space<vmem>> -> memref<1x125xi32, #tpu.memory_space<vmem>>
      %dma_start3A_191 = tpu.memref_squeeze %dma_start3A_190 : memref<1x125xi32, #tpu.memory_space<vmem>> -> memref<125xi32, #tpu.memory_space<vmem>>
      %dma_start3A_192 = arith.constant 0 : i32
      %dma_start3A_193 = arith.constant 0 : i32
      %dma_start3A_194 = tpu.memref_slice %arg13[%dma_start3A_192, %dma_start3A_193] : memref<10000x32xf32, #tpu.memory_space<vmem_shared>> -> memref<10000x32xf32, #tpu.memory_space<vmem_shared>>
      %dma_start3A_195 = tpu.memref_slice %arg11[%dma_start3A_184] : memref<4x!tpu.dma_semaphore, #tpu.memory_space<semaphore_mem>> -> memref<1x!tpu.dma_semaphore, #tpu.memory_space<semaphore_mem>>
      %dma_start3A_196 = tpu.memref_squeeze %dma_start3A_195 : memref<1x!tpu.dma_semaphore, #tpu.memory_space<semaphore_mem>> -> memref<!tpu.dma_semaphore, #tpu.memory_space<semaphore_mem>>
      tpu.enqueue_indirect_dma source(%dma_start3A_188 : memref<125x32xf32, #tpu.memory_space<vmem>>) target(%dma_start3A_194 : memref<10000x32xf32, #tpu.memory_space<vmem_shared>>) offsets(%dma_start3A_191 : memref<125xi32, #tpu.memory_space<vmem>>) semaphore(%dma_start3A_196 : memref<!tpu.dma_semaphore, #tpu.memory_space<semaphore_mem>>) {add = true}
      %add3A_197 = arith.constant 2 : i32
      %add3A_198 = arith.addi %add3A_132, %add3A_197 : i32
      %dma_wait3A_199 = arith.constant 2 : i32
      %dma_wait3A_200 = arith.constant 2 : i32
      %dma_wait3A_201 = arith.constant 0 : i32
      %dma_wait3A_202 = arith.constant 0 : i32
      %dma_wait3A_203 = tpu.memref_slice %arg8[%dma_wait3A_199, %dma_wait3A_201, %dma_wait3A_202] : memref<4x125x32xf32, #tpu.memory_space<vmem>> -> memref<1x125x32xf32, #tpu.memory_space<vmem>>
      %dma_wait3A_204 = tpu.memref_squeeze %dma_wait3A_203 : memref<1x125x32xf32, #tpu.memory_space<vmem>> -> memref<125x32xf32, #tpu.memory_space<vmem>>
      %dma_wait3A_205 = arith.constant 0 : i32
      %dma_wait3A_206 = tpu.memref_slice %arg6[%add3A_198, %dma_wait3A_205] : memref<160x125xi32, #tpu.memory_space<vmem>> -> memref<1x125xi32, #tpu.memory_space<vmem>>
      %dma_wait3A_207 = tpu.memref_squeeze %dma_wait3A_206 : memref<1x125xi32, #tpu.memory_space<vmem>> -> memref<125xi32, #tpu.memory_space<vmem>>
      %dma_wait3A_208 = arith.constant 0 : i32
      %dma_wait3A_209 = arith.constant 0 : i32
      %dma_wait3A_210 = tpu.memref_slice %arg2[%dma_wait3A_208, %dma_wait3A_209] : memref<20000x32xf32, #tpu.memory_space<hbm>> -> memref<20000x32xf32, #tpu.memory_space<hbm>>
      %dma_wait3A_211 = tpu.memref_slice %arg10[%dma_wait3A_200] : memref<4x!tpu.dma_semaphore, #tpu.memory_space<semaphore_mem>> -> memref<1x!tpu.dma_semaphore, #tpu.memory_space<semaphore_mem>>
      %dma_wait3A_212 = tpu.memref_squeeze %dma_wait3A_211 : memref<1x!tpu.dma_semaphore, #tpu.memory_space<semaphore_mem>> -> memref<!tpu.dma_semaphore, #tpu.memory_space<semaphore_mem>>
      tpu.wait_indirect_dma semaphore(%dma_wait3A_212 : memref<!tpu.dma_semaphore, #tpu.memory_space<semaphore_mem>>) src(%dma_wait3A_210 : memref<20000x32xf32, #tpu.memory_space<hbm>>) dst(%dma_wait3A_204 : memref<125x32xf32, #tpu.memory_space<vmem>>)
      %add3A_213 = arith.constant 2 : i32
      %add3A_214 = arith.addi %add3A_132, %add3A_213 : i32
      %dma_start3A_215 = arith.constant 2 : i32
      %dma_start3A_216 = arith.constant 2 : i32
      %dma_start3A_217 = arith.constant 0 : i32
      %dma_start3A_218 = arith.constant 0 : i32
      %dma_start3A_219 = tpu.memref_slice %arg8[%dma_start3A_215, %dma_start3A_217, %dma_start3A_218] : memref<4x125x32xf32, #tpu.memory_space<vmem>> -> memref<1x125x32xf32, #tpu.memory_space<vmem>>
      %dma_start3A_220 = tpu.memref_squeeze %dma_start3A_219 : memref<1x125x32xf32, #tpu.memory_space<vmem>> -> memref<125x32xf32, #tpu.memory_space<vmem>>
      %dma_start3A_221 = arith.constant 0 : i32
      %dma_start3A_222 = tpu.memref_slice %arg7[%add3A_214, %dma_start3A_221] : memref<160x125xi32, #tpu.memory_space<vmem>> -> memref<1x125xi32, #tpu.memory_space<vmem>>
      %dma_start3A_223 = tpu.memref_squeeze %dma_start3A_222 : memref<1x125xi32, #tpu.memory_space<vmem>> -> memref<125xi32, #tpu.memory_space<vmem>>
      %dma_start3A_224 = arith.constant 0 : i32
      %dma_start3A_225 = arith.constant 0 : i32
      %dma_start3A_226 = tpu.memref_slice %arg13[%dma_start3A_224, %dma_start3A_225] : memref<10000x32xf32, #tpu.memory_space<vmem_shared>> -> memref<10000x32xf32, #tpu.memory_space<vmem_shared>>
      %dma_start3A_227 = tpu.memref_slice %arg11[%dma_start3A_216] : memref<4x!tpu.dma_semaphore, #tpu.memory_space<semaphore_mem>> -> memref<1x!tpu.dma_semaphore, #tpu.memory_space<semaphore_mem>>
      %dma_start3A_228 = tpu.memref_squeeze %dma_start3A_227 : memref<1x!tpu.dma_semaphore, #tpu.memory_space<semaphore_mem>> -> memref<!tpu.dma_semaphore, #tpu.memory_space<semaphore_mem>>
      tpu.enqueue_indirect_dma source(%dma_start3A_220 : memref<125x32xf32, #tpu.memory_space<vmem>>) target(%dma_start3A_226 : memref<10000x32xf32, #tpu.memory_space<vmem_shared>>) offsets(%dma_start3A_223 : memref<125xi32, #tpu.memory_space<vmem>>) semaphore(%dma_start3A_228 : memref<!tpu.dma_semaphore, #tpu.memory_space<semaphore_mem>>) {add = true}
      %add3A_229 = arith.constant 3 : i32
      %add3A_230 = arith.addi %add3A_132, %add3A_229 : i32
      %dma_wait3A_231 = arith.constant 3 : i32
      %dma_wait3A_232 = arith.constant 3 : i32
      %dma_wait3A_233 = arith.constant 0 : i32
      %dma_wait3A_234 = arith.constant 0 : i32
      %dma_wait3A_235 = tpu.memref_slice %arg8[%dma_wait3A_231, %dma_wait3A_233, %dma_wait3A_234] : memref<4x125x32xf32, #tpu.memory_space<vmem>> -> memref<1x125x32xf32, #tpu.memory_space<vmem>>
      %dma_wait3A_236 = tpu.memref_squeeze %dma_wait3A_235 : memref<1x125x32xf32, #tpu.memory_space<vmem>> -> memref<125x32xf32, #tpu.memory_space<vmem>>
      %dma_wait3A_237 = arith.constant 0 : i32
      %dma_wait3A_238 = tpu.memref_slice %arg6[%add3A_230, %dma_wait3A_237] : memref<160x125xi32, #tpu.memory_space<vmem>> -> memref<1x125xi32, #tpu.memory_space<vmem>>
      %dma_wait3A_239 = tpu.memref_squeeze %dma_wait3A_238 : memref<1x125xi32, #tpu.memory_space<vmem>> -> memref<125xi32, #tpu.memory_space<vmem>>
      %dma_wait3A_240 = arith.constant 0 : i32
      %dma_wait3A_241 = arith.constant 0 : i32
      %dma_wait3A_242 = tpu.memref_slice %arg2[%dma_wait3A_240, %dma_wait3A_241] : memref<20000x32xf32, #tpu.memory_space<hbm>> -> memref<20000x32xf32, #tpu.memory_space<hbm>>
      %dma_wait3A_243 = tpu.memref_slice %arg10[%dma_wait3A_232] : memref<4x!tpu.dma_semaphore, #tpu.memory_space<semaphore_mem>> -> memref<1x!tpu.dma_semaphore, #tpu.memory_space<semaphore_mem>>
      %dma_wait3A_244 = tpu.memref_squeeze %dma_wait3A_243 : memref<1x!tpu.dma_semaphore, #tpu.memory_space<semaphore_mem>> -> memref<!tpu.dma_semaphore, #tpu.memory_space<semaphore_mem>>
      tpu.wait_indirect_dma semaphore(%dma_wait3A_244 : memref<!tpu.dma_semaphore, #tpu.memory_space<semaphore_mem>>) src(%dma_wait3A_242 : memref<20000x32xf32, #tpu.memory_space<hbm>>) dst(%dma_wait3A_236 : memref<125x32xf32, #tpu.memory_space<vmem>>)
      %add3A_245 = arith.constant 3 : i32
      %add3A_246 = arith.addi %add3A_132, %add3A_245 : i32
      %dma_start3A_247 = arith.constant 3 : i32
      %dma_start3A_248 = arith.constant 3 : i32
      %dma_start3A_249 = arith.constant 0 : i32
      %dma_start3A_250 = arith.constant 0 : i32
      %dma_start3A_251 = tpu.memref_slice %arg8[%dma_start3A_247, %dma_start3A_249, %dma_start3A_250] : memref<4x125x32xf32, #tpu.memory_space<vmem>> -> memref<1x125x32xf32, #tpu.memory_space<vmem>>
      %dma_start3A_252 = tpu.memref_squeeze %dma_start3A_251 : memref<1x125x32xf32, #tpu.memory_space<vmem>> -> memref<125x32xf32, #tpu.memory_space<vmem>>
      %dma_start3A_253 = arith.constant 0 : i32
      %dma_start3A_254 = tpu.memref_slice %arg7[%add3A_246, %dma_start3A_253] : memref<160x125xi32, #tpu.memory_space<vmem>> -> memref<1x125xi32, #tpu.memory_space<vmem>>
      %dma_start3A_255 = tpu.memref_squeeze %dma_start3A_254 : memref<1x125xi32, #tpu.memory_space<vmem>> -> memref<125xi32, #tpu.memory_space<vmem>>
      %dma_start3A_256 = arith.constant 0 : i32
      %dma_start3A_257 = arith.constant 0 : i32
      %dma_start3A_258 = tpu.memref_slice %arg13[%dma_start3A_256, %dma_start3A_257] : memref<10000x32xf32, #tpu.memory_space<vmem_shared>> -> memref<10000x32xf32, #tpu.memory_space<vmem_shared>>
      %dma_start3A_259 = tpu.memref_slice %arg11[%dma_start3A_248] : memref<4x!tpu.dma_semaphore, #tpu.memory_space<semaphore_mem>> -> memref<1x!tpu.dma_semaphore, #tpu.memory_space<semaphore_mem>>
      %dma_start3A_260 = tpu.memref_squeeze %dma_start3A_259 : memref<1x!tpu.dma_semaphore, #tpu.memory_space<semaphore_mem>> -> memref<!tpu.dma_semaphore, #tpu.memory_space<semaphore_mem>>
      tpu.enqueue_indirect_dma source(%dma_start3A_252 : memref<125x32xf32, #tpu.memory_space<vmem>>) target(%dma_start3A_258 : memref<10000x32xf32, #tpu.memory_space<vmem_shared>>) offsets(%dma_start3A_255 : memref<125xi32, #tpu.memory_space<vmem>>) semaphore(%dma_start3A_260 : memref<!tpu.dma_semaphore, #tpu.memory_space<semaphore_mem>>) {add = true}
      %add3A_261 = arith.constant 0 : i32
      %add3A_262 = arith.addi %add3A_132, %add3A_261 : i32
      %dma_wait3A_263 = arith.constant 0 : i32
      %dma_wait3A_264 = arith.constant 0 : i32
      %dma_wait3A_265 = arith.constant 0 : i32
      %dma_wait3A_266 = arith.constant 0 : i32
      %dma_wait3A_267 = tpu.memref_slice %arg8[%dma_wait3A_263, %dma_wait3A_265, %dma_wait3A_266] : memref<4x125x32xf32, #tpu.memory_space<vmem>> -> memref<1x125x32xf32, #tpu.memory_space<vmem>>
      %dma_wait3A_268 = tpu.memref_squeeze %dma_wait3A_267 : memref<1x125x32xf32, #tpu.memory_space<vmem>> -> memref<125x32xf32, #tpu.memory_space<vmem>>
      %dma_wait3A_269 = arith.constant 0 : i32
      %dma_wait3A_270 = tpu.memref_slice %arg7[%add3A_262, %dma_wait3A_269] : memref<160x125xi32, #tpu.memory_space<vmem>> -> memref<1x125xi32, #tpu.memory_space<vmem>>
      %dma_wait3A_271 = tpu.memref_squeeze %dma_wait3A_270 : memref<1x125xi32, #tpu.memory_space<vmem>> -> memref<125xi32, #tpu.memory_space<vmem>>
      %dma_wait3A_272 = arith.constant 0 : i32
      %dma_wait3A_273 = arith.constant 0 : i32
      %dma_wait3A_274 = tpu.memref_slice %arg13[%dma_wait3A_272, %dma_wait3A_273] : memref<10000x32xf32, #tpu.memory_space<vmem_shared>> -> memref<10000x32xf32, #tpu.memory_space<vmem_shared>>
      %dma_wait3A_275 = tpu.memref_slice %arg11[%dma_wait3A_264] : memref<4x!tpu.dma_semaphore, #tpu.memory_space<semaphore_mem>> -> memref<1x!tpu.dma_semaphore, #tpu.memory_space<semaphore_mem>>
      %dma_wait3A_276 = tpu.memref_squeeze %dma_wait3A_275 : memref<1x!tpu.dma_semaphore, #tpu.memory_space<semaphore_mem>> -> memref<!tpu.dma_semaphore, #tpu.memory_space<semaphore_mem>>
      tpu.wait_indirect_dma semaphore(%dma_wait3A_276 : memref<!tpu.dma_semaphore, #tpu.memory_space<semaphore_mem>>) src(%dma_wait3A_268 : memref<125x32xf32, #tpu.memory_space<vmem>>) dst(%dma_wait3A_274 : memref<10000x32xf32, #tpu.memory_space<vmem_shared>>)
      %add3A_277 = arith.constant 4 : i32
      %add3A_278 = arith.addi %add3A_132, %add3A_277 : i32
      %add3A_279 = arith.constant 0 : i32
      %add3A_280 = arith.addi %add3A_278, %add3A_279 : i32
      %lt3A_281 = arith.constant 160 : i32
      %lt3A_282 = arith.cmpi slt, %add3A_280, %lt3A_281 : i32
      %convert_element_type3A_283 = arith.extui %lt3A_282 : i1 to i32
      %cond3A_284 = arith.constant 0 : i32
      %cond3A_285 = arith.cmpi ne, %convert_element_type3A_283, %cond3A_284 : i32
      scf.if %cond3A_285 {
        %add3A_361 = arith.constant 4 : i32
        %add3A_362 = arith.addi %add3A_132, %add3A_361 : i32
        %add3A_363 = arith.constant 0 : i32
        %add3A_364 = arith.addi %add3A_362, %add3A_363 : i32
        %dma_start3A_365 = arith.constant 0 : i32
        %dma_start3A_366 = arith.constant 0 : i32
        %dma_start3A_367 = arith.constant 0 : i32
        %dma_start3A_368 = arith.constant 0 : i32
        %dma_start3A_369 = tpu.memref_slice %arg8[%dma_start3A_365, %dma_start3A_367, %dma_start3A_368] : memref<4x125x32xf32, #tpu.memory_space<vmem>> -> memref<1x125x32xf32, #tpu.memory_space<vmem>>
        %dma_start3A_370 = tpu.memref_squeeze %dma_start3A_369 : memref<1x125x32xf32, #tpu.memory_space<vmem>> -> memref<125x32xf32, #tpu.memory_space<vmem>>
        %dma_start3A_371 = arith.constant 0 : i32
        %dma_start3A_372 = tpu.memref_slice %arg6[%add3A_364, %dma_start3A_371] : memref<160x125xi32, #tpu.memory_space<vmem>> -> memref<1x125xi32, #tpu.memory_space<vmem>>
        %dma_start3A_373 = tpu.memref_squeeze %dma_start3A_372 : memref<1x125xi32, #tpu.memory_space<vmem>> -> memref<125xi32, #tpu.memory_space<vmem>>
        %dma_start3A_374 = arith.constant 0 : i32
        %dma_start3A_375 = arith.constant 0 : i32
        %dma_start3A_376 = tpu.memref_slice %arg2[%dma_start3A_374, %dma_start3A_375] : memref<20000x32xf32, #tpu.memory_space<hbm>> -> memref<20000x32xf32, #tpu.memory_space<hbm>>
        %dma_start3A_377 = tpu.memref_slice %arg10[%dma_start3A_366] : memref<4x!tpu.dma_semaphore, #tpu.memory_space<semaphore_mem>> -> memref<1x!tpu.dma_semaphore, #tpu.memory_space<semaphore_mem>>
        %dma_start3A_378 = tpu.memref_squeeze %dma_start3A_377 : memref<1x!tpu.dma_semaphore, #tpu.memory_space<semaphore_mem>> -> memref<!tpu.dma_semaphore, #tpu.memory_space<semaphore_mem>>
        tpu.enqueue_indirect_dma source(%dma_start3A_376 : memref<20000x32xf32, #tpu.memory_space<hbm>>) target(%dma_start3A_370 : memref<125x32xf32, #tpu.memory_space<vmem>>) offsets(%dma_start3A_373 : memref<125xi32, #tpu.memory_space<vmem>>) semaphore(%dma_start3A_378 : memref<!tpu.dma_semaphore, #tpu.memory_space<semaphore_mem>>)
      } else {
      }
      %add3A_286 = arith.constant 1 : i32
      %add3A_287 = arith.addi %add3A_132, %add3A_286 : i32
      %dma_wait3A_288 = arith.constant 1 : i32
      %dma_wait3A_289 = arith.constant 1 : i32
      %dma_wait3A_290 = arith.constant 0 : i32
      %dma_wait3A_291 = arith.constant 0 : i32
      %dma_wait3A_292 = tpu.memref_slice %arg8[%dma_wait3A_288, %dma_wait3A_290, %dma_wait3A_291] : memref<4x125x32xf32, #tpu.memory_space<vmem>> -> memref<1x125x32xf32, #tpu.memory_space<vmem>>
      %dma_wait3A_293 = tpu.memref_squeeze %dma_wait3A_292 : memref<1x125x32xf32, #tpu.memory_space<vmem>> -> memref<125x32xf32, #tpu.memory_space<vmem>>
      %dma_wait3A_294 = arith.constant 0 : i32
      %dma_wait3A_295 = tpu.memref_slice %arg7[%add3A_287, %dma_wait3A_294] : memref<160x125xi32, #tpu.memory_space<vmem>> -> memref<1x125xi32, #tpu.memory_space<vmem>>
      %dma_wait3A_296 = tpu.memref_squeeze %dma_wait3A_295 : memref<1x125xi32, #tpu.memory_space<vmem>> -> memref<125xi32, #tpu.memory_space<vmem>>
      %dma_wait3A_297 = arith.constant 0 : i32
      %dma_wait3A_298 = arith.constant 0 : i32
      %dma_wait3A_299 = tpu.memref_slice %arg13[%dma_wait3A_297, %dma_wait3A_298] : memref<10000x32xf32, #tpu.memory_space<vmem_shared>> -> memref<10000x32xf32, #tpu.memory_space<vmem_shared>>
      %dma_wait3A_300 = tpu.memref_slice %arg11[%dma_wait3A_289] : memref<4x!tpu.dma_semaphore, #tpu.memory_space<semaphore_mem>> -> memref<1x!tpu.dma_semaphore, #tpu.memory_space<semaphore_mem>>
      %dma_wait3A_301 = tpu.memref_squeeze %dma_wait3A_300 : memref<1x!tpu.dma_semaphore, #tpu.memory_space<semaphore_mem>> -> memref<!tpu.dma_semaphore, #tpu.memory_space<semaphore_mem>>
      tpu.wait_indirect_dma semaphore(%dma_wait3A_301 : memref<!tpu.dma_semaphore, #tpu.memory_space<semaphore_mem>>) src(%dma_wait3A_293 : memref<125x32xf32, #tpu.memory_space<vmem>>) dst(%dma_wait3A_299 : memref<10000x32xf32, #tpu.memory_space<vmem_shared>>)
      %add3A_302 = arith.constant 4 : i32
      %add3A_303 = arith.addi %add3A_132, %add3A_302 : i32
      %add3A_304 = arith.constant 1 : i32
      %add3A_305 = arith.addi %add3A_303, %add3A_304 : i32
      %lt3A_306 = arith.constant 160 : i32
      %lt3A_307 = arith.cmpi slt, %add3A_305, %lt3A_306 : i32
      %convert_element_type3A_308 = arith.extui %lt3A_307 : i1 to i32
      %cond3A_309 = arith.constant 0 : i32
      %cond3A_310 = arith.cmpi ne, %convert_element_type3A_308, %cond3A_309 : i32
      scf.if %cond3A_310 {
        %add3A_361 = arith.constant 4 : i32
        %add3A_362 = arith.addi %add3A_132, %add3A_361 : i32
        %add3A_363 = arith.constant 1 : i32
        %add3A_364 = arith.addi %add3A_362, %add3A_363 : i32
        %dma_start3A_365 = arith.constant 1 : i32
        %dma_start3A_366 = arith.constant 1 : i32
        %dma_start3A_367 = arith.constant 0 : i32
        %dma_start3A_368 = arith.constant 0 : i32
        %dma_start3A_369 = tpu.memref_slice %arg8[%dma_start3A_365, %dma_start3A_367, %dma_start3A_368] : memref<4x125x32xf32, #tpu.memory_space<vmem>> -> memref<1x125x32xf32, #tpu.memory_space<vmem>>
        %dma_start3A_370 = tpu.memref_squeeze %dma_start3A_369 : memref<1x125x32xf32, #tpu.memory_space<vmem>> -> memref<125x32xf32, #tpu.memory_space<vmem>>
        %dma_start3A_371 = arith.constant 0 : i32
        %dma_start3A_372 = tpu.memref_slice %arg6[%add3A_364, %dma_start3A_371] : memref<160x125xi32, #tpu.memory_space<vmem>> -> memref<1x125xi32, #tpu.memory_space<vmem>>
        %dma_start3A_373 = tpu.memref_squeeze %dma_start3A_372 : memref<1x125xi32, #tpu.memory_space<vmem>> -> memref<125xi32, #tpu.memory_space<vmem>>
        %dma_start3A_374 = arith.constant 0 : i32
        %dma_start3A_375 = arith.constant 0 : i32
        %dma_start3A_376 = tpu.memref_slice %arg2[%dma_start3A_374, %dma_start3A_375] : memref<20000x32xf32, #tpu.memory_space<hbm>> -> memref<20000x32xf32, #tpu.memory_space<hbm>>
        %dma_start3A_377 = tpu.memref_slice %arg10[%dma_start3A_366] : memref<4x!tpu.dma_semaphore, #tpu.memory_space<semaphore_mem>> -> memref<1x!tpu.dma_semaphore, #tpu.memory_space<semaphore_mem>>
        %dma_start3A_378 = tpu.memref_squeeze %dma_start3A_377 : memref<1x!tpu.dma_semaphore, #tpu.memory_space<semaphore_mem>> -> memref<!tpu.dma_semaphore, #tpu.memory_space<semaphore_mem>>
        tpu.enqueue_indirect_dma source(%dma_start3A_376 : memref<20000x32xf32, #tpu.memory_space<hbm>>) target(%dma_start3A_370 : memref<125x32xf32, #tpu.memory_space<vmem>>) offsets(%dma_start3A_373 : memref<125xi32, #tpu.memory_space<vmem>>) semaphore(%dma_start3A_378 : memref<!tpu.dma_semaphore, #tpu.memory_space<semaphore_mem>>)
      } else {
      }
      %add3A_311 = arith.constant 2 : i32
      %add3A_312 = arith.addi %add3A_132, %add3A_311 : i32
      %dma_wait3A_313 = arith.constant 2 : i32
      %dma_wait3A_314 = arith.constant 2 : i32
      %dma_wait3A_315 = arith.constant 0 : i32
      %dma_wait3A_316 = arith.constant 0 : i32
      %dma_wait3A_317 = tpu.memref_slice %arg8[%dma_wait3A_313, %dma_wait3A_315, %dma_wait3A_316] : memref<4x125x32xf32, #tpu.memory_space<vmem>> -> memref<1x125x32xf32, #tpu.memory_space<vmem>>
      %dma_wait3A_318 = tpu.memref_squeeze %dma_wait3A_317 : memref<1x125x32xf32, #tpu.memory_space<vmem>> -> memref<125x32xf32, #tpu.memory_space<vmem>>
      %dma_wait3A_319 = arith.constant 0 : i32
      %dma_wait3A_320 = tpu.memref_slice %arg7[%add3A_312, %dma_wait3A_319] : memref<160x125xi32, #tpu.memory_space<vmem>> -> memref<1x125xi32, #tpu.memory_space<vmem>>
      %dma_wait3A_321 = tpu.memref_squeeze %dma_wait3A_320 : memref<1x125xi32, #tpu.memory_space<vmem>> -> memref<125xi32, #tpu.memory_space<vmem>>
      %dma_wait3A_322 = arith.constant 0 : i32
      %dma_wait3A_323 = arith.constant 0 : i32
      %dma_wait3A_324 = tpu.memref_slice %arg13[%dma_wait3A_322, %dma_wait3A_323] : memref<10000x32xf32, #tpu.memory_space<vmem_shared>> -> memref<10000x32xf32, #tpu.memory_space<vmem_shared>>
      %dma_wait3A_325 = tpu.memref_slice %arg11[%dma_wait3A_314] : memref<4x!tpu.dma_semaphore, #tpu.memory_space<semaphore_mem>> -> memref<1x!tpu.dma_semaphore, #tpu.memory_space<semaphore_mem>>
      %dma_wait3A_326 = tpu.memref_squeeze %dma_wait3A_325 : memref<1x!tpu.dma_semaphore, #tpu.memory_space<semaphore_mem>> -> memref<!tpu.dma_semaphore, #tpu.memory_space<semaphore_mem>>
      tpu.wait_indirect_dma semaphore(%dma_wait3A_326 : memref<!tpu.dma_semaphore, #tpu.memory_space<semaphore_mem>>) src(%dma_wait3A_318 : memref<125x32xf32, #tpu.memory_space<vmem>>) dst(%dma_wait3A_324 : memref<10000x32xf32, #tpu.memory_space<vmem_shared>>)
      %add3A_327 = arith.constant 4 : i32
      %add3A_328 = arith.addi %add3A_132, %add3A_327 : i32
      %add3A_329 = arith.constant 2 : i32
      %add3A_330 = arith.addi %add3A_328, %add3A_329 : i32
      %lt3A_331 = arith.constant 160 : i32
      %lt3A_332 = arith.cmpi slt, %add3A_330, %lt3A_331 : i32
      %convert_element_type3A_333 = arith.extui %lt3A_332 : i1 to i32
      %cond3A_334 = arith.constant 0 : i32
      %cond3A_335 = arith.cmpi ne, %convert_element_type3A_333, %cond3A_334 : i32
      scf.if %cond3A_335 {
        %add3A_361 = arith.constant 4 : i32
        %add3A_362 = arith.addi %add3A_132, %add3A_361 : i32
        %add3A_363 = arith.constant 2 : i32
        %add3A_364 = arith.addi %add3A_362, %add3A_363 : i32
        %dma_start3A_365 = arith.constant 2 : i32
        %dma_start3A_366 = arith.constant 2 : i32
        %dma_start3A_367 = arith.constant 0 : i32
        %dma_start3A_368 = arith.constant 0 : i32
        %dma_start3A_369 = tpu.memref_slice %arg8[%dma_start3A_365, %dma_start3A_367, %dma_start3A_368] : memref<4x125x32xf32, #tpu.memory_space<vmem>> -> memref<1x125x32xf32, #tpu.memory_space<vmem>>
        %dma_start3A_370 = tpu.memref_squeeze %dma_start3A_369 : memref<1x125x32xf32, #tpu.memory_space<vmem>> -> memref<125x32xf32, #tpu.memory_space<vmem>>
        %dma_start3A_371 = arith.constant 0 : i32
        %dma_start3A_372 = tpu.memref_slice %arg6[%add3A_364, %dma_start3A_371] : memref<160x125xi32, #tpu.memory_space<vmem>> -> memref<1x125xi32, #tpu.memory_space<vmem>>
        %dma_start3A_373 = tpu.memref_squeeze %dma_start3A_372 : memref<1x125xi32, #tpu.memory_space<vmem>> -> memref<125xi32, #tpu.memory_space<vmem>>
        %dma_start3A_374 = arith.constant 0 : i32
        %dma_start3A_375 = arith.constant 0 : i32
        %dma_start3A_376 = tpu.memref_slice %arg2[%dma_start3A_374, %dma_start3A_375] : memref<20000x32xf32, #tpu.memory_space<hbm>> -> memref<20000x32xf32, #tpu.memory_space<hbm>>
        %dma_start3A_377 = tpu.memref_slice %arg10[%dma_start3A_366] : memref<4x!tpu.dma_semaphore, #tpu.memory_space<semaphore_mem>> -> memref<1x!tpu.dma_semaphore, #tpu.memory_space<semaphore_mem>>
        %dma_start3A_378 = tpu.memref_squeeze %dma_start3A_377 : memref<1x!tpu.dma_semaphore, #tpu.memory_space<semaphore_mem>> -> memref<!tpu.dma_semaphore, #tpu.memory_space<semaphore_mem>>
        tpu.enqueue_indirect_dma source(%dma_start3A_376 : memref<20000x32xf32, #tpu.memory_space<hbm>>) target(%dma_start3A_370 : memref<125x32xf32, #tpu.memory_space<vmem>>) offsets(%dma_start3A_373 : memref<125xi32, #tpu.memory_space<vmem>>) semaphore(%dma_start3A_378 : memref<!tpu.dma_semaphore, #tpu.memory_space<semaphore_mem>>)
      } else {
      }
      %add3A_336 = arith.constant 3 : i32
      %add3A_337 = arith.addi %add3A_132, %add3A_336 : i32
      %dma_wait3A_338 = arith.constant 3 : i32
      %dma_wait3A_339 = arith.constant 3 : i32
      %dma_wait3A_340 = arith.constant 0 : i32
      %dma_wait3A_341 = arith.constant 0 : i32
      %dma_wait3A_342 = tpu.memref_slice %arg8[%dma_wait3A_338, %dma_wait3A_340, %dma_wait3A_341] : memref<4x125x32xf32, #tpu.memory_space<vmem>> -> memref<1x125x32xf32, #tpu.memory_space<vmem>>
      %dma_wait3A_343 = tpu.memref_squeeze %dma_wait3A_342 : memref<1x125x32xf32, #tpu.memory_space<vmem>> -> memref<125x32xf32, #tpu.memory_space<vmem>>
      %dma_wait3A_344 = arith.constant 0 : i32
      %dma_wait3A_345 = tpu.memref_slice %arg7[%add3A_337, %dma_wait3A_344] : memref<160x125xi32, #tpu.memory_space<vmem>> -> memref<1x125xi32, #tpu.memory_space<vmem>>
      %dma_wait3A_346 = tpu.memref_squeeze %dma_wait3A_345 : memref<1x125xi32, #tpu.memory_space<vmem>> -> memref<125xi32, #tpu.memory_space<vmem>>
      %dma_wait3A_347 = arith.constant 0 : i32
      %dma_wait3A_348 = arith.constant 0 : i32
      %dma_wait3A_349 = tpu.memref_slice %arg13[%dma_wait3A_347, %dma_wait3A_348] : memref<10000x32xf32, #tpu.memory_space<vmem_shared>> -> memref<10000x32xf32, #tpu.memory_space<vmem_shared>>
      %dma_wait3A_350 = tpu.memref_slice %arg11[%dma_wait3A_339] : memref<4x!tpu.dma_semaphore, #tpu.memory_space<semaphore_mem>> -> memref<1x!tpu.dma_semaphore, #tpu.memory_space<semaphore_mem>>
      %dma_wait3A_351 = tpu.memref_squeeze %dma_wait3A_350 : memref<1x!tpu.dma_semaphore, #tpu.memory_space<semaphore_mem>> -> memref<!tpu.dma_semaphore, #tpu.memory_space<semaphore_mem>>
      tpu.wait_indirect_dma semaphore(%dma_wait3A_351 : memref<!tpu.dma_semaphore, #tpu.memory_space<semaphore_mem>>) src(%dma_wait3A_343 : memref<125x32xf32, #tpu.memory_space<vmem>>) dst(%dma_wait3A_349 : memref<10000x32xf32, #tpu.memory_space<vmem_shared>>)
      %add3A_352 = arith.constant 4 : i32
      %add3A_353 = arith.addi %add3A_132, %add3A_352 : i32
      %add3A_354 = arith.constant 3 : i32
      %add3A_355 = arith.addi %add3A_353, %add3A_354 : i32
      %lt3A_356 = arith.constant 160 : i32
      %lt3A_357 = arith.cmpi slt, %add3A_355, %lt3A_356 : i32
      %convert_element_type3A_358 = arith.extui %lt3A_357 : i1 to i32
      %cond3A_359 = arith.constant 0 : i32
      %cond3A_360 = arith.cmpi ne, %convert_element_type3A_358, %cond3A_359 : i32
      scf.if %cond3A_360 {
        %add3A_361 = arith.constant 4 : i32
        %add3A_362 = arith.addi %add3A_132, %add3A_361 : i32
        %add3A_363 = arith.constant 3 : i32
        %add3A_364 = arith.addi %add3A_362, %add3A_363 : i32
        %dma_start3A_365 = arith.constant 3 : i32
        %dma_start3A_366 = arith.constant 3 : i32
        %dma_start3A_367 = arith.constant 0 : i32
        %dma_start3A_368 = arith.constant 0 : i32
        %dma_start3A_369 = tpu.memref_slice %arg8[%dma_start3A_365, %dma_start3A_367, %dma_start3A_368] : memref<4x125x32xf32, #tpu.memory_space<vmem>> -> memref<1x125x32xf32, #tpu.memory_space<vmem>>
        %dma_start3A_370 = tpu.memref_squeeze %dma_start3A_369 : memref<1x125x32xf32, #tpu.memory_space<vmem>> -> memref<125x32xf32, #tpu.memory_space<vmem>>
        %dma_start3A_371 = arith.constant 0 : i32
        %dma_start3A_372 = tpu.memref_slice %arg6[%add3A_364, %dma_start3A_371] : memref<160x125xi32, #tpu.memory_space<vmem>> -> memref<1x125xi32, #tpu.memory_space<vmem>>
        %dma_start3A_373 = tpu.memref_squeeze %dma_start3A_372 : memref<1x125xi32, #tpu.memory_space<vmem>> -> memref<125xi32, #tpu.memory_space<vmem>>
        %dma_start3A_374 = arith.constant 0 : i32
        %dma_start3A_375 = arith.constant 0 : i32
        %dma_start3A_376 = tpu.memref_slice %arg2[%dma_start3A_374, %dma_start3A_375] : memref<20000x32xf32, #tpu.memory_space<hbm>> -> memref<20000x32xf32, #tpu.memory_space<hbm>>
        %dma_start3A_377 = tpu.memref_slice %arg10[%dma_start3A_366] : memref<4x!tpu.dma_semaphore, #tpu.memory_space<semaphore_mem>> -> memref<1x!tpu.dma_semaphore, #tpu.memory_space<semaphore_mem>>
        %dma_start3A_378 = tpu.memref_squeeze %dma_start3A_377 : memref<1x!tpu.dma_semaphore, #tpu.memory_space<semaphore_mem>> -> memref<!tpu.dma_semaphore, #tpu.memory_space<semaphore_mem>>
        tpu.enqueue_indirect_dma source(%dma_start3A_376 : memref<20000x32xf32, #tpu.memory_space<hbm>>) target(%dma_start3A_370 : memref<125x32xf32, #tpu.memory_space<vmem>>) offsets(%dma_start3A_373 : memref<125xi32, #tpu.memory_space<vmem>>) semaphore(%dma_start3A_378 : memref<!tpu.dma_semaphore, #tpu.memory_space<semaphore_mem>>)
      } else {
      }
    }
    %scan3A_119 = arith.constant 40 : i32
    %barrier3A_120 = arith.constant 0 : index
    tpu.barrier barrier_id(%barrier3A_120)
    %lt3A_121 = arith.constant 15 : i32
    %lt3A_122 = arith.cmpi slt, %arg1, %lt3A_121 : i32
    %convert_element_type3A = arith.extui %lt3A_122 : i1 to i32
    %cond3A = arith.constant 0 : i32
    %cond3A_123 = arith.cmpi ne, %convert_element_type3A, %cond3A : i32
    scf.if %cond3A_123 {
      "tpu.region"() ({
        %run_scoped3A = tpu.sem_alloc : memref<!tpu.dma_semaphore, #tpu.memory_space<semaphore_mem>>
        %dma_start3A_128 = arith.constant 0 : i32
        %dma_start3A_129 = arith.constant 0 : i32
        %dma_start3A_130 = tpu.memref_slice %arg5[%arg0, %dma_start3A_128, %dma_start3A_129] : memref<2x10000x32xf32, #tpu.memory_space<hbm>> -> memref<1x10000x32xf32, #tpu.memory_space<hbm>>
        %dma_start3A_131 = tpu.memref_squeeze %dma_start3A_130 : memref<1x10000x32xf32, #tpu.memory_space<hbm>> -> memref<10000x32xf32, #tpu.memory_space<hbm>>
        %dma_start3A_132 = arith.constant 0 : i32
        %dma_start3A_133 = tpu.memref_slice %dma_start3A_131[%multiple_of3A_20, %dma_start3A_132] : memref<10000x32xf32, #tpu.memory_space<hbm>> -> memref<640x32xf32, #tpu.memory_space<hbm>>
        %dma_start3A_134 = arith.constant 0 : i32
        %dma_start3A_135 = tpu.memref_slice %arg13[%multiple_of3A_20, %dma_start3A_134] : memref<10000x32xf32, #tpu.memory_space<vmem_shared>> -> memref<640x32xf32, #tpu.memory_space<vmem_shared>>
        tpu.enqueue_dma source(%dma_start3A_135 : memref<640x32xf32, #tpu.memory_space<vmem_shared>>) target(%dma_start3A_133 : memref<640x32xf32, #tpu.memory_space<hbm>>) target_semaphore(%run_scoped3A : memref<!tpu.dma_semaphore, #tpu.memory_space<semaphore_mem>>)
        %dma_wait3A_136 = arith.constant 0 : i32
        %dma_wait3A_137 = arith.constant 0 : i32
        %dma_wait3A_138 = tpu.memref_slice %arg5[%arg0, %dma_wait3A_136, %dma_wait3A_137] : memref<2x10000x32xf32, #tpu.memory_space<hbm>> -> memref<1x10000x32xf32, #tpu.memory_space<hbm>>
        %dma_wait3A_139 = tpu.memref_squeeze %dma_wait3A_138 : memref<1x10000x32xf32, #tpu.memory_space<hbm>> -> memref<10000x32xf32, #tpu.memory_space<hbm>>
        %dma_wait3A_140 = arith.constant 0 : i32
        %dma_wait3A_141 = tpu.memref_slice %dma_wait3A_139[%multiple_of3A_20, %dma_wait3A_140] : memref<10000x32xf32, #tpu.memory_space<hbm>> -> memref<640x32xf32, #tpu.memory_space<hbm>>
        %dma_wait3A_142 = arith.constant 0 : i32
        %dma_wait3A_143 = tpu.memref_slice %arg13[%multiple_of3A_20, %dma_wait3A_142] : memref<10000x32xf32, #tpu.memory_space<vmem_shared>> -> memref<640x32xf32, #tpu.memory_space<vmem_shared>>
        tpu.wait_dma2 semaphore(%run_scoped3A : memref<!tpu.dma_semaphore, #tpu.memory_space<semaphore_mem>>) src(%dma_wait3A_143 : memref<640x32xf32, #tpu.memory_space<vmem_shared>>) dst(%dma_wait3A_141 : memref<640x32xf32, #tpu.memory_space<hbm>>)
        tpu.yield
      }) : () -> ()
    } else {
    }
    %eq3A = arith.constant 15 : i32
    %eq3A_124 = arith.cmpi eq, %arg1, %eq3A : i32
    %convert_element_type3A_125 = arith.extui %eq3A_124 : i1 to i32
    %cond3A_126 = arith.constant 0 : i32
    %cond3A_127 = arith.cmpi ne, %convert_element_type3A_125, %cond3A_126 : i32
    scf.if %cond3A_127 {
      "tpu.region"() ({
        %run_scoped3A = tpu.sem_alloc : memref<!tpu.dma_semaphore, #tpu.memory_space<semaphore_mem>>
        %dma_start3A_128 = arith.constant 0 : i32
        %dma_start3A_129 = arith.constant 0 : i32
        %dma_start3A_130 = tpu.memref_slice %arg5[%arg0, %dma_start3A_128, %dma_start3A_129] : memref<2x10000x32xf32, #tpu.memory_space<hbm>> -> memref<1x10000x32xf32, #tpu.memory_space<hbm>>
        %dma_start3A_131 = tpu.memref_squeeze %dma_start3A_130 : memref<1x10000x32xf32, #tpu.memory_space<hbm>> -> memref<10000x32xf32, #tpu.memory_space<hbm>>
        %dma_start3A_132 = arith.constant 0 : i32
        %dma_start3A_133 = tpu.memref_slice %dma_start3A_131[%multiple_of3A_20, %dma_start3A_132] : memref<10000x32xf32, #tpu.memory_space<hbm>> -> memref<400x32xf32, #tpu.memory_space<hbm>>
        %dma_start3A_134 = arith.constant 0 : i32
        %dma_start3A_135 = tpu.memref_slice %arg13[%multiple_of3A_20, %dma_start3A_134] : memref<10000x32xf32, #tpu.memory_space<vmem_shared>> -> memref<400x32xf32, #tpu.memory_space<vmem_shared>>
        tpu.enqueue_dma source(%dma_start3A_135 : memref<400x32xf32, #tpu.memory_space<vmem_shared>>) target(%dma_start3A_133 : memref<400x32xf32, #tpu.memory_space<hbm>>) target_semaphore(%run_scoped3A : memref<!tpu.dma_semaphore, #tpu.memory_space<semaphore_mem>>)
        %dma_wait3A_136 = arith.constant 0 : i32
        %dma_wait3A_137 = arith.constant 0 : i32
        %dma_wait3A_138 = tpu.memref_slice %arg5[%arg0, %dma_wait3A_136, %dma_wait3A_137] : memref<2x10000x32xf32, #tpu.memory_space<hbm>> -> memref<1x10000x32xf32, #tpu.memory_space<hbm>>
        %dma_wait3A_139 = tpu.memref_squeeze %dma_wait3A_138 : memref<1x10000x32xf32, #tpu.memory_space<hbm>> -> memref<10000x32xf32, #tpu.memory_space<hbm>>
        %dma_wait3A_140 = arith.constant 0 : i32
        %dma_wait3A_141 = tpu.memref_slice %dma_wait3A_139[%multiple_of3A_20, %dma_wait3A_140] : memref<10000x32xf32, #tpu.memory_space<hbm>> -> memref<400x32xf32, #tpu.memory_space<hbm>>
        %dma_wait3A_142 = arith.constant 0 : i32
        %dma_wait3A_143 = tpu.memref_slice %arg13[%multiple_of3A_20, %dma_wait3A_142] : memref<10000x32xf32, #tpu.memory_space<vmem_shared>> -> memref<400x32xf32, #tpu.memory_space<vmem_shared>>
        tpu.wait_dma2 semaphore(%run_scoped3A : memref<!tpu.dma_semaphore, #tpu.memory_space<semaphore_mem>>) src(%dma_wait3A_143 : memref<400x32xf32, #tpu.memory_space<vmem_shared>>) dst(%dma_wait3A_141 : memref<400x32xf32, #tpu.memory_space<hbm>>)
        tpu.yield
      }) : () -> ()
    } else {
    }
    return
  }
}

#map = affine_map<(d0, d1) -> (0, 0)>
#map1 = affine_map<(d0, d1) -> (0, 0, 0)>
module attributes {stable_mosaic.version = 14 : i64} {
  func.func @_agg_body(%arg0: i32, %arg1: i32, %arg2: memref<20000x64xf32, #tpu.memory_space<hbm>>, %arg3: memref<2x2560x125xi32, #tpu.memory_space<hbm>>, %arg4: memref<2560x125xi32, #tpu.memory_space<hbm>>, %arg5: memref<2x10000x64xf32, #tpu.memory_space<hbm>>, %arg6: memref<2x10000x16xf32, #tpu.memory_space<hbm>>, %arg7: memref<160x125xi32, #tpu.memory_space<vmem>>, %arg8: memref<160x125xi32, #tpu.memory_space<vmem>>, %arg9: memref<4x125x64xf32, #tpu.memory_space<vmem>>, %arg10: memref<40x64xf32, #tpu.memory_space<vmem>>, %arg11: memref<40x16xf32, #tpu.memory_space<vmem>>, %arg12: memref<125x16xf32, #tpu.memory_space<vmem>>, %arg13: memref<4x!tpu.dma_semaphore, #tpu.memory_space<semaphore_mem>>, %arg14: memref<4x!tpu.dma_semaphore, #tpu.memory_space<semaphore_mem>>, %arg15: memref<!tpu.dma_semaphore, #tpu.memory_space<semaphore_mem>>, %arg16: memref<!tpu.dma_semaphore, #tpu.memory_space<semaphore_mem>>, %arg17: memref<10000x64xf32, #tpu.memory_space<vmem_shared>>, %arg18: memref<10000x16xf32, #tpu.memory_space<vmem_shared>>) attributes {dimension_semantics = [#tpu.dimension_semantics<core_parallel>, #tpu.dimension_semantics<subcore_parallel>], iteration_bounds = array<i64: 2, 16>, scalar_prefetch = 0 : i64, scratch_operands = 12 : i64, tpu.core_type = #tpu.core_type<sc_vector_subcore>, window_params = [{transform_indices = #map}, {transform_indices = #map1}, {transform_indices = #map}, {transform_indices = #map1}, {transform_indices = #map1}]} {
    %mul3A = arith.constant 160 : i32
    %mul3A_0 = arith.muli %arg1, %mul3A : i32
    %multiple_of3A = tpu.assume_multiple %mul3A_0, 8 : i32
    %dma_start3A = arith.constant 0 : i32
    %dma_start3A_1 = arith.constant 0 : i32
    %dma_start3A_2 = tpu.memref_slice %arg3[%arg0, %dma_start3A, %dma_start3A_1] : memref<2x2560x125xi32, #tpu.memory_space<hbm>> -> memref<1x2560x125xi32, #tpu.memory_space<hbm>>
    %dma_start3A_3 = tpu.memref_squeeze %dma_start3A_2 : memref<1x2560x125xi32, #tpu.memory_space<hbm>> -> memref<2560x125xi32, #tpu.memory_space<hbm>>
    %dma_start3A_4 = arith.constant 0 : i32
    %dma_start3A_5 = tpu.memref_slice %dma_start3A_3[%multiple_of3A, %dma_start3A_4] : memref<2560x125xi32, #tpu.memory_space<hbm>> -> memref<160x125xi32, #tpu.memory_space<hbm>>
    %dma_start3A_6 = arith.constant 0 : i32
    %dma_start3A_7 = arith.constant 0 : i32
    %dma_start3A_8 = tpu.memref_slice %arg3[%arg0, %dma_start3A_6, %dma_start3A_7] : memref<2x2560x125xi32, #tpu.memory_space<hbm>> -> memref<1x2560x125xi32, #tpu.memory_space<hbm>>
    %dma_start3A_9 = tpu.memref_squeeze %dma_start3A_8 : memref<1x2560x125xi32, #tpu.memory_space<hbm>> -> memref<2560x125xi32, #tpu.memory_space<hbm>>
    %dma_start3A_10 = arith.constant 0 : i32
    %dma_start3A_11 = tpu.memref_slice %dma_start3A_9[%multiple_of3A, %dma_start3A_10] : memref<2560x125xi32, #tpu.memory_space<hbm>> -> memref<160x125xi32, #tpu.memory_space<hbm>>
    tpu.enqueue_dma source(%dma_start3A_11 : memref<160x125xi32, #tpu.memory_space<hbm>>) target(%arg7 : memref<160x125xi32, #tpu.memory_space<vmem>>) target_semaphore(%arg16 : memref<!tpu.dma_semaphore, #tpu.memory_space<semaphore_mem>>)
    %dma_start3A_12 = arith.constant 0 : i32
    %dma_start3A_13 = tpu.memref_slice %arg4[%multiple_of3A, %dma_start3A_12] : memref<2560x125xi32, #tpu.memory_space<hbm>> -> memref<160x125xi32, #tpu.memory_space<hbm>>
    %dma_start3A_14 = arith.constant 0 : i32
    %dma_start3A_15 = tpu.memref_slice %arg4[%multiple_of3A, %dma_start3A_14] : memref<2560x125xi32, #tpu.memory_space<hbm>> -> memref<160x125xi32, #tpu.memory_space<hbm>>
    tpu.enqueue_dma source(%dma_start3A_15 : memref<160x125xi32, #tpu.memory_space<hbm>>) target(%arg8 : memref<160x125xi32, #tpu.memory_space<vmem>>) target_semaphore(%arg16 : memref<!tpu.dma_semaphore, #tpu.memory_space<semaphore_mem>>)
    %lt3A = arith.constant 15 : i32
    %lt3A_16 = arith.cmpi slt, %arg1, %lt3A : i32
    %jit3A = arith.constant 16 : i32
    %jit3A_17 = arith.constant 10 : i32
    %select_n3A = arith.select %lt3A_16, %jit3A, %jit3A_17 : i32
    %mul3A_18 = arith.constant 640 : i32
    %mul3A_19 = arith.muli %arg1, %mul3A_18 : i32
    %multiple_of3A_20 = tpu.assume_multiple %mul3A_19, 8 : i32
    %scan3A = arith.constant 0 : i32
    %scan3A_21 = arith.constant 40 : i32
    %scan3A_22 = arith.addi %scan3A, %scan3A_21 : i32
    %scan3A_23 = arith.constant 1 : i32
    scf.for %scan3A_162 = %scan3A to %scan3A_22 step %scan3A_23  : i32 {
      %mul3A_163 = arith.constant 1 : i32
      %mul3A_164 = arith.muli %scan3A_162, %mul3A_163 : i32
      %add3A_165 = arith.constant 0 : i32
      %add3A_166 = arith.addi %add3A_165, %mul3A_164 : i32
      %scan3A_167 = arith.constant 0 : i32
      %scan3A_168 = arith.constant 4 : i32
      %scan3A_169 = arith.addi %scan3A_167, %scan3A_168 : i32
      %scan3A_170 = arith.constant 1 : i32
      scf.for %scan3A_172 = %scan3A_167 to %scan3A_169 step %scan3A_170  : i32 {
        %mul3A_173 = arith.constant 16 : i32
        %mul3A_174 = arith.muli %scan3A_172, %mul3A_173 : i32
        %add3A_175 = arith.constant 0 : i32
        %add3A_176 = arith.addi %add3A_175, %mul3A_174 : i32
        %broadcast_in_dim3A = arith.constant 0.000000e+00 : f32
        %broadcast_in_dim3A_177 = vector.broadcast %broadcast_in_dim3A : f32 to vector<16xf32>
        %swap3A = arith.index_cast %add3A_166 : i32 to index
        %swap3A_178 = arith.index_cast %add3A_176 : i32 to index
        %swap3A_179 = tpu.vector_load %arg10[%swap3A, %swap3A_178] {strides = array<i32>} : memref<40x64xf32, #tpu.memory_space<vmem>>, vector<1x16xf32>,
        %swap3A_180 = vector.shape_cast %swap3A_179 : vector<1x16xf32> to vector<16xf32>
        %swap3A_181 = vector.shape_cast %broadcast_in_dim3A_177 : vector<16xf32> to vector<1x16xf32>
        tpu.vector_store %arg10[%swap3A, %swap3A_178], %swap3A_181 {strides = array<i32>} : memref<40x64xf32, #tpu.memory_space<vmem>>, vector<1x16xf32>,
      }
      %scan3A_171 = arith.constant 4 : i32
    }
    %scan3A_24 = arith.constant 40 : i32
    %sub3A = arith.constant 0 : i32
    %sub3A_25 = arith.subi %select_n3A, %sub3A : i32
    %sub3A_26 = arith.constant 1 : i32
    %sub3A_27 = arith.constant 1 : i32
    %sub3A_28 = arith.subi %sub3A_26, %sub3A_27 : i32
    %add3A = arith.addi %sub3A_25, %sub3A_28 : i32
    %div3A = arith.constant 1 : i32
    %div3A_29 = arith.divsi %add3A, %div3A : i32
    %while3A = arith.constant 1 : i32
    %while3A_30 = arith.constant 0 : i32
    %while3A_31 = arith.constant 0 : i32
    %while3A_32 = arith.subi %div3A_29, %while3A_31 : i32
    %while3A_33 = arith.addi %while3A_31, %while3A_32 : i32
    %while3A_34 = arith.constant 1 : i32
    %while3A_35 = arith.divsi %while3A_32, %while3A_34 : i32
    %while3A_36 = arith.muli %while3A_35, %while3A_34 : i32
    %while3A_37 = arith.addi %while3A_31, %while3A_36 : i32
    %while3A_38 = arith.constant 1 : i32
    scf.for %while3A_162 = %while3A_31 to %while3A_37 step %while3A_38  : i32 {
      %mul3A_163 = arith.muli %while3A_162, %while3A : i32
      %add3A_164 = arith.addi %while3A_30, %mul3A_163 : i32
      %mul3A_165 = arith.constant 40 : i32
      %mul3A_166 = arith.muli %add3A_164, %mul3A_165 : i32
      %add3A_167 = arith.addi %multiple_of3A_20, %mul3A_166 : i32
      "tpu.region"() ({
        %run_scoped3A = tpu.sem_alloc : memref<!tpu.dma_semaphore, #tpu.memory_space<semaphore_mem>>
        %dma_start3A_168 = arith.constant 0 : i32
        %dma_start3A_169 = tpu.memref_slice %arg17[%add3A_167, %dma_start3A_168] : memref<10000x64xf32, #tpu.memory_space<vmem_shared>> -> memref<40x64xf32, #tpu.memory_space<vmem_shared>>
        %dma_start3A_170 = arith.constant 0 : i32
        %dma_start3A_171 = tpu.memref_slice %arg17[%add3A_167, %dma_start3A_170] : memref<10000x64xf32, #tpu.memory_space<vmem_shared>> -> memref<40x64xf32, #tpu.memory_space<vmem_shared>>
        tpu.enqueue_dma source(%arg10 : memref<40x64xf32, #tpu.memory_space<vmem>>) target(%dma_start3A_171 : memref<40x64xf32, #tpu.memory_space<vmem_shared>>) target_semaphore(%run_scoped3A : memref<!tpu.dma_semaphore, #tpu.memory_space<semaphore_mem>>)
        %dma_wait3A_172 = arith.constant 0 : i32
        %dma_wait3A_173 = tpu.memref_slice %arg17[%add3A_167, %dma_wait3A_172] : memref<10000x64xf32, #tpu.memory_space<vmem_shared>> -> memref<40x64xf32, #tpu.memory_space<vmem_shared>>
        %dma_wait3A_174 = arith.constant 0 : i32
        %dma_wait3A_175 = tpu.memref_slice %arg17[%add3A_167, %dma_wait3A_174] : memref<10000x64xf32, #tpu.memory_space<vmem_shared>> -> memref<40x64xf32, #tpu.memory_space<vmem_shared>>
        tpu.wait_dma2 semaphore(%run_scoped3A : memref<!tpu.dma_semaphore, #tpu.memory_space<semaphore_mem>>) src(%arg10 : memref<40x64xf32, #tpu.memory_space<vmem>>) dst(%dma_wait3A_175 : memref<40x64xf32, #tpu.memory_space<vmem_shared>>)
        tpu.yield
      }) : () -> ()
    }
    %while3A_39 = arith.constant 1 : i32
    scf.for %while3A_162 = %while3A_37 to %while3A_33 step %while3A_39  : i32 {
      %mul3A_163 = arith.muli %while3A_162, %while3A : i32
      %add3A_164 = arith.addi %while3A_30, %mul3A_163 : i32
      %mul3A_165 = arith.constant 40 : i32
      %mul3A_166 = arith.muli %add3A_164, %mul3A_165 : i32
      %add3A_167 = arith.addi %multiple_of3A_20, %mul3A_166 : i32
      "tpu.region"() ({
        %run_scoped3A = tpu.sem_alloc : memref<!tpu.dma_semaphore, #tpu.memory_space<semaphore_mem>>
        %dma_start3A_168 = arith.constant 0 : i32
        %dma_start3A_169 = tpu.memref_slice %arg17[%add3A_167, %dma_start3A_168] : memref<10000x64xf32, #tpu.memory_space<vmem_shared>> -> memref<40x64xf32, #tpu.memory_space<vmem_shared>>
        %dma_start3A_170 = arith.constant 0 : i32
        %dma_start3A_171 = tpu.memref_slice %arg17[%add3A_167, %dma_start3A_170] : memref<10000x64xf32, #tpu.memory_space<vmem_shared>> -> memref<40x64xf32, #tpu.memory_space<vmem_shared>>
        tpu.enqueue_dma source(%arg10 : memref<40x64xf32, #tpu.memory_space<vmem>>) target(%dma_start3A_171 : memref<40x64xf32, #tpu.memory_space<vmem_shared>>) target_semaphore(%run_scoped3A : memref<!tpu.dma_semaphore, #tpu.memory_space<semaphore_mem>>)
        %dma_wait3A_172 = arith.constant 0 : i32
        %dma_wait3A_173 = tpu.memref_slice %arg17[%add3A_167, %dma_wait3A_172] : memref<10000x64xf32, #tpu.memory_space<vmem_shared>> -> memref<40x64xf32, #tpu.memory_space<vmem_shared>>
        %dma_wait3A_174 = arith.constant 0 : i32
        %dma_wait3A_175 = tpu.memref_slice %arg17[%add3A_167, %dma_wait3A_174] : memref<10000x64xf32, #tpu.memory_space<vmem_shared>> -> memref<40x64xf32, #tpu.memory_space<vmem_shared>>
        tpu.wait_dma2 semaphore(%run_scoped3A : memref<!tpu.dma_semaphore, #tpu.memory_space<semaphore_mem>>) src(%arg10 : memref<40x64xf32, #tpu.memory_space<vmem>>) dst(%dma_wait3A_175 : memref<40x64xf32, #tpu.memory_space<vmem_shared>>)
        tpu.yield
      }) : () -> ()
    }
    %scan3A_40 = arith.constant 0 : i32
    %scan3A_41 = arith.constant 40 : i32
    %scan3A_42 = arith.addi %scan3A_40, %scan3A_41 : i32
    %scan3A_43 = arith.constant 1 : i32
    scf.for %scan3A_162 = %scan3A_40 to %scan3A_42 step %scan3A_43  : i32 {
      %mul3A_163 = arith.constant 1 : i32
      %mul3A_164 = arith.muli %scan3A_162, %mul3A_163 : i32
      %add3A_165 = arith.constant 0 : i32
      %add3A_166 = arith.addi %add3A_165, %mul3A_164 : i32
      %broadcast_in_dim3A = arith.constant 0.000000e+00 : f32
      %broadcast_in_dim3A_167 = vector.broadcast %broadcast_in_dim3A : f32 to vector<16xf32>
      %swap3A = arith.index_cast %add3A_166 : i32 to index
      %swap3A_168 = arith.constant 0 : index
      %swap3A_169 = tpu.vector_load %arg11[%swap3A, %swap3A_168] {strides = array<i32>} : memref<40x16xf32, #tpu.memory_space<vmem>>, vector<1x16xf32>,
      %swap3A_170 = vector.shape_cast %swap3A_169 : vector<1x16xf32> to vector<16xf32>
      %swap3A_171 = vector.shape_cast %broadcast_in_dim3A_167 : vector<16xf32> to vector<1x16xf32>
      tpu.vector_store %arg11[%swap3A, %swap3A_168], %swap3A_171 {strides = array<i32>} : memref<40x16xf32, #tpu.memory_space<vmem>>, vector<1x16xf32>,
    }
    %scan3A_44 = arith.constant 40 : i32
    %scan3A_45 = arith.constant 0 : i32
    %scan3A_46 = arith.constant 125 : i32
    %scan3A_47 = arith.addi %scan3A_45, %scan3A_46 : i32
    %scan3A_48 = arith.constant 1 : i32
    scf.for %scan3A_162 = %scan3A_45 to %scan3A_47 step %scan3A_48  : i32 {
      %mul3A_163 = arith.constant 1 : i32
      %mul3A_164 = arith.muli %scan3A_162, %mul3A_163 : i32
      %add3A_165 = arith.constant 0 : i32
      %add3A_166 = arith.addi %add3A_165, %mul3A_164 : i32
      %broadcast_in_dim3A = arith.constant 1.000000e+00 : f32
      %broadcast_in_dim3A_167 = vector.broadcast %broadcast_in_dim3A : f32 to vector<16xf32>
      %swap3A = arith.index_cast %add3A_166 : i32 to index
      %swap3A_168 = arith.constant 0 : index
      %swap3A_169 = tpu.vector_load %arg12[%swap3A, %swap3A_168] {strides = array<i32>} : memref<125x16xf32, #tpu.memory_space<vmem>>, vector<1x16xf32>,
      %swap3A_170 = vector.shape_cast %swap3A_169 : vector<1x16xf32> to vector<16xf32>
      %swap3A_171 = vector.shape_cast %broadcast_in_dim3A_167 : vector<16xf32> to vector<1x16xf32>
      tpu.vector_store %arg12[%swap3A, %swap3A_168], %swap3A_171 {strides = array<i32>} : memref<125x16xf32, #tpu.memory_space<vmem>>, vector<1x16xf32>,
    }
    %scan3A_49 = arith.constant 125 : i32
    %sub3A_50 = arith.constant 0 : i32
    %sub3A_51 = arith.subi %select_n3A, %sub3A_50 : i32
    %sub3A_52 = arith.constant 1 : i32
    %sub3A_53 = arith.constant 1 : i32
    %sub3A_54 = arith.subi %sub3A_52, %sub3A_53 : i32
    %add3A_55 = arith.addi %sub3A_51, %sub3A_54 : i32
    %div3A_56 = arith.constant 1 : i32
    %div3A_57 = arith.divsi %add3A_55, %div3A_56 : i32
    %while3A_58 = arith.constant 1 : i32
    %while3A_59 = arith.constant 0 : i32
    %while3A_60 = arith.constant 0 : i32
    %while3A_61 = arith.subi %div3A_57, %while3A_60 : i32
    %while3A_62 = arith.addi %while3A_60, %while3A_61 : i32
    %while3A_63 = arith.constant 1 : i32
    %while3A_64 = arith.divsi %while3A_61, %while3A_63 : i32
    %while3A_65 = arith.muli %while3A_64, %while3A_63 : i32
    %while3A_66 = arith.addi %while3A_60, %while3A_65 : i32
    %while3A_67 = arith.constant 1 : i32
    scf.for %while3A_162 = %while3A_60 to %while3A_66 step %while3A_67  : i32 {
      %mul3A_163 = arith.muli %while3A_162, %while3A_58 : i32
      %add3A_164 = arith.addi %while3A_59, %mul3A_163 : i32
      %mul3A_165 = arith.constant 40 : i32
      %mul3A_166 = arith.muli %add3A_164, %mul3A_165 : i32
      %add3A_167 = arith.addi %multiple_of3A_20, %mul3A_166 : i32
      "tpu.region"() ({
        %run_scoped3A = tpu.sem_alloc : memref<!tpu.dma_semaphore, #tpu.memory_space<semaphore_mem>>
        %dma_start3A_168 = arith.constant 0 : i32
        %dma_start3A_169 = tpu.memref_slice %arg18[%add3A_167, %dma_start3A_168] : memref<10000x16xf32, #tpu.memory_space<vmem_shared>> -> memref<40x16xf32, #tpu.memory_space<vmem_shared>>
        %dma_start3A_170 = arith.constant 0 : i32
        %dma_start3A_171 = tpu.memref_slice %arg18[%add3A_167, %dma_start3A_170] : memref<10000x16xf32, #tpu.memory_space<vmem_shared>> -> memref<40x16xf32, #tpu.memory_space<vmem_shared>>
        tpu.enqueue_dma source(%arg11 : memref<40x16xf32, #tpu.memory_space<vmem>>) target(%dma_start3A_171 : memref<40x16xf32, #tpu.memory_space<vmem_shared>>) target_semaphore(%run_scoped3A : memref<!tpu.dma_semaphore, #tpu.memory_space<semaphore_mem>>)
        %dma_wait3A_172 = arith.constant 0 : i32
        %dma_wait3A_173 = tpu.memref_slice %arg18[%add3A_167, %dma_wait3A_172] : memref<10000x16xf32, #tpu.memory_space<vmem_shared>> -> memref<40x16xf32, #tpu.memory_space<vmem_shared>>
        %dma_wait3A_174 = arith.constant 0 : i32
        %dma_wait3A_175 = tpu.memref_slice %arg18[%add3A_167, %dma_wait3A_174] : memref<10000x16xf32, #tpu.memory_space<vmem_shared>> -> memref<40x16xf32, #tpu.memory_space<vmem_shared>>
        tpu.wait_dma2 semaphore(%run_scoped3A : memref<!tpu.dma_semaphore, #tpu.memory_space<semaphore_mem>>) src(%arg11 : memref<40x16xf32, #tpu.memory_space<vmem>>) dst(%dma_wait3A_175 : memref<40x16xf32, #tpu.memory_space<vmem_shared>>)
        tpu.yield
      }) : () -> ()
    }
    %while3A_68 = arith.constant 1 : i32
    scf.for %while3A_162 = %while3A_66 to %while3A_62 step %while3A_68  : i32 {
      %mul3A_163 = arith.muli %while3A_162, %while3A_58 : i32
      %add3A_164 = arith.addi %while3A_59, %mul3A_163 : i32
      %mul3A_165 = arith.constant 40 : i32
      %mul3A_166 = arith.muli %add3A_164, %mul3A_165 : i32
      %add3A_167 = arith.addi %multiple_of3A_20, %mul3A_166 : i32
      "tpu.region"() ({
        %run_scoped3A = tpu.sem_alloc : memref<!tpu.dma_semaphore, #tpu.memory_space<semaphore_mem>>
        %dma_start3A_168 = arith.constant 0 : i32
        %dma_start3A_169 = tpu.memref_slice %arg18[%add3A_167, %dma_start3A_168] : memref<10000x16xf32, #tpu.memory_space<vmem_shared>> -> memref<40x16xf32, #tpu.memory_space<vmem_shared>>
        %dma_start3A_170 = arith.constant 0 : i32
        %dma_start3A_171 = tpu.memref_slice %arg18[%add3A_167, %dma_start3A_170] : memref<10000x16xf32, #tpu.memory_space<vmem_shared>> -> memref<40x16xf32, #tpu.memory_space<vmem_shared>>
        tpu.enqueue_dma source(%arg11 : memref<40x16xf32, #tpu.memory_space<vmem>>) target(%dma_start3A_171 : memref<40x16xf32, #tpu.memory_space<vmem_shared>>) target_semaphore(%run_scoped3A : memref<!tpu.dma_semaphore, #tpu.memory_space<semaphore_mem>>)
        %dma_wait3A_172 = arith.constant 0 : i32
        %dma_wait3A_173 = tpu.memref_slice %arg18[%add3A_167, %dma_wait3A_172] : memref<10000x16xf32, #tpu.memory_space<vmem_shared>> -> memref<40x16xf32, #tpu.memory_space<vmem_shared>>
        %dma_wait3A_174 = arith.constant 0 : i32
        %dma_wait3A_175 = tpu.memref_slice %arg18[%add3A_167, %dma_wait3A_174] : memref<10000x16xf32, #tpu.memory_space<vmem_shared>> -> memref<40x16xf32, #tpu.memory_space<vmem_shared>>
        tpu.wait_dma2 semaphore(%run_scoped3A : memref<!tpu.dma_semaphore, #tpu.memory_space<semaphore_mem>>) src(%arg11 : memref<40x16xf32, #tpu.memory_space<vmem>>) dst(%dma_wait3A_175 : memref<40x16xf32, #tpu.memory_space<vmem_shared>>)
        tpu.yield
      }) : () -> ()
    }
    %barrier3A = arith.constant 0 : index
    tpu.barrier barrier_id(%barrier3A)
    %dma_wait3A = arith.constant 0 : i32
    %dma_wait3A_69 = arith.constant 0 : i32
    %dma_wait3A_70 = tpu.memref_slice %arg3[%arg0, %dma_wait3A, %dma_wait3A_69] : memref<2x2560x125xi32, #tpu.memory_space<hbm>> -> memref<1x2560x125xi32, #tpu.memory_space<hbm>>
    %dma_wait3A_71 = tpu.memref_squeeze %dma_wait3A_70 : memref<1x2560x125xi32, #tpu.memory_space<hbm>> -> memref<2560x125xi32, #tpu.memory_space<hbm>>
    %dma_wait3A_72 = arith.constant 0 : i32
    %dma_wait3A_73 = tpu.memref_slice %dma_wait3A_71[%multiple_of3A, %dma_wait3A_72] : memref<2560x125xi32, #tpu.memory_space<hbm>> -> memref<160x125xi32, #tpu.memory_space<hbm>>
    %dma_wait3A_74 = arith.constant 0 : i32
    %dma_wait3A_75 = arith.constant 0 : i32
    %dma_wait3A_76 = tpu.memref_slice %arg3[%arg0, %dma_wait3A_74, %dma_wait3A_75] : memref<2x2560x125xi32, #tpu.memory_space<hbm>> -> memref<1x2560x125xi32, #tpu.memory_space<hbm>>
    %dma_wait3A_77 = tpu.memref_squeeze %dma_wait3A_76 : memref<1x2560x125xi32, #tpu.memory_space<hbm>> -> memref<2560x125xi32, #tpu.memory_space<hbm>>
    %dma_wait3A_78 = arith.constant 0 : i32
    %dma_wait3A_79 = tpu.memref_slice %dma_wait3A_77[%multiple_of3A, %dma_wait3A_78] : memref<2560x125xi32, #tpu.memory_space<hbm>> -> memref<160x125xi32, #tpu.memory_space<hbm>>
    tpu.wait_dma2 semaphore(%arg16 : memref<!tpu.dma_semaphore, #tpu.memory_space<semaphore_mem>>) src(%dma_wait3A_79 : memref<160x125xi32, #tpu.memory_space<hbm>>) dst(%arg7 : memref<160x125xi32, #tpu.memory_space<vmem>>)
    %dma_wait3A_80 = arith.constant 0 : i32
    %dma_wait3A_81 = tpu.memref_slice %arg4[%multiple_of3A, %dma_wait3A_80] : memref<2560x125xi32, #tpu.memory_space<hbm>> -> memref<160x125xi32, #tpu.memory_space<hbm>>
    %dma_wait3A_82 = arith.constant 0 : i32
    %dma_wait3A_83 = tpu.memref_slice %arg4[%multiple_of3A, %dma_wait3A_82] : memref<2560x125xi32, #tpu.memory_space<hbm>> -> memref<160x125xi32, #tpu.memory_space<hbm>>
    tpu.wait_dma2 semaphore(%arg16 : memref<!tpu.dma_semaphore, #tpu.memory_space<semaphore_mem>>) src(%dma_wait3A_83 : memref<160x125xi32, #tpu.memory_space<hbm>>) dst(%arg8 : memref<160x125xi32, #tpu.memory_space<vmem>>)
    %dma_start3A_84 = arith.constant 0 : i32
    %dma_start3A_85 = arith.constant 0 : i32
    %dma_start3A_86 = arith.constant 0 : i32
    %dma_start3A_87 = arith.constant 0 : i32
    %dma_start3A_88 = arith.constant 0 : i32
    %dma_start3A_89 = tpu.memref_slice %arg9[%dma_start3A_85, %dma_start3A_87, %dma_start3A_88] : memref<4x125x64xf32, #tpu.memory_space<vmem>> -> memref<1x125x64xf32, #tpu.memory_space<vmem>>
    %dma_start3A_90 = tpu.memref_squeeze %dma_start3A_89 : memref<1x125x64xf32, #tpu.memory_space<vmem>> -> memref<125x64xf32, #tpu.memory_space<vmem>>
    %dma_start3A_91 = arith.constant 0 : i32
    %dma_start3A_92 = tpu.memref_slice %arg7[%dma_start3A_84, %dma_start3A_91] : memref<160x125xi32, #tpu.memory_space<vmem>> -> memref<1x125xi32, #tpu.memory_space<vmem>>
    %dma_start3A_93 = tpu.memref_squeeze %dma_start3A_92 : memref<1x125xi32, #tpu.memory_space<vmem>> -> memref<125xi32, #tpu.memory_space<vmem>>
    %dma_start3A_94 = arith.constant 0 : i32
    %dma_start3A_95 = arith.constant 0 : i32
    %dma_start3A_96 = tpu.memref_slice %arg2[%dma_start3A_94, %dma_start3A_95] : memref<20000x64xf32, #tpu.memory_space<hbm>> -> memref<20000x64xf32, #tpu.memory_space<hbm>>
    %dma_start3A_97 = tpu.memref_slice %arg13[%dma_start3A_86] : memref<4x!tpu.dma_semaphore, #tpu.memory_space<semaphore_mem>> -> memref<1x!tpu.dma_semaphore, #tpu.memory_space<semaphore_mem>>
    %dma_start3A_98 = tpu.memref_squeeze %dma_start3A_97 : memref<1x!tpu.dma_semaphore, #tpu.memory_space<semaphore_mem>> -> memref<!tpu.dma_semaphore, #tpu.memory_space<semaphore_mem>>
    tpu.enqueue_indirect_dma source(%dma_start3A_96 : memref<20000x64xf32, #tpu.memory_space<hbm>>) target(%dma_start3A_90 : memref<125x64xf32, #tpu.memory_space<vmem>>) offsets(%dma_start3A_93 : memref<125xi32, #tpu.memory_space<vmem>>) semaphore(%dma_start3A_98 : memref<!tpu.dma_semaphore, #tpu.memory_space<semaphore_mem>>)
    %dma_start3A_99 = arith.constant 1 : i32
    %dma_start3A_100 = arith.constant 1 : i32
    %dma_start3A_101 = arith.constant 1 : i32
    %dma_start3A_102 = arith.constant 0 : i32
    %dma_start3A_103 = arith.constant 0 : i32
    %dma_start3A_104 = tpu.memref_slice %arg9[%dma_start3A_100, %dma_start3A_102, %dma_start3A_103] : memref<4x125x64xf32, #tpu.memory_space<vmem>> -> memref<1x125x64xf32, #tpu.memory_space<vmem>>
    %dma_start3A_105 = tpu.memref_squeeze %dma_start3A_104 : memref<1x125x64xf32, #tpu.memory_space<vmem>> -> memref<125x64xf32, #tpu.memory_space<vmem>>
    %dma_start3A_106 = arith.constant 0 : i32
    %dma_start3A_107 = tpu.memref_slice %arg7[%dma_start3A_99, %dma_start3A_106] : memref<160x125xi32, #tpu.memory_space<vmem>> -> memref<1x125xi32, #tpu.memory_space<vmem>>
    %dma_start3A_108 = tpu.memref_squeeze %dma_start3A_107 : memref<1x125xi32, #tpu.memory_space<vmem>> -> memref<125xi32, #tpu.memory_space<vmem>>
    %dma_start3A_109 = arith.constant 0 : i32
    %dma_start3A_110 = arith.constant 0 : i32
    %dma_start3A_111 = tpu.memref_slice %arg2[%dma_start3A_109, %dma_start3A_110] : memref<20000x64xf32, #tpu.memory_space<hbm>> -> memref<20000x64xf32, #tpu.memory_space<hbm>>
    %dma_start3A_112 = tpu.memref_slice %arg13[%dma_start3A_101] : memref<4x!tpu.dma_semaphore, #tpu.memory_space<semaphore_mem>> -> memref<1x!tpu.dma_semaphore, #tpu.memory_space<semaphore_mem>>
    %dma_start3A_113 = tpu.memref_squeeze %dma_start3A_112 : memref<1x!tpu.dma_semaphore, #tpu.memory_space<semaphore_mem>> -> memref<!tpu.dma_semaphore, #tpu.memory_space<semaphore_mem>>
    tpu.enqueue_indirect_dma source(%dma_start3A_111 : memref<20000x64xf32, #tpu.memory_space<hbm>>) target(%dma_start3A_105 : memref<125x64xf32, #tpu.memory_space<vmem>>) offsets(%dma_start3A_108 : memref<125xi32, #tpu.memory_space<vmem>>) semaphore(%dma_start3A_113 : memref<!tpu.dma_semaphore, #tpu.memory_space<semaphore_mem>>)
    %dma_start3A_114 = arith.constant 2 : i32
    %dma_start3A_115 = arith.constant 2 : i32
    %dma_start3A_116 = arith.constant 2 : i32
    %dma_start3A_117 = arith.constant 0 : i32
    %dma_start3A_118 = arith.constant 0 : i32
    %dma_start3A_119 = tpu.memref_slice %arg9[%dma_start3A_115, %dma_start3A_117, %dma_start3A_118] : memref<4x125x64xf32, #tpu.memory_space<vmem>> -> memref<1x125x64xf32, #tpu.memory_space<vmem>>
    %dma_start3A_120 = tpu.memref_squeeze %dma_start3A_119 : memref<1x125x64xf32, #tpu.memory_space<vmem>> -> memref<125x64xf32, #tpu.memory_space<vmem>>
    %dma_start3A_121 = arith.constant 0 : i32
    %dma_start3A_122 = tpu.memref_slice %arg7[%dma_start3A_114, %dma_start3A_121] : memref<160x125xi32, #tpu.memory_space<vmem>> -> memref<1x125xi32, #tpu.memory_space<vmem>>
    %dma_start3A_123 = tpu.memref_squeeze %dma_start3A_122 : memref<1x125xi32, #tpu.memory_space<vmem>> -> memref<125xi32, #tpu.memory_space<vmem>>
    %dma_start3A_124 = arith.constant 0 : i32
    %dma_start3A_125 = arith.constant 0 : i32
    %dma_start3A_126 = tpu.memref_slice %arg2[%dma_start3A_124, %dma_start3A_125] : memref<20000x64xf32, #tpu.memory_space<hbm>> -> memref<20000x64xf32, #tpu.memory_space<hbm>>
    %dma_start3A_127 = tpu.memref_slice %arg13[%dma_start3A_116] : memref<4x!tpu.dma_semaphore, #tpu.memory_space<semaphore_mem>> -> memref<1x!tpu.dma_semaphore, #tpu.memory_space<semaphore_mem>>
    %dma_start3A_128 = tpu.memref_squeeze %dma_start3A_127 : memref<1x!tpu.dma_semaphore, #tpu.memory_space<semaphore_mem>> -> memref<!tpu.dma_semaphore, #tpu.memory_space<semaphore_mem>>
    tpu.enqueue_indirect_dma source(%dma_start3A_126 : memref<20000x64xf32, #tpu.memory_space<hbm>>) target(%dma_start3A_120 : memref<125x64xf32, #tpu.memory_space<vmem>>) offsets(%dma_start3A_123 : memref<125xi32, #tpu.memory_space<vmem>>) semaphore(%dma_start3A_128 : memref<!tpu.dma_semaphore, #tpu.memory_space<semaphore_mem>>)
    %dma_start3A_129 = arith.constant 3 : i32
    %dma_start3A_130 = arith.constant 3 : i32
    %dma_start3A_131 = arith.constant 3 : i32
    %dma_start3A_132 = arith.constant 0 : i32
    %dma_start3A_133 = arith.constant 0 : i32
    %dma_start3A_134 = tpu.memref_slice %arg9[%dma_start3A_130, %dma_start3A_132, %dma_start3A_133] : memref<4x125x64xf32, #tpu.memory_space<vmem>> -> memref<1x125x64xf32, #tpu.memory_space<vmem>>
    %dma_start3A_135 = tpu.memref_squeeze %dma_start3A_134 : memref<1x125x64xf32, #tpu.memory_space<vmem>> -> memref<125x64xf32, #tpu.memory_space<vmem>>
    %dma_start3A_136 = arith.constant 0 : i32
    %dma_start3A_137 = tpu.memref_slice %arg7[%dma_start3A_129, %dma_start3A_136] : memref<160x125xi32, #tpu.memory_space<vmem>> -> memref<1x125xi32, #tpu.memory_space<vmem>>
    %dma_start3A_138 = tpu.memref_squeeze %dma_start3A_137 : memref<1x125xi32, #tpu.memory_space<vmem>> -> memref<125xi32, #tpu.memory_space<vmem>>
    %dma_start3A_139 = arith.constant 0 : i32
    %dma_start3A_140 = arith.constant 0 : i32
    %dma_start3A_141 = tpu.memref_slice %arg2[%dma_start3A_139, %dma_start3A_140] : memref<20000x64xf32, #tpu.memory_space<hbm>> -> memref<20000x64xf32, #tpu.memory_space<hbm>>
    %dma_start3A_142 = tpu.memref_slice %arg13[%dma_start3A_131] : memref<4x!tpu.dma_semaphore, #tpu.memory_space<semaphore_mem>> -> memref<1x!tpu.dma_semaphore, #tpu.memory_space<semaphore_mem>>
    %dma_start3A_143 = tpu.memref_squeeze %dma_start3A_142 : memref<1x!tpu.dma_semaphore, #tpu.memory_space<semaphore_mem>> -> memref<!tpu.dma_semaphore, #tpu.memory_space<semaphore_mem>>
    tpu.enqueue_indirect_dma source(%dma_start3A_141 : memref<20000x64xf32, #tpu.memory_space<hbm>>) target(%dma_start3A_135 : memref<125x64xf32, #tpu.memory_space<vmem>>) offsets(%dma_start3A_138 : memref<125xi32, #tpu.memory_space<vmem>>) semaphore(%dma_start3A_143 : memref<!tpu.dma_semaphore, #tpu.memory_space<semaphore_mem>>)
    %scan3A_144 = arith.constant 0 : i32
    %scan3A_145 = arith.constant 40 : i32
    %scan3A_146 = arith.addi %scan3A_144, %scan3A_145 : i32
    %scan3A_147 = arith.constant 1 : i32
    scf.for %scan3A_162 = %scan3A_144 to %scan3A_146 step %scan3A_147  : i32 {
      %mul3A_163 = arith.constant 4 : i32
      %mul3A_164 = arith.muli %scan3A_162, %mul3A_163 : i32
      %add3A_165 = arith.constant 0 : i32
      %add3A_166 = arith.addi %add3A_165, %mul3A_164 : i32
      %add3A_167 = arith.constant 0 : i32
      %add3A_168 = arith.addi %add3A_166, %add3A_167 : i32
      %dma_wait3A_169 = arith.constant 0 : i32
      %dma_wait3A_170 = arith.constant 0 : i32
      %dma_wait3A_171 = arith.constant 0 : i32
      %dma_wait3A_172 = arith.constant 0 : i32
      %dma_wait3A_173 = tpu.memref_slice %arg9[%dma_wait3A_169, %dma_wait3A_171, %dma_wait3A_172] : memref<4x125x64xf32, #tpu.memory_space<vmem>> -> memref<1x125x64xf32, #tpu.memory_space<vmem>>
      %dma_wait3A_174 = tpu.memref_squeeze %dma_wait3A_173 : memref<1x125x64xf32, #tpu.memory_space<vmem>> -> memref<125x64xf32, #tpu.memory_space<vmem>>
      %dma_wait3A_175 = arith.constant 0 : i32
      %dma_wait3A_176 = tpu.memref_slice %arg7[%add3A_168, %dma_wait3A_175] : memref<160x125xi32, #tpu.memory_space<vmem>> -> memref<1x125xi32, #tpu.memory_space<vmem>>
      %dma_wait3A_177 = tpu.memref_squeeze %dma_wait3A_176 : memref<1x125xi32, #tpu.memory_space<vmem>> -> memref<125xi32, #tpu.memory_space<vmem>>
      %dma_wait3A_178 = arith.constant 0 : i32
      %dma_wait3A_179 = arith.constant 0 : i32
      %dma_wait3A_180 = tpu.memref_slice %arg2[%dma_wait3A_178, %dma_wait3A_179] : memref<20000x64xf32, #tpu.memory_space<hbm>> -> memref<20000x64xf32, #tpu.memory_space<hbm>>
      %dma_wait3A_181 = tpu.memref_slice %arg13[%dma_wait3A_170] : memref<4x!tpu.dma_semaphore, #tpu.memory_space<semaphore_mem>> -> memref<1x!tpu.dma_semaphore, #tpu.memory_space<semaphore_mem>>
      %dma_wait3A_182 = tpu.memref_squeeze %dma_wait3A_181 : memref<1x!tpu.dma_semaphore, #tpu.memory_space<semaphore_mem>> -> memref<!tpu.dma_semaphore, #tpu.memory_space<semaphore_mem>>
      tpu.wait_indirect_dma semaphore(%dma_wait3A_182 : memref<!tpu.dma_semaphore, #tpu.memory_space<semaphore_mem>>) src(%dma_wait3A_180 : memref<20000x64xf32, #tpu.memory_space<hbm>>) dst(%dma_wait3A_174 : memref<125x64xf32, #tpu.memory_space<vmem>>)
      %add3A_183 = arith.constant 0 : i32
      %add3A_184 = arith.addi %add3A_166, %add3A_183 : i32
      %dma_start3A_185 = arith.constant 0 : i32
      %dma_start3A_186 = arith.constant 0 : i32
      %dma_start3A_187 = arith.constant 0 : i32
      %dma_start3A_188 = arith.constant 0 : i32
      %dma_start3A_189 = tpu.memref_slice %arg9[%dma_start3A_185, %dma_start3A_187, %dma_start3A_188] : memref<4x125x64xf32, #tpu.memory_space<vmem>> -> memref<1x125x64xf32, #tpu.memory_space<vmem>>
      %dma_start3A_190 = tpu.memref_squeeze %dma_start3A_189 : memref<1x125x64xf32, #tpu.memory_space<vmem>> -> memref<125x64xf32, #tpu.memory_space<vmem>>
      %dma_start3A_191 = arith.constant 0 : i32
      %dma_start3A_192 = tpu.memref_slice %arg8[%add3A_184, %dma_start3A_191] : memref<160x125xi32, #tpu.memory_space<vmem>> -> memref<1x125xi32, #tpu.memory_space<vmem>>
      %dma_start3A_193 = tpu.memref_squeeze %dma_start3A_192 : memref<1x125xi32, #tpu.memory_space<vmem>> -> memref<125xi32, #tpu.memory_space<vmem>>
      %dma_start3A_194 = arith.constant 0 : i32
      %dma_start3A_195 = arith.constant 0 : i32
      %dma_start3A_196 = tpu.memref_slice %arg17[%dma_start3A_194, %dma_start3A_195] : memref<10000x64xf32, #tpu.memory_space<vmem_shared>> -> memref<10000x64xf32, #tpu.memory_space<vmem_shared>>
      %dma_start3A_197 = tpu.memref_slice %arg14[%dma_start3A_186] : memref<4x!tpu.dma_semaphore, #tpu.memory_space<semaphore_mem>> -> memref<1x!tpu.dma_semaphore, #tpu.memory_space<semaphore_mem>>
      %dma_start3A_198 = tpu.memref_squeeze %dma_start3A_197 : memref<1x!tpu.dma_semaphore, #tpu.memory_space<semaphore_mem>> -> memref<!tpu.dma_semaphore, #tpu.memory_space<semaphore_mem>>
      tpu.enqueue_indirect_dma source(%dma_start3A_190 : memref<125x64xf32, #tpu.memory_space<vmem>>) target(%dma_start3A_196 : memref<10000x64xf32, #tpu.memory_space<vmem_shared>>) offsets(%dma_start3A_193 : memref<125xi32, #tpu.memory_space<vmem>>) semaphore(%dma_start3A_198 : memref<!tpu.dma_semaphore, #tpu.memory_space<semaphore_mem>>) {add = true}
      %add3A_199 = arith.constant 0 : i32
      %add3A_200 = arith.addi %add3A_166, %add3A_199 : i32
      %rem3A = arith.constant 2 : i32
      %rem3A_201 = arith.remsi %add3A_200, %rem3A : i32
      %eq3A_202 = arith.cmpi eq, %rem3A_201, %arg0 : i32
      %convert_element_type3A_203 = arith.extui %eq3A_202 : i1 to i32
      %cond3A_204 = arith.constant 0 : i32
      %cond3A_205 = arith.cmpi ne, %convert_element_type3A_203, %cond3A_204 : i32
      scf.if %cond3A_205 {
        %add3A_426 = arith.constant 0 : i32
        %add3A_427 = arith.addi %add3A_166, %add3A_426 : i32
        %dma_start3A_428 = arith.constant 0 : i32
        %dma_start3A_429 = tpu.memref_slice %arg8[%add3A_427, %dma_start3A_428] : memref<160x125xi32, #tpu.memory_space<vmem>> -> memref<1x125xi32, #tpu.memory_space<vmem>>
        %dma_start3A_430 = tpu.memref_squeeze %dma_start3A_429 : memref<1x125xi32, #tpu.memory_space<vmem>> -> memref<125xi32, #tpu.memory_space<vmem>>
        %dma_start3A_431 = arith.constant 0 : i32
        %dma_start3A_432 = arith.constant 0 : i32
        %dma_start3A_433 = tpu.memref_slice %arg18[%dma_start3A_431, %dma_start3A_432] : memref<10000x16xf32, #tpu.memory_space<vmem_shared>> -> memref<10000x16xf32, #tpu.memory_space<vmem_shared>>
        tpu.enqueue_indirect_dma source(%arg12 : memref<125x16xf32, #tpu.memory_space<vmem>>) target(%dma_start3A_433 : memref<10000x16xf32, #tpu.memory_space<vmem_shared>>) offsets(%dma_start3A_430 : memref<125xi32, #tpu.memory_space<vmem>>) semaphore(%arg15 : memref<!tpu.dma_semaphore, #tpu.memory_space<semaphore_mem>>) {add = true}
      } else {
      }
      %add3A_206 = arith.constant 1 : i32
      %add3A_207 = arith.addi %add3A_166, %add3A_206 : i32
      %dma_wait3A_208 = arith.constant 1 : i32
      %dma_wait3A_209 = arith.constant 1 : i32
      %dma_wait3A_210 = arith.constant 0 : i32
      %dma_wait3A_211 = arith.constant 0 : i32
      %dma_wait3A_212 = tpu.memref_slice %arg9[%dma_wait3A_208, %dma_wait3A_210, %dma_wait3A_211] : memref<4x125x64xf32, #tpu.memory_space<vmem>> -> memref<1x125x64xf32, #tpu.memory_space<vmem>>
      %dma_wait3A_213 = tpu.memref_squeeze %dma_wait3A_212 : memref<1x125x64xf32, #tpu.memory_space<vmem>> -> memref<125x64xf32, #tpu.memory_space<vmem>>
      %dma_wait3A_214 = arith.constant 0 : i32
      %dma_wait3A_215 = tpu.memref_slice %arg7[%add3A_207, %dma_wait3A_214] : memref<160x125xi32, #tpu.memory_space<vmem>> -> memref<1x125xi32, #tpu.memory_space<vmem>>
      %dma_wait3A_216 = tpu.memref_squeeze %dma_wait3A_215 : memref<1x125xi32, #tpu.memory_space<vmem>> -> memref<125xi32, #tpu.memory_space<vmem>>
      %dma_wait3A_217 = arith.constant 0 : i32
      %dma_wait3A_218 = arith.constant 0 : i32
      %dma_wait3A_219 = tpu.memref_slice %arg2[%dma_wait3A_217, %dma_wait3A_218] : memref<20000x64xf32, #tpu.memory_space<hbm>> -> memref<20000x64xf32, #tpu.memory_space<hbm>>
      %dma_wait3A_220 = tpu.memref_slice %arg13[%dma_wait3A_209] : memref<4x!tpu.dma_semaphore, #tpu.memory_space<semaphore_mem>> -> memref<1x!tpu.dma_semaphore, #tpu.memory_space<semaphore_mem>>
      %dma_wait3A_221 = tpu.memref_squeeze %dma_wait3A_220 : memref<1x!tpu.dma_semaphore, #tpu.memory_space<semaphore_mem>> -> memref<!tpu.dma_semaphore, #tpu.memory_space<semaphore_mem>>
      tpu.wait_indirect_dma semaphore(%dma_wait3A_221 : memref<!tpu.dma_semaphore, #tpu.memory_space<semaphore_mem>>) src(%dma_wait3A_219 : memref<20000x64xf32, #tpu.memory_space<hbm>>) dst(%dma_wait3A_213 : memref<125x64xf32, #tpu.memory_space<vmem>>)
      %add3A_222 = arith.constant 1 : i32
      %add3A_223 = arith.addi %add3A_166, %add3A_222 : i32
      %dma_start3A_224 = arith.constant 1 : i32
      %dma_start3A_225 = arith.constant 1 : i32
      %dma_start3A_226 = arith.constant 0 : i32
      %dma_start3A_227 = arith.constant 0 : i32
      %dma_start3A_228 = tpu.memref_slice %arg9[%dma_start3A_224, %dma_start3A_226, %dma_start3A_227] : memref<4x125x64xf32, #tpu.memory_space<vmem>> -> memref<1x125x64xf32, #tpu.memory_space<vmem>>
      %dma_start3A_229 = tpu.memref_squeeze %dma_start3A_228 : memref<1x125x64xf32, #tpu.memory_space<vmem>> -> memref<125x64xf32, #tpu.memory_space<vmem>>
      %dma_start3A_230 = arith.constant 0 : i32
      %dma_start3A_231 = tpu.memref_slice %arg8[%add3A_223, %dma_start3A_230] : memref<160x125xi32, #tpu.memory_space<vmem>> -> memref<1x125xi32, #tpu.memory_space<vmem>>
      %dma_start3A_232 = tpu.memref_squeeze %dma_start3A_231 : memref<1x125xi32, #tpu.memory_space<vmem>> -> memref<125xi32, #tpu.memory_space<vmem>>
      %dma_start3A_233 = arith.constant 0 : i32
      %dma_start3A_234 = arith.constant 0 : i32
      %dma_start3A_235 = tpu.memref_slice %arg17[%dma_start3A_233, %dma_start3A_234] : memref<10000x64xf32, #tpu.memory_space<vmem_shared>> -> memref<10000x64xf32, #tpu.memory_space<vmem_shared>>
      %dma_start3A_236 = tpu.memref_slice %arg14[%dma_start3A_225] : memref<4x!tpu.dma_semaphore, #tpu.memory_space<semaphore_mem>> -> memref<1x!tpu.dma_semaphore, #tpu.memory_space<semaphore_mem>>
      %dma_start3A_237 = tpu.memref_squeeze %dma_start3A_236 : memref<1x!tpu.dma_semaphore, #tpu.memory_space<semaphore_mem>> -> memref<!tpu.dma_semaphore, #tpu.memory_space<semaphore_mem>>
      tpu.enqueue_indirect_dma source(%dma_start3A_229 : memref<125x64xf32, #tpu.memory_space<vmem>>) target(%dma_start3A_235 : memref<10000x64xf32, #tpu.memory_space<vmem_shared>>) offsets(%dma_start3A_232 : memref<125xi32, #tpu.memory_space<vmem>>) semaphore(%dma_start3A_237 : memref<!tpu.dma_semaphore, #tpu.memory_space<semaphore_mem>>) {add = true}
      %add3A_238 = arith.constant 1 : i32
      %add3A_239 = arith.addi %add3A_166, %add3A_238 : i32
      %rem3A_240 = arith.constant 2 : i32
      %rem3A_241 = arith.remsi %add3A_239, %rem3A_240 : i32
      %eq3A_242 = arith.cmpi eq, %rem3A_241, %arg0 : i32
      %convert_element_type3A_243 = arith.extui %eq3A_242 : i1 to i32
      %cond3A_244 = arith.constant 0 : i32
      %cond3A_245 = arith.cmpi ne, %convert_element_type3A_243, %cond3A_244 : i32
      scf.if %cond3A_245 {
        %add3A_426 = arith.constant 1 : i32
        %add3A_427 = arith.addi %add3A_166, %add3A_426 : i32
        %dma_start3A_428 = arith.constant 0 : i32
        %dma_start3A_429 = tpu.memref_slice %arg8[%add3A_427, %dma_start3A_428] : memref<160x125xi32, #tpu.memory_space<vmem>> -> memref<1x125xi32, #tpu.memory_space<vmem>>
        %dma_start3A_430 = tpu.memref_squeeze %dma_start3A_429 : memref<1x125xi32, #tpu.memory_space<vmem>> -> memref<125xi32, #tpu.memory_space<vmem>>
        %dma_start3A_431 = arith.constant 0 : i32
        %dma_start3A_432 = arith.constant 0 : i32
        %dma_start3A_433 = tpu.memref_slice %arg18[%dma_start3A_431, %dma_start3A_432] : memref<10000x16xf32, #tpu.memory_space<vmem_shared>> -> memref<10000x16xf32, #tpu.memory_space<vmem_shared>>
        tpu.enqueue_indirect_dma source(%arg12 : memref<125x16xf32, #tpu.memory_space<vmem>>) target(%dma_start3A_433 : memref<10000x16xf32, #tpu.memory_space<vmem_shared>>) offsets(%dma_start3A_430 : memref<125xi32, #tpu.memory_space<vmem>>) semaphore(%arg15 : memref<!tpu.dma_semaphore, #tpu.memory_space<semaphore_mem>>) {add = true}
      } else {
      }
      %add3A_246 = arith.constant 2 : i32
      %add3A_247 = arith.addi %add3A_166, %add3A_246 : i32
      %dma_wait3A_248 = arith.constant 2 : i32
      %dma_wait3A_249 = arith.constant 2 : i32
      %dma_wait3A_250 = arith.constant 0 : i32
      %dma_wait3A_251 = arith.constant 0 : i32
      %dma_wait3A_252 = tpu.memref_slice %arg9[%dma_wait3A_248, %dma_wait3A_250, %dma_wait3A_251] : memref<4x125x64xf32, #tpu.memory_space<vmem>> -> memref<1x125x64xf32, #tpu.memory_space<vmem>>
      %dma_wait3A_253 = tpu.memref_squeeze %dma_wait3A_252 : memref<1x125x64xf32, #tpu.memory_space<vmem>> -> memref<125x64xf32, #tpu.memory_space<vmem>>
      %dma_wait3A_254 = arith.constant 0 : i32
      %dma_wait3A_255 = tpu.memref_slice %arg7[%add3A_247, %dma_wait3A_254] : memref<160x125xi32, #tpu.memory_space<vmem>> -> memref<1x125xi32, #tpu.memory_space<vmem>>
      %dma_wait3A_256 = tpu.memref_squeeze %dma_wait3A_255 : memref<1x125xi32, #tpu.memory_space<vmem>> -> memref<125xi32, #tpu.memory_space<vmem>>
      %dma_wait3A_257 = arith.constant 0 : i32
      %dma_wait3A_258 = arith.constant 0 : i32
      %dma_wait3A_259 = tpu.memref_slice %arg2[%dma_wait3A_257, %dma_wait3A_258] : memref<20000x64xf32, #tpu.memory_space<hbm>> -> memref<20000x64xf32, #tpu.memory_space<hbm>>
      %dma_wait3A_260 = tpu.memref_slice %arg13[%dma_wait3A_249] : memref<4x!tpu.dma_semaphore, #tpu.memory_space<semaphore_mem>> -> memref<1x!tpu.dma_semaphore, #tpu.memory_space<semaphore_mem>>
      %dma_wait3A_261 = tpu.memref_squeeze %dma_wait3A_260 : memref<1x!tpu.dma_semaphore, #tpu.memory_space<semaphore_mem>> -> memref<!tpu.dma_semaphore, #tpu.memory_space<semaphore_mem>>
      tpu.wait_indirect_dma semaphore(%dma_wait3A_261 : memref<!tpu.dma_semaphore, #tpu.memory_space<semaphore_mem>>) src(%dma_wait3A_259 : memref<20000x64xf32, #tpu.memory_space<hbm>>) dst(%dma_wait3A_253 : memref<125x64xf32, #tpu.memory_space<vmem>>)
      %add3A_262 = arith.constant 2 : i32
      %add3A_263 = arith.addi %add3A_166, %add3A_262 : i32
      %dma_start3A_264 = arith.constant 2 : i32
      %dma_start3A_265 = arith.constant 2 : i32
      %dma_start3A_266 = arith.constant 0 : i32
      %dma_start3A_267 = arith.constant 0 : i32
      %dma_start3A_268 = tpu.memref_slice %arg9[%dma_start3A_264, %dma_start3A_266, %dma_start3A_267] : memref<4x125x64xf32, #tpu.memory_space<vmem>> -> memref<1x125x64xf32, #tpu.memory_space<vmem>>
      %dma_start3A_269 = tpu.memref_squeeze %dma_start3A_268 : memref<1x125x64xf32, #tpu.memory_space<vmem>> -> memref<125x64xf32, #tpu.memory_space<vmem>>
      %dma_start3A_270 = arith.constant 0 : i32
      %dma_start3A_271 = tpu.memref_slice %arg8[%add3A_263, %dma_start3A_270] : memref<160x125xi32, #tpu.memory_space<vmem>> -> memref<1x125xi32, #tpu.memory_space<vmem>>
      %dma_start3A_272 = tpu.memref_squeeze %dma_start3A_271 : memref<1x125xi32, #tpu.memory_space<vmem>> -> memref<125xi32, #tpu.memory_space<vmem>>
      %dma_start3A_273 = arith.constant 0 : i32
      %dma_start3A_274 = arith.constant 0 : i32
      %dma_start3A_275 = tpu.memref_slice %arg17[%dma_start3A_273, %dma_start3A_274] : memref<10000x64xf32, #tpu.memory_space<vmem_shared>> -> memref<10000x64xf32, #tpu.memory_space<vmem_shared>>
      %dma_start3A_276 = tpu.memref_slice %arg14[%dma_start3A_265] : memref<4x!tpu.dma_semaphore, #tpu.memory_space<semaphore_mem>> -> memref<1x!tpu.dma_semaphore, #tpu.memory_space<semaphore_mem>>
      %dma_start3A_277 = tpu.memref_squeeze %dma_start3A_276 : memref<1x!tpu.dma_semaphore, #tpu.memory_space<semaphore_mem>> -> memref<!tpu.dma_semaphore, #tpu.memory_space<semaphore_mem>>
      tpu.enqueue_indirect_dma source(%dma_start3A_269 : memref<125x64xf32, #tpu.memory_space<vmem>>) target(%dma_start3A_275 : memref<10000x64xf32, #tpu.memory_space<vmem_shared>>) offsets(%dma_start3A_272 : memref<125xi32, #tpu.memory_space<vmem>>) semaphore(%dma_start3A_277 : memref<!tpu.dma_semaphore, #tpu.memory_space<semaphore_mem>>) {add = true}
      %add3A_278 = arith.constant 2 : i32
      %add3A_279 = arith.addi %add3A_166, %add3A_278 : i32
      %rem3A_280 = arith.constant 2 : i32
      %rem3A_281 = arith.remsi %add3A_279, %rem3A_280 : i32
      %eq3A_282 = arith.cmpi eq, %rem3A_281, %arg0 : i32
      %convert_element_type3A_283 = arith.extui %eq3A_282 : i1 to i32
      %cond3A_284 = arith.constant 0 : i32
      %cond3A_285 = arith.cmpi ne, %convert_element_type3A_283, %cond3A_284 : i32
      scf.if %cond3A_285 {
        %add3A_426 = arith.constant 2 : i32
        %add3A_427 = arith.addi %add3A_166, %add3A_426 : i32
        %dma_start3A_428 = arith.constant 0 : i32
        %dma_start3A_429 = tpu.memref_slice %arg8[%add3A_427, %dma_start3A_428] : memref<160x125xi32, #tpu.memory_space<vmem>> -> memref<1x125xi32, #tpu.memory_space<vmem>>
        %dma_start3A_430 = tpu.memref_squeeze %dma_start3A_429 : memref<1x125xi32, #tpu.memory_space<vmem>> -> memref<125xi32, #tpu.memory_space<vmem>>
        %dma_start3A_431 = arith.constant 0 : i32
        %dma_start3A_432 = arith.constant 0 : i32
        %dma_start3A_433 = tpu.memref_slice %arg18[%dma_start3A_431, %dma_start3A_432] : memref<10000x16xf32, #tpu.memory_space<vmem_shared>> -> memref<10000x16xf32, #tpu.memory_space<vmem_shared>>
        tpu.enqueue_indirect_dma source(%arg12 : memref<125x16xf32, #tpu.memory_space<vmem>>) target(%dma_start3A_433 : memref<10000x16xf32, #tpu.memory_space<vmem_shared>>) offsets(%dma_start3A_430 : memref<125xi32, #tpu.memory_space<vmem>>) semaphore(%arg15 : memref<!tpu.dma_semaphore, #tpu.memory_space<semaphore_mem>>) {add = true}
      } else {
      }
      %add3A_286 = arith.constant 3 : i32
      %add3A_287 = arith.addi %add3A_166, %add3A_286 : i32
      %dma_wait3A_288 = arith.constant 3 : i32
      %dma_wait3A_289 = arith.constant 3 : i32
      %dma_wait3A_290 = arith.constant 0 : i32
      %dma_wait3A_291 = arith.constant 0 : i32
      %dma_wait3A_292 = tpu.memref_slice %arg9[%dma_wait3A_288, %dma_wait3A_290, %dma_wait3A_291] : memref<4x125x64xf32, #tpu.memory_space<vmem>> -> memref<1x125x64xf32, #tpu.memory_space<vmem>>
      %dma_wait3A_293 = tpu.memref_squeeze %dma_wait3A_292 : memref<1x125x64xf32, #tpu.memory_space<vmem>> -> memref<125x64xf32, #tpu.memory_space<vmem>>
      %dma_wait3A_294 = arith.constant 0 : i32
      %dma_wait3A_295 = tpu.memref_slice %arg7[%add3A_287, %dma_wait3A_294] : memref<160x125xi32, #tpu.memory_space<vmem>> -> memref<1x125xi32, #tpu.memory_space<vmem>>
      %dma_wait3A_296 = tpu.memref_squeeze %dma_wait3A_295 : memref<1x125xi32, #tpu.memory_space<vmem>> -> memref<125xi32, #tpu.memory_space<vmem>>
      %dma_wait3A_297 = arith.constant 0 : i32
      %dma_wait3A_298 = arith.constant 0 : i32
      %dma_wait3A_299 = tpu.memref_slice %arg2[%dma_wait3A_297, %dma_wait3A_298] : memref<20000x64xf32, #tpu.memory_space<hbm>> -> memref<20000x64xf32, #tpu.memory_space<hbm>>
      %dma_wait3A_300 = tpu.memref_slice %arg13[%dma_wait3A_289] : memref<4x!tpu.dma_semaphore, #tpu.memory_space<semaphore_mem>> -> memref<1x!tpu.dma_semaphore, #tpu.memory_space<semaphore_mem>>
      %dma_wait3A_301 = tpu.memref_squeeze %dma_wait3A_300 : memref<1x!tpu.dma_semaphore, #tpu.memory_space<semaphore_mem>> -> memref<!tpu.dma_semaphore, #tpu.memory_space<semaphore_mem>>
      tpu.wait_indirect_dma semaphore(%dma_wait3A_301 : memref<!tpu.dma_semaphore, #tpu.memory_space<semaphore_mem>>) src(%dma_wait3A_299 : memref<20000x64xf32, #tpu.memory_space<hbm>>) dst(%dma_wait3A_293 : memref<125x64xf32, #tpu.memory_space<vmem>>)
      %add3A_302 = arith.constant 3 : i32
      %add3A_303 = arith.addi %add3A_166, %add3A_302 : i32
      %dma_start3A_304 = arith.constant 3 : i32
      %dma_start3A_305 = arith.constant 3 : i32
      %dma_start3A_306 = arith.constant 0 : i32
      %dma_start3A_307 = arith.constant 0 : i32
      %dma_start3A_308 = tpu.memref_slice %arg9[%dma_start3A_304, %dma_start3A_306, %dma_start3A_307] : memref<4x125x64xf32, #tpu.memory_space<vmem>> -> memref<1x125x64xf32, #tpu.memory_space<vmem>>
      %dma_start3A_309 = tpu.memref_squeeze %dma_start3A_308 : memref<1x125x64xf32, #tpu.memory_space<vmem>> -> memref<125x64xf32, #tpu.memory_space<vmem>>
      %dma_start3A_310 = arith.constant 0 : i32
      %dma_start3A_311 = tpu.memref_slice %arg8[%add3A_303, %dma_start3A_310] : memref<160x125xi32, #tpu.memory_space<vmem>> -> memref<1x125xi32, #tpu.memory_space<vmem>>
      %dma_start3A_312 = tpu.memref_squeeze %dma_start3A_311 : memref<1x125xi32, #tpu.memory_space<vmem>> -> memref<125xi32, #tpu.memory_space<vmem>>
      %dma_start3A_313 = arith.constant 0 : i32
      %dma_start3A_314 = arith.constant 0 : i32
      %dma_start3A_315 = tpu.memref_slice %arg17[%dma_start3A_313, %dma_start3A_314] : memref<10000x64xf32, #tpu.memory_space<vmem_shared>> -> memref<10000x64xf32, #tpu.memory_space<vmem_shared>>
      %dma_start3A_316 = tpu.memref_slice %arg14[%dma_start3A_305] : memref<4x!tpu.dma_semaphore, #tpu.memory_space<semaphore_mem>> -> memref<1x!tpu.dma_semaphore, #tpu.memory_space<semaphore_mem>>
      %dma_start3A_317 = tpu.memref_squeeze %dma_start3A_316 : memref<1x!tpu.dma_semaphore, #tpu.memory_space<semaphore_mem>> -> memref<!tpu.dma_semaphore, #tpu.memory_space<semaphore_mem>>
      tpu.enqueue_indirect_dma source(%dma_start3A_309 : memref<125x64xf32, #tpu.memory_space<vmem>>) target(%dma_start3A_315 : memref<10000x64xf32, #tpu.memory_space<vmem_shared>>) offsets(%dma_start3A_312 : memref<125xi32, #tpu.memory_space<vmem>>) semaphore(%dma_start3A_317 : memref<!tpu.dma_semaphore, #tpu.memory_space<semaphore_mem>>) {add = true}
      %add3A_318 = arith.constant 3 : i32
      %add3A_319 = arith.addi %add3A_166, %add3A_318 : i32
      %rem3A_320 = arith.constant 2 : i32
      %rem3A_321 = arith.remsi %add3A_319, %rem3A_320 : i32
      %eq3A_322 = arith.cmpi eq, %rem3A_321, %arg0 : i32
      %convert_element_type3A_323 = arith.extui %eq3A_322 : i1 to i32
      %cond3A_324 = arith.constant 0 : i32
      %cond3A_325 = arith.cmpi ne, %convert_element_type3A_323, %cond3A_324 : i32
      scf.if %cond3A_325 {
        %add3A_426 = arith.constant 3 : i32
        %add3A_427 = arith.addi %add3A_166, %add3A_426 : i32
        %dma_start3A_428 = arith.constant 0 : i32
        %dma_start3A_429 = tpu.memref_slice %arg8[%add3A_427, %dma_start3A_428] : memref<160x125xi32, #tpu.memory_space<vmem>> -> memref<1x125xi32, #tpu.memory_space<vmem>>
        %dma_start3A_430 = tpu.memref_squeeze %dma_start3A_429 : memref<1x125xi32, #tpu.memory_space<vmem>> -> memref<125xi32, #tpu.memory_space<vmem>>
        %dma_start3A_431 = arith.constant 0 : i32
        %dma_start3A_432 = arith.constant 0 : i32
        %dma_start3A_433 = tpu.memref_slice %arg18[%dma_start3A_431, %dma_start3A_432] : memref<10000x16xf32, #tpu.memory_space<vmem_shared>> -> memref<10000x16xf32, #tpu.memory_space<vmem_shared>>
        tpu.enqueue_indirect_dma source(%arg12 : memref<125x16xf32, #tpu.memory_space<vmem>>) target(%dma_start3A_433 : memref<10000x16xf32, #tpu.memory_space<vmem_shared>>) offsets(%dma_start3A_430 : memref<125xi32, #tpu.memory_space<vmem>>) semaphore(%arg15 : memref<!tpu.dma_semaphore, #tpu.memory_space<semaphore_mem>>) {add = true}
      } else {
      }
      %add3A_326 = arith.constant 0 : i32
      %add3A_327 = arith.addi %add3A_166, %add3A_326 : i32
      %dma_wait3A_328 = arith.constant 0 : i32
      %dma_wait3A_329 = arith.constant 0 : i32
      %dma_wait3A_330 = arith.constant 0 : i32
      %dma_wait3A_331 = arith.constant 0 : i32
      %dma_wait3A_332 = tpu.memref_slice %arg9[%dma_wait3A_328, %dma_wait3A_330, %dma_wait3A_331] : memref<4x125x64xf32, #tpu.memory_space<vmem>> -> memref<1x125x64xf32, #tpu.memory_space<vmem>>
      %dma_wait3A_333 = tpu.memref_squeeze %dma_wait3A_332 : memref<1x125x64xf32, #tpu.memory_space<vmem>> -> memref<125x64xf32, #tpu.memory_space<vmem>>
      %dma_wait3A_334 = arith.constant 0 : i32
      %dma_wait3A_335 = tpu.memref_slice %arg8[%add3A_327, %dma_wait3A_334] : memref<160x125xi32, #tpu.memory_space<vmem>> -> memref<1x125xi32, #tpu.memory_space<vmem>>
      %dma_wait3A_336 = tpu.memref_squeeze %dma_wait3A_335 : memref<1x125xi32, #tpu.memory_space<vmem>> -> memref<125xi32, #tpu.memory_space<vmem>>
      %dma_wait3A_337 = arith.constant 0 : i32
      %dma_wait3A_338 = arith.constant 0 : i32
      %dma_wait3A_339 = tpu.memref_slice %arg17[%dma_wait3A_337, %dma_wait3A_338] : memref<10000x64xf32, #tpu.memory_space<vmem_shared>> -> memref<10000x64xf32, #tpu.memory_space<vmem_shared>>
      %dma_wait3A_340 = tpu.memref_slice %arg14[%dma_wait3A_329] : memref<4x!tpu.dma_semaphore, #tpu.memory_space<semaphore_mem>> -> memref<1x!tpu.dma_semaphore, #tpu.memory_space<semaphore_mem>>
      %dma_wait3A_341 = tpu.memref_squeeze %dma_wait3A_340 : memref<1x!tpu.dma_semaphore, #tpu.memory_space<semaphore_mem>> -> memref<!tpu.dma_semaphore, #tpu.memory_space<semaphore_mem>>
      tpu.wait_indirect_dma semaphore(%dma_wait3A_341 : memref<!tpu.dma_semaphore, #tpu.memory_space<semaphore_mem>>) src(%dma_wait3A_333 : memref<125x64xf32, #tpu.memory_space<vmem>>) dst(%dma_wait3A_339 : memref<10000x64xf32, #tpu.memory_space<vmem_shared>>)
      %add3A_342 = arith.constant 4 : i32
      %add3A_343 = arith.addi %add3A_166, %add3A_342 : i32
      %add3A_344 = arith.constant 0 : i32
      %add3A_345 = arith.addi %add3A_343, %add3A_344 : i32
      %lt3A_346 = arith.constant 160 : i32
      %lt3A_347 = arith.cmpi slt, %add3A_345, %lt3A_346 : i32
      %convert_element_type3A_348 = arith.extui %lt3A_347 : i1 to i32
      %cond3A_349 = arith.constant 0 : i32
      %cond3A_350 = arith.cmpi ne, %convert_element_type3A_348, %cond3A_349 : i32
      scf.if %cond3A_350 {
        %add3A_426 = arith.constant 4 : i32
        %add3A_427 = arith.addi %add3A_166, %add3A_426 : i32
        %add3A_428 = arith.constant 0 : i32
        %add3A_429 = arith.addi %add3A_427, %add3A_428 : i32
        %dma_start3A_430 = arith.constant 0 : i32
        %dma_start3A_431 = arith.constant 0 : i32
        %dma_start3A_432 = arith.constant 0 : i32
        %dma_start3A_433 = arith.constant 0 : i32
        %dma_start3A_434 = tpu.memref_slice %arg9[%dma_start3A_430, %dma_start3A_432, %dma_start3A_433] : memref<4x125x64xf32, #tpu.memory_space<vmem>> -> memref<1x125x64xf32, #tpu.memory_space<vmem>>
        %dma_start3A_435 = tpu.memref_squeeze %dma_start3A_434 : memref<1x125x64xf32, #tpu.memory_space<vmem>> -> memref<125x64xf32, #tpu.memory_space<vmem>>
        %dma_start3A_436 = arith.constant 0 : i32
        %dma_start3A_437 = tpu.memref_slice %arg7[%add3A_429, %dma_start3A_436] : memref<160x125xi32, #tpu.memory_space<vmem>> -> memref<1x125xi32, #tpu.memory_space<vmem>>
        %dma_start3A_438 = tpu.memref_squeeze %dma_start3A_437 : memref<1x125xi32, #tpu.memory_space<vmem>> -> memref<125xi32, #tpu.memory_space<vmem>>
        %dma_start3A_439 = arith.constant 0 : i32
        %dma_start3A_440 = arith.constant 0 : i32
        %dma_start3A_441 = tpu.memref_slice %arg2[%dma_start3A_439, %dma_start3A_440] : memref<20000x64xf32, #tpu.memory_space<hbm>> -> memref<20000x64xf32, #tpu.memory_space<hbm>>
        %dma_start3A_442 = tpu.memref_slice %arg13[%dma_start3A_431] : memref<4x!tpu.dma_semaphore, #tpu.memory_space<semaphore_mem>> -> memref<1x!tpu.dma_semaphore, #tpu.memory_space<semaphore_mem>>
        %dma_start3A_443 = tpu.memref_squeeze %dma_start3A_442 : memref<1x!tpu.dma_semaphore, #tpu.memory_space<semaphore_mem>> -> memref<!tpu.dma_semaphore, #tpu.memory_space<semaphore_mem>>
        tpu.enqueue_indirect_dma source(%dma_start3A_441 : memref<20000x64xf32, #tpu.memory_space<hbm>>) target(%dma_start3A_435 : memref<125x64xf32, #tpu.memory_space<vmem>>) offsets(%dma_start3A_438 : memref<125xi32, #tpu.memory_space<vmem>>) semaphore(%dma_start3A_443 : memref<!tpu.dma_semaphore, #tpu.memory_space<semaphore_mem>>)
      } else {
      }
      %add3A_351 = arith.constant 1 : i32
      %add3A_352 = arith.addi %add3A_166, %add3A_351 : i32
      %dma_wait3A_353 = arith.constant 1 : i32
      %dma_wait3A_354 = arith.constant 1 : i32
      %dma_wait3A_355 = arith.constant 0 : i32
      %dma_wait3A_356 = arith.constant 0 : i32
      %dma_wait3A_357 = tpu.memref_slice %arg9[%dma_wait3A_353, %dma_wait3A_355, %dma_wait3A_356] : memref<4x125x64xf32, #tpu.memory_space<vmem>> -> memref<1x125x64xf32, #tpu.memory_space<vmem>>
      %dma_wait3A_358 = tpu.memref_squeeze %dma_wait3A_357 : memref<1x125x64xf32, #tpu.memory_space<vmem>> -> memref<125x64xf32, #tpu.memory_space<vmem>>
      %dma_wait3A_359 = arith.constant 0 : i32
      %dma_wait3A_360 = tpu.memref_slice %arg8[%add3A_352, %dma_wait3A_359] : memref<160x125xi32, #tpu.memory_space<vmem>> -> memref<1x125xi32, #tpu.memory_space<vmem>>
      %dma_wait3A_361 = tpu.memref_squeeze %dma_wait3A_360 : memref<1x125xi32, #tpu.memory_space<vmem>> -> memref<125xi32, #tpu.memory_space<vmem>>
      %dma_wait3A_362 = arith.constant 0 : i32
      %dma_wait3A_363 = arith.constant 0 : i32
      %dma_wait3A_364 = tpu.memref_slice %arg17[%dma_wait3A_362, %dma_wait3A_363] : memref<10000x64xf32, #tpu.memory_space<vmem_shared>> -> memref<10000x64xf32, #tpu.memory_space<vmem_shared>>
      %dma_wait3A_365 = tpu.memref_slice %arg14[%dma_wait3A_354] : memref<4x!tpu.dma_semaphore, #tpu.memory_space<semaphore_mem>> -> memref<1x!tpu.dma_semaphore, #tpu.memory_space<semaphore_mem>>
      %dma_wait3A_366 = tpu.memref_squeeze %dma_wait3A_365 : memref<1x!tpu.dma_semaphore, #tpu.memory_space<semaphore_mem>> -> memref<!tpu.dma_semaphore, #tpu.memory_space<semaphore_mem>>
      tpu.wait_indirect_dma semaphore(%dma_wait3A_366 : memref<!tpu.dma_semaphore, #tpu.memory_space<semaphore_mem>>) src(%dma_wait3A_358 : memref<125x64xf32, #tpu.memory_space<vmem>>) dst(%dma_wait3A_364 : memref<10000x64xf32, #tpu.memory_space<vmem_shared>>)
      %add3A_367 = arith.constant 4 : i32
      %add3A_368 = arith.addi %add3A_166, %add3A_367 : i32
      %add3A_369 = arith.constant 1 : i32
      %add3A_370 = arith.addi %add3A_368, %add3A_369 : i32
      %lt3A_371 = arith.constant 160 : i32
      %lt3A_372 = arith.cmpi slt, %add3A_370, %lt3A_371 : i32
      %convert_element_type3A_373 = arith.extui %lt3A_372 : i1 to i32
      %cond3A_374 = arith.constant 0 : i32
      %cond3A_375 = arith.cmpi ne, %convert_element_type3A_373, %cond3A_374 : i32
      scf.if %cond3A_375 {
        %add3A_426 = arith.constant 4 : i32
        %add3A_427 = arith.addi %add3A_166, %add3A_426 : i32
        %add3A_428 = arith.constant 1 : i32
        %add3A_429 = arith.addi %add3A_427, %add3A_428 : i32
        %dma_start3A_430 = arith.constant 1 : i32
        %dma_start3A_431 = arith.constant 1 : i32
        %dma_start3A_432 = arith.constant 0 : i32
        %dma_start3A_433 = arith.constant 0 : i32
        %dma_start3A_434 = tpu.memref_slice %arg9[%dma_start3A_430, %dma_start3A_432, %dma_start3A_433] : memref<4x125x64xf32, #tpu.memory_space<vmem>> -> memref<1x125x64xf32, #tpu.memory_space<vmem>>
        %dma_start3A_435 = tpu.memref_squeeze %dma_start3A_434 : memref<1x125x64xf32, #tpu.memory_space<vmem>> -> memref<125x64xf32, #tpu.memory_space<vmem>>
        %dma_start3A_436 = arith.constant 0 : i32
        %dma_start3A_437 = tpu.memref_slice %arg7[%add3A_429, %dma_start3A_436] : memref<160x125xi32, #tpu.memory_space<vmem>> -> memref<1x125xi32, #tpu.memory_space<vmem>>
        %dma_start3A_438 = tpu.memref_squeeze %dma_start3A_437 : memref<1x125xi32, #tpu.memory_space<vmem>> -> memref<125xi32, #tpu.memory_space<vmem>>
        %dma_start3A_439 = arith.constant 0 : i32
        %dma_start3A_440 = arith.constant 0 : i32
        %dma_start3A_441 = tpu.memref_slice %arg2[%dma_start3A_439, %dma_start3A_440] : memref<20000x64xf32, #tpu.memory_space<hbm>> -> memref<20000x64xf32, #tpu.memory_space<hbm>>
        %dma_start3A_442 = tpu.memref_slice %arg13[%dma_start3A_431] : memref<4x!tpu.dma_semaphore, #tpu.memory_space<semaphore_mem>> -> memref<1x!tpu.dma_semaphore, #tpu.memory_space<semaphore_mem>>
        %dma_start3A_443 = tpu.memref_squeeze %dma_start3A_442 : memref<1x!tpu.dma_semaphore, #tpu.memory_space<semaphore_mem>> -> memref<!tpu.dma_semaphore, #tpu.memory_space<semaphore_mem>>
        tpu.enqueue_indirect_dma source(%dma_start3A_441 : memref<20000x64xf32, #tpu.memory_space<hbm>>) target(%dma_start3A_435 : memref<125x64xf32, #tpu.memory_space<vmem>>) offsets(%dma_start3A_438 : memref<125xi32, #tpu.memory_space<vmem>>) semaphore(%dma_start3A_443 : memref<!tpu.dma_semaphore, #tpu.memory_space<semaphore_mem>>)
      } else {
      }
      %add3A_376 = arith.constant 2 : i32
      %add3A_377 = arith.addi %add3A_166, %add3A_376 : i32
      %dma_wait3A_378 = arith.constant 2 : i32
      %dma_wait3A_379 = arith.constant 2 : i32
      %dma_wait3A_380 = arith.constant 0 : i32
      %dma_wait3A_381 = arith.constant 0 : i32
      %dma_wait3A_382 = tpu.memref_slice %arg9[%dma_wait3A_378, %dma_wait3A_380, %dma_wait3A_381] : memref<4x125x64xf32, #tpu.memory_space<vmem>> -> memref<1x125x64xf32, #tpu.memory_space<vmem>>
      %dma_wait3A_383 = tpu.memref_squeeze %dma_wait3A_382 : memref<1x125x64xf32, #tpu.memory_space<vmem>> -> memref<125x64xf32, #tpu.memory_space<vmem>>
      %dma_wait3A_384 = arith.constant 0 : i32
      %dma_wait3A_385 = tpu.memref_slice %arg8[%add3A_377, %dma_wait3A_384] : memref<160x125xi32, #tpu.memory_space<vmem>> -> memref<1x125xi32, #tpu.memory_space<vmem>>
      %dma_wait3A_386 = tpu.memref_squeeze %dma_wait3A_385 : memref<1x125xi32, #tpu.memory_space<vmem>> -> memref<125xi32, #tpu.memory_space<vmem>>
      %dma_wait3A_387 = arith.constant 0 : i32
      %dma_wait3A_388 = arith.constant 0 : i32
      %dma_wait3A_389 = tpu.memref_slice %arg17[%dma_wait3A_387, %dma_wait3A_388] : memref<10000x64xf32, #tpu.memory_space<vmem_shared>> -> memref<10000x64xf32, #tpu.memory_space<vmem_shared>>
      %dma_wait3A_390 = tpu.memref_slice %arg14[%dma_wait3A_379] : memref<4x!tpu.dma_semaphore, #tpu.memory_space<semaphore_mem>> -> memref<1x!tpu.dma_semaphore, #tpu.memory_space<semaphore_mem>>
      %dma_wait3A_391 = tpu.memref_squeeze %dma_wait3A_390 : memref<1x!tpu.dma_semaphore, #tpu.memory_space<semaphore_mem>> -> memref<!tpu.dma_semaphore, #tpu.memory_space<semaphore_mem>>
      tpu.wait_indirect_dma semaphore(%dma_wait3A_391 : memref<!tpu.dma_semaphore, #tpu.memory_space<semaphore_mem>>) src(%dma_wait3A_383 : memref<125x64xf32, #tpu.memory_space<vmem>>) dst(%dma_wait3A_389 : memref<10000x64xf32, #tpu.memory_space<vmem_shared>>)
      %add3A_392 = arith.constant 4 : i32
      %add3A_393 = arith.addi %add3A_166, %add3A_392 : i32
      %add3A_394 = arith.constant 2 : i32
      %add3A_395 = arith.addi %add3A_393, %add3A_394 : i32
      %lt3A_396 = arith.constant 160 : i32
      %lt3A_397 = arith.cmpi slt, %add3A_395, %lt3A_396 : i32
      %convert_element_type3A_398 = arith.extui %lt3A_397 : i1 to i32
      %cond3A_399 = arith.constant 0 : i32
      %cond3A_400 = arith.cmpi ne, %convert_element_type3A_398, %cond3A_399 : i32
      scf.if %cond3A_400 {
        %add3A_426 = arith.constant 4 : i32
        %add3A_427 = arith.addi %add3A_166, %add3A_426 : i32
        %add3A_428 = arith.constant 2 : i32
        %add3A_429 = arith.addi %add3A_427, %add3A_428 : i32
        %dma_start3A_430 = arith.constant 2 : i32
        %dma_start3A_431 = arith.constant 2 : i32
        %dma_start3A_432 = arith.constant 0 : i32
        %dma_start3A_433 = arith.constant 0 : i32
        %dma_start3A_434 = tpu.memref_slice %arg9[%dma_start3A_430, %dma_start3A_432, %dma_start3A_433] : memref<4x125x64xf32, #tpu.memory_space<vmem>> -> memref<1x125x64xf32, #tpu.memory_space<vmem>>
        %dma_start3A_435 = tpu.memref_squeeze %dma_start3A_434 : memref<1x125x64xf32, #tpu.memory_space<vmem>> -> memref<125x64xf32, #tpu.memory_space<vmem>>
        %dma_start3A_436 = arith.constant 0 : i32
        %dma_start3A_437 = tpu.memref_slice %arg7[%add3A_429, %dma_start3A_436] : memref<160x125xi32, #tpu.memory_space<vmem>> -> memref<1x125xi32, #tpu.memory_space<vmem>>
        %dma_start3A_438 = tpu.memref_squeeze %dma_start3A_437 : memref<1x125xi32, #tpu.memory_space<vmem>> -> memref<125xi32, #tpu.memory_space<vmem>>
        %dma_start3A_439 = arith.constant 0 : i32
        %dma_start3A_440 = arith.constant 0 : i32
        %dma_start3A_441 = tpu.memref_slice %arg2[%dma_start3A_439, %dma_start3A_440] : memref<20000x64xf32, #tpu.memory_space<hbm>> -> memref<20000x64xf32, #tpu.memory_space<hbm>>
        %dma_start3A_442 = tpu.memref_slice %arg13[%dma_start3A_431] : memref<4x!tpu.dma_semaphore, #tpu.memory_space<semaphore_mem>> -> memref<1x!tpu.dma_semaphore, #tpu.memory_space<semaphore_mem>>
        %dma_start3A_443 = tpu.memref_squeeze %dma_start3A_442 : memref<1x!tpu.dma_semaphore, #tpu.memory_space<semaphore_mem>> -> memref<!tpu.dma_semaphore, #tpu.memory_space<semaphore_mem>>
        tpu.enqueue_indirect_dma source(%dma_start3A_441 : memref<20000x64xf32, #tpu.memory_space<hbm>>) target(%dma_start3A_435 : memref<125x64xf32, #tpu.memory_space<vmem>>) offsets(%dma_start3A_438 : memref<125xi32, #tpu.memory_space<vmem>>) semaphore(%dma_start3A_443 : memref<!tpu.dma_semaphore, #tpu.memory_space<semaphore_mem>>)
      } else {
      }
      %add3A_401 = arith.constant 3 : i32
      %add3A_402 = arith.addi %add3A_166, %add3A_401 : i32
      %dma_wait3A_403 = arith.constant 3 : i32
      %dma_wait3A_404 = arith.constant 3 : i32
      %dma_wait3A_405 = arith.constant 0 : i32
      %dma_wait3A_406 = arith.constant 0 : i32
      %dma_wait3A_407 = tpu.memref_slice %arg9[%dma_wait3A_403, %dma_wait3A_405, %dma_wait3A_406] : memref<4x125x64xf32, #tpu.memory_space<vmem>> -> memref<1x125x64xf32, #tpu.memory_space<vmem>>
      %dma_wait3A_408 = tpu.memref_squeeze %dma_wait3A_407 : memref<1x125x64xf32, #tpu.memory_space<vmem>> -> memref<125x64xf32, #tpu.memory_space<vmem>>
      %dma_wait3A_409 = arith.constant 0 : i32
      %dma_wait3A_410 = tpu.memref_slice %arg8[%add3A_402, %dma_wait3A_409] : memref<160x125xi32, #tpu.memory_space<vmem>> -> memref<1x125xi32, #tpu.memory_space<vmem>>
      %dma_wait3A_411 = tpu.memref_squeeze %dma_wait3A_410 : memref<1x125xi32, #tpu.memory_space<vmem>> -> memref<125xi32, #tpu.memory_space<vmem>>
      %dma_wait3A_412 = arith.constant 0 : i32
      %dma_wait3A_413 = arith.constant 0 : i32
      %dma_wait3A_414 = tpu.memref_slice %arg17[%dma_wait3A_412, %dma_wait3A_413] : memref<10000x64xf32, #tpu.memory_space<vmem_shared>> -> memref<10000x64xf32, #tpu.memory_space<vmem_shared>>
      %dma_wait3A_415 = tpu.memref_slice %arg14[%dma_wait3A_404] : memref<4x!tpu.dma_semaphore, #tpu.memory_space<semaphore_mem>> -> memref<1x!tpu.dma_semaphore, #tpu.memory_space<semaphore_mem>>
      %dma_wait3A_416 = tpu.memref_squeeze %dma_wait3A_415 : memref<1x!tpu.dma_semaphore, #tpu.memory_space<semaphore_mem>> -> memref<!tpu.dma_semaphore, #tpu.memory_space<semaphore_mem>>
      tpu.wait_indirect_dma semaphore(%dma_wait3A_416 : memref<!tpu.dma_semaphore, #tpu.memory_space<semaphore_mem>>) src(%dma_wait3A_408 : memref<125x64xf32, #tpu.memory_space<vmem>>) dst(%dma_wait3A_414 : memref<10000x64xf32, #tpu.memory_space<vmem_shared>>)
      %add3A_417 = arith.constant 4 : i32
      %add3A_418 = arith.addi %add3A_166, %add3A_417 : i32
      %add3A_419 = arith.constant 3 : i32
      %add3A_420 = arith.addi %add3A_418, %add3A_419 : i32
      %lt3A_421 = arith.constant 160 : i32
      %lt3A_422 = arith.cmpi slt, %add3A_420, %lt3A_421 : i32
      %convert_element_type3A_423 = arith.extui %lt3A_422 : i1 to i32
      %cond3A_424 = arith.constant 0 : i32
      %cond3A_425 = arith.cmpi ne, %convert_element_type3A_423, %cond3A_424 : i32
      scf.if %cond3A_425 {
        %add3A_426 = arith.constant 4 : i32
        %add3A_427 = arith.addi %add3A_166, %add3A_426 : i32
        %add3A_428 = arith.constant 3 : i32
        %add3A_429 = arith.addi %add3A_427, %add3A_428 : i32
        %dma_start3A_430 = arith.constant 3 : i32
        %dma_start3A_431 = arith.constant 3 : i32
        %dma_start3A_432 = arith.constant 0 : i32
        %dma_start3A_433 = arith.constant 0 : i32
        %dma_start3A_434 = tpu.memref_slice %arg9[%dma_start3A_430, %dma_start3A_432, %dma_start3A_433] : memref<4x125x64xf32, #tpu.memory_space<vmem>> -> memref<1x125x64xf32, #tpu.memory_space<vmem>>
        %dma_start3A_435 = tpu.memref_squeeze %dma_start3A_434 : memref<1x125x64xf32, #tpu.memory_space<vmem>> -> memref<125x64xf32, #tpu.memory_space<vmem>>
        %dma_start3A_436 = arith.constant 0 : i32
        %dma_start3A_437 = tpu.memref_slice %arg7[%add3A_429, %dma_start3A_436] : memref<160x125xi32, #tpu.memory_space<vmem>> -> memref<1x125xi32, #tpu.memory_space<vmem>>
        %dma_start3A_438 = tpu.memref_squeeze %dma_start3A_437 : memref<1x125xi32, #tpu.memory_space<vmem>> -> memref<125xi32, #tpu.memory_space<vmem>>
        %dma_start3A_439 = arith.constant 0 : i32
        %dma_start3A_440 = arith.constant 0 : i32
        %dma_start3A_441 = tpu.memref_slice %arg2[%dma_start3A_439, %dma_start3A_440] : memref<20000x64xf32, #tpu.memory_space<hbm>> -> memref<20000x64xf32, #tpu.memory_space<hbm>>
        %dma_start3A_442 = tpu.memref_slice %arg13[%dma_start3A_431] : memref<4x!tpu.dma_semaphore, #tpu.memory_space<semaphore_mem>> -> memref<1x!tpu.dma_semaphore, #tpu.memory_space<semaphore_mem>>
        %dma_start3A_443 = tpu.memref_squeeze %dma_start3A_442 : memref<1x!tpu.dma_semaphore, #tpu.memory_space<semaphore_mem>> -> memref<!tpu.dma_semaphore, #tpu.memory_space<semaphore_mem>>
        tpu.enqueue_indirect_dma source(%dma_start3A_441 : memref<20000x64xf32, #tpu.memory_space<hbm>>) target(%dma_start3A_435 : memref<125x64xf32, #tpu.memory_space<vmem>>) offsets(%dma_start3A_438 : memref<125xi32, #tpu.memory_space<vmem>>) semaphore(%dma_start3A_443 : memref<!tpu.dma_semaphore, #tpu.memory_space<semaphore_mem>>)
      } else {
      }
    }
    %scan3A_148 = arith.constant 40 : i32
    %scan3A_149 = arith.constant 0 : i32
    %scan3A_150 = arith.constant 80 : i32
    %scan3A_151 = arith.addi %scan3A_149, %scan3A_150 : i32
    %scan3A_152 = arith.constant 1 : i32
    scf.for %scan3A_162 = %scan3A_149 to %scan3A_151 step %scan3A_152  : i32 {
      %mul3A_163 = arith.constant 2 : i32
      %mul3A_164 = arith.muli %scan3A_162, %mul3A_163 : i32
      %add3A_165 = arith.constant 0 : i32
      %add3A_166 = arith.addi %add3A_165, %mul3A_164 : i32
      %add3A_167 = arith.addi %add3A_166, %arg0 : i32
      %dma_wait3A_168 = arith.constant 0 : i32
      %dma_wait3A_169 = tpu.memref_slice %arg8[%add3A_167, %dma_wait3A_168] : memref<160x125xi32, #tpu.memory_space<vmem>> -> memref<1x125xi32, #tpu.memory_space<vmem>>
      %dma_wait3A_170 = tpu.memref_squeeze %dma_wait3A_169 : memref<1x125xi32, #tpu.memory_space<vmem>> -> memref<125xi32, #tpu.memory_space<vmem>>
      %dma_wait3A_171 = arith.constant 0 : i32
      %dma_wait3A_172 = arith.constant 0 : i32
      %dma_wait3A_173 = tpu.memref_slice %arg18[%dma_wait3A_171, %dma_wait3A_172] : memref<10000x16xf32, #tpu.memory_space<vmem_shared>> -> memref<10000x16xf32, #tpu.memory_space<vmem_shared>>
      tpu.wait_indirect_dma semaphore(%arg15 : memref<!tpu.dma_semaphore, #tpu.memory_space<semaphore_mem>>) src(%arg12 : memref<125x16xf32, #tpu.memory_space<vmem>>) dst(%dma_wait3A_173 : memref<10000x16xf32, #tpu.memory_space<vmem_shared>>)
    }
    %scan3A_153 = arith.constant 80 : i32
    %barrier3A_154 = arith.constant 0 : index
    tpu.barrier barrier_id(%barrier3A_154)
    %lt3A_155 = arith.constant 15 : i32
    %lt3A_156 = arith.cmpi slt, %arg1, %lt3A_155 : i32
    %convert_element_type3A = arith.extui %lt3A_156 : i1 to i32
    %cond3A = arith.constant 0 : i32
    %cond3A_157 = arith.cmpi ne, %convert_element_type3A, %cond3A : i32
    scf.if %cond3A_157 {
      "tpu.region"() ({
        %run_scoped3A = tpu.sem_alloc : memref<!tpu.dma_semaphore, #tpu.memory_space<semaphore_mem>>
        %dma_start3A_162 = arith.constant 0 : i32
        %dma_start3A_163 = arith.constant 0 : i32
        %dma_start3A_164 = tpu.memref_slice %arg5[%arg0, %dma_start3A_162, %dma_start3A_163] : memref<2x10000x64xf32, #tpu.memory_space<hbm>> -> memref<1x10000x64xf32, #tpu.memory_space<hbm>>
        %dma_start3A_165 = tpu.memref_squeeze %dma_start3A_164 : memref<1x10000x64xf32, #tpu.memory_space<hbm>> -> memref<10000x64xf32, #tpu.memory_space<hbm>>
        %dma_start3A_166 = arith.constant 0 : i32
        %dma_start3A_167 = tpu.memref_slice %dma_start3A_165[%multiple_of3A_20, %dma_start3A_166] : memref<10000x64xf32, #tpu.memory_space<hbm>> -> memref<640x64xf32, #tpu.memory_space<hbm>>
        %dma_start3A_168 = arith.constant 0 : i32
        %dma_start3A_169 = tpu.memref_slice %arg17[%multiple_of3A_20, %dma_start3A_168] : memref<10000x64xf32, #tpu.memory_space<vmem_shared>> -> memref<640x64xf32, #tpu.memory_space<vmem_shared>>
        tpu.enqueue_dma source(%dma_start3A_169 : memref<640x64xf32, #tpu.memory_space<vmem_shared>>) target(%dma_start3A_167 : memref<640x64xf32, #tpu.memory_space<hbm>>) target_semaphore(%run_scoped3A : memref<!tpu.dma_semaphore, #tpu.memory_space<semaphore_mem>>)
        %dma_wait3A_170 = arith.constant 0 : i32
        %dma_wait3A_171 = arith.constant 0 : i32
        %dma_wait3A_172 = tpu.memref_slice %arg5[%arg0, %dma_wait3A_170, %dma_wait3A_171] : memref<2x10000x64xf32, #tpu.memory_space<hbm>> -> memref<1x10000x64xf32, #tpu.memory_space<hbm>>
        %dma_wait3A_173 = tpu.memref_squeeze %dma_wait3A_172 : memref<1x10000x64xf32, #tpu.memory_space<hbm>> -> memref<10000x64xf32, #tpu.memory_space<hbm>>
        %dma_wait3A_174 = arith.constant 0 : i32
        %dma_wait3A_175 = tpu.memref_slice %dma_wait3A_173[%multiple_of3A_20, %dma_wait3A_174] : memref<10000x64xf32, #tpu.memory_space<hbm>> -> memref<640x64xf32, #tpu.memory_space<hbm>>
        %dma_wait3A_176 = arith.constant 0 : i32
        %dma_wait3A_177 = tpu.memref_slice %arg17[%multiple_of3A_20, %dma_wait3A_176] : memref<10000x64xf32, #tpu.memory_space<vmem_shared>> -> memref<640x64xf32, #tpu.memory_space<vmem_shared>>
        tpu.wait_dma2 semaphore(%run_scoped3A : memref<!tpu.dma_semaphore, #tpu.memory_space<semaphore_mem>>) src(%dma_wait3A_177 : memref<640x64xf32, #tpu.memory_space<vmem_shared>>) dst(%dma_wait3A_175 : memref<640x64xf32, #tpu.memory_space<hbm>>)
        tpu.yield
      }) : () -> ()
      "tpu.region"() ({
        %run_scoped3A = tpu.sem_alloc : memref<!tpu.dma_semaphore, #tpu.memory_space<semaphore_mem>>
        %dma_start3A_162 = arith.constant 0 : i32
        %dma_start3A_163 = arith.constant 0 : i32
        %dma_start3A_164 = tpu.memref_slice %arg6[%arg0, %dma_start3A_162, %dma_start3A_163] : memref<2x10000x16xf32, #tpu.memory_space<hbm>> -> memref<1x10000x16xf32, #tpu.memory_space<hbm>>
        %dma_start3A_165 = tpu.memref_squeeze %dma_start3A_164 : memref<1x10000x16xf32, #tpu.memory_space<hbm>> -> memref<10000x16xf32, #tpu.memory_space<hbm>>
        %dma_start3A_166 = arith.constant 0 : i32
        %dma_start3A_167 = tpu.memref_slice %dma_start3A_165[%multiple_of3A_20, %dma_start3A_166] : memref<10000x16xf32, #tpu.memory_space<hbm>> -> memref<640x16xf32, #tpu.memory_space<hbm>>
        %dma_start3A_168 = arith.constant 0 : i32
        %dma_start3A_169 = tpu.memref_slice %arg18[%multiple_of3A_20, %dma_start3A_168] : memref<10000x16xf32, #tpu.memory_space<vmem_shared>> -> memref<640x16xf32, #tpu.memory_space<vmem_shared>>
        tpu.enqueue_dma source(%dma_start3A_169 : memref<640x16xf32, #tpu.memory_space<vmem_shared>>) target(%dma_start3A_167 : memref<640x16xf32, #tpu.memory_space<hbm>>) target_semaphore(%run_scoped3A : memref<!tpu.dma_semaphore, #tpu.memory_space<semaphore_mem>>)
        %dma_wait3A_170 = arith.constant 0 : i32
        %dma_wait3A_171 = arith.constant 0 : i32
        %dma_wait3A_172 = tpu.memref_slice %arg6[%arg0, %dma_wait3A_170, %dma_wait3A_171] : memref<2x10000x16xf32, #tpu.memory_space<hbm>> -> memref<1x10000x16xf32, #tpu.memory_space<hbm>>
        %dma_wait3A_173 = tpu.memref_squeeze %dma_wait3A_172 : memref<1x10000x16xf32, #tpu.memory_space<hbm>> -> memref<10000x16xf32, #tpu.memory_space<hbm>>
        %dma_wait3A_174 = arith.constant 0 : i32
        %dma_wait3A_175 = tpu.memref_slice %dma_wait3A_173[%multiple_of3A_20, %dma_wait3A_174] : memref<10000x16xf32, #tpu.memory_space<hbm>> -> memref<640x16xf32, #tpu.memory_space<hbm>>
        %dma_wait3A_176 = arith.constant 0 : i32
        %dma_wait3A_177 = tpu.memref_slice %arg18[%multiple_of3A_20, %dma_wait3A_176] : memref<10000x16xf32, #tpu.memory_space<vmem_shared>> -> memref<640x16xf32, #tpu.memory_space<vmem_shared>>
        tpu.wait_dma2 semaphore(%run_scoped3A : memref<!tpu.dma_semaphore, #tpu.memory_space<semaphore_mem>>) src(%dma_wait3A_177 : memref<640x16xf32, #tpu.memory_space<vmem_shared>>) dst(%dma_wait3A_175 : memref<640x16xf32, #tpu.memory_space<hbm>>)
        tpu.yield
      }) : () -> ()
    } else {
    }
    %eq3A = arith.constant 15 : i32
    %eq3A_158 = arith.cmpi eq, %arg1, %eq3A : i32
    %convert_element_type3A_159 = arith.extui %eq3A_158 : i1 to i32
    %cond3A_160 = arith.constant 0 : i32
    %cond3A_161 = arith.cmpi ne, %convert_element_type3A_159, %cond3A_160 : i32
    scf.if %cond3A_161 {
      "tpu.region"() ({
        %run_scoped3A = tpu.sem_alloc : memref<!tpu.dma_semaphore, #tpu.memory_space<semaphore_mem>>
        %dma_start3A_162 = arith.constant 0 : i32
        %dma_start3A_163 = arith.constant 0 : i32
        %dma_start3A_164 = tpu.memref_slice %arg5[%arg0, %dma_start3A_162, %dma_start3A_163] : memref<2x10000x64xf32, #tpu.memory_space<hbm>> -> memref<1x10000x64xf32, #tpu.memory_space<hbm>>
        %dma_start3A_165 = tpu.memref_squeeze %dma_start3A_164 : memref<1x10000x64xf32, #tpu.memory_space<hbm>> -> memref<10000x64xf32, #tpu.memory_space<hbm>>
        %dma_start3A_166 = arith.constant 0 : i32
        %dma_start3A_167 = tpu.memref_slice %dma_start3A_165[%multiple_of3A_20, %dma_start3A_166] : memref<10000x64xf32, #tpu.memory_space<hbm>> -> memref<400x64xf32, #tpu.memory_space<hbm>>
        %dma_start3A_168 = arith.constant 0 : i32
        %dma_start3A_169 = tpu.memref_slice %arg17[%multiple_of3A_20, %dma_start3A_168] : memref<10000x64xf32, #tpu.memory_space<vmem_shared>> -> memref<400x64xf32, #tpu.memory_space<vmem_shared>>
        tpu.enqueue_dma source(%dma_start3A_169 : memref<400x64xf32, #tpu.memory_space<vmem_shared>>) target(%dma_start3A_167 : memref<400x64xf32, #tpu.memory_space<hbm>>) target_semaphore(%run_scoped3A : memref<!tpu.dma_semaphore, #tpu.memory_space<semaphore_mem>>)
        %dma_wait3A_170 = arith.constant 0 : i32
        %dma_wait3A_171 = arith.constant 0 : i32
        %dma_wait3A_172 = tpu.memref_slice %arg5[%arg0, %dma_wait3A_170, %dma_wait3A_171] : memref<2x10000x64xf32, #tpu.memory_space<hbm>> -> memref<1x10000x64xf32, #tpu.memory_space<hbm>>
        %dma_wait3A_173 = tpu.memref_squeeze %dma_wait3A_172 : memref<1x10000x64xf32, #tpu.memory_space<hbm>> -> memref<10000x64xf32, #tpu.memory_space<hbm>>
        %dma_wait3A_174 = arith.constant 0 : i32
        %dma_wait3A_175 = tpu.memref_slice %dma_wait3A_173[%multiple_of3A_20, %dma_wait3A_174] : memref<10000x64xf32, #tpu.memory_space<hbm>> -> memref<400x64xf32, #tpu.memory_space<hbm>>
        %dma_wait3A_176 = arith.constant 0 : i32
        %dma_wait3A_177 = tpu.memref_slice %arg17[%multiple_of3A_20, %dma_wait3A_176] : memref<10000x64xf32, #tpu.memory_space<vmem_shared>> -> memref<400x64xf32, #tpu.memory_space<vmem_shared>>
        tpu.wait_dma2 semaphore(%run_scoped3A : memref<!tpu.dma_semaphore, #tpu.memory_space<semaphore_mem>>) src(%dma_wait3A_177 : memref<400x64xf32, #tpu.memory_space<vmem_shared>>) dst(%dma_wait3A_175 : memref<400x64xf32, #tpu.memory_space<hbm>>)
        tpu.yield
      }) : () -> ()
      "tpu.region"() ({
        %run_scoped3A = tpu.sem_alloc : memref<!tpu.dma_semaphore, #tpu.memory_space<semaphore_mem>>
        %dma_start3A_162 = arith.constant 0 : i32
        %dma_start3A_163 = arith.constant 0 : i32
        %dma_start3A_164 = tpu.memref_slice %arg6[%arg0, %dma_start3A_162, %dma_start3A_163] : memref<2x10000x16xf32, #tpu.memory_space<hbm>> -> memref<1x10000x16xf32, #tpu.memory_space<hbm>>
        %dma_start3A_165 = tpu.memref_squeeze %dma_start3A_164 : memref<1x10000x16xf32, #tpu.memory_space<hbm>> -> memref<10000x16xf32, #tpu.memory_space<hbm>>
        %dma_start3A_166 = arith.constant 0 : i32
        %dma_start3A_167 = tpu.memref_slice %dma_start3A_165[%multiple_of3A_20, %dma_start3A_166] : memref<10000x16xf32, #tpu.memory_space<hbm>> -> memref<400x16xf32, #tpu.memory_space<hbm>>
        %dma_start3A_168 = arith.constant 0 : i32
        %dma_start3A_169 = tpu.memref_slice %arg18[%multiple_of3A_20, %dma_start3A_168] : memref<10000x16xf32, #tpu.memory_space<vmem_shared>> -> memref<400x16xf32, #tpu.memory_space<vmem_shared>>
        tpu.enqueue_dma source(%dma_start3A_169 : memref<400x16xf32, #tpu.memory_space<vmem_shared>>) target(%dma_start3A_167 : memref<400x16xf32, #tpu.memory_space<hbm>>) target_semaphore(%run_scoped3A : memref<!tpu.dma_semaphore, #tpu.memory_space<semaphore_mem>>)
        %dma_wait3A_170 = arith.constant 0 : i32
        %dma_wait3A_171 = arith.constant 0 : i32
        %dma_wait3A_172 = tpu.memref_slice %arg6[%arg0, %dma_wait3A_170, %dma_wait3A_171] : memref<2x10000x16xf32, #tpu.memory_space<hbm>> -> memref<1x10000x16xf32, #tpu.memory_space<hbm>>
        %dma_wait3A_173 = tpu.memref_squeeze %dma_wait3A_172 : memref<1x10000x16xf32, #tpu.memory_space<hbm>> -> memref<10000x16xf32, #tpu.memory_space<hbm>>
        %dma_wait3A_174 = arith.constant 0 : i32
        %dma_wait3A_175 = tpu.memref_slice %dma_wait3A_173[%multiple_of3A_20, %dma_wait3A_174] : memref<10000x16xf32, #tpu.memory_space<hbm>> -> memref<400x16xf32, #tpu.memory_space<hbm>>
        %dma_wait3A_176 = arith.constant 0 : i32
        %dma_wait3A_177 = tpu.memref_slice %arg18[%multiple_of3A_20, %dma_wait3A_176] : memref<10000x16xf32, #tpu.memory_space<vmem_shared>> -> memref<400x16xf32, #tpu.memory_space<vmem_shared>>
        tpu.wait_dma2 semaphore(%run_scoped3A : memref<!tpu.dma_semaphore, #tpu.memory_space<semaphore_mem>>) src(%dma_wait3A_177 : memref<400x16xf32, #tpu.memory_space<vmem_shared>>) dst(%dma_wait3A_175 : memref<400x16xf32, #tpu.memory_space<hbm>>)
        tpu.yield
      }) : () -> ()
    } else {
    }
    return
  }
}

#map = affine_map<(d0, d1) -> (0, 0)>
#map1 = affine_map<(d0, d1) -> (0, 0, 0)>
module attributes {stable_mosaic.version = 14 : i64} {
  func.func @_agg_body(%arg0: i32, %arg1: i32, %arg2: memref<20000x64xf32, #tpu.memory_space<hbm>>, %arg3: memref<2x2560x125xi32, #tpu.memory_space<hbm>>, %arg4: memref<2560x125xi32, #tpu.memory_space<hbm>>, %arg5: memref<2x10000x64xf32, #tpu.memory_space<hbm>>, %arg6: memref<160x125xi32, #tpu.memory_space<vmem>>, %arg7: memref<160x125xi32, #tpu.memory_space<vmem>>, %arg8: memref<4x125x64xf32, #tpu.memory_space<vmem>>, %arg9: memref<80x64xf32, #tpu.memory_space<vmem>>, %arg10: memref<4x!tpu.dma_semaphore, #tpu.memory_space<semaphore_mem>>, %arg11: memref<4x!tpu.dma_semaphore, #tpu.memory_space<semaphore_mem>>, %arg12: memref<!tpu.dma_semaphore, #tpu.memory_space<semaphore_mem>>, %arg13: memref<10000x64xf32, #tpu.memory_space<vmem_shared>>) attributes {dimension_semantics = [#tpu.dimension_semantics<core_parallel>, #tpu.dimension_semantics<subcore_parallel>], iteration_bounds = array<i64: 2, 16>, scalar_prefetch = 0 : i64, scratch_operands = 8 : i64, tpu.core_type = #tpu.core_type<sc_vector_subcore>, window_params = [{transform_indices = #map}, {transform_indices = #map1}, {transform_indices = #map}, {transform_indices = #map1}]} {
    %mul3A = arith.constant 160 : i32
    %mul3A_0 = arith.muli %arg1, %mul3A : i32
    %multiple_of3A = tpu.assume_multiple %mul3A_0, 8 : i32
    %dma_start3A = arith.constant 0 : i32
    %dma_start3A_1 = arith.constant 0 : i32
    %dma_start3A_2 = tpu.memref_slice %arg3[%arg0, %dma_start3A, %dma_start3A_1] : memref<2x2560x125xi32, #tpu.memory_space<hbm>> -> memref<1x2560x125xi32, #tpu.memory_space<hbm>>
    %dma_start3A_3 = tpu.memref_squeeze %dma_start3A_2 : memref<1x2560x125xi32, #tpu.memory_space<hbm>> -> memref<2560x125xi32, #tpu.memory_space<hbm>>
    %dma_start3A_4 = arith.constant 0 : i32
    %dma_start3A_5 = tpu.memref_slice %dma_start3A_3[%multiple_of3A, %dma_start3A_4] : memref<2560x125xi32, #tpu.memory_space<hbm>> -> memref<160x125xi32, #tpu.memory_space<hbm>>
    %dma_start3A_6 = arith.constant 0 : i32
    %dma_start3A_7 = arith.constant 0 : i32
    %dma_start3A_8 = tpu.memref_slice %arg3[%arg0, %dma_start3A_6, %dma_start3A_7] : memref<2x2560x125xi32, #tpu.memory_space<hbm>> -> memref<1x2560x125xi32, #tpu.memory_space<hbm>>
    %dma_start3A_9 = tpu.memref_squeeze %dma_start3A_8 : memref<1x2560x125xi32, #tpu.memory_space<hbm>> -> memref<2560x125xi32, #tpu.memory_space<hbm>>
    %dma_start3A_10 = arith.constant 0 : i32
    %dma_start3A_11 = tpu.memref_slice %dma_start3A_9[%multiple_of3A, %dma_start3A_10] : memref<2560x125xi32, #tpu.memory_space<hbm>> -> memref<160x125xi32, #tpu.memory_space<hbm>>
    tpu.enqueue_dma source(%dma_start3A_11 : memref<160x125xi32, #tpu.memory_space<hbm>>) target(%arg6 : memref<160x125xi32, #tpu.memory_space<vmem>>) target_semaphore(%arg12 : memref<!tpu.dma_semaphore, #tpu.memory_space<semaphore_mem>>)
    %dma_start3A_12 = arith.constant 0 : i32
    %dma_start3A_13 = tpu.memref_slice %arg4[%multiple_of3A, %dma_start3A_12] : memref<2560x125xi32, #tpu.memory_space<hbm>> -> memref<160x125xi32, #tpu.memory_space<hbm>>
    %dma_start3A_14 = arith.constant 0 : i32
    %dma_start3A_15 = tpu.memref_slice %arg4[%multiple_of3A, %dma_start3A_14] : memref<2560x125xi32, #tpu.memory_space<hbm>> -> memref<160x125xi32, #tpu.memory_space<hbm>>
    tpu.enqueue_dma source(%dma_start3A_15 : memref<160x125xi32, #tpu.memory_space<hbm>>) target(%arg7 : memref<160x125xi32, #tpu.memory_space<vmem>>) target_semaphore(%arg12 : memref<!tpu.dma_semaphore, #tpu.memory_space<semaphore_mem>>)
    %lt3A = arith.constant 15 : i32
    %lt3A_16 = arith.cmpi slt, %arg1, %lt3A : i32
    %jit3A = arith.constant 8 : i32
    %jit3A_17 = arith.constant 5 : i32
    %select_n3A = arith.select %lt3A_16, %jit3A, %jit3A_17 : i32
    %mul3A_18 = arith.constant 640 : i32
    %mul3A_19 = arith.muli %arg1, %mul3A_18 : i32
    %multiple_of3A_20 = tpu.assume_multiple %mul3A_19, 8 : i32
    %scan3A = arith.constant 0 : i32
    %scan3A_21 = arith.constant 80 : i32
    %scan3A_22 = arith.addi %scan3A, %scan3A_21 : i32
    %scan3A_23 = arith.constant 1 : i32
    scf.for %scan3A_128 = %scan3A to %scan3A_22 step %scan3A_23  : i32 {
      %mul3A_129 = arith.constant 1 : i32
      %mul3A_130 = arith.muli %scan3A_128, %mul3A_129 : i32
      %add3A_131 = arith.constant 0 : i32
      %add3A_132 = arith.addi %add3A_131, %mul3A_130 : i32
      %scan3A_133 = arith.constant 0 : i32
      %scan3A_134 = arith.constant 4 : i32
      %scan3A_135 = arith.addi %scan3A_133, %scan3A_134 : i32
      %scan3A_136 = arith.constant 1 : i32
      scf.for %scan3A_138 = %scan3A_133 to %scan3A_135 step %scan3A_136  : i32 {
        %mul3A_139 = arith.constant 16 : i32
        %mul3A_140 = arith.muli %scan3A_138, %mul3A_139 : i32
        %add3A_141 = arith.constant 0 : i32
        %add3A_142 = arith.addi %add3A_141, %mul3A_140 : i32
        %broadcast_in_dim3A = arith.constant 0.000000e+00 : f32
        %broadcast_in_dim3A_143 = vector.broadcast %broadcast_in_dim3A : f32 to vector<16xf32>
        %swap3A = arith.index_cast %add3A_132 : i32 to index
        %swap3A_144 = arith.index_cast %add3A_142 : i32 to index
        %swap3A_145 = tpu.vector_load %arg9[%swap3A, %swap3A_144] {strides = array<i32>} : memref<80x64xf32, #tpu.memory_space<vmem>>, vector<1x16xf32>,
        %swap3A_146 = vector.shape_cast %swap3A_145 : vector<1x16xf32> to vector<16xf32>
        %swap3A_147 = vector.shape_cast %broadcast_in_dim3A_143 : vector<16xf32> to vector<1x16xf32>
        tpu.vector_store %arg9[%swap3A, %swap3A_144], %swap3A_147 {strides = array<i32>} : memref<80x64xf32, #tpu.memory_space<vmem>>, vector<1x16xf32>,
      }
      %scan3A_137 = arith.constant 4 : i32
    }
    %scan3A_24 = arith.constant 80 : i32
    %sub3A = arith.constant 0 : i32
    %sub3A_25 = arith.subi %select_n3A, %sub3A : i32
    %sub3A_26 = arith.constant 1 : i32
    %sub3A_27 = arith.constant 1 : i32
    %sub3A_28 = arith.subi %sub3A_26, %sub3A_27 : i32
    %add3A = arith.addi %sub3A_25, %sub3A_28 : i32
    %div3A = arith.constant 1 : i32
    %div3A_29 = arith.divsi %add3A, %div3A : i32
    %while3A = arith.constant 1 : i32
    %while3A_30 = arith.constant 0 : i32
    %while3A_31 = arith.constant 0 : i32
    %while3A_32 = arith.subi %div3A_29, %while3A_31 : i32
    %while3A_33 = arith.addi %while3A_31, %while3A_32 : i32
    %while3A_34 = arith.constant 1 : i32
    %while3A_35 = arith.divsi %while3A_32, %while3A_34 : i32
    %while3A_36 = arith.muli %while3A_35, %while3A_34 : i32
    %while3A_37 = arith.addi %while3A_31, %while3A_36 : i32
    %while3A_38 = arith.constant 1 : i32
    scf.for %while3A_128 = %while3A_31 to %while3A_37 step %while3A_38  : i32 {
      %mul3A_129 = arith.muli %while3A_128, %while3A : i32
      %add3A_130 = arith.addi %while3A_30, %mul3A_129 : i32
      %mul3A_131 = arith.constant 80 : i32
      %mul3A_132 = arith.muli %add3A_130, %mul3A_131 : i32
      %add3A_133 = arith.addi %multiple_of3A_20, %mul3A_132 : i32
      "tpu.region"() ({
        %run_scoped3A = tpu.sem_alloc : memref<!tpu.dma_semaphore, #tpu.memory_space<semaphore_mem>>
        %dma_start3A_134 = arith.constant 0 : i32
        %dma_start3A_135 = tpu.memref_slice %arg13[%add3A_133, %dma_start3A_134] : memref<10000x64xf32, #tpu.memory_space<vmem_shared>> -> memref<80x64xf32, #tpu.memory_space<vmem_shared>>
        %dma_start3A_136 = arith.constant 0 : i32
        %dma_start3A_137 = tpu.memref_slice %arg13[%add3A_133, %dma_start3A_136] : memref<10000x64xf32, #tpu.memory_space<vmem_shared>> -> memref<80x64xf32, #tpu.memory_space<vmem_shared>>
        tpu.enqueue_dma source(%arg9 : memref<80x64xf32, #tpu.memory_space<vmem>>) target(%dma_start3A_137 : memref<80x64xf32, #tpu.memory_space<vmem_shared>>) target_semaphore(%run_scoped3A : memref<!tpu.dma_semaphore, #tpu.memory_space<semaphore_mem>>)
        %dma_wait3A_138 = arith.constant 0 : i32
        %dma_wait3A_139 = tpu.memref_slice %arg13[%add3A_133, %dma_wait3A_138] : memref<10000x64xf32, #tpu.memory_space<vmem_shared>> -> memref<80x64xf32, #tpu.memory_space<vmem_shared>>
        %dma_wait3A_140 = arith.constant 0 : i32
        %dma_wait3A_141 = tpu.memref_slice %arg13[%add3A_133, %dma_wait3A_140] : memref<10000x64xf32, #tpu.memory_space<vmem_shared>> -> memref<80x64xf32, #tpu.memory_space<vmem_shared>>
        tpu.wait_dma2 semaphore(%run_scoped3A : memref<!tpu.dma_semaphore, #tpu.memory_space<semaphore_mem>>) src(%arg9 : memref<80x64xf32, #tpu.memory_space<vmem>>) dst(%dma_wait3A_141 : memref<80x64xf32, #tpu.memory_space<vmem_shared>>)
        tpu.yield
      }) : () -> ()
    }
    %while3A_39 = arith.constant 1 : i32
    scf.for %while3A_128 = %while3A_37 to %while3A_33 step %while3A_39  : i32 {
      %mul3A_129 = arith.muli %while3A_128, %while3A : i32
      %add3A_130 = arith.addi %while3A_30, %mul3A_129 : i32
      %mul3A_131 = arith.constant 80 : i32
      %mul3A_132 = arith.muli %add3A_130, %mul3A_131 : i32
      %add3A_133 = arith.addi %multiple_of3A_20, %mul3A_132 : i32
      "tpu.region"() ({
        %run_scoped3A = tpu.sem_alloc : memref<!tpu.dma_semaphore, #tpu.memory_space<semaphore_mem>>
        %dma_start3A_134 = arith.constant 0 : i32
        %dma_start3A_135 = tpu.memref_slice %arg13[%add3A_133, %dma_start3A_134] : memref<10000x64xf32, #tpu.memory_space<vmem_shared>> -> memref<80x64xf32, #tpu.memory_space<vmem_shared>>
        %dma_start3A_136 = arith.constant 0 : i32
        %dma_start3A_137 = tpu.memref_slice %arg13[%add3A_133, %dma_start3A_136] : memref<10000x64xf32, #tpu.memory_space<vmem_shared>> -> memref<80x64xf32, #tpu.memory_space<vmem_shared>>
        tpu.enqueue_dma source(%arg9 : memref<80x64xf32, #tpu.memory_space<vmem>>) target(%dma_start3A_137 : memref<80x64xf32, #tpu.memory_space<vmem_shared>>) target_semaphore(%run_scoped3A : memref<!tpu.dma_semaphore, #tpu.memory_space<semaphore_mem>>)
        %dma_wait3A_138 = arith.constant 0 : i32
        %dma_wait3A_139 = tpu.memref_slice %arg13[%add3A_133, %dma_wait3A_138] : memref<10000x64xf32, #tpu.memory_space<vmem_shared>> -> memref<80x64xf32, #tpu.memory_space<vmem_shared>>
        %dma_wait3A_140 = arith.constant 0 : i32
        %dma_wait3A_141 = tpu.memref_slice %arg13[%add3A_133, %dma_wait3A_140] : memref<10000x64xf32, #tpu.memory_space<vmem_shared>> -> memref<80x64xf32, #tpu.memory_space<vmem_shared>>
        tpu.wait_dma2 semaphore(%run_scoped3A : memref<!tpu.dma_semaphore, #tpu.memory_space<semaphore_mem>>) src(%arg9 : memref<80x64xf32, #tpu.memory_space<vmem>>) dst(%dma_wait3A_141 : memref<80x64xf32, #tpu.memory_space<vmem_shared>>)
        tpu.yield
      }) : () -> ()
    }
    %barrier3A = arith.constant 0 : index
    tpu.barrier barrier_id(%barrier3A)
    %dma_wait3A = arith.constant 0 : i32
    %dma_wait3A_40 = arith.constant 0 : i32
    %dma_wait3A_41 = tpu.memref_slice %arg3[%arg0, %dma_wait3A, %dma_wait3A_40] : memref<2x2560x125xi32, #tpu.memory_space<hbm>> -> memref<1x2560x125xi32, #tpu.memory_space<hbm>>
    %dma_wait3A_42 = tpu.memref_squeeze %dma_wait3A_41 : memref<1x2560x125xi32, #tpu.memory_space<hbm>> -> memref<2560x125xi32, #tpu.memory_space<hbm>>
    %dma_wait3A_43 = arith.constant 0 : i32
    %dma_wait3A_44 = tpu.memref_slice %dma_wait3A_42[%multiple_of3A, %dma_wait3A_43] : memref<2560x125xi32, #tpu.memory_space<hbm>> -> memref<160x125xi32, #tpu.memory_space<hbm>>
    %dma_wait3A_45 = arith.constant 0 : i32
    %dma_wait3A_46 = arith.constant 0 : i32
    %dma_wait3A_47 = tpu.memref_slice %arg3[%arg0, %dma_wait3A_45, %dma_wait3A_46] : memref<2x2560x125xi32, #tpu.memory_space<hbm>> -> memref<1x2560x125xi32, #tpu.memory_space<hbm>>
    %dma_wait3A_48 = tpu.memref_squeeze %dma_wait3A_47 : memref<1x2560x125xi32, #tpu.memory_space<hbm>> -> memref<2560x125xi32, #tpu.memory_space<hbm>>
    %dma_wait3A_49 = arith.constant 0 : i32
    %dma_wait3A_50 = tpu.memref_slice %dma_wait3A_48[%multiple_of3A, %dma_wait3A_49] : memref<2560x125xi32, #tpu.memory_space<hbm>> -> memref<160x125xi32, #tpu.memory_space<hbm>>
    tpu.wait_dma2 semaphore(%arg12 : memref<!tpu.dma_semaphore, #tpu.memory_space<semaphore_mem>>) src(%dma_wait3A_50 : memref<160x125xi32, #tpu.memory_space<hbm>>) dst(%arg6 : memref<160x125xi32, #tpu.memory_space<vmem>>)
    %dma_wait3A_51 = arith.constant 0 : i32
    %dma_wait3A_52 = tpu.memref_slice %arg4[%multiple_of3A, %dma_wait3A_51] : memref<2560x125xi32, #tpu.memory_space<hbm>> -> memref<160x125xi32, #tpu.memory_space<hbm>>
    %dma_wait3A_53 = arith.constant 0 : i32
    %dma_wait3A_54 = tpu.memref_slice %arg4[%multiple_of3A, %dma_wait3A_53] : memref<2560x125xi32, #tpu.memory_space<hbm>> -> memref<160x125xi32, #tpu.memory_space<hbm>>
    tpu.wait_dma2 semaphore(%arg12 : memref<!tpu.dma_semaphore, #tpu.memory_space<semaphore_mem>>) src(%dma_wait3A_54 : memref<160x125xi32, #tpu.memory_space<hbm>>) dst(%arg7 : memref<160x125xi32, #tpu.memory_space<vmem>>)
    %dma_start3A_55 = arith.constant 0 : i32
    %dma_start3A_56 = arith.constant 0 : i32
    %dma_start3A_57 = arith.constant 0 : i32
    %dma_start3A_58 = arith.constant 0 : i32
    %dma_start3A_59 = arith.constant 0 : i32
    %dma_start3A_60 = tpu.memref_slice %arg8[%dma_start3A_56, %dma_start3A_58, %dma_start3A_59] : memref<4x125x64xf32, #tpu.memory_space<vmem>> -> memref<1x125x64xf32, #tpu.memory_space<vmem>>
    %dma_start3A_61 = tpu.memref_squeeze %dma_start3A_60 : memref<1x125x64xf32, #tpu.memory_space<vmem>> -> memref<125x64xf32, #tpu.memory_space<vmem>>
    %dma_start3A_62 = arith.constant 0 : i32
    %dma_start3A_63 = tpu.memref_slice %arg6[%dma_start3A_55, %dma_start3A_62] : memref<160x125xi32, #tpu.memory_space<vmem>> -> memref<1x125xi32, #tpu.memory_space<vmem>>
    %dma_start3A_64 = tpu.memref_squeeze %dma_start3A_63 : memref<1x125xi32, #tpu.memory_space<vmem>> -> memref<125xi32, #tpu.memory_space<vmem>>
    %dma_start3A_65 = arith.constant 0 : i32
    %dma_start3A_66 = arith.constant 0 : i32
    %dma_start3A_67 = tpu.memref_slice %arg2[%dma_start3A_65, %dma_start3A_66] : memref<20000x64xf32, #tpu.memory_space<hbm>> -> memref<20000x64xf32, #tpu.memory_space<hbm>>
    %dma_start3A_68 = tpu.memref_slice %arg10[%dma_start3A_57] : memref<4x!tpu.dma_semaphore, #tpu.memory_space<semaphore_mem>> -> memref<1x!tpu.dma_semaphore, #tpu.memory_space<semaphore_mem>>
    %dma_start3A_69 = tpu.memref_squeeze %dma_start3A_68 : memref<1x!tpu.dma_semaphore, #tpu.memory_space<semaphore_mem>> -> memref<!tpu.dma_semaphore, #tpu.memory_space<semaphore_mem>>
    tpu.enqueue_indirect_dma source(%dma_start3A_67 : memref<20000x64xf32, #tpu.memory_space<hbm>>) target(%dma_start3A_61 : memref<125x64xf32, #tpu.memory_space<vmem>>) offsets(%dma_start3A_64 : memref<125xi32, #tpu.memory_space<vmem>>) semaphore(%dma_start3A_69 : memref<!tpu.dma_semaphore, #tpu.memory_space<semaphore_mem>>)
    %dma_start3A_70 = arith.constant 1 : i32
    %dma_start3A_71 = arith.constant 1 : i32
    %dma_start3A_72 = arith.constant 1 : i32
    %dma_start3A_73 = arith.constant 0 : i32
    %dma_start3A_74 = arith.constant 0 : i32
    %dma_start3A_75 = tpu.memref_slice %arg8[%dma_start3A_71, %dma_start3A_73, %dma_start3A_74] : memref<4x125x64xf32, #tpu.memory_space<vmem>> -> memref<1x125x64xf32, #tpu.memory_space<vmem>>
    %dma_start3A_76 = tpu.memref_squeeze %dma_start3A_75 : memref<1x125x64xf32, #tpu.memory_space<vmem>> -> memref<125x64xf32, #tpu.memory_space<vmem>>
    %dma_start3A_77 = arith.constant 0 : i32
    %dma_start3A_78 = tpu.memref_slice %arg6[%dma_start3A_70, %dma_start3A_77] : memref<160x125xi32, #tpu.memory_space<vmem>> -> memref<1x125xi32, #tpu.memory_space<vmem>>
    %dma_start3A_79 = tpu.memref_squeeze %dma_start3A_78 : memref<1x125xi32, #tpu.memory_space<vmem>> -> memref<125xi32, #tpu.memory_space<vmem>>
    %dma_start3A_80 = arith.constant 0 : i32
    %dma_start3A_81 = arith.constant 0 : i32
    %dma_start3A_82 = tpu.memref_slice %arg2[%dma_start3A_80, %dma_start3A_81] : memref<20000x64xf32, #tpu.memory_space<hbm>> -> memref<20000x64xf32, #tpu.memory_space<hbm>>
    %dma_start3A_83 = tpu.memref_slice %arg10[%dma_start3A_72] : memref<4x!tpu.dma_semaphore, #tpu.memory_space<semaphore_mem>> -> memref<1x!tpu.dma_semaphore, #tpu.memory_space<semaphore_mem>>
    %dma_start3A_84 = tpu.memref_squeeze %dma_start3A_83 : memref<1x!tpu.dma_semaphore, #tpu.memory_space<semaphore_mem>> -> memref<!tpu.dma_semaphore, #tpu.memory_space<semaphore_mem>>
    tpu.enqueue_indirect_dma source(%dma_start3A_82 : memref<20000x64xf32, #tpu.memory_space<hbm>>) target(%dma_start3A_76 : memref<125x64xf32, #tpu.memory_space<vmem>>) offsets(%dma_start3A_79 : memref<125xi32, #tpu.memory_space<vmem>>) semaphore(%dma_start3A_84 : memref<!tpu.dma_semaphore, #tpu.memory_space<semaphore_mem>>)
    %dma_start3A_85 = arith.constant 2 : i32
    %dma_start3A_86 = arith.constant 2 : i32
    %dma_start3A_87 = arith.constant 2 : i32
    %dma_start3A_88 = arith.constant 0 : i32
    %dma_start3A_89 = arith.constant 0 : i32
    %dma_start3A_90 = tpu.memref_slice %arg8[%dma_start3A_86, %dma_start3A_88, %dma_start3A_89] : memref<4x125x64xf32, #tpu.memory_space<vmem>> -> memref<1x125x64xf32, #tpu.memory_space<vmem>>
    %dma_start3A_91 = tpu.memref_squeeze %dma_start3A_90 : memref<1x125x64xf32, #tpu.memory_space<vmem>> -> memref<125x64xf32, #tpu.memory_space<vmem>>
    %dma_start3A_92 = arith.constant 0 : i32
    %dma_start3A_93 = tpu.memref_slice %arg6[%dma_start3A_85, %dma_start3A_92] : memref<160x125xi32, #tpu.memory_space<vmem>> -> memref<1x125xi32, #tpu.memory_space<vmem>>
    %dma_start3A_94 = tpu.memref_squeeze %dma_start3A_93 : memref<1x125xi32, #tpu.memory_space<vmem>> -> memref<125xi32, #tpu.memory_space<vmem>>
    %dma_start3A_95 = arith.constant 0 : i32
    %dma_start3A_96 = arith.constant 0 : i32
    %dma_start3A_97 = tpu.memref_slice %arg2[%dma_start3A_95, %dma_start3A_96] : memref<20000x64xf32, #tpu.memory_space<hbm>> -> memref<20000x64xf32, #tpu.memory_space<hbm>>
    %dma_start3A_98 = tpu.memref_slice %arg10[%dma_start3A_87] : memref<4x!tpu.dma_semaphore, #tpu.memory_space<semaphore_mem>> -> memref<1x!tpu.dma_semaphore, #tpu.memory_space<semaphore_mem>>
    %dma_start3A_99 = tpu.memref_squeeze %dma_start3A_98 : memref<1x!tpu.dma_semaphore, #tpu.memory_space<semaphore_mem>> -> memref<!tpu.dma_semaphore, #tpu.memory_space<semaphore_mem>>
    tpu.enqueue_indirect_dma source(%dma_start3A_97 : memref<20000x64xf32, #tpu.memory_space<hbm>>) target(%dma_start3A_91 : memref<125x64xf32, #tpu.memory_space<vmem>>) offsets(%dma_start3A_94 : memref<125xi32, #tpu.memory_space<vmem>>) semaphore(%dma_start3A_99 : memref<!tpu.dma_semaphore, #tpu.memory_space<semaphore_mem>>)
    %dma_start3A_100 = arith.constant 3 : i32
    %dma_start3A_101 = arith.constant 3 : i32
    %dma_start3A_102 = arith.constant 3 : i32
    %dma_start3A_103 = arith.constant 0 : i32
    %dma_start3A_104 = arith.constant 0 : i32
    %dma_start3A_105 = tpu.memref_slice %arg8[%dma_start3A_101, %dma_start3A_103, %dma_start3A_104] : memref<4x125x64xf32, #tpu.memory_space<vmem>> -> memref<1x125x64xf32, #tpu.memory_space<vmem>>
    %dma_start3A_106 = tpu.memref_squeeze %dma_start3A_105 : memref<1x125x64xf32, #tpu.memory_space<vmem>> -> memref<125x64xf32, #tpu.memory_space<vmem>>
    %dma_start3A_107 = arith.constant 0 : i32
    %dma_start3A_108 = tpu.memref_slice %arg6[%dma_start3A_100, %dma_start3A_107] : memref<160x125xi32, #tpu.memory_space<vmem>> -> memref<1x125xi32, #tpu.memory_space<vmem>>
    %dma_start3A_109 = tpu.memref_squeeze %dma_start3A_108 : memref<1x125xi32, #tpu.memory_space<vmem>> -> memref<125xi32, #tpu.memory_space<vmem>>
    %dma_start3A_110 = arith.constant 0 : i32
    %dma_start3A_111 = arith.constant 0 : i32
    %dma_start3A_112 = tpu.memref_slice %arg2[%dma_start3A_110, %dma_start3A_111] : memref<20000x64xf32, #tpu.memory_space<hbm>> -> memref<20000x64xf32, #tpu.memory_space<hbm>>
    %dma_start3A_113 = tpu.memref_slice %arg10[%dma_start3A_102] : memref<4x!tpu.dma_semaphore, #tpu.memory_space<semaphore_mem>> -> memref<1x!tpu.dma_semaphore, #tpu.memory_space<semaphore_mem>>
    %dma_start3A_114 = tpu.memref_squeeze %dma_start3A_113 : memref<1x!tpu.dma_semaphore, #tpu.memory_space<semaphore_mem>> -> memref<!tpu.dma_semaphore, #tpu.memory_space<semaphore_mem>>
    tpu.enqueue_indirect_dma source(%dma_start3A_112 : memref<20000x64xf32, #tpu.memory_space<hbm>>) target(%dma_start3A_106 : memref<125x64xf32, #tpu.memory_space<vmem>>) offsets(%dma_start3A_109 : memref<125xi32, #tpu.memory_space<vmem>>) semaphore(%dma_start3A_114 : memref<!tpu.dma_semaphore, #tpu.memory_space<semaphore_mem>>)
    %scan3A_115 = arith.constant 0 : i32
    %scan3A_116 = arith.constant 40 : i32
    %scan3A_117 = arith.addi %scan3A_115, %scan3A_116 : i32
    %scan3A_118 = arith.constant 1 : i32
    scf.for %scan3A_128 = %scan3A_115 to %scan3A_117 step %scan3A_118  : i32 {
      %mul3A_129 = arith.constant 4 : i32
      %mul3A_130 = arith.muli %scan3A_128, %mul3A_129 : i32
      %add3A_131 = arith.constant 0 : i32
      %add3A_132 = arith.addi %add3A_131, %mul3A_130 : i32
      %add3A_133 = arith.constant 0 : i32
      %add3A_134 = arith.addi %add3A_132, %add3A_133 : i32
      %dma_wait3A_135 = arith.constant 0 : i32
      %dma_wait3A_136 = arith.constant 0 : i32
      %dma_wait3A_137 = arith.constant 0 : i32
      %dma_wait3A_138 = arith.constant 0 : i32
      %dma_wait3A_139 = tpu.memref_slice %arg8[%dma_wait3A_135, %dma_wait3A_137, %dma_wait3A_138] : memref<4x125x64xf32, #tpu.memory_space<vmem>> -> memref<1x125x64xf32, #tpu.memory_space<vmem>>
      %dma_wait3A_140 = tpu.memref_squeeze %dma_wait3A_139 : memref<1x125x64xf32, #tpu.memory_space<vmem>> -> memref<125x64xf32, #tpu.memory_space<vmem>>
      %dma_wait3A_141 = arith.constant 0 : i32
      %dma_wait3A_142 = tpu.memref_slice %arg6[%add3A_134, %dma_wait3A_141] : memref<160x125xi32, #tpu.memory_space<vmem>> -> memref<1x125xi32, #tpu.memory_space<vmem>>
      %dma_wait3A_143 = tpu.memref_squeeze %dma_wait3A_142 : memref<1x125xi32, #tpu.memory_space<vmem>> -> memref<125xi32, #tpu.memory_space<vmem>>
      %dma_wait3A_144 = arith.constant 0 : i32
      %dma_wait3A_145 = arith.constant 0 : i32
      %dma_wait3A_146 = tpu.memref_slice %arg2[%dma_wait3A_144, %dma_wait3A_145] : memref<20000x64xf32, #tpu.memory_space<hbm>> -> memref<20000x64xf32, #tpu.memory_space<hbm>>
      %dma_wait3A_147 = tpu.memref_slice %arg10[%dma_wait3A_136] : memref<4x!tpu.dma_semaphore, #tpu.memory_space<semaphore_mem>> -> memref<1x!tpu.dma_semaphore, #tpu.memory_space<semaphore_mem>>
      %dma_wait3A_148 = tpu.memref_squeeze %dma_wait3A_147 : memref<1x!tpu.dma_semaphore, #tpu.memory_space<semaphore_mem>> -> memref<!tpu.dma_semaphore, #tpu.memory_space<semaphore_mem>>
      tpu.wait_indirect_dma semaphore(%dma_wait3A_148 : memref<!tpu.dma_semaphore, #tpu.memory_space<semaphore_mem>>) src(%dma_wait3A_146 : memref<20000x64xf32, #tpu.memory_space<hbm>>) dst(%dma_wait3A_140 : memref<125x64xf32, #tpu.memory_space<vmem>>)
      %add3A_149 = arith.constant 0 : i32
      %add3A_150 = arith.addi %add3A_132, %add3A_149 : i32
      %dma_start3A_151 = arith.constant 0 : i32
      %dma_start3A_152 = arith.constant 0 : i32
      %dma_start3A_153 = arith.constant 0 : i32
      %dma_start3A_154 = arith.constant 0 : i32
      %dma_start3A_155 = tpu.memref_slice %arg8[%dma_start3A_151, %dma_start3A_153, %dma_start3A_154] : memref<4x125x64xf32, #tpu.memory_space<vmem>> -> memref<1x125x64xf32, #tpu.memory_space<vmem>>
      %dma_start3A_156 = tpu.memref_squeeze %dma_start3A_155 : memref<1x125x64xf32, #tpu.memory_space<vmem>> -> memref<125x64xf32, #tpu.memory_space<vmem>>
      %dma_start3A_157 = arith.constant 0 : i32
      %dma_start3A_158 = tpu.memref_slice %arg7[%add3A_150, %dma_start3A_157] : memref<160x125xi32, #tpu.memory_space<vmem>> -> memref<1x125xi32, #tpu.memory_space<vmem>>
      %dma_start3A_159 = tpu.memref_squeeze %dma_start3A_158 : memref<1x125xi32, #tpu.memory_space<vmem>> -> memref<125xi32, #tpu.memory_space<vmem>>
      %dma_start3A_160 = arith.constant 0 : i32
      %dma_start3A_161 = arith.constant 0 : i32
      %dma_start3A_162 = tpu.memref_slice %arg13[%dma_start3A_160, %dma_start3A_161] : memref<10000x64xf32, #tpu.memory_space<vmem_shared>> -> memref<10000x64xf32, #tpu.memory_space<vmem_shared>>
      %dma_start3A_163 = tpu.memref_slice %arg11[%dma_start3A_152] : memref<4x!tpu.dma_semaphore, #tpu.memory_space<semaphore_mem>> -> memref<1x!tpu.dma_semaphore, #tpu.memory_space<semaphore_mem>>
      %dma_start3A_164 = tpu.memref_squeeze %dma_start3A_163 : memref<1x!tpu.dma_semaphore, #tpu.memory_space<semaphore_mem>> -> memref<!tpu.dma_semaphore, #tpu.memory_space<semaphore_mem>>
      tpu.enqueue_indirect_dma source(%dma_start3A_156 : memref<125x64xf32, #tpu.memory_space<vmem>>) target(%dma_start3A_162 : memref<10000x64xf32, #tpu.memory_space<vmem_shared>>) offsets(%dma_start3A_159 : memref<125xi32, #tpu.memory_space<vmem>>) semaphore(%dma_start3A_164 : memref<!tpu.dma_semaphore, #tpu.memory_space<semaphore_mem>>) {add = true}
      %add3A_165 = arith.constant 1 : i32
      %add3A_166 = arith.addi %add3A_132, %add3A_165 : i32
      %dma_wait3A_167 = arith.constant 1 : i32
      %dma_wait3A_168 = arith.constant 1 : i32
      %dma_wait3A_169 = arith.constant 0 : i32
      %dma_wait3A_170 = arith.constant 0 : i32
      %dma_wait3A_171 = tpu.memref_slice %arg8[%dma_wait3A_167, %dma_wait3A_169, %dma_wait3A_170] : memref<4x125x64xf32, #tpu.memory_space<vmem>> -> memref<1x125x64xf32, #tpu.memory_space<vmem>>
      %dma_wait3A_172 = tpu.memref_squeeze %dma_wait3A_171 : memref<1x125x64xf32, #tpu.memory_space<vmem>> -> memref<125x64xf32, #tpu.memory_space<vmem>>
      %dma_wait3A_173 = arith.constant 0 : i32
      %dma_wait3A_174 = tpu.memref_slice %arg6[%add3A_166, %dma_wait3A_173] : memref<160x125xi32, #tpu.memory_space<vmem>> -> memref<1x125xi32, #tpu.memory_space<vmem>>
      %dma_wait3A_175 = tpu.memref_squeeze %dma_wait3A_174 : memref<1x125xi32, #tpu.memory_space<vmem>> -> memref<125xi32, #tpu.memory_space<vmem>>
      %dma_wait3A_176 = arith.constant 0 : i32
      %dma_wait3A_177 = arith.constant 0 : i32
      %dma_wait3A_178 = tpu.memref_slice %arg2[%dma_wait3A_176, %dma_wait3A_177] : memref<20000x64xf32, #tpu.memory_space<hbm>> -> memref<20000x64xf32, #tpu.memory_space<hbm>>
      %dma_wait3A_179 = tpu.memref_slice %arg10[%dma_wait3A_168] : memref<4x!tpu.dma_semaphore, #tpu.memory_space<semaphore_mem>> -> memref<1x!tpu.dma_semaphore, #tpu.memory_space<semaphore_mem>>
      %dma_wait3A_180 = tpu.memref_squeeze %dma_wait3A_179 : memref<1x!tpu.dma_semaphore, #tpu.memory_space<semaphore_mem>> -> memref<!tpu.dma_semaphore, #tpu.memory_space<semaphore_mem>>
      tpu.wait_indirect_dma semaphore(%dma_wait3A_180 : memref<!tpu.dma_semaphore, #tpu.memory_space<semaphore_mem>>) src(%dma_wait3A_178 : memref<20000x64xf32, #tpu.memory_space<hbm>>) dst(%dma_wait3A_172 : memref<125x64xf32, #tpu.memory_space<vmem>>)
      %add3A_181 = arith.constant 1 : i32
      %add3A_182 = arith.addi %add3A_132, %add3A_181 : i32
      %dma_start3A_183 = arith.constant 1 : i32
      %dma_start3A_184 = arith.constant 1 : i32
      %dma_start3A_185 = arith.constant 0 : i32
      %dma_start3A_186 = arith.constant 0 : i32
      %dma_start3A_187 = tpu.memref_slice %arg8[%dma_start3A_183, %dma_start3A_185, %dma_start3A_186] : memref<4x125x64xf32, #tpu.memory_space<vmem>> -> memref<1x125x64xf32, #tpu.memory_space<vmem>>
      %dma_start3A_188 = tpu.memref_squeeze %dma_start3A_187 : memref<1x125x64xf32, #tpu.memory_space<vmem>> -> memref<125x64xf32, #tpu.memory_space<vmem>>
      %dma_start3A_189 = arith.constant 0 : i32
      %dma_start3A_190 = tpu.memref_slice %arg7[%add3A_182, %dma_start3A_189] : memref<160x125xi32, #tpu.memory_space<vmem>> -> memref<1x125xi32, #tpu.memory_space<vmem>>
      %dma_start3A_191 = tpu.memref_squeeze %dma_start3A_190 : memref<1x125xi32, #tpu.memory_space<vmem>> -> memref<125xi32, #tpu.memory_space<vmem>>
      %dma_start3A_192 = arith.constant 0 : i32
      %dma_start3A_193 = arith.constant 0 : i32
      %dma_start3A_194 = tpu.memref_slice %arg13[%dma_start3A_192, %dma_start3A_193] : memref<10000x64xf32, #tpu.memory_space<vmem_shared>> -> memref<10000x64xf32, #tpu.memory_space<vmem_shared>>
      %dma_start3A_195 = tpu.memref_slice %arg11[%dma_start3A_184] : memref<4x!tpu.dma_semaphore, #tpu.memory_space<semaphore_mem>> -> memref<1x!tpu.dma_semaphore, #tpu.memory_space<semaphore_mem>>
      %dma_start3A_196 = tpu.memref_squeeze %dma_start3A_195 : memref<1x!tpu.dma_semaphore, #tpu.memory_space<semaphore_mem>> -> memref<!tpu.dma_semaphore, #tpu.memory_space<semaphore_mem>>
      tpu.enqueue_indirect_dma source(%dma_start3A_188 : memref<125x64xf32, #tpu.memory_space<vmem>>) target(%dma_start3A_194 : memref<10000x64xf32, #tpu.memory_space<vmem_shared>>) offsets(%dma_start3A_191 : memref<125xi32, #tpu.memory_space<vmem>>) semaphore(%dma_start3A_196 : memref<!tpu.dma_semaphore, #tpu.memory_space<semaphore_mem>>) {add = true}
      %add3A_197 = arith.constant 2 : i32
      %add3A_198 = arith.addi %add3A_132, %add3A_197 : i32
      %dma_wait3A_199 = arith.constant 2 : i32
      %dma_wait3A_200 = arith.constant 2 : i32
      %dma_wait3A_201 = arith.constant 0 : i32
      %dma_wait3A_202 = arith.constant 0 : i32
      %dma_wait3A_203 = tpu.memref_slice %arg8[%dma_wait3A_199, %dma_wait3A_201, %dma_wait3A_202] : memref<4x125x64xf32, #tpu.memory_space<vmem>> -> memref<1x125x64xf32, #tpu.memory_space<vmem>>
      %dma_wait3A_204 = tpu.memref_squeeze %dma_wait3A_203 : memref<1x125x64xf32, #tpu.memory_space<vmem>> -> memref<125x64xf32, #tpu.memory_space<vmem>>
      %dma_wait3A_205 = arith.constant 0 : i32
      %dma_wait3A_206 = tpu.memref_slice %arg6[%add3A_198, %dma_wait3A_205] : memref<160x125xi32, #tpu.memory_space<vmem>> -> memref<1x125xi32, #tpu.memory_space<vmem>>
      %dma_wait3A_207 = tpu.memref_squeeze %dma_wait3A_206 : memref<1x125xi32, #tpu.memory_space<vmem>> -> memref<125xi32, #tpu.memory_space<vmem>>
      %dma_wait3A_208 = arith.constant 0 : i32
      %dma_wait3A_209 = arith.constant 0 : i32
      %dma_wait3A_210 = tpu.memref_slice %arg2[%dma_wait3A_208, %dma_wait3A_209] : memref<20000x64xf32, #tpu.memory_space<hbm>> -> memref<20000x64xf32, #tpu.memory_space<hbm>>
      %dma_wait3A_211 = tpu.memref_slice %arg10[%dma_wait3A_200] : memref<4x!tpu.dma_semaphore, #tpu.memory_space<semaphore_mem>> -> memref<1x!tpu.dma_semaphore, #tpu.memory_space<semaphore_mem>>
      %dma_wait3A_212 = tpu.memref_squeeze %dma_wait3A_211 : memref<1x!tpu.dma_semaphore, #tpu.memory_space<semaphore_mem>> -> memref<!tpu.dma_semaphore, #tpu.memory_space<semaphore_mem>>
      tpu.wait_indirect_dma semaphore(%dma_wait3A_212 : memref<!tpu.dma_semaphore, #tpu.memory_space<semaphore_mem>>) src(%dma_wait3A_210 : memref<20000x64xf32, #tpu.memory_space<hbm>>) dst(%dma_wait3A_204 : memref<125x64xf32, #tpu.memory_space<vmem>>)
      %add3A_213 = arith.constant 2 : i32
      %add3A_214 = arith.addi %add3A_132, %add3A_213 : i32
      %dma_start3A_215 = arith.constant 2 : i32
      %dma_start3A_216 = arith.constant 2 : i32
      %dma_start3A_217 = arith.constant 0 : i32
      %dma_start3A_218 = arith.constant 0 : i32
      %dma_start3A_219 = tpu.memref_slice %arg8[%dma_start3A_215, %dma_start3A_217, %dma_start3A_218] : memref<4x125x64xf32, #tpu.memory_space<vmem>> -> memref<1x125x64xf32, #tpu.memory_space<vmem>>
      %dma_start3A_220 = tpu.memref_squeeze %dma_start3A_219 : memref<1x125x64xf32, #tpu.memory_space<vmem>> -> memref<125x64xf32, #tpu.memory_space<vmem>>
      %dma_start3A_221 = arith.constant 0 : i32
      %dma_start3A_222 = tpu.memref_slice %arg7[%add3A_214, %dma_start3A_221] : memref<160x125xi32, #tpu.memory_space<vmem>> -> memref<1x125xi32, #tpu.memory_space<vmem>>
      %dma_start3A_223 = tpu.memref_squeeze %dma_start3A_222 : memref<1x125xi32, #tpu.memory_space<vmem>> -> memref<125xi32, #tpu.memory_space<vmem>>
      %dma_start3A_224 = arith.constant 0 : i32
      %dma_start3A_225 = arith.constant 0 : i32
      %dma_start3A_226 = tpu.memref_slice %arg13[%dma_start3A_224, %dma_start3A_225] : memref<10000x64xf32, #tpu.memory_space<vmem_shared>> -> memref<10000x64xf32, #tpu.memory_space<vmem_shared>>
      %dma_start3A_227 = tpu.memref_slice %arg11[%dma_start3A_216] : memref<4x!tpu.dma_semaphore, #tpu.memory_space<semaphore_mem>> -> memref<1x!tpu.dma_semaphore, #tpu.memory_space<semaphore_mem>>
      %dma_start3A_228 = tpu.memref_squeeze %dma_start3A_227 : memref<1x!tpu.dma_semaphore, #tpu.memory_space<semaphore_mem>> -> memref<!tpu.dma_semaphore, #tpu.memory_space<semaphore_mem>>
      tpu.enqueue_indirect_dma source(%dma_start3A_220 : memref<125x64xf32, #tpu.memory_space<vmem>>) target(%dma_start3A_226 : memref<10000x64xf32, #tpu.memory_space<vmem_shared>>) offsets(%dma_start3A_223 : memref<125xi32, #tpu.memory_space<vmem>>) semaphore(%dma_start3A_228 : memref<!tpu.dma_semaphore, #tpu.memory_space<semaphore_mem>>) {add = true}
      %add3A_229 = arith.constant 3 : i32
      %add3A_230 = arith.addi %add3A_132, %add3A_229 : i32
      %dma_wait3A_231 = arith.constant 3 : i32
      %dma_wait3A_232 = arith.constant 3 : i32
      %dma_wait3A_233 = arith.constant 0 : i32
      %dma_wait3A_234 = arith.constant 0 : i32
      %dma_wait3A_235 = tpu.memref_slice %arg8[%dma_wait3A_231, %dma_wait3A_233, %dma_wait3A_234] : memref<4x125x64xf32, #tpu.memory_space<vmem>> -> memref<1x125x64xf32, #tpu.memory_space<vmem>>
      %dma_wait3A_236 = tpu.memref_squeeze %dma_wait3A_235 : memref<1x125x64xf32, #tpu.memory_space<vmem>> -> memref<125x64xf32, #tpu.memory_space<vmem>>
      %dma_wait3A_237 = arith.constant 0 : i32
      %dma_wait3A_238 = tpu.memref_slice %arg6[%add3A_230, %dma_wait3A_237] : memref<160x125xi32, #tpu.memory_space<vmem>> -> memref<1x125xi32, #tpu.memory_space<vmem>>
      %dma_wait3A_239 = tpu.memref_squeeze %dma_wait3A_238 : memref<1x125xi32, #tpu.memory_space<vmem>> -> memref<125xi32, #tpu.memory_space<vmem>>
      %dma_wait3A_240 = arith.constant 0 : i32
      %dma_wait3A_241 = arith.constant 0 : i32
      %dma_wait3A_242 = tpu.memref_slice %arg2[%dma_wait3A_240, %dma_wait3A_241] : memref<20000x64xf32, #tpu.memory_space<hbm>> -> memref<20000x64xf32, #tpu.memory_space<hbm>>
      %dma_wait3A_243 = tpu.memref_slice %arg10[%dma_wait3A_232] : memref<4x!tpu.dma_semaphore, #tpu.memory_space<semaphore_mem>> -> memref<1x!tpu.dma_semaphore, #tpu.memory_space<semaphore_mem>>
      %dma_wait3A_244 = tpu.memref_squeeze %dma_wait3A_243 : memref<1x!tpu.dma_semaphore, #tpu.memory_space<semaphore_mem>> -> memref<!tpu.dma_semaphore, #tpu.memory_space<semaphore_mem>>
      tpu.wait_indirect_dma semaphore(%dma_wait3A_244 : memref<!tpu.dma_semaphore, #tpu.memory_space<semaphore_mem>>) src(%dma_wait3A_242 : memref<20000x64xf32, #tpu.memory_space<hbm>>) dst(%dma_wait3A_236 : memref<125x64xf32, #tpu.memory_space<vmem>>)
      %add3A_245 = arith.constant 3 : i32
      %add3A_246 = arith.addi %add3A_132, %add3A_245 : i32
      %dma_start3A_247 = arith.constant 3 : i32
      %dma_start3A_248 = arith.constant 3 : i32
      %dma_start3A_249 = arith.constant 0 : i32
      %dma_start3A_250 = arith.constant 0 : i32
      %dma_start3A_251 = tpu.memref_slice %arg8[%dma_start3A_247, %dma_start3A_249, %dma_start3A_250] : memref<4x125x64xf32, #tpu.memory_space<vmem>> -> memref<1x125x64xf32, #tpu.memory_space<vmem>>
      %dma_start3A_252 = tpu.memref_squeeze %dma_start3A_251 : memref<1x125x64xf32, #tpu.memory_space<vmem>> -> memref<125x64xf32, #tpu.memory_space<vmem>>
      %dma_start3A_253 = arith.constant 0 : i32
      %dma_start3A_254 = tpu.memref_slice %arg7[%add3A_246, %dma_start3A_253] : memref<160x125xi32, #tpu.memory_space<vmem>> -> memref<1x125xi32, #tpu.memory_space<vmem>>
      %dma_start3A_255 = tpu.memref_squeeze %dma_start3A_254 : memref<1x125xi32, #tpu.memory_space<vmem>> -> memref<125xi32, #tpu.memory_space<vmem>>
      %dma_start3A_256 = arith.constant 0 : i32
      %dma_start3A_257 = arith.constant 0 : i32
      %dma_start3A_258 = tpu.memref_slice %arg13[%dma_start3A_256, %dma_start3A_257] : memref<10000x64xf32, #tpu.memory_space<vmem_shared>> -> memref<10000x64xf32, #tpu.memory_space<vmem_shared>>
      %dma_start3A_259 = tpu.memref_slice %arg11[%dma_start3A_248] : memref<4x!tpu.dma_semaphore, #tpu.memory_space<semaphore_mem>> -> memref<1x!tpu.dma_semaphore, #tpu.memory_space<semaphore_mem>>
      %dma_start3A_260 = tpu.memref_squeeze %dma_start3A_259 : memref<1x!tpu.dma_semaphore, #tpu.memory_space<semaphore_mem>> -> memref<!tpu.dma_semaphore, #tpu.memory_space<semaphore_mem>>
      tpu.enqueue_indirect_dma source(%dma_start3A_252 : memref<125x64xf32, #tpu.memory_space<vmem>>) target(%dma_start3A_258 : memref<10000x64xf32, #tpu.memory_space<vmem_shared>>) offsets(%dma_start3A_255 : memref<125xi32, #tpu.memory_space<vmem>>) semaphore(%dma_start3A_260 : memref<!tpu.dma_semaphore, #tpu.memory_space<semaphore_mem>>) {add = true}
      %add3A_261 = arith.constant 0 : i32
      %add3A_262 = arith.addi %add3A_132, %add3A_261 : i32
      %dma_wait3A_263 = arith.constant 0 : i32
      %dma_wait3A_264 = arith.constant 0 : i32
      %dma_wait3A_265 = arith.constant 0 : i32
      %dma_wait3A_266 = arith.constant 0 : i32
      %dma_wait3A_267 = tpu.memref_slice %arg8[%dma_wait3A_263, %dma_wait3A_265, %dma_wait3A_266] : memref<4x125x64xf32, #tpu.memory_space<vmem>> -> memref<1x125x64xf32, #tpu.memory_space<vmem>>
      %dma_wait3A_268 = tpu.memref_squeeze %dma_wait3A_267 : memref<1x125x64xf32, #tpu.memory_space<vmem>> -> memref<125x64xf32, #tpu.memory_space<vmem>>
      %dma_wait3A_269 = arith.constant 0 : i32
      %dma_wait3A_270 = tpu.memref_slice %arg7[%add3A_262, %dma_wait3A_269] : memref<160x125xi32, #tpu.memory_space<vmem>> -> memref<1x125xi32, #tpu.memory_space<vmem>>
      %dma_wait3A_271 = tpu.memref_squeeze %dma_wait3A_270 : memref<1x125xi32, #tpu.memory_space<vmem>> -> memref<125xi32, #tpu.memory_space<vmem>>
      %dma_wait3A_272 = arith.constant 0 : i32
      %dma_wait3A_273 = arith.constant 0 : i32
      %dma_wait3A_274 = tpu.memref_slice %arg13[%dma_wait3A_272, %dma_wait3A_273] : memref<10000x64xf32, #tpu.memory_space<vmem_shared>> -> memref<10000x64xf32, #tpu.memory_space<vmem_shared>>
      %dma_wait3A_275 = tpu.memref_slice %arg11[%dma_wait3A_264] : memref<4x!tpu.dma_semaphore, #tpu.memory_space<semaphore_mem>> -> memref<1x!tpu.dma_semaphore, #tpu.memory_space<semaphore_mem>>
      %dma_wait3A_276 = tpu.memref_squeeze %dma_wait3A_275 : memref<1x!tpu.dma_semaphore, #tpu.memory_space<semaphore_mem>> -> memref<!tpu.dma_semaphore, #tpu.memory_space<semaphore_mem>>
      tpu.wait_indirect_dma semaphore(%dma_wait3A_276 : memref<!tpu.dma_semaphore, #tpu.memory_space<semaphore_mem>>) src(%dma_wait3A_268 : memref<125x64xf32, #tpu.memory_space<vmem>>) dst(%dma_wait3A_274 : memref<10000x64xf32, #tpu.memory_space<vmem_shared>>)
      %add3A_277 = arith.constant 4 : i32
      %add3A_278 = arith.addi %add3A_132, %add3A_277 : i32
      %add3A_279 = arith.constant 0 : i32
      %add3A_280 = arith.addi %add3A_278, %add3A_279 : i32
      %lt3A_281 = arith.constant 160 : i32
      %lt3A_282 = arith.cmpi slt, %add3A_280, %lt3A_281 : i32
      %convert_element_type3A_283 = arith.extui %lt3A_282 : i1 to i32
      %cond3A_284 = arith.constant 0 : i32
      %cond3A_285 = arith.cmpi ne, %convert_element_type3A_283, %cond3A_284 : i32
      scf.if %cond3A_285 {
        %add3A_361 = arith.constant 4 : i32
        %add3A_362 = arith.addi %add3A_132, %add3A_361 : i32
        %add3A_363 = arith.constant 0 : i32
        %add3A_364 = arith.addi %add3A_362, %add3A_363 : i32
        %dma_start3A_365 = arith.constant 0 : i32
        %dma_start3A_366 = arith.constant 0 : i32
        %dma_start3A_367 = arith.constant 0 : i32
        %dma_start3A_368 = arith.constant 0 : i32
        %dma_start3A_369 = tpu.memref_slice %arg8[%dma_start3A_365, %dma_start3A_367, %dma_start3A_368] : memref<4x125x64xf32, #tpu.memory_space<vmem>> -> memref<1x125x64xf32, #tpu.memory_space<vmem>>
        %dma_start3A_370 = tpu.memref_squeeze %dma_start3A_369 : memref<1x125x64xf32, #tpu.memory_space<vmem>> -> memref<125x64xf32, #tpu.memory_space<vmem>>
        %dma_start3A_371 = arith.constant 0 : i32
        %dma_start3A_372 = tpu.memref_slice %arg6[%add3A_364, %dma_start3A_371] : memref<160x125xi32, #tpu.memory_space<vmem>> -> memref<1x125xi32, #tpu.memory_space<vmem>>
        %dma_start3A_373 = tpu.memref_squeeze %dma_start3A_372 : memref<1x125xi32, #tpu.memory_space<vmem>> -> memref<125xi32, #tpu.memory_space<vmem>>
        %dma_start3A_374 = arith.constant 0 : i32
        %dma_start3A_375 = arith.constant 0 : i32
        %dma_start3A_376 = tpu.memref_slice %arg2[%dma_start3A_374, %dma_start3A_375] : memref<20000x64xf32, #tpu.memory_space<hbm>> -> memref<20000x64xf32, #tpu.memory_space<hbm>>
        %dma_start3A_377 = tpu.memref_slice %arg10[%dma_start3A_366] : memref<4x!tpu.dma_semaphore, #tpu.memory_space<semaphore_mem>> -> memref<1x!tpu.dma_semaphore, #tpu.memory_space<semaphore_mem>>
        %dma_start3A_378 = tpu.memref_squeeze %dma_start3A_377 : memref<1x!tpu.dma_semaphore, #tpu.memory_space<semaphore_mem>> -> memref<!tpu.dma_semaphore, #tpu.memory_space<semaphore_mem>>
        tpu.enqueue_indirect_dma source(%dma_start3A_376 : memref<20000x64xf32, #tpu.memory_space<hbm>>) target(%dma_start3A_370 : memref<125x64xf32, #tpu.memory_space<vmem>>) offsets(%dma_start3A_373 : memref<125xi32, #tpu.memory_space<vmem>>) semaphore(%dma_start3A_378 : memref<!tpu.dma_semaphore, #tpu.memory_space<semaphore_mem>>)
      } else {
      }
      %add3A_286 = arith.constant 1 : i32
      %add3A_287 = arith.addi %add3A_132, %add3A_286 : i32
      %dma_wait3A_288 = arith.constant 1 : i32
      %dma_wait3A_289 = arith.constant 1 : i32
      %dma_wait3A_290 = arith.constant 0 : i32
      %dma_wait3A_291 = arith.constant 0 : i32
      %dma_wait3A_292 = tpu.memref_slice %arg8[%dma_wait3A_288, %dma_wait3A_290, %dma_wait3A_291] : memref<4x125x64xf32, #tpu.memory_space<vmem>> -> memref<1x125x64xf32, #tpu.memory_space<vmem>>
      %dma_wait3A_293 = tpu.memref_squeeze %dma_wait3A_292 : memref<1x125x64xf32, #tpu.memory_space<vmem>> -> memref<125x64xf32, #tpu.memory_space<vmem>>
      %dma_wait3A_294 = arith.constant 0 : i32
      %dma_wait3A_295 = tpu.memref_slice %arg7[%add3A_287, %dma_wait3A_294] : memref<160x125xi32, #tpu.memory_space<vmem>> -> memref<1x125xi32, #tpu.memory_space<vmem>>
      %dma_wait3A_296 = tpu.memref_squeeze %dma_wait3A_295 : memref<1x125xi32, #tpu.memory_space<vmem>> -> memref<125xi32, #tpu.memory_space<vmem>>
      %dma_wait3A_297 = arith.constant 0 : i32
      %dma_wait3A_298 = arith.constant 0 : i32
      %dma_wait3A_299 = tpu.memref_slice %arg13[%dma_wait3A_297, %dma_wait3A_298] : memref<10000x64xf32, #tpu.memory_space<vmem_shared>> -> memref<10000x64xf32, #tpu.memory_space<vmem_shared>>
      %dma_wait3A_300 = tpu.memref_slice %arg11[%dma_wait3A_289] : memref<4x!tpu.dma_semaphore, #tpu.memory_space<semaphore_mem>> -> memref<1x!tpu.dma_semaphore, #tpu.memory_space<semaphore_mem>>
      %dma_wait3A_301 = tpu.memref_squeeze %dma_wait3A_300 : memref<1x!tpu.dma_semaphore, #tpu.memory_space<semaphore_mem>> -> memref<!tpu.dma_semaphore, #tpu.memory_space<semaphore_mem>>
      tpu.wait_indirect_dma semaphore(%dma_wait3A_301 : memref<!tpu.dma_semaphore, #tpu.memory_space<semaphore_mem>>) src(%dma_wait3A_293 : memref<125x64xf32, #tpu.memory_space<vmem>>) dst(%dma_wait3A_299 : memref<10000x64xf32, #tpu.memory_space<vmem_shared>>)
      %add3A_302 = arith.constant 4 : i32
      %add3A_303 = arith.addi %add3A_132, %add3A_302 : i32
      %add3A_304 = arith.constant 1 : i32
      %add3A_305 = arith.addi %add3A_303, %add3A_304 : i32
      %lt3A_306 = arith.constant 160 : i32
      %lt3A_307 = arith.cmpi slt, %add3A_305, %lt3A_306 : i32
      %convert_element_type3A_308 = arith.extui %lt3A_307 : i1 to i32
      %cond3A_309 = arith.constant 0 : i32
      %cond3A_310 = arith.cmpi ne, %convert_element_type3A_308, %cond3A_309 : i32
      scf.if %cond3A_310 {
        %add3A_361 = arith.constant 4 : i32
        %add3A_362 = arith.addi %add3A_132, %add3A_361 : i32
        %add3A_363 = arith.constant 1 : i32
        %add3A_364 = arith.addi %add3A_362, %add3A_363 : i32
        %dma_start3A_365 = arith.constant 1 : i32
        %dma_start3A_366 = arith.constant 1 : i32
        %dma_start3A_367 = arith.constant 0 : i32
        %dma_start3A_368 = arith.constant 0 : i32
        %dma_start3A_369 = tpu.memref_slice %arg8[%dma_start3A_365, %dma_start3A_367, %dma_start3A_368] : memref<4x125x64xf32, #tpu.memory_space<vmem>> -> memref<1x125x64xf32, #tpu.memory_space<vmem>>
        %dma_start3A_370 = tpu.memref_squeeze %dma_start3A_369 : memref<1x125x64xf32, #tpu.memory_space<vmem>> -> memref<125x64xf32, #tpu.memory_space<vmem>>
        %dma_start3A_371 = arith.constant 0 : i32
        %dma_start3A_372 = tpu.memref_slice %arg6[%add3A_364, %dma_start3A_371] : memref<160x125xi32, #tpu.memory_space<vmem>> -> memref<1x125xi32, #tpu.memory_space<vmem>>
        %dma_start3A_373 = tpu.memref_squeeze %dma_start3A_372 : memref<1x125xi32, #tpu.memory_space<vmem>> -> memref<125xi32, #tpu.memory_space<vmem>>
        %dma_start3A_374 = arith.constant 0 : i32
        %dma_start3A_375 = arith.constant 0 : i32
        %dma_start3A_376 = tpu.memref_slice %arg2[%dma_start3A_374, %dma_start3A_375] : memref<20000x64xf32, #tpu.memory_space<hbm>> -> memref<20000x64xf32, #tpu.memory_space<hbm>>
        %dma_start3A_377 = tpu.memref_slice %arg10[%dma_start3A_366] : memref<4x!tpu.dma_semaphore, #tpu.memory_space<semaphore_mem>> -> memref<1x!tpu.dma_semaphore, #tpu.memory_space<semaphore_mem>>
        %dma_start3A_378 = tpu.memref_squeeze %dma_start3A_377 : memref<1x!tpu.dma_semaphore, #tpu.memory_space<semaphore_mem>> -> memref<!tpu.dma_semaphore, #tpu.memory_space<semaphore_mem>>
        tpu.enqueue_indirect_dma source(%dma_start3A_376 : memref<20000x64xf32, #tpu.memory_space<hbm>>) target(%dma_start3A_370 : memref<125x64xf32, #tpu.memory_space<vmem>>) offsets(%dma_start3A_373 : memref<125xi32, #tpu.memory_space<vmem>>) semaphore(%dma_start3A_378 : memref<!tpu.dma_semaphore, #tpu.memory_space<semaphore_mem>>)
      } else {
      }
      %add3A_311 = arith.constant 2 : i32
      %add3A_312 = arith.addi %add3A_132, %add3A_311 : i32
      %dma_wait3A_313 = arith.constant 2 : i32
      %dma_wait3A_314 = arith.constant 2 : i32
      %dma_wait3A_315 = arith.constant 0 : i32
      %dma_wait3A_316 = arith.constant 0 : i32
      %dma_wait3A_317 = tpu.memref_slice %arg8[%dma_wait3A_313, %dma_wait3A_315, %dma_wait3A_316] : memref<4x125x64xf32, #tpu.memory_space<vmem>> -> memref<1x125x64xf32, #tpu.memory_space<vmem>>
      %dma_wait3A_318 = tpu.memref_squeeze %dma_wait3A_317 : memref<1x125x64xf32, #tpu.memory_space<vmem>> -> memref<125x64xf32, #tpu.memory_space<vmem>>
      %dma_wait3A_319 = arith.constant 0 : i32
      %dma_wait3A_320 = tpu.memref_slice %arg7[%add3A_312, %dma_wait3A_319] : memref<160x125xi32, #tpu.memory_space<vmem>> -> memref<1x125xi32, #tpu.memory_space<vmem>>
      %dma_wait3A_321 = tpu.memref_squeeze %dma_wait3A_320 : memref<1x125xi32, #tpu.memory_space<vmem>> -> memref<125xi32, #tpu.memory_space<vmem>>
      %dma_wait3A_322 = arith.constant 0 : i32
      %dma_wait3A_323 = arith.constant 0 : i32
      %dma_wait3A_324 = tpu.memref_slice %arg13[%dma_wait3A_322, %dma_wait3A_323] : memref<10000x64xf32, #tpu.memory_space<vmem_shared>> -> memref<10000x64xf32, #tpu.memory_space<vmem_shared>>
      %dma_wait3A_325 = tpu.memref_slice %arg11[%dma_wait3A_314] : memref<4x!tpu.dma_semaphore, #tpu.memory_space<semaphore_mem>> -> memref<1x!tpu.dma_semaphore, #tpu.memory_space<semaphore_mem>>
      %dma_wait3A_326 = tpu.memref_squeeze %dma_wait3A_325 : memref<1x!tpu.dma_semaphore, #tpu.memory_space<semaphore_mem>> -> memref<!tpu.dma_semaphore, #tpu.memory_space<semaphore_mem>>
      tpu.wait_indirect_dma semaphore(%dma_wait3A_326 : memref<!tpu.dma_semaphore, #tpu.memory_space<semaphore_mem>>) src(%dma_wait3A_318 : memref<125x64xf32, #tpu.memory_space<vmem>>) dst(%dma_wait3A_324 : memref<10000x64xf32, #tpu.memory_space<vmem_shared>>)
      %add3A_327 = arith.constant 4 : i32
      %add3A_328 = arith.addi %add3A_132, %add3A_327 : i32
      %add3A_329 = arith.constant 2 : i32
      %add3A_330 = arith.addi %add3A_328, %add3A_329 : i32
      %lt3A_331 = arith.constant 160 : i32
      %lt3A_332 = arith.cmpi slt, %add3A_330, %lt3A_331 : i32
      %convert_element_type3A_333 = arith.extui %lt3A_332 : i1 to i32
      %cond3A_334 = arith.constant 0 : i32
      %cond3A_335 = arith.cmpi ne, %convert_element_type3A_333, %cond3A_334 : i32
      scf.if %cond3A_335 {
        %add3A_361 = arith.constant 4 : i32
        %add3A_362 = arith.addi %add3A_132, %add3A_361 : i32
        %add3A_363 = arith.constant 2 : i32
        %add3A_364 = arith.addi %add3A_362, %add3A_363 : i32
        %dma_start3A_365 = arith.constant 2 : i32
        %dma_start3A_366 = arith.constant 2 : i32
        %dma_start3A_367 = arith.constant 0 : i32
        %dma_start3A_368 = arith.constant 0 : i32
        %dma_start3A_369 = tpu.memref_slice %arg8[%dma_start3A_365, %dma_start3A_367, %dma_start3A_368] : memref<4x125x64xf32, #tpu.memory_space<vmem>> -> memref<1x125x64xf32, #tpu.memory_space<vmem>>
        %dma_start3A_370 = tpu.memref_squeeze %dma_start3A_369 : memref<1x125x64xf32, #tpu.memory_space<vmem>> -> memref<125x64xf32, #tpu.memory_space<vmem>>
        %dma_start3A_371 = arith.constant 0 : i32
        %dma_start3A_372 = tpu.memref_slice %arg6[%add3A_364, %dma_start3A_371] : memref<160x125xi32, #tpu.memory_space<vmem>> -> memref<1x125xi32, #tpu.memory_space<vmem>>
        %dma_start3A_373 = tpu.memref_squeeze %dma_start3A_372 : memref<1x125xi32, #tpu.memory_space<vmem>> -> memref<125xi32, #tpu.memory_space<vmem>>
        %dma_start3A_374 = arith.constant 0 : i32
        %dma_start3A_375 = arith.constant 0 : i32
        %dma_start3A_376 = tpu.memref_slice %arg2[%dma_start3A_374, %dma_start3A_375] : memref<20000x64xf32, #tpu.memory_space<hbm>> -> memref<20000x64xf32, #tpu.memory_space<hbm>>
        %dma_start3A_377 = tpu.memref_slice %arg10[%dma_start3A_366] : memref<4x!tpu.dma_semaphore, #tpu.memory_space<semaphore_mem>> -> memref<1x!tpu.dma_semaphore, #tpu.memory_space<semaphore_mem>>
        %dma_start3A_378 = tpu.memref_squeeze %dma_start3A_377 : memref<1x!tpu.dma_semaphore, #tpu.memory_space<semaphore_mem>> -> memref<!tpu.dma_semaphore, #tpu.memory_space<semaphore_mem>>
        tpu.enqueue_indirect_dma source(%dma_start3A_376 : memref<20000x64xf32, #tpu.memory_space<hbm>>) target(%dma_start3A_370 : memref<125x64xf32, #tpu.memory_space<vmem>>) offsets(%dma_start3A_373 : memref<125xi32, #tpu.memory_space<vmem>>) semaphore(%dma_start3A_378 : memref<!tpu.dma_semaphore, #tpu.memory_space<semaphore_mem>>)
      } else {
      }
      %add3A_336 = arith.constant 3 : i32
      %add3A_337 = arith.addi %add3A_132, %add3A_336 : i32
      %dma_wait3A_338 = arith.constant 3 : i32
      %dma_wait3A_339 = arith.constant 3 : i32
      %dma_wait3A_340 = arith.constant 0 : i32
      %dma_wait3A_341 = arith.constant 0 : i32
      %dma_wait3A_342 = tpu.memref_slice %arg8[%dma_wait3A_338, %dma_wait3A_340, %dma_wait3A_341] : memref<4x125x64xf32, #tpu.memory_space<vmem>> -> memref<1x125x64xf32, #tpu.memory_space<vmem>>
      %dma_wait3A_343 = tpu.memref_squeeze %dma_wait3A_342 : memref<1x125x64xf32, #tpu.memory_space<vmem>> -> memref<125x64xf32, #tpu.memory_space<vmem>>
      %dma_wait3A_344 = arith.constant 0 : i32
      %dma_wait3A_345 = tpu.memref_slice %arg7[%add3A_337, %dma_wait3A_344] : memref<160x125xi32, #tpu.memory_space<vmem>> -> memref<1x125xi32, #tpu.memory_space<vmem>>
      %dma_wait3A_346 = tpu.memref_squeeze %dma_wait3A_345 : memref<1x125xi32, #tpu.memory_space<vmem>> -> memref<125xi32, #tpu.memory_space<vmem>>
      %dma_wait3A_347 = arith.constant 0 : i32
      %dma_wait3A_348 = arith.constant 0 : i32
      %dma_wait3A_349 = tpu.memref_slice %arg13[%dma_wait3A_347, %dma_wait3A_348] : memref<10000x64xf32, #tpu.memory_space<vmem_shared>> -> memref<10000x64xf32, #tpu.memory_space<vmem_shared>>
      %dma_wait3A_350 = tpu.memref_slice %arg11[%dma_wait3A_339] : memref<4x!tpu.dma_semaphore, #tpu.memory_space<semaphore_mem>> -> memref<1x!tpu.dma_semaphore, #tpu.memory_space<semaphore_mem>>
      %dma_wait3A_351 = tpu.memref_squeeze %dma_wait3A_350 : memref<1x!tpu.dma_semaphore, #tpu.memory_space<semaphore_mem>> -> memref<!tpu.dma_semaphore, #tpu.memory_space<semaphore_mem>>
      tpu.wait_indirect_dma semaphore(%dma_wait3A_351 : memref<!tpu.dma_semaphore, #tpu.memory_space<semaphore_mem>>) src(%dma_wait3A_343 : memref<125x64xf32, #tpu.memory_space<vmem>>) dst(%dma_wait3A_349 : memref<10000x64xf32, #tpu.memory_space<vmem_shared>>)
      %add3A_352 = arith.constant 4 : i32
      %add3A_353 = arith.addi %add3A_132, %add3A_352 : i32
      %add3A_354 = arith.constant 3 : i32
      %add3A_355 = arith.addi %add3A_353, %add3A_354 : i32
      %lt3A_356 = arith.constant 160 : i32
      %lt3A_357 = arith.cmpi slt, %add3A_355, %lt3A_356 : i32
      %convert_element_type3A_358 = arith.extui %lt3A_357 : i1 to i32
      %cond3A_359 = arith.constant 0 : i32
      %cond3A_360 = arith.cmpi ne, %convert_element_type3A_358, %cond3A_359 : i32
      scf.if %cond3A_360 {
        %add3A_361 = arith.constant 4 : i32
        %add3A_362 = arith.addi %add3A_132, %add3A_361 : i32
        %add3A_363 = arith.constant 3 : i32
        %add3A_364 = arith.addi %add3A_362, %add3A_363 : i32
        %dma_start3A_365 = arith.constant 3 : i32
        %dma_start3A_366 = arith.constant 3 : i32
        %dma_start3A_367 = arith.constant 0 : i32
        %dma_start3A_368 = arith.constant 0 : i32
        %dma_start3A_369 = tpu.memref_slice %arg8[%dma_start3A_365, %dma_start3A_367, %dma_start3A_368] : memref<4x125x64xf32, #tpu.memory_space<vmem>> -> memref<1x125x64xf32, #tpu.memory_space<vmem>>
        %dma_start3A_370 = tpu.memref_squeeze %dma_start3A_369 : memref<1x125x64xf32, #tpu.memory_space<vmem>> -> memref<125x64xf32, #tpu.memory_space<vmem>>
        %dma_start3A_371 = arith.constant 0 : i32
        %dma_start3A_372 = tpu.memref_slice %arg6[%add3A_364, %dma_start3A_371] : memref<160x125xi32, #tpu.memory_space<vmem>> -> memref<1x125xi32, #tpu.memory_space<vmem>>
        %dma_start3A_373 = tpu.memref_squeeze %dma_start3A_372 : memref<1x125xi32, #tpu.memory_space<vmem>> -> memref<125xi32, #tpu.memory_space<vmem>>
        %dma_start3A_374 = arith.constant 0 : i32
        %dma_start3A_375 = arith.constant 0 : i32
        %dma_start3A_376 = tpu.memref_slice %arg2[%dma_start3A_374, %dma_start3A_375] : memref<20000x64xf32, #tpu.memory_space<hbm>> -> memref<20000x64xf32, #tpu.memory_space<hbm>>
        %dma_start3A_377 = tpu.memref_slice %arg10[%dma_start3A_366] : memref<4x!tpu.dma_semaphore, #tpu.memory_space<semaphore_mem>> -> memref<1x!tpu.dma_semaphore, #tpu.memory_space<semaphore_mem>>
        %dma_start3A_378 = tpu.memref_squeeze %dma_start3A_377 : memref<1x!tpu.dma_semaphore, #tpu.memory_space<semaphore_mem>> -> memref<!tpu.dma_semaphore, #tpu.memory_space<semaphore_mem>>
        tpu.enqueue_indirect_dma source(%dma_start3A_376 : memref<20000x64xf32, #tpu.memory_space<hbm>>) target(%dma_start3A_370 : memref<125x64xf32, #tpu.memory_space<vmem>>) offsets(%dma_start3A_373 : memref<125xi32, #tpu.memory_space<vmem>>) semaphore(%dma_start3A_378 : memref<!tpu.dma_semaphore, #tpu.memory_space<semaphore_mem>>)
      } else {
      }
    }
    %scan3A_119 = arith.constant 40 : i32
    %barrier3A_120 = arith.constant 0 : index
    tpu.barrier barrier_id(%barrier3A_120)
    %lt3A_121 = arith.constant 15 : i32
    %lt3A_122 = arith.cmpi slt, %arg1, %lt3A_121 : i32
    %convert_element_type3A = arith.extui %lt3A_122 : i1 to i32
    %cond3A = arith.constant 0 : i32
    %cond3A_123 = arith.cmpi ne, %convert_element_type3A, %cond3A : i32
    scf.if %cond3A_123 {
      "tpu.region"() ({
        %run_scoped3A = tpu.sem_alloc : memref<!tpu.dma_semaphore, #tpu.memory_space<semaphore_mem>>
        %dma_start3A_128 = arith.constant 0 : i32
        %dma_start3A_129 = arith.constant 0 : i32
        %dma_start3A_130 = tpu.memref_slice %arg5[%arg0, %dma_start3A_128, %dma_start3A_129] : memref<2x10000x64xf32, #tpu.memory_space<hbm>> -> memref<1x10000x64xf32, #tpu.memory_space<hbm>>
        %dma_start3A_131 = tpu.memref_squeeze %dma_start3A_130 : memref<1x10000x64xf32, #tpu.memory_space<hbm>> -> memref<10000x64xf32, #tpu.memory_space<hbm>>
        %dma_start3A_132 = arith.constant 0 : i32
        %dma_start3A_133 = tpu.memref_slice %dma_start3A_131[%multiple_of3A_20, %dma_start3A_132] : memref<10000x64xf32, #tpu.memory_space<hbm>> -> memref<640x64xf32, #tpu.memory_space<hbm>>
        %dma_start3A_134 = arith.constant 0 : i32
        %dma_start3A_135 = tpu.memref_slice %arg13[%multiple_of3A_20, %dma_start3A_134] : memref<10000x64xf32, #tpu.memory_space<vmem_shared>> -> memref<640x64xf32, #tpu.memory_space<vmem_shared>>
        tpu.enqueue_dma source(%dma_start3A_135 : memref<640x64xf32, #tpu.memory_space<vmem_shared>>) target(%dma_start3A_133 : memref<640x64xf32, #tpu.memory_space<hbm>>) target_semaphore(%run_scoped3A : memref<!tpu.dma_semaphore, #tpu.memory_space<semaphore_mem>>)
        %dma_wait3A_136 = arith.constant 0 : i32
        %dma_wait3A_137 = arith.constant 0 : i32
        %dma_wait3A_138 = tpu.memref_slice %arg5[%arg0, %dma_wait3A_136, %dma_wait3A_137] : memref<2x10000x64xf32, #tpu.memory_space<hbm>> -> memref<1x10000x64xf32, #tpu.memory_space<hbm>>
        %dma_wait3A_139 = tpu.memref_squeeze %dma_wait3A_138 : memref<1x10000x64xf32, #tpu.memory_space<hbm>> -> memref<10000x64xf32, #tpu.memory_space<hbm>>
        %dma_wait3A_140 = arith.constant 0 : i32
        %dma_wait3A_141 = tpu.memref_slice %dma_wait3A_139[%multiple_of3A_20, %dma_wait3A_140] : memref<10000x64xf32, #tpu.memory_space<hbm>> -> memref<640x64xf32, #tpu.memory_space<hbm>>
        %dma_wait3A_142 = arith.constant 0 : i32
        %dma_wait3A_143 = tpu.memref_slice %arg13[%multiple_of3A_20, %dma_wait3A_142] : memref<10000x64xf32, #tpu.memory_space<vmem_shared>> -> memref<640x64xf32, #tpu.memory_space<vmem_shared>>
        tpu.wait_dma2 semaphore(%run_scoped3A : memref<!tpu.dma_semaphore, #tpu.memory_space<semaphore_mem>>) src(%dma_wait3A_143 : memref<640x64xf32, #tpu.memory_space<vmem_shared>>) dst(%dma_wait3A_141 : memref<640x64xf32, #tpu.memory_space<hbm>>)
        tpu.yield
      }) : () -> ()
    } else {
    }
    %eq3A = arith.constant 15 : i32
    %eq3A_124 = arith.cmpi eq, %arg1, %eq3A : i32
    %convert_element_type3A_125 = arith.extui %eq3A_124 : i1 to i32
    %cond3A_126 = arith.constant 0 : i32
    %cond3A_127 = arith.cmpi ne, %convert_element_type3A_125, %cond3A_126 : i32
    scf.if %cond3A_127 {
      "tpu.region"() ({
        %run_scoped3A = tpu.sem_alloc : memref<!tpu.dma_semaphore, #tpu.memory_space<semaphore_mem>>
        %dma_start3A_128 = arith.constant 0 : i32
        %dma_start3A_129 = arith.constant 0 : i32
        %dma_start3A_130 = tpu.memref_slice %arg5[%arg0, %dma_start3A_128, %dma_start3A_129] : memref<2x10000x64xf32, #tpu.memory_space<hbm>> -> memref<1x10000x64xf32, #tpu.memory_space<hbm>>
        %dma_start3A_131 = tpu.memref_squeeze %dma_start3A_130 : memref<1x10000x64xf32, #tpu.memory_space<hbm>> -> memref<10000x64xf32, #tpu.memory_space<hbm>>
        %dma_start3A_132 = arith.constant 0 : i32
        %dma_start3A_133 = tpu.memref_slice %dma_start3A_131[%multiple_of3A_20, %dma_start3A_132] : memref<10000x64xf32, #tpu.memory_space<hbm>> -> memref<400x64xf32, #tpu.memory_space<hbm>>
        %dma_start3A_134 = arith.constant 0 : i32
        %dma_start3A_135 = tpu.memref_slice %arg13[%multiple_of3A_20, %dma_start3A_134] : memref<10000x64xf32, #tpu.memory_space<vmem_shared>> -> memref<400x64xf32, #tpu.memory_space<vmem_shared>>
        tpu.enqueue_dma source(%dma_start3A_135 : memref<400x64xf32, #tpu.memory_space<vmem_shared>>) target(%dma_start3A_133 : memref<400x64xf32, #tpu.memory_space<hbm>>) target_semaphore(%run_scoped3A : memref<!tpu.dma_semaphore, #tpu.memory_space<semaphore_mem>>)
        %dma_wait3A_136 = arith.constant 0 : i32
        %dma_wait3A_137 = arith.constant 0 : i32
        %dma_wait3A_138 = tpu.memref_slice %arg5[%arg0, %dma_wait3A_136, %dma_wait3A_137] : memref<2x10000x64xf32, #tpu.memory_space<hbm>> -> memref<1x10000x64xf32, #tpu.memory_space<hbm>>
        %dma_wait3A_139 = tpu.memref_squeeze %dma_wait3A_138 : memref<1x10000x64xf32, #tpu.memory_space<hbm>> -> memref<10000x64xf32, #tpu.memory_space<hbm>>
        %dma_wait3A_140 = arith.constant 0 : i32
        %dma_wait3A_141 = tpu.memref_slice %dma_wait3A_139[%multiple_of3A_20, %dma_wait3A_140] : memref<10000x64xf32, #tpu.memory_space<hbm>> -> memref<400x64xf32, #tpu.memory_space<hbm>>
        %dma_wait3A_142 = arith.constant 0 : i32
        %dma_wait3A_143 = tpu.memref_slice %arg13[%multiple_of3A_20, %dma_wait3A_142] : memref<10000x64xf32, #tpu.memory_space<vmem_shared>> -> memref<400x64xf32, #tpu.memory_space<vmem_shared>>
        tpu.wait_dma2 semaphore(%run_scoped3A : memref<!tpu.dma_semaphore, #tpu.memory_space<semaphore_mem>>) src(%dma_wait3A_143 : memref<400x64xf32, #tpu.memory_space<vmem_shared>>) dst(%dma_wait3A_141 : memref<400x64xf32, #tpu.memory_space<hbm>>)
        tpu.yield
      }) : () -> ()
    } else {
    }
    return
  }
}

module attributes {stable_mosaic.version = 14 : i64} {
  func.func @_combine0_body(%arg0: memref<10000x128xf32, #tpu.memory_space<vmem>>, %arg1: memref<2x10000x64xf32, #tpu.memory_space<vmem>>, %arg2: memref<2x10000x16xf32, #tpu.memory_space<vmem>>, %arg3: memref<128x128xf32, #tpu.memory_space<vmem>>, %arg4: memref<128x128xf32, #tpu.memory_space<vmem>>, %arg5: memref<1x128xf32, #tpu.memory_space<vmem>>, %arg6: memref<1x128xf32, #tpu.memory_space<vmem>>, %arg7: memref<1x128xf32, #tpu.memory_space<vmem>>, %arg8: memref<128x128xf32, #tpu.memory_space<vmem>>, %arg9: memref<1x128xf32, #tpu.memory_space<vmem>>, %arg10: memref<10000x128xf32, #tpu.memory_space<vmem>>, %arg11: memref<10000x128xf32, #tpu.memory_space<vmem>>, %arg12: memref<10000x1xf32, #tpu.memory_space<vmem>>) attributes {dimension_semantics = [], scalar_prefetch = 0 : i64, scratch_operands = 0 : i64, tpu.core_type = #tpu.core_type<tc>} {
    %get3A = arith.constant 0 : index
    %get3A_0 = arith.constant 0 : index
    %get3A_1 = arith.constant 0 : index
    %get3A_2 = vector.load %arg2[%get3A, %get3A_0, %get3A_1] : memref<2x10000x16xf32, #tpu.memory_space<vmem>>, vector<1x10000x1xf32>
    %get3A_3 = vector.shape_cast %get3A_2 : vector<1x10000x1xf32> to vector<10000x1xf32>
    %get3A_4 = arith.constant 1 : index
    %get3A_5 = arith.constant 0 : index
    %get3A_6 = arith.constant 0 : index
    %get3A_7 = vector.load %arg2[%get3A_4, %get3A_5, %get3A_6] : memref<2x10000x16xf32, #tpu.memory_space<vmem>>, vector<1x10000x1xf32>
    %get3A_8 = vector.shape_cast %get3A_7 : vector<1x10000x1xf32> to vector<10000x1xf32>
    %add3A = arith.addf %get3A_3, %get3A_8 : vector<10000x1xf32>
    %gt3A = arith.constant 0.000000e+00 : f32
    %gt3A_9 = vector.broadcast %gt3A : f32 to vector<10000x1xf32>
    %gt3A_10 = arith.cmpf ogt, %add3A, %gt3A_9 : vector<10000x1xf32>
    %max3A = arith.constant 1.000000e+00 : f32
    %max3A_11 = vector.broadcast %max3A : f32 to vector<10000x1xf32>
    %max3A_12 = arith.maximumf %add3A, %max3A_11 : vector<10000x1xf32>
    %div3A = arith.constant 1.000000e+00 : f32
    %div3A_13 = vector.broadcast %div3A : f32 to vector<10000x1xf32>
    %div3A_14 = arith.divf %div3A_13, %max3A_12 : vector<10000x1xf32>
    %jit3A = arith.constant 0.000000e+00 : f32
    %broadcast_in_dim3A = vector.broadcast %jit3A : f32 to vector<10000x1xf32>
    %select_n3A = arith.select %gt3A_10, %div3A_14, %broadcast_in_dim3A : vector<10000x1xi1>, vector<10000x1xf32>
    %get3A_15 = arith.constant 0 : index
    %get3A_16 = arith.constant 0 : index
    %get3A_17 = arith.constant 0 : index
    %get3A_18 = vector.load %arg1[%get3A_15, %get3A_16, %get3A_17] : memref<2x10000x64xf32, #tpu.memory_space<vmem>>, vector<1x10000x64xf32>
    %get3A_19 = vector.shape_cast %get3A_18 : vector<1x10000x64xf32> to vector<10000x64xf32>
    %get3A_20 = arith.constant 1 : index
    %get3A_21 = arith.constant 0 : index
    %get3A_22 = arith.constant 0 : index
    %get3A_23 = vector.load %arg1[%get3A_20, %get3A_21, %get3A_22] : memref<2x10000x64xf32, #tpu.memory_space<vmem>>, vector<1x10000x64xf32>
    %get3A_24 = vector.shape_cast %get3A_23 : vector<1x10000x64xf32> to vector<10000x64xf32>
    %concatenate3A = tpu.concatenate %get3A_19, %get3A_24 in 1 : vector<10000x64xf32>, vector<10000x64xf32> -> vector<10000x128xf32>
    %mul3A = vector.broadcast %select_n3A : vector<10000x1xf32> to vector<10000x128xf32>
    %mul3A_25 = arith.mulf %concatenate3A, %mul3A : vector<10000x128xf32>
    %get3A_26 = arith.constant 0 : index
    %get3A_27 = arith.constant 0 : index
    %get3A_28 = vector.load %arg0[%get3A_26, %get3A_27] : memref<10000x128xf32, #tpu.memory_space<vmem>>, vector<10000x128xf32>
    %get3A_29 = arith.constant 0 : index
    %get3A_30 = arith.constant 0 : index
    %get3A_31 = vector.load %arg3[%get3A_29, %get3A_30] : memref<128x128xf32, #tpu.memory_space<vmem>>, vector<128x128xf32>
    %dot_general3A = arith.constant dense<0.000000e+00> : vector<10000x128xf32>
    %dot_general3A_32 = tpu.matmul %get3A_28, %get3A_31, %dot_general3A {dimension_numbers = #tpu.dot_dimension_numbers<[1], [0], [0], [1], [0, 0, 1, 1], [], []>, transpose_lhs_hint = false} : vector<10000x128xf32>, vector<128x128xf32>, vector<10000x128xf32> -> vector<10000x128xf32>
    %get3A_33 = arith.constant 0 : index
    %get3A_34 = arith.constant 0 : index
    %get3A_35 = vector.load %arg4[%get3A_33, %get3A_34] : memref<128x128xf32, #tpu.memory_space<vmem>>, vector<128x128xf32>
    %dot_general3A_36 = arith.constant dense<0.000000e+00> : vector<10000x128xf32>
    %dot_general3A_37 = tpu.matmul %mul3A_25, %get3A_35, %dot_general3A_36 {dimension_numbers = #tpu.dot_dimension_numbers<[1], [0], [0], [1], [0, 0, 1, 1], [], []>, transpose_lhs_hint = false} : vector<10000x128xf32>, vector<128x128xf32>, vector<10000x128xf32> -> vector<10000x128xf32>
    %add3A_38 = arith.addf %dot_general3A_32, %dot_general3A_37 : vector<10000x128xf32>
    %get3A_39 = arith.constant 0 : index
    %get3A_40 = arith.constant 0 : index
    %get3A_41 = vector.load %arg5[%get3A_39, %get3A_40] : memref<1x128xf32, #tpu.memory_space<vmem>>, vector<1x128xf32>
    %add3A_42 = vector.broadcast %get3A_41 : vector<1x128xf32> to vector<10000x128xf32>
    %add3A_43 = arith.addf %add3A_38, %add3A_42 : vector<10000x128xf32>
    %max3A_44 = arith.constant 0.000000e+00 : f32
    %max3A_45 = vector.broadcast %max3A_44 : f32 to vector<10000x128xf32>
    %max3A_46 = arith.maximumf %add3A_43, %max3A_45 : vector<10000x128xf32>
    %get3A_47 = arith.constant 0 : index
    %get3A_48 = arith.constant 0 : index
    %get3A_49 = vector.load %arg6[%get3A_47, %get3A_48] : memref<1x128xf32, #tpu.memory_space<vmem>>, vector<1x128xf32>
    %get3A_50 = arith.constant 0 : index
    %get3A_51 = arith.constant 0 : index
    %get3A_52 = vector.load %arg7[%get3A_50, %get3A_51] : memref<1x128xf32, #tpu.memory_space<vmem>>, vector<1x128xf32>
    %reduce_sum3A = arith.constant dense<0.000000e+00> : vector<128xf32>
    %reduce_sum3A_53 = vector.multi_reduction <add>, %max3A_46, %reduce_sum3A [0] : vector<10000x128xf32> to vector<128xf32>
    %broadcast_in_dim3A_54 = vector.shape_cast %reduce_sum3A_53 : vector<128xf32> to vector<1x128xf32>
    %div3A_55 = arith.constant 1.000000e+04 : f32
    %div3A_56 = vector.broadcast %div3A_55 : f32 to vector<1x128xf32>
    %div3A_57 = arith.divf %broadcast_in_dim3A_54, %div3A_56 : vector<1x128xf32>
    %sub3A = vector.broadcast %div3A_57 : vector<1x128xf32> to vector<10000x128xf32>
    %sub3A_58 = arith.subf %max3A_46, %sub3A : vector<10000x128xf32>
    %integer_pow3A = arith.mulf %sub3A_58, %sub3A_58 : vector<10000x128xf32>
    %reduce_sum3A_59 = arith.constant dense<0.000000e+00> : vector<128xf32>
    %reduce_sum3A_60 = vector.multi_reduction <add>, %integer_pow3A, %reduce_sum3A_59 [0] : vector<10000x128xf32> to vector<128xf32>
    %broadcast_in_dim3A_61 = vector.shape_cast %reduce_sum3A_60 : vector<128xf32> to vector<1x128xf32>
    %div3A_62 = arith.constant 1.000000e+04 : f32
    %div3A_63 = vector.broadcast %div3A_62 : f32 to vector<1x128xf32>
    %div3A_64 = arith.divf %broadcast_in_dim3A_61, %div3A_63 : vector<1x128xf32>
    %sub3A_65 = vector.broadcast %div3A_57 : vector<1x128xf32> to vector<10000x128xf32>
    %sub3A_66 = arith.subf %max3A_46, %sub3A_65 : vector<10000x128xf32>
    %add3A_67 = arith.constant 9.99999974E-6 : f32
    %add3A_68 = vector.broadcast %add3A_67 : f32 to vector<1x128xf32>
    %add3A_69 = arith.addf %div3A_64, %add3A_68 : vector<1x128xf32>
    %rsqrt3A = math.rsqrt %add3A_69 : vector<1x128xf32>
    %mul3A_70 = vector.broadcast %rsqrt3A : vector<1x128xf32> to vector<10000x128xf32>
    %mul3A_71 = arith.mulf %sub3A_66, %mul3A_70 : vector<10000x128xf32>
    %mul3A_72 = vector.broadcast %get3A_49 : vector<1x128xf32> to vector<10000x128xf32>
    %mul3A_73 = arith.mulf %mul3A_71, %mul3A_72 : vector<10000x128xf32>
    %add3A_74 = vector.broadcast %get3A_52 : vector<1x128xf32> to vector<10000x128xf32>
    %add3A_75 = arith.addf %mul3A_73, %add3A_74 : vector<10000x128xf32>
    %max3A_76 = arith.constant 0.000000e+00 : f32
    %max3A_77 = vector.broadcast %max3A_76 : f32 to vector<10000x128xf32>
    %max3A_78 = arith.maximumf %add3A_75, %max3A_77 : vector<10000x128xf32>
    %swap3A = arith.constant 0 : index
    %swap3A_79 = arith.constant 0 : index
    %swap3A_80 = vector.load %arg10[%swap3A, %swap3A_79] : memref<10000x128xf32, #tpu.memory_space<vmem>>, vector<10000x128xf32>
    tpu.vector_store %arg10[%swap3A, %swap3A_79], %max3A_78 {strides = array<i32>} : memref<10000x128xf32, #tpu.memory_space<vmem>>, vector<10000x128xf32>,
    %get3A_81 = arith.constant 0 : index
    %get3A_82 = arith.constant 0 : index
    %get3A_83 = vector.load %arg8[%get3A_81, %get3A_82] : memref<128x128xf32, #tpu.memory_space<vmem>>, vector<128x128xf32>
    %dot_general3A_84 = arith.constant dense<0.000000e+00> : vector<10000x128xf32>
    %dot_general3A_85 = tpu.matmul %max3A_78, %get3A_83, %dot_general3A_84 {dimension_numbers = #tpu.dot_dimension_numbers<[1], [0], [0], [1], [0, 0, 1, 1], [], []>, transpose_lhs_hint = false} : vector<10000x128xf32>, vector<128x128xf32>, vector<10000x128xf32> -> vector<10000x128xf32>
    %get3A_86 = arith.constant 0 : index
    %get3A_87 = arith.constant 0 : index
    %get3A_88 = vector.load %arg9[%get3A_86, %get3A_87] : memref<1x128xf32, #tpu.memory_space<vmem>>, vector<1x128xf32>
    %add3A_89 = vector.broadcast %get3A_88 : vector<1x128xf32> to vector<10000x128xf32>
    %add3A_90 = arith.addf %dot_general3A_85, %add3A_89 : vector<10000x128xf32>
    %swap3A_91 = arith.constant 0 : index
    %swap3A_92 = arith.constant 0 : index
    %swap3A_93 = vector.load %arg11[%swap3A_91, %swap3A_92] : memref<10000x128xf32, #tpu.memory_space<vmem>>, vector<10000x128xf32>
    tpu.vector_store %arg11[%swap3A_91, %swap3A_92], %add3A_90 {strides = array<i32>} : memref<10000x128xf32, #tpu.memory_space<vmem>>, vector<10000x128xf32>,
    %swap3A_94 = arith.constant 0 : index
    %swap3A_95 = arith.constant 0 : index
    %swap3A_96 = vector.load %arg12[%swap3A_94, %swap3A_95] : memref<10000x1xf32, #tpu.memory_space<vmem>>, vector<10000x1xf32>
    tpu.vector_store %arg12[%swap3A_94, %swap3A_95], %select_n3A {strides = array<i32>} : memref<10000x1xf32, #tpu.memory_space<vmem>>, vector<10000x1xf32>,
    return
  }
}

module attributes {stable_mosaic.version = 14 : i64} {
  func.func @_combine1_body(%arg0: memref<10000x128xf32, #tpu.memory_space<vmem>>, %arg1: memref<2x10000x64xf32, #tpu.memory_space<vmem>>, %arg2: memref<10000x1xf32, #tpu.memory_space<vmem>>, %arg3: memref<128x128xf32, #tpu.memory_space<vmem>>, %arg4: memref<1x128xf32, #tpu.memory_space<vmem>>, %arg5: memref<1x128xf32, #tpu.memory_space<vmem>>, %arg6: memref<128x64xf32, #tpu.memory_space<vmem>>, %arg7: memref<128x64xf32, #tpu.memory_space<vmem>>, %arg8: memref<1x64xf32, #tpu.memory_space<vmem>>, %arg9: memref<10000x64xf32, #tpu.memory_space<vmem>>, %arg10: memref<10000x64xf32, #tpu.memory_space<vmem>>) attributes {dimension_semantics = [], scalar_prefetch = 0 : i64, scratch_operands = 0 : i64, tpu.core_type = #tpu.core_type<tc>} {
    %get3A = arith.constant 0 : index
    %get3A_0 = arith.constant 0 : index
    %get3A_1 = arith.constant 0 : index
    %get3A_2 = vector.load %arg1[%get3A, %get3A_0, %get3A_1] : memref<2x10000x64xf32, #tpu.memory_space<vmem>>, vector<1x10000x64xf32>
    %get3A_3 = vector.shape_cast %get3A_2 : vector<1x10000x64xf32> to vector<10000x64xf32>
    %get3A_4 = arith.constant 1 : index
    %get3A_5 = arith.constant 0 : index
    %get3A_6 = arith.constant 0 : index
    %get3A_7 = vector.load %arg1[%get3A_4, %get3A_5, %get3A_6] : memref<2x10000x64xf32, #tpu.memory_space<vmem>>, vector<1x10000x64xf32>
    %get3A_8 = vector.shape_cast %get3A_7 : vector<1x10000x64xf32> to vector<10000x64xf32>
    %concatenate3A = tpu.concatenate %get3A_3, %get3A_8 in 1 : vector<10000x64xf32>, vector<10000x64xf32> -> vector<10000x128xf32>
    %get3A_9 = arith.constant 0 : index
    %get3A_10 = arith.constant 0 : index
    %get3A_11 = vector.load %arg2[%get3A_9, %get3A_10] : memref<10000x1xf32, #tpu.memory_space<vmem>>, vector<10000x1xf32>
    %mul3A = vector.broadcast %get3A_11 : vector<10000x1xf32> to vector<10000x128xf32>
    %mul3A_12 = arith.mulf %concatenate3A, %mul3A : vector<10000x128xf32>
    %get3A_13 = arith.constant 0 : index
    %get3A_14 = arith.constant 0 : index
    %get3A_15 = vector.load %arg0[%get3A_13, %get3A_14] : memref<10000x128xf32, #tpu.memory_space<vmem>>, vector<10000x128xf32>
    %get3A_16 = arith.constant 0 : index
    %get3A_17 = arith.constant 0 : index
    %get3A_18 = vector.load %arg3[%get3A_16, %get3A_17] : memref<128x128xf32, #tpu.memory_space<vmem>>, vector<128x128xf32>
    %dot_general3A = arith.constant dense<0.000000e+00> : vector<10000x128xf32>
    %dot_general3A_19 = tpu.matmul %mul3A_12, %get3A_18, %dot_general3A {dimension_numbers = #tpu.dot_dimension_numbers<[1], [0], [0], [1], [0, 0, 1, 1], [], []>, transpose_lhs_hint = false} : vector<10000x128xf32>, vector<128x128xf32>, vector<10000x128xf32> -> vector<10000x128xf32>
    %add3A = arith.addf %get3A_15, %dot_general3A_19 : vector<10000x128xf32>
    %max3A = arith.constant 0.000000e+00 : f32
    %max3A_20 = vector.broadcast %max3A : f32 to vector<10000x128xf32>
    %max3A_21 = arith.maximumf %add3A, %max3A_20 : vector<10000x128xf32>
    %get3A_22 = arith.constant 0 : index
    %get3A_23 = arith.constant 0 : index
    %get3A_24 = vector.load %arg4[%get3A_22, %get3A_23] : memref<1x128xf32, #tpu.memory_space<vmem>>, vector<1x128xf32>
    %get3A_25 = arith.constant 0 : index
    %get3A_26 = arith.constant 0 : index
    %get3A_27 = vector.load %arg5[%get3A_25, %get3A_26] : memref<1x128xf32, #tpu.memory_space<vmem>>, vector<1x128xf32>
    %reduce_sum3A = arith.constant dense<0.000000e+00> : vector<128xf32>
    %reduce_sum3A_28 = vector.multi_reduction <add>, %max3A_21, %reduce_sum3A [0] : vector<10000x128xf32> to vector<128xf32>
    %broadcast_in_dim3A = vector.shape_cast %reduce_sum3A_28 : vector<128xf32> to vector<1x128xf32>
    %div3A = arith.constant 1.000000e+04 : f32
    %div3A_29 = vector.broadcast %div3A : f32 to vector<1x128xf32>
    %div3A_30 = arith.divf %broadcast_in_dim3A, %div3A_29 : vector<1x128xf32>
    %sub3A = vector.broadcast %div3A_30 : vector<1x128xf32> to vector<10000x128xf32>
    %sub3A_31 = arith.subf %max3A_21, %sub3A : vector<10000x128xf32>
    %integer_pow3A = arith.mulf %sub3A_31, %sub3A_31 : vector<10000x128xf32>
    %reduce_sum3A_32 = arith.constant dense<0.000000e+00> : vector<128xf32>
    %reduce_sum3A_33 = vector.multi_reduction <add>, %integer_pow3A, %reduce_sum3A_32 [0] : vector<10000x128xf32> to vector<128xf32>
    %broadcast_in_dim3A_34 = vector.shape_cast %reduce_sum3A_33 : vector<128xf32> to vector<1x128xf32>
    %div3A_35 = arith.constant 1.000000e+04 : f32
    %div3A_36 = vector.broadcast %div3A_35 : f32 to vector<1x128xf32>
    %div3A_37 = arith.divf %broadcast_in_dim3A_34, %div3A_36 : vector<1x128xf32>
    %sub3A_38 = vector.broadcast %div3A_30 : vector<1x128xf32> to vector<10000x128xf32>
    %sub3A_39 = arith.subf %max3A_21, %sub3A_38 : vector<10000x128xf32>
    %add3A_40 = arith.constant 9.99999974E-6 : f32
    %add3A_41 = vector.broadcast %add3A_40 : f32 to vector<1x128xf32>
    %add3A_42 = arith.addf %div3A_37, %add3A_41 : vector<1x128xf32>
    %rsqrt3A = math.rsqrt %add3A_42 : vector<1x128xf32>
    %mul3A_43 = vector.broadcast %rsqrt3A : vector<1x128xf32> to vector<10000x128xf32>
    %mul3A_44 = arith.mulf %sub3A_39, %mul3A_43 : vector<10000x128xf32>
    %mul3A_45 = vector.broadcast %get3A_24 : vector<1x128xf32> to vector<10000x128xf32>
    %mul3A_46 = arith.mulf %mul3A_44, %mul3A_45 : vector<10000x128xf32>
    %add3A_47 = vector.broadcast %get3A_27 : vector<1x128xf32> to vector<10000x128xf32>
    %add3A_48 = arith.addf %mul3A_46, %add3A_47 : vector<10000x128xf32>
    %max3A_49 = arith.constant 0.000000e+00 : f32
    %max3A_50 = vector.broadcast %max3A_49 : f32 to vector<10000x128xf32>
    %max3A_51 = arith.maximumf %add3A_48, %max3A_50 : vector<10000x128xf32>
    %get3A_52 = arith.constant 0 : index
    %get3A_53 = arith.constant 0 : index
    %get3A_54 = vector.load %arg6[%get3A_52, %get3A_53] : memref<128x64xf32, #tpu.memory_space<vmem>>, vector<128x64xf32>
    %dot_general3A_55 = arith.constant dense<0.000000e+00> : vector<10000x64xf32>
    %dot_general3A_56 = tpu.matmul %max3A_51, %get3A_54, %dot_general3A_55 {dimension_numbers = #tpu.dot_dimension_numbers<[1], [0], [0], [1], [0, 0, 1, 1], [], []>, transpose_lhs_hint = false} : vector<10000x128xf32>, vector<128x64xf32>, vector<10000x64xf32> -> vector<10000x64xf32>
    %swap3A = arith.constant 0 : index
    %swap3A_57 = arith.constant 0 : index
    %swap3A_58 = vector.load %arg9[%swap3A, %swap3A_57] : memref<10000x64xf32, #tpu.memory_space<vmem>>, vector<10000x64xf32>
    tpu.vector_store %arg9[%swap3A, %swap3A_57], %dot_general3A_56 {strides = array<i32>} : memref<10000x64xf32, #tpu.memory_space<vmem>>, vector<10000x64xf32>,
    %get3A_59 = arith.constant 0 : index
    %get3A_60 = arith.constant 0 : index
    %get3A_61 = vector.load %arg7[%get3A_59, %get3A_60] : memref<128x64xf32, #tpu.memory_space<vmem>>, vector<128x64xf32>
    %dot_general3A_62 = arith.constant dense<0.000000e+00> : vector<10000x64xf32>
    %dot_general3A_63 = tpu.matmul %max3A_51, %get3A_61, %dot_general3A_62 {dimension_numbers = #tpu.dot_dimension_numbers<[1], [0], [0], [1], [0, 0, 1, 1], [], []>, transpose_lhs_hint = false} : vector<10000x128xf32>, vector<128x64xf32>, vector<10000x64xf32> -> vector<10000x64xf32>
    %get3A_64 = arith.constant 0 : index
    %get3A_65 = arith.constant 0 : index
    %get3A_66 = vector.load %arg8[%get3A_64, %get3A_65] : memref<1x64xf32, #tpu.memory_space<vmem>>, vector<1x64xf32>
    %add3A_67 = vector.broadcast %get3A_66 : vector<1x64xf32> to vector<10000x64xf32>
    %add3A_68 = arith.addf %dot_general3A_63, %add3A_67 : vector<10000x64xf32>
    %swap3A_69 = arith.constant 0 : index
    %swap3A_70 = arith.constant 0 : index
    %swap3A_71 = vector.load %arg10[%swap3A_69, %swap3A_70] : memref<10000x64xf32, #tpu.memory_space<vmem>>, vector<10000x64xf32>
    tpu.vector_store %arg10[%swap3A_69, %swap3A_70], %add3A_68 {strides = array<i32>} : memref<10000x64xf32, #tpu.memory_space<vmem>>, vector<10000x64xf32>,
    return
  }
}

module attributes {stable_mosaic.version = 14 : i64} {
  func.func @_final_body(%arg0: memref<10000x64xf32, #tpu.memory_space<vmem>>, %arg1: memref<2x10000x32xf32, #tpu.memory_space<vmem>>, %arg2: memref<10000x1xf32, #tpu.memory_space<vmem>>, %arg3: memref<1x64xf32, #tpu.memory_space<vmem>>) attributes {dimension_semantics = [], scalar_prefetch = 0 : i64, scratch_operands = 0 : i64, tpu.core_type = #tpu.core_type<tc>} {
    %get3A = arith.constant 0 : index
    %get3A_0 = arith.constant 0 : index
    %get3A_1 = vector.load %arg0[%get3A, %get3A_0] : memref<10000x64xf32, #tpu.memory_space<vmem>>, vector<10000x64xf32>
    %get3A_2 = arith.constant 0 : index
    %get3A_3 = arith.constant 0 : index
    %get3A_4 = arith.constant 0 : index
    %get3A_5 = vector.load %arg1[%get3A_2, %get3A_3, %get3A_4] : memref<2x10000x32xf32, #tpu.memory_space<vmem>>, vector<1x10000x32xf32>
    %get3A_6 = vector.shape_cast %get3A_5 : vector<1x10000x32xf32> to vector<10000x32xf32>
    %get3A_7 = arith.constant 1 : index
    %get3A_8 = arith.constant 0 : index
    %get3A_9 = arith.constant 0 : index
    %get3A_10 = vector.load %arg1[%get3A_7, %get3A_8, %get3A_9] : memref<2x10000x32xf32, #tpu.memory_space<vmem>>, vector<1x10000x32xf32>
    %get3A_11 = vector.shape_cast %get3A_10 : vector<1x10000x32xf32> to vector<10000x32xf32>
    %concatenate3A = tpu.concatenate %get3A_6, %get3A_11 in 1 : vector<10000x32xf32>, vector<10000x32xf32> -> vector<10000x64xf32>
    %get3A_12 = arith.constant 0 : index
    %get3A_13 = arith.constant 0 : index
    %get3A_14 = vector.load %arg2[%get3A_12, %get3A_13] : memref<10000x1xf32, #tpu.memory_space<vmem>>, vector<10000x1xf32>
    %mul3A = vector.broadcast %get3A_14 : vector<10000x1xf32> to vector<10000x64xf32>
    %mul3A_15 = arith.mulf %concatenate3A, %mul3A : vector<10000x64xf32>
    %add3A = arith.addf %get3A_1, %mul3A_15 : vector<10000x64xf32>
    %reduce_sum3A = arith.constant dense<0.000000e+00> : vector<64xf32>
    %reduce_sum3A_16 = vector.multi_reduction <add>, %add3A, %reduce_sum3A [0] : vector<10000x64xf32> to vector<64xf32>
    %broadcast_in_dim3A = vector.shape_cast %reduce_sum3A_16 : vector<64xf32> to vector<1x64xf32>
    %div3A = arith.constant 1.000000e+04 : f32
    %div3A_17 = vector.broadcast %div3A : f32 to vector<1x64xf32>
    %div3A_18 = arith.divf %broadcast_in_dim3A, %div3A_17 : vector<1x64xf32>
    %reduce_max3A = arith.constant dense<0xFF800000> : vector<1xf32>
    %reduce_max3A_19 = vector.multi_reduction <maximumf>, %div3A_18, %reduce_max3A [1] : vector<1x64xf32> to vector<1xf32>
    %broadcast_in_dim3A_20 = vector.shape_cast %reduce_max3A_19 : vector<1xf32> to vector<1x1xf32>
    %sub3A = vector.broadcast %broadcast_in_dim3A_20 : vector<1x1xf32> to vector<1x64xf32>
    %sub3A_21 = arith.subf %div3A_18, %sub3A : vector<1x64xf32>
    %exp3A = math.exp %sub3A_21 : vector<1x64xf32>
    %reduce_sum3A_22 = arith.constant dense<0.000000e+00> : vector<1xf32>
    %reduce_sum3A_23 = vector.multi_reduction <add>, %exp3A, %reduce_sum3A_22 [1] : vector<1x64xf32> to vector<1xf32>
    %broadcast_in_dim3A_24 = vector.shape_cast %reduce_sum3A_23 : vector<1xf32> to vector<1x1xf32>
    %div3A_25 = vector.broadcast %broadcast_in_dim3A_24 : vector<1x1xf32> to vector<1x64xf32>
    %div3A_26 = arith.divf %exp3A, %div3A_25 : vector<1x64xf32>
    %swap3A = arith.constant 0 : index
    %swap3A_27 = arith.constant 0 : index
    %swap3A_28 = vector.load %arg3[%swap3A, %swap3A_27] : memref<1x64xf32, #tpu.memory_space<vmem>>, vector<1x64xf32>
    tpu.vector_store %arg3[%swap3A, %swap3A_27], %div3A_26 {strides = array<i32>} : memref<1x64xf32, #tpu.memory_space<vmem>>, vector<1x64xf32>,
    return
  }
}

</mosaic_0001>

<sc_bundles>
// kernel: kernel.11.cloned.1.call-start
scs
__scs_entry_jumppad:
0x0: {  	(pc) =	sbr.rel $0x88, $3  }
0x1: {  	(tag) =	ssettag $0x0;
	lr =	simm.s32 $0x1  }
0x2: {  	[smem:$0x3F92] =	sst lr;
	_ =	strace $0xD0000000  }
0x3: {  	_ = 	snop  }
0x4: {  	_ = 	snop  }
0x5: {  	_ = 	snop  }
0x6: {  	_ = 	snop  }
0x7: {  	_ = 	snop  }
__scs_overlays_trampoline_lowered:
0x8: {  	[smem:$0x3FA1] =	sst s0  }
0x9: {  	[smem:$0x3FA2] =	sst s1  }
0xa: {  	[smem:$0x3FA3] =	sst s2  }
0xb: {  	[smem:$0x3FA4] =	sst s3  }
0xc: {  	[smem:$0x3FA5] =	sst s4  }
0xd: {  	[smem:$0x3FA6] =	sst s5  }
0xe: {  	[smem:$0x3FA7] =	sst s6  }
0xf: {  	[smem:$0x3FA8] =	sst s7  }
0x10: {  	[smem:$0x3FA9] =	sst s8  }
0x11: {  	[smem:$0x3FAA] =	sst s9;
	s0 =	simm.s32 @!p0 $0x0  }
0x12: {  	s1 =	sld [smem:$0x3F90];
	s0 =	simm.s32 @p0 $0x1  }
0x13: {  	[smem:$0x3FAB] =	sst s0;
	s0 =	simm.s32 @!p1 $0x0  }
0x14: {  	s2 =	sld [smem:$0x3F8F];
	s0 =	simm.s32 @p1 $0x1  }
0x15: {  	[smem:$0x3FAC] =	sst s0;
	s0 =	simm.s32 @!p2 $0x0  }
0x16: {  	s3 =	sld [smem:$0x3FDB];
	s0 =	simm.s32 @p2 $0x1  }
0x17: {  	s4 =	simm.s32 $0x1BF5;
	[smem:$0x3FAE] =	sst s0  }
0x18: {  	s0 =	sld [smem:$0x3F91];
	_ =	swait.ge [sflag:s4], $0x0  }
0x19: {  	s7 =	sld [smem:$0x3F92]  }
0x1a: {  	s8 =	sadd.s32 $0xFFFFE003, lr  }
0x1b: {  	s9 =	sadd.s32 $0xFFFFFEF7, lr;
	s5 =	simm.s32 $0xFFFFFFFF;
	p2 =	slt.u32 s8, $0xFFFFF086  }
0x1c: {  	p1 =	slt.u32 s9, $0xF7A;
	s5 =	simm.s32 @!p2 $0x0  }
0x1d: {  	s5 =	simm.s32 @p1 $0x1;
	p0 =	seq.s32 s7, s2  }
0x1e: {  	s7 =	smul.u32 @!p0 $0xF7A, s2;
	p2 =	seq.s32 @!p0 s5, $0x0  }
0x1f: {  	s9 =	smul.u32 $0xF7A, s1;
	s8 =	simm.s32 @!p0 $0x1BF5;
	p2 =	por !p2, p0  }
0x20: {  	[sflag:s8] =	ssyncset.s32 @!p0 $0xFFFFF086;
	s6 =	sadd.s32 @!p0 s3, s7;
	s7 =	simm.s32 @!p0 $0x108  }
0x21: {  	s3 =	sadd.s32 s3, s9;
	s6 =	sadd.s32 @!p0 $0x88, s6;
	s7 =	simm.s32 @p2 $0x1082  }
0x22: {  	[simem:s7], [sflag:s8] =	dma.local @!p0 [hbm:s6], $0xF7A  }
0x23: {  	s9 =	sor.u32 $0xD0000000, s2;
	s6 =	simm.s32 $0x108;
	_ =	swait.ge @!p0 [sflag:s8], $0x0  }
0x24: {  	s3 =	sadd.s32 $0x88, s3;
	s6 =	simm.s32 @!p1 $0x1082;
	[sflag:s4] =	ssyncset.s32 $0xFFFFF086  }
0x25: {  	[simem:s6], [sflag:s4] =	dma.local [hbm:s3], $0xF7A  }
0x26: {  	[smem:$0x3F92] =	sst s1;
	(tag) =	ssettag s2;
	_ =	strace s9  }
0x27: {  	s1 =	sld [smem:$0x3FA2]  }
0x28: {  	s2 =	sld [smem:$0x3FA3]  }
0x29: {  	s4 =	sld [smem:$0x3FA5]  }
0x2a: {  	p0 =	seq.s32 s5, $0x0;
	s5 =	sld [smem:$0x3FA6]  }
0x2b: {  	s6 =	sld [smem:$0x3FA7]  }
0x2c: {  	s7 =	sld [smem:$0x3FA8]  }
0x2d: {  	s3 =	simm.s32 $0x108;
	s8 =	sld [smem:$0x3FA9]  }
0x2e: {  	s3 =	simm.s32 @!p0 $0x1082;
	s9 =	sld [smem:$0x3FAA]  }
0x2f: {  	lr =	sadd.s32 s0, s3;
	s0 =	sld [smem:$0x3FA1]  }
0x30: {  	s3 =	sld [smem:$0x3FA4]  }
0x31: {  	[smem:$0x3FAD] =	sst s10  }
0x32: {  	s10 =	sld [smem:$0x3FAB];
	_ =	sdelay $0x3  }
0x33: {  	p0 =	seq.s32 s10, $0x1;
	s10 =	sld [smem:$0x3FAD];
	_ =	sdelay $0x3  }
0x34: {  	[smem:$0x3FAD] =	sst s10  }
0x35: {  	s10 =	sld [smem:$0x3FAC];
	_ =	sdelay $0x3  }
0x36: {  	p1 =	seq.s32 s10, $0x1;
	s10 =	sld [smem:$0x3FAD];
	_ =	sdelay $0x3  }
0x37: {  	[smem:$0x3FAD] =	sst s10  }
0x38: {  	s10 =	sld [smem:$0x3FAE]  }
0x39: {  	_ = 	snop;
	(pc) =	sbr.ind lr, $3  }
0x3a: {  	_ = 	snop  }
0x3b: {  	_ = 	snop  }
0x3c: {  	p2 =	seq.s32 s10, $0x1;
	s10 =	sld [smem:$0x3FAD]  }
0x3d: {  	_ =	shalt  }
0x3e: {  	_ =	shalt  }
0x3f: {  	_ =	shalt  }
0x40: {  	_ =	shalt  }
0x41: {  	_ =	shalt  }
0x42: {  	_ =	shalt  }
0x43: {  	_ =	shalt  }
0x44: {  	_ =	shalt  }
0x45: {  	_ =	shalt  }
0x46: {  	_ =	shalt  }
0x47: {  	_ =	shalt  }
0x48: {  	_ =	shalt  }
0x49: {  	_ =	shalt  }
0x4a: {  	_ =	shalt  }
0x4b: {  	_ =	shalt  }
0x4c: {  	_ =	shalt  }
0x4d: {  	_ =	shalt  }
0x4e: {  	_ =	shalt  }
0x4f: {  	_ =	shalt  }
0x50: {  	_ =	shalt  }
0x51: {  	_ =	shalt  }
0x52: {  	_ =	shalt  }
0x53: {  	_ =	shalt  }
0x54: {  	_ =	shalt  }
0x55: {  	_ =	shalt  }
0x56: {  	_ =	shalt  }
0x57: {  	_ =	shalt  }
0x58: {  	_ =	shalt  }
0x59: {  	_ =	shalt  }
0x5a: {  	_ =	shalt  }
0x5b: {  	_ =	shalt  }
0x5c: {  	_ =	shalt  }
0x5d: {  	_ =	shalt  }
0x5e: {  	_ =	shalt  }
0x5f: {  	_ =	shalt  }
0x60: {  	_ =	shalt  }
0x61: {  	_ =	shalt  }
0x62: {  	_ =	shalt  }
0x63: {  	_ =	shalt  }
0x64: {  	_ =	shalt  }
0x65: {  	_ =	shalt  }
0x66: {  	_ =	shalt  }
0x67: {  	_ =	shalt  }
0x68: {  	_ =	shalt  }
0x69: {  	_ =	shalt  }
0x6a: {  	_ =	shalt  }
0x6b: {  	_ =	shalt  }
0x6c: {  	_ =	shalt  }
0x6d: {  	_ =	shalt  }
0x6e: {  	_ =	shalt  }
0x6f: {  	_ =	shalt  }
0x70: {  	_ =	shalt  }
0x71: {  	_ =	shalt  }
0x72: {  	_ =	shalt  }
0x73: {  	_ =	shalt  }
0x74: {  	_ =	shalt  }
0x75: {  	_ =	shalt  }
0x76: {  	_ =	shalt  }
0x77: {  	_ =	shalt  }
0x78: {  	_ =	shalt  }
0x79: {  	_ =	shalt  }
0x7a: {  	_ =	shalt  }
0x7b: {  	_ =	shalt  }
0x7c: {  	_ =	shalt  }
0x7d: {  	_ =	shalt  }
0x7e: {  	_ =	shalt  }
0x7f: {  	_ =	shalt  }
0x80: {  	_ =	shalt  }
0x81: {  	_ =	shalt  }
0x82: {  	_ =	shalt  }
0x83: {  	_ =	shalt  }
0x84: {  	_ =	shalt  }
0x85: {  	_ =	shalt  }
0x86: {  	_ =	shalt  }
0x87: {  	_ =	shalt  }
.Lfunc_end0:
.L_simem_size_0:
called_computation.1_lowered:
.L_overlay_start_0:
0x88: {  	s2 =	sld [smem:$0x3FD9]  }
0x89: {  	s3 =	sld [smem:$0x3FFE];
	_ =	sdelay $0x1  }
0x8a: {  	s1 =	srdreg.scid  }
0x8b: {  	s0 =	sand.u32 $0x1, s1  }
0x8c: {  	s16 =	sshll.u32 s0, $0xA;
	s2 =	sadd.s32 s3, s2  }
0x8d: {  	s2 =	sadd.s32 s2, s16  }
0x8e: {  	[smem:$0x3FB9] =	sst s2  }
0x8f: {  	_ = 	snop  }
0x90: {  	(tm) =	ssettm $0x1  }
0x91: {  	s17 =	sld [smem:$0x3FFB];
	_ =	sdelay $0x3  }
0x92: {  	_ =	strace s17  }
0x93: {  	s2 =	sld [smem:$0x3FFC];
	_ =	sdelay $0x3  }
0x94: {  	_ =	strace s2  }
0x95: {  	s2 =	sld [smem:$0x3FFD];
	_ =	sdelay $0x3  }
0x96: {  	_ =	strace s2  }
0x97: {  	_ =	strace $0x8FFFFFFF  }
0x98: {  	s18 =	sld [smem:$0x3FDB];
	_ =	sdelay $0x1  }
0x99: {  	s19 =	simm.s32 $_scs_section_size  }
0x9a: {  	s4 =	simm.s32 $_size__tile_overlayer_lowered;
	s5 =	simm.s32 $_tile_overlayer_lowered  }
0x9b: {  	s22 =	simm.s32 $0x1BFF;
	s21 =	sshll.u32 s5, $0x1;
	s2 =	sadd.s32 s19, s18  }
0x9c: {  	s6 =	simm.s32 $0x0;
	s20 =	sshll.u32 s4, $0x1;
	s4 =	sadd.s32 s21, s2  }
0x9d: {  	[timem:s6], [sflag:s22] =	dma.local [hbm:s4], s20  }
0x9e: {  	_ =	swait.ge [sflag:s22], s20  }
0x9f: {  	s3 =	ssub.s32 $0x0, s20;
	[sflag:s22] =	ssyncset.done $0x0  }
0xa0: {  	[sflag:s22] =	ssyncadd.s32 s3;
	_ =	sdelay $0x1  }
0xa1: {  	s23 =	simm.s32 $0x1B8B  }
0xa2: {  	_ =	swait.ge [sflag:s23], $0x1  }
0xa3: {  	[sflag:s23] =	ssyncset.done $0x0  }
0xa4: {  	s25 =	simm.s32 $0x1B8E;
	s24 =	sld [smem:$0x3FFE];
	[sflag:s23] =	ssyncadd.s32 $0xFFFFFFFF  }
0xa5: {  	s26 =	simm.s32 $execute0_lowered;
	[smem:$0x3FD2] =	sst s25  }
0xa6: {  	s4 =	sshll.u32 s26, $0x1;
	_ =	strace $0x80000049;
	[dreg:$0x1] =	wrdreg $0xFFFFFFFF  }
0xa7: {  	s28 =	simm.s32 $_size_execute0_lowered;
	s2 =	sadd.s32 s2, s4;
	[dreg:$0x0] =	wrdreg $0x0  }
0xa8: {  	s4 =	sshll.u32 s28, $0x1;
	[dreg:$0x2] =	wrdreg s2  }
0xa9: {  	[dreg:$0x3] =	wrdreg s4  }
0xaa: {  	[dreg:$0x4] =	wrdreg $0xC0  }
0xab: {  	_ =	task [dreg:s6], $0x5FFFF  }
0xac: {  	[dreg:$0x1] =	wrdreg $0xFFFFFFFF  }
0xad: {  	[dreg:$0x0] =	wrdreg $0x60  }
0xae: {  	[dreg:$0x2] =	wrdreg s24  }
0xaf: {  	[dreg:$0x3] =	wrdreg $0x131000  }
0xb0: {  	[dreg:$0x4] =	wrdreg $0x9  }
0xb1: {  	_ =	task.clear_ibuf [dreg:s6], $0x5FFFF;
	_ =	strace $0x90000049  }
0xb2: {  	s29 =	simm.s32 $0x9;
	_ =	strace $0x8000004B  }
0xb3: {  	_ =	swait.ge [sflag:s29], $0x1  }
0xb4: {  	[sflag:s29] =	ssyncadd.s32 $0xFFFFFFFF  }
0xb5: {  	_ =	strace $0x9000004B  }
0xb6: {  	_ =	sfence  }
0xb7: {  	s30 =	sld [smem:$0x0];
	_ =	sdelay $0x2  }
0xb8: {  	s31 =	sshll.u32 s1, $0xD;
	s1 =	sshrl.u32 s1, $0x2  }
0xb9: {  	s3 =	sand.u32 $0x4000, s31;
	s1 =	sadd.s32 s1, s30  }
0xba: {  	s0 =	sor.u32 s3, s0;
	s1 =	sshll.u32 s1, $0x11  }
0xbb: {  	s0 =	sor.u32 s1, s0  }
0xbc: {  	s0 =	sadd.s32 $0x8F2B, s0  }
0xbd: {  	[sflag:s0] =	ssyncadd.remote.s32 $0x1  }
0xbe: {  	_ =	sfence.sel $0xFFFF  }
0xbf: {  	[dreg:$0x0] =	wrdreg $0xFFFFFFFF;
	(pc) =	sbr.abs _section_cstart, $3  }
0xc0: {  	[dreg:$0x1] =	wrdreg $0xFFFFFFFF  }
0xc1: {  	_ =	task.clear_ibuf [dreg:s6], $0x2FFFF;
	_ =	strace $0x9FFFFFFF  }
0xc2: {  	(tm) =	ssettm $0x7FFFFFFF  }
0xc3: {  	_ =	shalt  }
tec
execute0_lowered:
.L_overlay_start_1:
0x0: {  	(tag) =	ssettag $0x1  }
0x1: {  	s0 =	rddreg [dreg:$0x0]  }
0x2: {  	s2 =	rddreg [dreg:$0x1]  }
0x3: {  	s3 =	stileid.u32;
	s1 =	srdreg.scid  }
0x4: {  	s4 =	simm.s32 $0x0;
	s13 =	simm.s32 $0x11D00;
	s14 =	simm.s32 $0xA  }
0x5: {  	s15 =	simm.s32 $0x9;
	s16 =	simm.s32 $0x7D;
	s17 =	simm.s32 $0xA000  }
0x6: {  	s19 =	simm.s32 $0xBF40;
	s21 =	simm.s32 $0xDE80;
	s28 =	simm.s32 $0x1  }
0x7: {  	s29 =	simm.s32 $0x2;
	s30 =	simm.s32 $0x3;
	s31 =	simm.s32 $0x4  }
0x8: {  	s18 =	simm.s32 $0x8;
	s20 =	simm.s32 $0x0;
	s5 =	smul.u32 $0xA00, s3  }
0x9: {  	s1 =	sand.u32 $0x1, s1;
	[smem:$0x7FF] =	sst s4;
	s26 =	smul.u32 $0xA000, s3  }
0xa: {  	s4 =	sadd.s32 $0x20C00, s0;
	p0 =	seq.s32 s3, $0xF;
	s11 =	smul.u32 $0x28000, s3  }
0xb: {  	s12 =	sadd.s32 $0x96000, s2;
	s6 =	smul.u32 $0x13880, s1;
	_ =	strace $0x8000004A  }
0xc: {  	s7 =	ssub.s32 $0x2, s1;
	s1 =	smul.u32 $0xA000, s1;
	s23 =	sshrl.u32 @p0 s12, $0x3  }
0xd: {  	s12 =	simm.s32 $0x7;
	s8 =	sadd.s32 s5, s0;
	s25 =	sshrl.u32 s7, $0x1  }
0xe: {  	s11 =	sshrl.u32 s11, $0x2;
	s0 =	sadd.s32 s6, s0;
	s10 =	ssub.s32 s7, s25  }
0xf: {  	s1 =	sadd.s32 s1, s8;
	s6 =	sadd.s32 $0x16C00, s8;
	s7 =	simm.s32 $0x5  }
0x10: {  	s8 =	simm.s32 $0x5;
	s11 =	sadd.s32 s11, s2;
	s5 =	sadd.s32 $0x2C00, s1  }
0x11: {  	s7 =	simm.s32 @!p0 $0x8;
	s9 =	sadd.s32 $0x47E00, s0;
	s0 =	sshrl.u32 s26, $0x3  }
0x12: {  	s1 =	sadd.s32 s26, s2;
	s10 =	smax.u32 s10, $0x1;
	s26 =	simm.s32 $0xFDC0  }
0x13: {  	v0 =	vimm.f32 $0.0e+00;
	s24 =	sadd.s32 @!p0 s0, s9;
	s25 =	sshrl.u32 @!p0 s1, $0x3;
	s0 =	simm.s32 $0x6  }
.LBB2_1:
0x14: {  	s1 =	simm.s32 $0x0  }
0x15: {  	[tilespmem:s1], [sflag:$0x9] =	stream.linear.gather [hbm4b:s5+s1], $0x5000, $0x38;
	[tilespmem:$0x1CD40] =	vst v63  }
0x16: {  	s3 =	simm.s32 $0x5000  }
0x17: {  	[tilespmem:s3], [sflag:$0x9] =	stream.linear.gather [hbm4b:s6+s1], $0x5000, $0x38;
	[tilespmem:$0x1CD40] =	vst v63  }
0x18: {  	s22 =	simm.s32 $0x100;
	s1 =	simm.s32 $0x0  }
.LBB2_2:
0x19: {  	p1 =	sne.s32 s22, $0x4F00;
	[tilespmem:s1+$0x11D30] =	vst v0;
	s3 =	smov.u32 s22;
	s22 =	sadd.s32 $0x100, s22  }
.Ltmp0:
0x1a: {  	[tilespmem:s1+$0x11D20] =	vst v0;
	(pc) =	sbr.rel @p1 .LBB2_2-.Ltmp0, $3  }
0x1b: {  	[tilespmem:s1+$0x11D00] =	vst v0  }
0x1c: {  	[tilespmem:s1+$0x11D10] =	vst v0;
	_ =	sdelay $0x1  }
0x1d: {  	s1 =	sshra.s32 s3, $0x2  }
0x1e: {  	[tilespmem:s1+$0x11D30] =	vst v0  }
0x1f: {  	[tilespmem:s1+$0x11D20] =	vst v0;
	p1 =	sne.s32 s7, $0x1  }
.Ltmp1:
0x20: {  	[tilespmem:s1+$0x11D00] =	vst v0;
	(pc) =	sbr.rel @!p1 .LBB2_5-.Ltmp1, $4  }
0x21: {  	[tilespmem:s1+$0x11D10] =	vst v0  }
0x22: {  	[spmem:s11] =	stream.linear.scatter [tilespmem:s13], [sflag:$0xA], $0x1400, $0x38;
	[tilespmem:$0x1CD40] =	vst v63  }
0x23: {  	_ =	swait.ge [sflag:s14], $0x1400  }
0x24: {  	s1 =	sadd.s32 $0xFFFFFFFF, s7;
	s22 =	smov.u32 s11;
	[sflag:s14] =	ssyncset.done $0x0  }
.LBB2_4:
0x25: {  	p1 =	sne.s32 s1, $0x1;
	[sflag:s14] =	ssyncadd.s32 $0xFFFFEC00;
	s22 =	sadd.s32 $0x1400, s22  }
.Ltmp2:
0x26: {  	s1 =	sadd.s32 $0xFFFFFFFF, s1;
	(pc) =	sbr.rel @p1 .LBB2_4-.Ltmp2, $4  }
0x27: {  	_ = 	snop  }
0x28: {  	[spmem:s22] =	stream.linear.scatter [tilespmem:s13], [sflag:$0xA], $0x1400, $0x38;
	[tilespmem:$0x1CD40] =	vst v63  }
0x29: {  	_ =	swait.ge [sflag:s14], $0x1400  }
0x2a: {  	[sflag:s14] =	ssyncset.done $0x0  }
.LBB2_5:
0x2b: {  	[sflag:s14] =	ssyncadd.s32 $0xFFFFEC00  }
0x2c: {  	[bflag:$0x0] =	sbarrier.arrive $0xFFFF  }
0x2d: {  	_ =	swait.ge [sflag:s15], $0x5000  }
0x2e: {  	[sflag:s15] =	ssyncset.done $0x0  }
0x2f: {  	[sflag:s15] =	ssyncadd.s32 $0xFFFFB000  }
0x30: {  	_ =	swait.ge [sflag:s15], $0x5000  }
0x31: {  	[sflag:s15] =	ssyncset.done $0x0  }
0x32: {  	s1 =	simm.s32 $0x0;
	[sflag:s15] =	ssyncadd.s32 $0xFFFFB000  }
0x33: {  	[tilespmem:s17], [sflag:$0x1] =	stream.indirect.gather [hbm4b:s4+s16], $0x40, s1, s16, $0xb8;
	[tilespmem:$0x1CD40] =	vst v63  }
0x34: {  	s3 =	simm.s32 $0x80  }
0x35: {  	[tilespmem:s19], [sflag:$0x2] =	stream.indirect.gather [hbm4b:s4+s16], $0x40, s3, s16, $0xb8;
	[tilespmem:$0x1CD40] =	vst v63  }
0x36: {  	s22 =	simm.s32 $0x100  }
0x37: {  	[tilespmem:s21], [sflag:$0x3] =	stream.indirect.gather [hbm4b:s4+s16], $0x40, s22, s16, $0xb8;
	[tilespmem:$0x1CD40] =	vst v63  }
0x38: {  	s3 =	simm.s32 $0x180  }
0x39: {  	[tilespmem:s26], [sflag:$0x4] =	stream.indirect.gather [hbm4b:s4+s16], $0x40, s3, s16, $0xb8;
	[tilespmem:$0x1CD40] =	vst v63  }
0x3a: {  	_ =	swait.ge [sflag:s28], $0x1F40  }
0x3b: {  	[sflag:s28] =	ssyncset.done $0x0  }
0x3c: {  	s22 =	simm.s32 $0x5000;
	[sflag:s28] =	ssyncadd.s32 $0xFFFFE0C0  }
0x3d: {  	[spmem:s2] =	stream.indirect.scatter.add.f32 [tilespmem:s17], [sflag:$0x5], $0x40, s22, s16, $0xb8;
	[tilespmem:$0x1CD40] =	vst v63  }
0x3e: {  	_ =	swait.ge [sflag:s29], $0x1F40  }
0x3f: {  	[sflag:s29] =	ssyncset.done $0x0  }
0x40: {  	s3 =	simm.s32 $0x5080;
	[sflag:s29] =	ssyncadd.s32 $0xFFFFE0C0  }
0x41: {  	[spmem:s2] =	stream.indirect.scatter.add.f32 [tilespmem:s19], [sflag:$0x6], $0x40, s3, s16, $0xb8;
	[tilespmem:$0x1CD40] =	vst v63  }
0x42: {  	_ =	swait.ge [sflag:s30], $0x1F40  }
0x43: {  	[sflag:s30] =	ssyncset.done $0x0  }
0x44: {  	s22 =	simm.s32 $0x5100;
	[sflag:s30] =	ssyncadd.s32 $0xFFFFE0C0  }
0x45: {  	[spmem:s2] =	stream.indirect.scatter.add.f32 [tilespmem:s21], [sflag:$0x7], $0x40, s22, s16, $0xb8;
	[tilespmem:$0x1CD40] =	vst v63  }
0x46: {  	_ =	swait.ge [sflag:s31], $0x1F40  }
0x47: {  	[sflag:s31] =	ssyncset.done $0x0  }
0x48: {  	s3 =	simm.s32 $0x5180;
	[sflag:s31] =	ssyncadd.s32 $0xFFFFE0C0  }
0x49: {  	[spmem:s2] =	stream.indirect.scatter.add.f32 [tilespmem:s26], [sflag:$0x8], $0x40, s3, s16, $0xb8;
	[tilespmem:$0x1CD40] =	vst v63  }
0x4a: {  	_ =	swait.ge [sflag:s8], $0x1F40  }
0x4b: {  	[sflag:s8] =	ssyncset.done $0x0  }
0x4c: {  	s22 =	simm.s32 $0x200;
	[sflag:s8] =	ssyncadd.s32 $0xFFFFE0C0  }
0x4d: {  	[tilespmem:s17], [sflag:$0x1] =	stream.indirect.gather [hbm4b:s4+s16], $0x40, s22, s16, $0xb8;
	[tilespmem:$0x1CD40] =	vst v63  }
0x4e: {  	_ =	swait.ge [sflag:s0], $0x1F40  }
0x4f: {  	[sflag:s0] =	ssyncset.done $0x0  }
0x50: {  	s3 =	simm.s32 $0x280;
	[sflag:s0] =	ssyncadd.s32 $0xFFFFE0C0  }
0x51: {  	[tilespmem:s19], [sflag:$0x2] =	stream.indirect.gather [hbm4b:s4+s16], $0x40, s3, s16, $0xb8;
	[tilespmem:$0x1CD40] =	vst v63  }
0x52: {  	_ =	swait.ge [sflag:s12], $0x1F40  }
0x53: {  	[sflag:s12] =	ssyncset.done $0x0  }
0x54: {  	s22 =	simm.s32 $0x300;
	[sflag:s12] =	ssyncadd.s32 $0xFFFFE0C0  }
0x55: {  	[tilespmem:s21], [sflag:$0x3] =	stream.indirect.gather [hbm4b:s4+s16], $0x40, s22, s16, $0xb8;
	[tilespmem:$0x1CD40] =	vst v63  }
0x56: {  	_ =	swait.ge [sflag:s18], $0x1F40  }
0x57: {  	[sflag:s18] =	ssyncset.done $0x0  }
0x58: {  	s1 =	simm.s32 $0x380;
	s22 =	simm.s32 $0x800;
	[sflag:s18] =	ssyncadd.s32 $0xFFFFE0C0  }
.LBB2_6:
0x59: {  	[tilespmem:s26], [sflag:$0x4] =	stream.indirect.gather [hbm4b:s4+s16], $0x40, s1, s16, $0xb8;
	[tilespmem:$0x1CD40] =	vst v63  }
0x5a: {  	s1 =	smov.u32 s22  }
0x5b: {  	p1 =	sne.s32 s22, $0x13000;
	s22 =	sadd.s32 $0x800, s22;
	_ =	swait.ge [sflag:s28], $0x1F40  }
0x5c: {  	s1 =	sshra.s32 s1, $0x2;
	[sflag:s28] =	ssyncset.done $0x0  }
0x5d: {  	s3 =	sadd.s32 $0x5000, s1;
	[sflag:s28] =	ssyncadd.s32 $0xFFFFE0C0  }
0x5e: {  	[spmem:s2] =	stream.indirect.scatter.add.f32 [tilespmem:s17], [sflag:$0x5], $0x40, s3, s16, $0xb8;
	[tilespmem:$0x1CD40] =	vst v63  }
0x5f: {  	_ =	swait.ge [sflag:s29], $0x1F40  }
0x60: {  	[sflag:s29] =	ssyncset.done $0x0  }
0x61: {  	s3 =	sadd.s32 $0x5080, s1;
	[sflag:s29] =	ssyncadd.s32 $0xFFFFE0C0  }
0x62: {  	[spmem:s2] =	stream.indirect.scatter.add.f32 [tilespmem:s19], [sflag:$0x6], $0x40, s3, s16, $0xb8;
	[tilespmem:$0x1CD40] =	vst v63  }
0x63: {  	_ =	swait.ge [sflag:s30], $0x1F40  }
0x64: {  	[sflag:s30] =	ssyncset.done $0x0  }
0x65: {  	s3 =	sadd.s32 $0x5100, s1;
	[sflag:s30] =	ssyncadd.s32 $0xFFFFE0C0  }
0x66: {  	[spmem:s2] =	stream.indirect.scatter.add.f32 [tilespmem:s21], [sflag:$0x7], $0x40, s3, s16, $0xb8;
	[tilespmem:$0x1CD40] =	vst v63  }
0x67: {  	_ =	swait.ge [sflag:s31], $0x1F40  }
0x68: {  	[sflag:s31] =	ssyncset.done $0x0  }
0x69: {  	s3 =	sadd.s32 $0x5180, s1;
	[sflag:s31] =	ssyncadd.s32 $0xFFFFE0C0  }
0x6a: {  	[spmem:s2] =	stream.indirect.scatter.add.f32 [tilespmem:s26], [sflag:$0x8], $0x40, s3, s16, $0xb8;
	[tilespmem:$0x1CD40] =	vst v63  }
0x6b: {  	_ =	swait.ge [sflag:s8], $0x1F40  }
0x6c: {  	[sflag:s8] =	ssyncset.done $0x0  }
0x6d: {  	s3 =	sadd.s32 $0x200, s1;
	[sflag:s8] =	ssyncadd.s32 $0xFFFFE0C0  }
0x6e: {  	[tilespmem:s17], [sflag:$0x1] =	stream.indirect.gather [hbm4b:s4+s16], $0x40, s3, s16, $0xb8;
	[tilespmem:$0x1CD40] =	vst v63  }
0x6f: {  	_ =	swait.ge [sflag:s0], $0x1F40  }
0x70: {  	[sflag:s0] =	ssyncset.done $0x0  }
0x71: {  	s3 =	sadd.s32 $0x280, s1;
	[sflag:s0] =	ssyncadd.s32 $0xFFFFE0C0  }
0x72: {  	[tilespmem:s19], [sflag:$0x2] =	stream.indirect.gather [hbm4b:s4+s16], $0x40, s3, s16, $0xb8;
	[tilespmem:$0x1CD40] =	vst v63  }
0x73: {  	_ =	swait.ge [sflag:s12], $0x1F40  }
0x74: {  	[sflag:s12] =	ssyncset.done $0x0  }
.Ltmp3:
0x75: {  	s3 =	sadd.s32 $0x300, s1;
	[sflag:s12] =	ssyncadd.s32 $0xFFFFE0C0;
	(pc) =	sbr.rel @p1 .LBB2_6-.Ltmp3, $4  }
0x76: {  	[tilespmem:s21], [sflag:$0x3] =	stream.indirect.gather [hbm4b:s4+s16], $0x40, s3, s16, $0xb8;
	[tilespmem:$0x1CD40] =	vst v63  }
0x77: {  	_ =	swait.ge [sflag:s18], $0x1F40  }
0x78: {  	[sflag:s18] =	ssyncset.done $0x0  }
0x79: {  	s1 =	sadd.s32 $0x380, s1;
	[sflag:s18] =	ssyncadd.s32 $0xFFFFE0C0  }
0x7a: {  	[tilespmem:s26], [sflag:$0x4] =	stream.indirect.gather [hbm4b:s4+s16], $0x40, s1, s16, $0xb8;
	[tilespmem:$0x1CD40] =	vst v63  }
0x7b: {  	_ =	swait.ge [sflag:s28], $0x1F40  }
0x7c: {  	[sflag:s28] =	ssyncset.done $0x0  }
0x7d: {  	s3 =	simm.s32 $0x9E00;
	[sflag:s28] =	ssyncadd.s32 $0xFFFFE0C0  }
0x7e: {  	[spmem:s2] =	stream.indirect.scatter.add.f32 [tilespmem:s17], [sflag:$0x5], $0x40, s3, s16, $0xb8;
	[tilespmem:$0x1CD40] =	vst v63  }
0x7f: {  	_ =	swait.ge [sflag:s29], $0x1F40  }
0x80: {  	[sflag:s29] =	ssyncset.done $0x0  }
0x81: {  	s22 =	simm.s32 $0x9E80;
	[sflag:s29] =	ssyncadd.s32 $0xFFFFE0C0  }
0x82: {  	[spmem:s2] =	stream.indirect.scatter.add.f32 [tilespmem:s19], [sflag:$0x6], $0x40, s22, s16, $0xb8;
	[tilespmem:$0x1CD40] =	vst v63  }
0x83: {  	_ =	swait.ge [sflag:s30], $0x1F40  }
0x84: {  	[sflag:s30] =	ssyncset.done $0x0  }
0x85: {  	s3 =	simm.s32 $0x9F00;
	[sflag:s30] =	ssyncadd.s32 $0xFFFFE0C0  }
0x86: {  	[spmem:s2] =	stream.indirect.scatter.add.f32 [tilespmem:s21], [sflag:$0x7], $0x40, s3, s16, $0xb8;
	[tilespmem:$0x1CD40] =	vst v63  }
0x87: {  	_ =	swait.ge [sflag:s31], $0x1F40  }
0x88: {  	[sflag:s31] =	ssyncset.done $0x0  }
0x89: {  	s22 =	simm.s32 $0x9F80;
	[sflag:s31] =	ssyncadd.s32 $0xFFFFE0C0  }
0x8a: {  	[spmem:s2] =	stream.indirect.scatter.add.f32 [tilespmem:s26], [sflag:$0x8], $0x40, s22, s16, $0xb8;
	[tilespmem:$0x1CD40] =	vst v63  }
0x8b: {  	_ =	swait.ge [sflag:s8], $0x1F40  }
0x8c: {  	[sflag:s8] =	ssyncset.done $0x0  }
0x8d: {  	[sflag:s8] =	ssyncadd.s32 $0xFFFFE0C0  }
0x8e: {  	_ =	swait.ge [sflag:s0], $0x1F40  }
0x8f: {  	[sflag:s0] =	ssyncset.done $0x0  }
0x90: {  	[sflag:s0] =	ssyncadd.s32 $0xFFFFE0C0  }
0x91: {  	_ =	swait.ge [sflag:s12], $0x1F40  }
0x92: {  	[sflag:s12] =	ssyncset.done $0x0  }
0x93: {  	[sflag:s12] =	ssyncadd.s32 $0xFFFFE0C0  }
0x94: {  	_ =	swait.ge [sflag:s18], $0x1F40  }
0x95: {  	[sflag:s18] =	ssyncset.done $0x0  }
0x96: {  	[sflag:s18] =	ssyncadd.s32 $0xFFFFE0C0  }
0x97: {  	s1 =	sadd.s32 @p0 $0x12C00, s9;
	s3 =	simm.s32 @p0 $0x1FCA;
	[bflag:$0x0] =	sbarrier.arrive $0xFFFF  }
0x98: {  	[hbm:s1], [sflag:s3] =	dma.local @p0 [spmem:s23], $0xC80  }
0x99: {  	s1 =	simm.s32 @p0 $0xA  }
0x9a: {  	s3 =	stileid.u32;
	_ =	swait.ge @p0 [sflag:s1], $0xC80  }
0x9b: {  	s20 =	sadd.s32 $0x1, s20;
	s3 =	sshll.u32 @!p0 s3, $0x6;
	[sflag:s1] =	ssyncset.done @p0 $0x0  }
0x9c: {  	p1 =	sne.s32 s20, s10;
	[sflag:s1] =	ssyncadd.s32 @p0 $0xFFFFF380;
	s1 =	sor.u32 @!p0 $0x1C0A, s3  }
0x9d: {  	[hbm:s24], [sflag:s1] =	dma.local @!p0 [spmem:s25], $0x1400  }
.Ltmp4:
0x9e: {  	_ = 	snop;
	(pc) =	sbr.rel @p1 .LBB2_1-.Ltmp4, $4  }
0x9f: {  	s1 =	simm.s32 @!p0 $0xA  }
0xa0: {  	_ =	swait.ge @!p0 [sflag:s1], $0x1400  }
0xa1: {  	[sflag:s1] =	ssyncset.done @!p0 $0x0  }
0xa2: {  	[sflag:s1] =	ssyncadd.s32 @!p0 $0xFFFFEC00  }
0xa3: {  	_ =	sfence.sel $0x180000  }
0xa4: {  	[bflag:$0x0] =	sbarrier.arrive $0xFFFF  }
0xa5: {  	_ =	strace $0x9000004A  }
0xa6: {  	s0 =	stileid.u32;
	[bflag:$0x2] =	sbarrier.arrive $0xFFFF  }
0xa7: {  	p0 =	sne.s32 s0, $0x0;
	s0 =	rddreg [dreg:$0x2]  }
0xa8: {  	s0 =	sadd.s32 @!p0 $0x100000, s0  }
0xa9: {  	[sflag:s0] =	ssyncadd.tile.s32 @!p0 $0x1;
	_ =	shalt  }
.Lfunc_end2:
_tile_overlayer_lowered:
.L_overlay_start_2:
0xaa: {  	(tag) =	ssettag $0x2  }
0xab: {  	s0 =	rddreg [dreg:$0x0];
	s2 =	stileid.u32  }
0xac: {  	s1 =	rddreg [dreg:$0x1];
	p0 =	sne.s32 s2, $0x0  }
0xad: {  	s3 =	rddreg [dreg:$0x2];
	[bflag:$0x3] =	sbarrier.arrive $0xFFFF;
	s2 =	simm.s32 @!p0 $0x1C0A  }
0xae: {  	[timem:s3], [sflag:s2] =	dma.local @!p0 [hbm:s0], s1  }
0xaf: {  	s0 =	simm.s32 @!p0 $0xA  }
0xb0: {  	_ =	swait.ge @!p0 [sflag:s0], s1  }
0xb1: {  	s1 =	ssub.s32 @!p0 $0x0, s1;
	[sflag:s0] =	ssyncset.done @!p0 $0x0  }
0xb2: {  	[sflag:s0] =	ssyncadd.s32 @!p0 s1  }
0xb3: {  	[bflag:$0x3] =	sbarrier.arrive $0xFFFF  }
0xb4: {  	_ =	shalt  }

// kernel: kernel.14.cloned.1.call-start
scs
__scs_entry_jumppad:
0x0: {  	(pc) =	sbr.rel $0x88, $3  }
0x1: {  	(tag) =	ssettag $0x0;
	lr =	simm.s32 $0x1  }
0x2: {  	[smem:$0x3F92] =	sst lr;
	_ =	strace $0xD0000000  }
0x3: {  	_ = 	snop  }
0x4: {  	_ = 	snop  }
0x5: {  	_ = 	snop  }
0x6: {  	_ = 	snop  }
0x7: {  	_ = 	snop  }
__scs_overlays_trampoline_lowered:
0x8: {  	[smem:$0x3FA1] =	sst s0  }
0x9: {  	[smem:$0x3FA2] =	sst s1  }
0xa: {  	[smem:$0x3FA3] =	sst s2  }
0xb: {  	[smem:$0x3FA4] =	sst s3  }
0xc: {  	[smem:$0x3FA5] =	sst s4  }
0xd: {  	[smem:$0x3FA6] =	sst s5  }
0xe: {  	[smem:$0x3FA7] =	sst s6  }
0xf: {  	[smem:$0x3FA8] =	sst s7  }
0x10: {  	[smem:$0x3FA9] =	sst s8  }
0x11: {  	[smem:$0x3FAA] =	sst s9;
	s0 =	simm.s32 @!p0 $0x0  }
0x12: {  	s1 =	sld [smem:$0x3F90];
	s0 =	simm.s32 @p0 $0x1  }
0x13: {  	[smem:$0x3FAB] =	sst s0;
	s0 =	simm.s32 @!p1 $0x0  }
0x14: {  	s2 =	sld [smem:$0x3F8F];
	s0 =	simm.s32 @p1 $0x1  }
0x15: {  	[smem:$0x3FAC] =	sst s0;
	s0 =	simm.s32 @!p2 $0x0  }
0x16: {  	s3 =	sld [smem:$0x3FDB];
	s0 =	simm.s32 @p2 $0x1  }
0x17: {  	s4 =	simm.s32 $0x1BF5;
	[smem:$0x3FAE] =	sst s0  }
0x18: {  	s0 =	sld [smem:$0x3F91];
	_ =	swait.ge [sflag:s4], $0x0  }
0x19: {  	s7 =	sld [smem:$0x3F92]  }
0x1a: {  	s8 =	sadd.s32 $0xFFFFE003, lr  }
0x1b: {  	s9 =	sadd.s32 $0xFFFFFEF7, lr;
	s5 =	simm.s32 $0xFFFFFFFF;
	p2 =	slt.u32 s8, $0xFFFFF086  }
0x1c: {  	p1 =	slt.u32 s9, $0xF7A;
	s5 =	simm.s32 @!p2 $0x0  }
0x1d: {  	s5 =	simm.s32 @p1 $0x1;
	p0 =	seq.s32 s7, s2  }
0x1e: {  	s7 =	smul.u32 @!p0 $0xF7A, s2;
	p2 =	seq.s32 @!p0 s5, $0x0  }
0x1f: {  	s9 =	smul.u32 $0xF7A, s1;
	s8 =	simm.s32 @!p0 $0x1BF5;
	p2 =	por !p2, p0  }
0x20: {  	[sflag:s8] =	ssyncset.s32 @!p0 $0xFFFFF086;
	s6 =	sadd.s32 @!p0 s3, s7;
	s7 =	simm.s32 @!p0 $0x108  }
0x21: {  	s3 =	sadd.s32 s3, s9;
	s6 =	sadd.s32 @!p0 $0x88, s6;
	s7 =	simm.s32 @p2 $0x1082  }
0x22: {  	[simem:s7], [sflag:s8] =	dma.local @!p0 [hbm:s6], $0xF7A  }
0x23: {  	s9 =	sor.u32 $0xD0000000, s2;
	s6 =	simm.s32 $0x108;
	_ =	swait.ge @!p0 [sflag:s8], $0x0  }
0x24: {  	s3 =	sadd.s32 $0x88, s3;
	s6 =	simm.s32 @!p1 $0x1082;
	[sflag:s4] =	ssyncset.s32 $0xFFFFF086  }
0x25: {  	[simem:s6], [sflag:s4] =	dma.local [hbm:s3], $0xF7A  }
0x26: {  	[smem:$0x3F92] =	sst s1;
	(tag) =	ssettag s2;
	_ =	strace s9  }
0x27: {  	s1 =	sld [smem:$0x3FA2]  }
0x28: {  	s2 =	sld [smem:$0x3FA3]  }
0x29: {  	s4 =	sld [smem:$0x3FA5]  }
0x2a: {  	p0 =	seq.s32 s5, $0x0;
	s5 =	sld [smem:$0x3FA6]  }
0x2b: {  	s6 =	sld [smem:$0x3FA7]  }
0x2c: {  	s7 =	sld [smem:$0x3FA8]  }
0x2d: {  	s3 =	simm.s32 $0x108;
	s8 =	sld [smem:$0x3FA9]  }
0x2e: {  	s3 =	simm.s32 @!p0 $0x1082;
	s9 =	sld [smem:$0x3FAA]  }
0x2f: {  	lr =	sadd.s32 s0, s3;
	s0 =	sld [smem:$0x3FA1]  }
0x30: {  	s3 =	sld [smem:$0x3FA4]  }
0x31: {  	[smem:$0x3FAD] =	sst s10  }
0x32: {  	s10 =	sld [smem:$0x3FAB];
	_ =	sdelay $0x3  }
0x33: {  	p0 =	seq.s32 s10, $0x1;
	s10 =	sld [smem:$0x3FAD];
	_ =	sdelay $0x3  }
0x34: {  	[smem:$0x3FAD] =	sst s10  }
0x35: {  	s10 =	sld [smem:$0x3FAC];
	_ =	sdelay $0x3  }
0x36: {  	p1 =	seq.s32 s10, $0x1;
	s10 =	sld [smem:$0x3FAD];
	_ =	sdelay $0x3  }
0x37: {  	[smem:$0x3FAD] =	sst s10  }
0x38: {  	s10 =	sld [smem:$0x3FAE]  }
0x39: {  	_ = 	snop;
	(pc) =	sbr.ind lr, $3  }
0x3a: {  	_ = 	snop  }
0x3b: {  	_ = 	snop  }
0x3c: {  	p2 =	seq.s32 s10, $0x1;
	s10 =	sld [smem:$0x3FAD]  }
0x3d: {  	_ =	shalt  }
0x3e: {  	_ =	shalt  }
0x3f: {  	_ =	shalt  }
0x40: {  	_ =	shalt  }
0x41: {  	_ =	shalt  }
0x42: {  	_ =	shalt  }
0x43: {  	_ =	shalt  }
0x44: {  	_ =	shalt  }
0x45: {  	_ =	shalt  }
0x46: {  	_ =	shalt  }
0x47: {  	_ =	shalt  }
0x48: {  	_ =	shalt  }
0x49: {  	_ =	shalt  }
0x4a: {  	_ =	shalt  }
0x4b: {  	_ =	shalt  }
0x4c: {  	_ =	shalt  }
0x4d: {  	_ =	shalt  }
0x4e: {  	_ =	shalt  }
0x4f: {  	_ =	shalt  }
0x50: {  	_ =	shalt  }
0x51: {  	_ =	shalt  }
0x52: {  	_ =	shalt  }
0x53: {  	_ =	shalt  }
0x54: {  	_ =	shalt  }
0x55: {  	_ =	shalt  }
0x56: {  	_ =	shalt  }
0x57: {  	_ =	shalt  }
0x58: {  	_ =	shalt  }
0x59: {  	_ =	shalt  }
0x5a: {  	_ =	shalt  }
0x5b: {  	_ =	shalt  }
0x5c: {  	_ =	shalt  }
0x5d: {  	_ =	shalt  }
0x5e: {  	_ =	shalt  }
0x5f: {  	_ =	shalt  }
0x60: {  	_ =	shalt  }
0x61: {  	_ =	shalt  }
0x62: {  	_ =	shalt  }
0x63: {  	_ =	shalt  }
0x64: {  	_ =	shalt  }
0x65: {  	_ =	shalt  }
0x66: {  	_ =	shalt  }
0x67: {  	_ =	shalt  }
0x68: {  	_ =	shalt  }
0x69: {  	_ =	shalt  }
0x6a: {  	_ =	shalt  }
0x6b: {  	_ =	shalt  }
0x6c: {  	_ =	shalt  }
0x6d: {  	_ =	shalt  }
0x6e: {  	_ =	shalt  }
0x6f: {  	_ =	shalt  }
0x70: {  	_ =	shalt  }
0x71: {  	_ =	shalt  }
0x72: {  	_ =	shalt  }
0x73: {  	_ =	shalt  }
0x74: {  	_ =	shalt  }
0x75: {  	_ =	shalt  }
0x76: {  	_ =	shalt  }
0x77: {  	_ =	shalt  }
0x78: {  	_ =	shalt  }
0x79: {  	_ =	shalt  }
0x7a: {  	_ =	shalt  }
0x7b: {  	_ =	shalt  }
0x7c: {  	_ =	shalt  }
0x7d: {  	_ =	shalt  }
0x7e: {  	_ =	shalt  }
0x7f: {  	_ =	shalt  }
0x80: {  	_ =	shalt  }
0x81: {  	_ =	shalt  }
0x82: {  	_ =	shalt  }
0x83: {  	_ =	shalt  }
0x84: {  	_ =	shalt  }
0x85: {  	_ =	shalt  }
0x86: {  	_ =	shalt  }
0x87: {  	_ =	shalt  }
.Lfunc_end0:
.L_simem_size_0:
called_computation.2_lowered:
.L_overlay_start_0:
0x88: {  	s2 =	sld [smem:$0x3FD9]  }
0x89: {  	s3 =	sld [smem:$0x3FFE];
	_ =	sdelay $0x1  }
0x8a: {  	s1 =	srdreg.scid  }
0x8b: {  	s0 =	sand.u32 $0x1, s1  }
0x8c: {  	s16 =	sshll.u32 s0, $0xA;
	s2 =	sadd.s32 s3, s2  }
0x8d: {  	s2 =	sadd.s32 s2, s16  }
0x8e: {  	[smem:$0x3FB9] =	sst s2  }
0x8f: {  	_ = 	snop  }
0x90: {  	(tm) =	ssettm $0x1  }
0x91: {  	s17 =	sld [smem:$0x3FFB];
	_ =	sdelay $0x3  }
0x92: {  	_ =	strace s17  }
0x93: {  	s2 =	sld [smem:$0x3FFC];
	_ =	sdelay $0x3  }
0x94: {  	_ =	strace s2  }
0x95: {  	s2 =	sld [smem:$0x3FFD];
	_ =	sdelay $0x3  }
0x96: {  	_ =	strace s2  }
0x97: {  	_ =	strace $0x8FFFFFFF  }
0x98: {  	s18 =	sld [smem:$0x3FDB];
	_ =	sdelay $0x1  }
0x99: {  	s19 =	simm.s32 $_scs_section_size  }
0x9a: {  	s4 =	simm.s32 $_size__tile_overlayer_lowered;
	s5 =	simm.s32 $_tile_overlayer_lowered  }
0x9b: {  	s22 =	simm.s32 $0x1BFF;
	s21 =	sshll.u32 s5, $0x1;
	s2 =	sadd.s32 s19, s18  }
0x9c: {  	s6 =	simm.s32 $0x0;
	s20 =	sshll.u32 s4, $0x1;
	s4 =	sadd.s32 s21, s2  }
0x9d: {  	[timem:s6], [sflag:s22] =	dma.local [hbm:s4], s20  }
0x9e: {  	_ =	swait.ge [sflag:s22], s20  }
0x9f: {  	s3 =	ssub.s32 $0x0, s20;
	[sflag:s22] =	ssyncset.done $0x0  }
0xa0: {  	[sflag:s22] =	ssyncadd.s32 s3;
	_ =	sdelay $0x1  }
0xa1: {  	s23 =	simm.s32 $0x1B8B  }
0xa2: {  	_ =	swait.ge [sflag:s23], $0x1  }
0xa3: {  	[sflag:s23] =	ssyncset.done $0x0  }
0xa4: {  	s25 =	simm.s32 $0x1B8E;
	s24 =	sld [smem:$0x3FFE];
	[sflag:s23] =	ssyncadd.s32 $0xFFFFFFFF  }
0xa5: {  	s26 =	simm.s32 $execute0_lowered;
	[smem:$0x3FD2] =	sst s25  }
0xa6: {  	s4 =	sshll.u32 s26, $0x1;
	_ =	strace $0x8000004C;
	[dreg:$0x1] =	wrdreg $0xFFFFFFFF  }
0xa7: {  	s28 =	simm.s32 $_size_execute0_lowered;
	s2 =	sadd.s32 s2, s4;
	[dreg:$0x0] =	wrdreg $0x0  }
0xa8: {  	s4 =	sshll.u32 s28, $0x1;
	[dreg:$0x2] =	wrdreg s2  }
0xa9: {  	[dreg:$0x3] =	wrdreg s4  }
0xaa: {  	[dreg:$0x4] =	wrdreg $0xC0  }
0xab: {  	_ =	task [dreg:s6], $0x5FFFF  }
0xac: {  	[dreg:$0x1] =	wrdreg $0xFFFFFFFF  }
0xad: {  	[dreg:$0x0] =	wrdreg $0x60  }
0xae: {  	[dreg:$0x2] =	wrdreg s24  }
0xaf: {  	[dreg:$0x3] =	wrdreg $0xE8800  }
0xb0: {  	[dreg:$0x4] =	wrdreg $0x9  }
0xb1: {  	_ =	task.clear_ibuf [dreg:s6], $0x5FFFF;
	_ =	strace $0x9000004C  }
0xb2: {  	s29 =	simm.s32 $0x9;
	_ =	strace $0x8000004E  }
0xb3: {  	_ =	swait.ge [sflag:s29], $0x1  }
0xb4: {  	[sflag:s29] =	ssyncadd.s32 $0xFFFFFFFF  }
0xb5: {  	_ =	strace $0x9000004E  }
0xb6: {  	_ =	sfence  }
0xb7: {  	s30 =	sld [smem:$0x0];
	_ =	sdelay $0x2  }
0xb8: {  	s31 =	sshll.u32 s1, $0xD;
	s1 =	sshrl.u32 s1, $0x2  }
0xb9: {  	s3 =	sand.u32 $0x4000, s31;
	s1 =	sadd.s32 s1, s30  }
0xba: {  	s0 =	sor.u32 s3, s0;
	s1 =	sshll.u32 s1, $0x11  }
0xbb: {  	s0 =	sor.u32 s1, s0  }
0xbc: {  	s0 =	sadd.s32 $0x8F2B, s0  }
0xbd: {  	[sflag:s0] =	ssyncadd.remote.s32 $0x1  }
0xbe: {  	_ =	sfence.sel $0xFFFF  }
0xbf: {  	[dreg:$0x0] =	wrdreg $0xFFFFFFFF;
	(pc) =	sbr.abs _section_cstart, $3  }
0xc0: {  	[dreg:$0x1] =	wrdreg $0xFFFFFFFF  }
0xc1: {  	_ =	task.clear_ibuf [dreg:s6], $0x2FFFF;
	_ =	strace $0x9FFFFFFF  }
0xc2: {  	(tm) =	ssettm $0x7FFFFFFF  }
0xc3: {  	_ =	shalt  }
tec
execute0_lowered:
.L_overlay_start_1:
0x0: {  	(tag) =	ssettag $0x1  }
0x1: {  	s0 =	rddreg [dreg:$0x0]  }
0x2: {  	s2 =	rddreg [dreg:$0x1]  }
0x3: {  	s3 =	stileid.u32;
	s1 =	srdreg.scid  }
0x4: {  	s4 =	simm.s32 $0x0;
	s13 =	simm.s32 $0xDE80;
	s14 =	simm.s32 $0xA  }
0x5: {  	s15 =	simm.s32 $0x9;
	s16 =	simm.s32 $0x7D;
	s17 =	simm.s32 $0xA000  }
0x6: {  	s19 =	simm.s32 $0xAFA0;
	s21 =	simm.s32 $0xBF40;
	s28 =	simm.s32 $0x1  }
0x7: {  	s29 =	simm.s32 $0x2;
	s30 =	simm.s32 $0x3;
	s31 =	simm.s32 $0x4  }
0x8: {  	s18 =	simm.s32 $0x8;
	s20 =	simm.s32 $0x0;
	s5 =	smul.u32 $0xA00, s3  }
0x9: {  	s1 =	sand.u32 $0x1, s1;
	[smem:$0x7FF] =	sst s4;
	s26 =	smul.u32 $0x5000, s3  }
0xa: {  	s4 =	sadd.s32 $0x20C00, s0;
	p0 =	seq.s32 s3, $0xF;
	s11 =	smul.u32 $0x14000, s3  }
0xb: {  	s12 =	sadd.s32 $0x4B000, s2;
	s6 =	smul.u32 $0x9C40, s1;
	_ =	strace $0x8000004D  }
0xc: {  	s7 =	ssub.s32 $0x2, s1;
	s1 =	smul.u32 $0xA000, s1;
	s23 =	sshrl.u32 @p0 s12, $0x3  }
0xd: {  	s12 =	simm.s32 $0x7;
	s8 =	sadd.s32 s5, s0;
	s25 =	sshrl.u32 s7, $0x1  }
0xe: {  	s11 =	sshrl.u32 s11, $0x2;
	s0 =	sadd.s32 s6, s0;
	s10 =	ssub.s32 s7, s25  }
0xf: {  	s1 =	sadd.s32 s1, s8;
	s6 =	sadd.s32 $0x16C00, s8;
	s7 =	simm.s32 $0x5  }
0x10: {  	s8 =	simm.s32 $0x5;
	s11 =	sadd.s32 s11, s2;
	s5 =	sadd.s32 $0x2C00, s1  }
0x11: {  	s7 =	simm.s32 @!p0 $0x8;
	s9 =	sadd.s32 $0x34600, s0;
	s0 =	sshrl.u32 s26, $0x3  }
0x12: {  	s1 =	sadd.s32 s26, s2;
	s10 =	smax.u32 s10, $0x1;
	s26 =	simm.s32 $0xCEE0  }
0x13: {  	v0 =	vimm.f32 $0.0e+00;
	s24 =	sadd.s32 @!p0 s0, s9;
	s25 =	sshrl.u32 @!p0 s1, $0x3;
	s0 =	simm.s32 $0x6  }
.LBB2_1:
0x14: {  	s1 =	simm.s32 $0x0  }
0x15: {  	[tilespmem:s1], [sflag:$0x9] =	stream.linear.gather [hbm4b:s5+s1], $0x5000, $0x38;
	[tilespmem:$0x136A0] =	vst v63  }
0x16: {  	s3 =	simm.s32 $0x5000  }
0x17: {  	[tilespmem:s3], [sflag:$0x9] =	stream.linear.gather [hbm4b:s6+s1], $0x5000, $0x38;
	[tilespmem:$0x136A0] =	vst v63  }
0x18: {  	s22 =	simm.s32 $0x0;
	s1 =	simm.s32 $0x80  }
.LBB2_2:
0x19: {  	p1 =	sne.s32 s1, $0x2780;
	[tilespmem:s22+$0xDE80] =	vst v0;
	s3 =	smov.u32 s1;
	s1 =	sadd.s32 $0x80, s1  }
.Ltmp0:
0x1a: {  	[tilespmem:s22+$0xDE90] =	vst v0;
	(pc) =	sbr.rel @p1 .LBB2_2-.Ltmp0, $2  }
0x1b: {  	_ =	sdelay $0x2  }
0x1c: {  	s22 =	sshra.s32 s3, $0x2  }
0x1d: {  	p1 =	sne.s32 s7, $0x1  }
.Ltmp1:
0x1e: {  	[tilespmem:s22+$0xDE80] =	vst v0;
	(pc) =	sbr.rel @!p1 .LBB2_5-.Ltmp1, $4  }
0x1f: {  	[tilespmem:s22+$0xDE90] =	vst v0  }
0x20: {  	[spmem:s11] =	stream.linear.scatter [tilespmem:s13], [sflag:$0xA], $0xA00, $0x38;
	[tilespmem:$0x136A0] =	vst v63  }
0x21: {  	_ =	swait.ge [sflag:s14], $0xA00  }
0x22: {  	s1 =	sadd.s32 $0xFFFFFFFF, s7;
	s22 =	smov.u32 s11;
	[sflag:s14] =	ssyncset.done $0x0  }
.LBB2_4:
0x23: {  	p1 =	sne.s32 s1, $0x1;
	[sflag:s14] =	ssyncadd.s32 $0xFFFFF600;
	s22 =	sadd.s32 $0xA00, s22  }
.Ltmp2:
0x24: {  	s1 =	sadd.s32 $0xFFFFFFFF, s1;
	(pc) =	sbr.rel @p1 .LBB2_4-.Ltmp2, $4  }
0x25: {  	_ = 	snop  }
0x26: {  	[spmem:s22] =	stream.linear.scatter [tilespmem:s13], [sflag:$0xA], $0xA00, $0x38;
	[tilespmem:$0x136A0] =	vst v63  }
0x27: {  	_ =	swait.ge [sflag:s14], $0xA00  }
0x28: {  	[sflag:s14] =	ssyncset.done $0x0  }
.LBB2_5:
0x29: {  	[sflag:s14] =	ssyncadd.s32 $0xFFFFF600  }
0x2a: {  	[bflag:$0x0] =	sbarrier.arrive $0xFFFF  }
0x2b: {  	_ =	swait.ge [sflag:s15], $0x5000  }
0x2c: {  	[sflag:s15] =	ssyncset.done $0x0  }
0x2d: {  	[sflag:s15] =	ssyncadd.s32 $0xFFFFB000  }
0x2e: {  	_ =	swait.ge [sflag:s15], $0x5000  }
0x2f: {  	[sflag:s15] =	ssyncset.done $0x0  }
0x30: {  	s1 =	simm.s32 $0x0;
	[sflag:s15] =	ssyncadd.s32 $0xFFFFB000  }
0x31: {  	[tilespmem:s17], [sflag:$0x1] =	stream.indirect.gather [hbm4b:s4+s16], $0x20, s1, s16, $0xb8;
	[tilespmem:$0x136A0] =	vst v63  }
0x32: {  	s3 =	simm.s32 $0x80  }
0x33: {  	[tilespmem:s19], [sflag:$0x2] =	stream.indirect.gather [hbm4b:s4+s16], $0x20, s3, s16, $0xb8;
	[tilespmem:$0x136A0] =	vst v63  }
0x34: {  	s22 =	simm.s32 $0x100  }
0x35: {  	[tilespmem:s21], [sflag:$0x3] =	stream.indirect.gather [hbm4b:s4+s16], $0x20, s22, s16, $0xb8;
	[tilespmem:$0x136A0] =	vst v63  }
0x36: {  	s3 =	simm.s32 $0x180  }
0x37: {  	[tilespmem:s26], [sflag:$0x4] =	stream.indirect.gather [hbm4b:s4+s16], $0x20, s3, s16, $0xb8;
	[tilespmem:$0x136A0] =	vst v63  }
0x38: {  	_ =	swait.ge [sflag:s28], $0xFA0  }
0x39: {  	[sflag:s28] =	ssyncset.done $0x0  }
0x3a: {  	s22 =	simm.s32 $0x5000;
	[sflag:s28] =	ssyncadd.s32 $0xFFFFF060  }
0x3b: {  	[spmem:s2] =	stream.indirect.scatter.add.f32 [tilespmem:s17], [sflag:$0x5], $0x20, s22, s16, $0xb8;
	[tilespmem:$0x136A0] =	vst v63  }
0x3c: {  	_ =	swait.ge [sflag:s29], $0xFA0  }
0x3d: {  	[sflag:s29] =	ssyncset.done $0x0  }
0x3e: {  	s3 =	simm.s32 $0x5080;
	[sflag:s29] =	ssyncadd.s32 $0xFFFFF060  }
0x3f: {  	[spmem:s2] =	stream.indirect.scatter.add.f32 [tilespmem:s19], [sflag:$0x6], $0x20, s3, s16, $0xb8;
	[tilespmem:$0x136A0] =	vst v63  }
0x40: {  	_ =	swait.ge [sflag:s30], $0xFA0  }
0x41: {  	[sflag:s30] =	ssyncset.done $0x0  }
0x42: {  	s22 =	simm.s32 $0x5100;
	[sflag:s30] =	ssyncadd.s32 $0xFFFFF060  }
0x43: {  	[spmem:s2] =	stream.indirect.scatter.add.f32 [tilespmem:s21], [sflag:$0x7], $0x20, s22, s16, $0xb8;
	[tilespmem:$0x136A0] =	vst v63  }
0x44: {  	_ =	swait.ge [sflag:s31], $0xFA0  }
0x45: {  	[sflag:s31] =	ssyncset.done $0x0  }
0x46: {  	s3 =	simm.s32 $0x5180;
	[sflag:s31] =	ssyncadd.s32 $0xFFFFF060  }
0x47: {  	[spmem:s2] =	stream.indirect.scatter.add.f32 [tilespmem:s26], [sflag:$0x8], $0x20, s3, s16, $0xb8;
	[tilespmem:$0x136A0] =	vst v63  }
0x48: {  	_ =	swait.ge [sflag:s8], $0xFA0  }
0x49: {  	[sflag:s8] =	ssyncset.done $0x0  }
0x4a: {  	s22 =	simm.s32 $0x200;
	[sflag:s8] =	ssyncadd.s32 $0xFFFFF060  }
0x4b: {  	[tilespmem:s17], [sflag:$0x1] =	stream.indirect.gather [hbm4b:s4+s16], $0x20, s22, s16, $0xb8;
	[tilespmem:$0x136A0] =	vst v63  }
0x4c: {  	_ =	swait.ge [sflag:s0], $0xFA0  }
0x4d: {  	[sflag:s0] =	ssyncset.done $0x0  }
0x4e: {  	s3 =	simm.s32 $0x280;
	[sflag:s0] =	ssyncadd.s32 $0xFFFFF060  }
0x4f: {  	[tilespmem:s19], [sflag:$0x2] =	stream.indirect.gather [hbm4b:s4+s16], $0x20, s3, s16, $0xb8;
	[tilespmem:$0x136A0] =	vst v63  }
0x50: {  	_ =	swait.ge [sflag:s12], $0xFA0  }
0x51: {  	[sflag:s12] =	ssyncset.done $0x0  }
0x52: {  	s22 =	simm.s32 $0x300;
	[sflag:s12] =	ssyncadd.s32 $0xFFFFF060  }
0x53: {  	[tilespmem:s21], [sflag:$0x3] =	stream.indirect.gather [hbm4b:s4+s16], $0x20, s22, s16, $0xb8;
	[tilespmem:$0x136A0] =	vst v63  }
0x54: {  	_ =	swait.ge [sflag:s18], $0xFA0  }
0x55: {  	[sflag:s18] =	ssyncset.done $0x0  }
0x56: {  	s1 =	simm.s32 $0x380;
	s22 =	simm.s32 $0x800;
	[sflag:s18] =	ssyncadd.s32 $0xFFFFF060  }
.LBB2_6:
0x57: {  	[tilespmem:s26], [sflag:$0x4] =	stream.indirect.gather [hbm4b:s4+s16], $0x20, s1, s16, $0xb8;
	[tilespmem:$0x136A0] =	vst v63  }
0x58: {  	s1 =	smov.u32 s22  }
0x59: {  	p1 =	sne.s32 s22, $0x13000;
	s22 =	sadd.s32 $0x800, s22;
	_ =	swait.ge [sflag:s28], $0xFA0  }
0x5a: {  	s1 =	sshra.s32 s1, $0x2;
	[sflag:s28] =	ssyncset.done $0x0  }
0x5b: {  	s3 =	sadd.s32 $0x5000, s1;
	[sflag:s28] =	ssyncadd.s32 $0xFFFFF060  }
0x5c: {  	[spmem:s2] =	stream.indirect.scatter.add.f32 [tilespmem:s17], [sflag:$0x5], $0x20, s3, s16, $0xb8;
	[tilespmem:$0x136A0] =	vst v63  }
0x5d: {  	_ =	swait.ge [sflag:s29], $0xFA0  }
0x5e: {  	[sflag:s29] =	ssyncset.done $0x0  }
0x5f: {  	s3 =	sadd.s32 $0x5080, s1;
	[sflag:s29] =	ssyncadd.s32 $0xFFFFF060  }
0x60: {  	[spmem:s2] =	stream.indirect.scatter.add.f32 [tilespmem:s19], [sflag:$0x6], $0x20, s3, s16, $0xb8;
	[tilespmem:$0x136A0] =	vst v63  }
0x61: {  	_ =	swait.ge [sflag:s30], $0xFA0  }
0x62: {  	[sflag:s30] =	ssyncset.done $0x0  }
0x63: {  	s3 =	sadd.s32 $0x5100, s1;
	[sflag:s30] =	ssyncadd.s32 $0xFFFFF060  }
0x64: {  	[spmem:s2] =	stream.indirect.scatter.add.f32 [tilespmem:s21], [sflag:$0x7], $0x20, s3, s16, $0xb8;
	[tilespmem:$0x136A0] =	vst v63  }
0x65: {  	_ =	swait.ge [sflag:s31], $0xFA0  }
0x66: {  	[sflag:s31] =	ssyncset.done $0x0  }
0x67: {  	s3 =	sadd.s32 $0x5180, s1;
	[sflag:s31] =	ssyncadd.s32 $0xFFFFF060  }
0x68: {  	[spmem:s2] =	stream.indirect.scatter.add.f32 [tilespmem:s26], [sflag:$0x8], $0x20, s3, s16, $0xb8;
	[tilespmem:$0x136A0] =	vst v63  }
0x69: {  	_ =	swait.ge [sflag:s8], $0xFA0  }
0x6a: {  	[sflag:s8] =	ssyncset.done $0x0  }
0x6b: {  	s3 =	sadd.s32 $0x200, s1;
	[sflag:s8] =	ssyncadd.s32 $0xFFFFF060  }
0x6c: {  	[tilespmem:s17], [sflag:$0x1] =	stream.indirect.gather [hbm4b:s4+s16], $0x20, s3, s16, $0xb8;
	[tilespmem:$0x136A0] =	vst v63  }
0x6d: {  	_ =	swait.ge [sflag:s0], $0xFA0  }
0x6e: {  	[sflag:s0] =	ssyncset.done $0x0  }
0x6f: {  	s3 =	sadd.s32 $0x280, s1;
	[sflag:s0] =	ssyncadd.s32 $0xFFFFF060  }
0x70: {  	[tilespmem:s19], [sflag:$0x2] =	stream.indirect.gather [hbm4b:s4+s16], $0x20, s3, s16, $0xb8;
	[tilespmem:$0x136A0] =	vst v63  }
0x71: {  	_ =	swait.ge [sflag:s12], $0xFA0  }
0x72: {  	[sflag:s12] =	ssyncset.done $0x0  }
.Ltmp3:
0x73: {  	s3 =	sadd.s32 $0x300, s1;
	[sflag:s12] =	ssyncadd.s32 $0xFFFFF060;
	(pc) =	sbr.rel @p1 .LBB2_6-.Ltmp3, $4  }
0x74: {  	[tilespmem:s21], [sflag:$0x3] =	stream.indirect.gather [hbm4b:s4+s16], $0x20, s3, s16, $0xb8;
	[tilespmem:$0x136A0] =	vst v63  }
0x75: {  	_ =	swait.ge [sflag:s18], $0xFA0  }
0x76: {  	[sflag:s18] =	ssyncset.done $0x0  }
0x77: {  	s1 =	sadd.s32 $0x380, s1;
	[sflag:s18] =	ssyncadd.s32 $0xFFFFF060  }
0x78: {  	[tilespmem:s26], [sflag:$0x4] =	stream.indirect.gather [hbm4b:s4+s16], $0x20, s1, s16, $0xb8;
	[tilespmem:$0x136A0] =	vst v63  }
0x79: {  	_ =	swait.ge [sflag:s28], $0xFA0  }
0x7a: {  	[sflag:s28] =	ssyncset.done $0x0  }
0x7b: {  	s3 =	simm.s32 $0x9E00;
	[sflag:s28] =	ssyncadd.s32 $0xFFFFF060  }
0x7c: {  	[spmem:s2] =	stream.indirect.scatter.add.f32 [tilespmem:s17], [sflag:$0x5], $0x20, s3, s16, $0xb8;
	[tilespmem:$0x136A0] =	vst v63  }
0x7d: {  	_ =	swait.ge [sflag:s29], $0xFA0  }
0x7e: {  	[sflag:s29] =	ssyncset.done $0x0  }
0x7f: {  	s22 =	simm.s32 $0x9E80;
	[sflag:s29] =	ssyncadd.s32 $0xFFFFF060  }
0x80: {  	[spmem:s2] =	stream.indirect.scatter.add.f32 [tilespmem:s19], [sflag:$0x6], $0x20, s22, s16, $0xb8;
	[tilespmem:$0x136A0] =	vst v63  }
0x81: {  	_ =	swait.ge [sflag:s30], $0xFA0  }
0x82: {  	[sflag:s30] =	ssyncset.done $0x0  }
0x83: {  	s3 =	simm.s32 $0x9F00;
	[sflag:s30] =	ssyncadd.s32 $0xFFFFF060  }
0x84: {  	[spmem:s2] =	stream.indirect.scatter.add.f32 [tilespmem:s21], [sflag:$0x7], $0x20, s3, s16, $0xb8;
	[tilespmem:$0x136A0] =	vst v63  }
0x85: {  	_ =	swait.ge [sflag:s31], $0xFA0  }
0x86: {  	[sflag:s31] =	ssyncset.done $0x0  }
0x87: {  	s22 =	simm.s32 $0x9F80;
	[sflag:s31] =	ssyncadd.s32 $0xFFFFF060  }
0x88: {  	[spmem:s2] =	stream.indirect.scatter.add.f32 [tilespmem:s26], [sflag:$0x8], $0x20, s22, s16, $0xb8;
	[tilespmem:$0x136A0] =	vst v63  }
0x89: {  	_ =	swait.ge [sflag:s8], $0xFA0  }
0x8a: {  	[sflag:s8] =	ssyncset.done $0x0  }
0x8b: {  	[sflag:s8] =	ssyncadd.s32 $0xFFFFF060  }
0x8c: {  	_ =	swait.ge [sflag:s0], $0xFA0  }
0x8d: {  	[sflag:s0] =	ssyncset.done $0x0  }
0x8e: {  	[sflag:s0] =	ssyncadd.s32 $0xFFFFF060  }
0x8f: {  	_ =	swait.ge [sflag:s12], $0xFA0  }
0x90: {  	[sflag:s12] =	ssyncset.done $0x0  }
0x91: {  	[sflag:s12] =	ssyncadd.s32 $0xFFFFF060  }
0x92: {  	_ =	swait.ge [sflag:s18], $0xFA0  }
0x93: {  	[sflag:s18] =	ssyncset.done $0x0  }
0x94: {  	[sflag:s18] =	ssyncadd.s32 $0xFFFFF060  }
0x95: {  	s1 =	sadd.s32 @p0 $0x9600, s9;
	s3 =	simm.s32 @p0 $0x1FCA;
	[bflag:$0x0] =	sbarrier.arrive $0xFFFF  }
0x96: {  	[hbm:s1], [sflag:s3] =	dma.local @p0 [spmem:s23], $0x640  }
0x97: {  	s1 =	simm.s32 @p0 $0xA  }
0x98: {  	s3 =	stileid.u32;
	_ =	swait.ge @p0 [sflag:s1], $0x640  }
0x99: {  	s20 =	sadd.s32 $0x1, s20;
	s3 =	sshll.u32 @!p0 s3, $0x6;
	[sflag:s1] =	ssyncset.done @p0 $0x0  }
0x9a: {  	p1 =	sne.s32 s20, s10;
	[sflag:s1] =	ssyncadd.s32 @p0 $0xFFFFF9C0;
	s1 =	sor.u32 @!p0 $0x1C0A, s3  }
0x9b: {  	[hbm:s24], [sflag:s1] =	dma.local @!p0 [spmem:s25], $0xA00  }
.Ltmp4:
0x9c: {  	_ = 	snop;
	(pc) =	sbr.rel @p1 .LBB2_1-.Ltmp4, $4  }
0x9d: {  	s1 =	simm.s32 @!p0 $0xA  }
0x9e: {  	_ =	swait.ge @!p0 [sflag:s1], $0xA00  }
0x9f: {  	[sflag:s1] =	ssyncset.done @!p0 $0x0  }
0xa0: {  	[sflag:s1] =	ssyncadd.s32 @!p0 $0xFFFFF600  }
0xa1: {  	_ =	sfence.sel $0x180000  }
0xa2: {  	[bflag:$0x0] =	sbarrier.arrive $0xFFFF  }
0xa3: {  	_ =	strace $0x9000004D  }
0xa4: {  	s0 =	stileid.u32;
	[bflag:$0x2] =	sbarrier.arrive $0xFFFF  }
0xa5: {  	p0 =	sne.s32 s0, $0x0;
	s0 =	rddreg [dreg:$0x2]  }
0xa6: {  	s0 =	sadd.s32 @!p0 $0x100000, s0  }
0xa7: {  	[sflag:s0] =	ssyncadd.tile.s32 @!p0 $0x1;
	_ =	shalt  }
.Lfunc_end2:
_tile_overlayer_lowered:
.L_overlay_start_2:
0xa8: {  	(tag) =	ssettag $0x2  }
0xa9: {  	s0 =	rddreg [dreg:$0x0];
	s2 =	stileid.u32  }
0xaa: {  	s1 =	rddreg [dreg:$0x1];
	p0 =	sne.s32 s2, $0x0  }
0xab: {  	s3 =	rddreg [dreg:$0x2];
	[bflag:$0x3] =	sbarrier.arrive $0xFFFF;
	s2 =	simm.s32 @!p0 $0x1C0A  }
0xac: {  	[timem:s3], [sflag:s2] =	dma.local @!p0 [hbm:s0], s1  }
0xad: {  	s0 =	simm.s32 @!p0 $0xA  }
0xae: {  	_ =	swait.ge @!p0 [sflag:s0], s1  }
0xaf: {  	s1 =	ssub.s32 @!p0 $0x0, s1;
	[sflag:s0] =	ssyncset.done @!p0 $0x0  }
0xb0: {  	[sflag:s0] =	ssyncadd.s32 @!p0 s1  }
0xb1: {  	[bflag:$0x3] =	sbarrier.arrive $0xFFFF  }
0xb2: {  	_ =	shalt  }

// kernel: kernel.8.cloned.1.call-start
scs
__scs_entry_jumppad:
0x0: {  	(pc) =	sbr.rel $0x88, $3  }
0x1: {  	(tag) =	ssettag $0x0;
	lr =	simm.s32 $0x1  }
0x2: {  	[smem:$0x3F92] =	sst lr;
	_ =	strace $0xD0000000  }
0x3: {  	_ = 	snop  }
0x4: {  	_ = 	snop  }
0x5: {  	_ = 	snop  }
0x6: {  	_ = 	snop  }
0x7: {  	_ = 	snop  }
__scs_overlays_trampoline_lowered:
0x8: {  	[smem:$0x3FA1] =	sst s0  }
0x9: {  	[smem:$0x3FA2] =	sst s1  }
0xa: {  	[smem:$0x3FA3] =	sst s2  }
0xb: {  	[smem:$0x3FA4] =	sst s3  }
0xc: {  	[smem:$0x3FA5] =	sst s4  }
0xd: {  	[smem:$0x3FA6] =	sst s5  }
0xe: {  	[smem:$0x3FA7] =	sst s6  }
0xf: {  	[smem:$0x3FA8] =	sst s7  }
0x10: {  	[smem:$0x3FA9] =	sst s8  }
0x11: {  	[smem:$0x3FAA] =	sst s9;
	s0 =	simm.s32 @!p0 $0x0  }
0x12: {  	s1 =	sld [smem:$0x3F90];
	s0 =	simm.s32 @p0 $0x1  }
0x13: {  	[smem:$0x3FAB] =	sst s0;
	s0 =	simm.s32 @!p1 $0x0  }
0x14: {  	s2 =	sld [smem:$0x3F8F];
	s0 =	simm.s32 @p1 $0x1  }
0x15: {  	[smem:$0x3FAC] =	sst s0;
	s0 =	simm.s32 @!p2 $0x0  }
0x16: {  	s3 =	sld [smem:$0x3FDB];
	s0 =	simm.s32 @p2 $0x1  }
0x17: {  	s4 =	simm.s32 $0x1BF5;
	[smem:$0x3FAE] =	sst s0  }
0x18: {  	s0 =	sld [smem:$0x3F91];
	_ =	swait.ge [sflag:s4], $0x0  }
0x19: {  	s7 =	sld [smem:$0x3F92]  }
0x1a: {  	s8 =	sadd.s32 $0xFFFFE003, lr  }
0x1b: {  	s9 =	sadd.s32 $0xFFFFFEF7, lr;
	s5 =	simm.s32 $0xFFFFFFFF;
	p2 =	slt.u32 s8, $0xFFFFF086  }
0x1c: {  	p1 =	slt.u32 s9, $0xF7A;
	s5 =	simm.s32 @!p2 $0x0  }
0x1d: {  	s5 =	simm.s32 @p1 $0x1;
	p0 =	seq.s32 s7, s2  }
0x1e: {  	s7 =	smul.u32 @!p0 $0xF7A, s2;
	p2 =	seq.s32 @!p0 s5, $0x0  }
0x1f: {  	s9 =	smul.u32 $0xF7A, s1;
	s8 =	simm.s32 @!p0 $0x1BF5;
	p2 =	por !p2, p0  }
0x20: {  	[sflag:s8] =	ssyncset.s32 @!p0 $0xFFFFF086;
	s6 =	sadd.s32 @!p0 s3, s7;
	s7 =	simm.s32 @!p0 $0x108  }
0x21: {  	s3 =	sadd.s32 s3, s9;
	s6 =	sadd.s32 @!p0 $0x88, s6;
	s7 =	simm.s32 @p2 $0x1082  }
0x22: {  	[simem:s7], [sflag:s8] =	dma.local @!p0 [hbm:s6], $0xF7A  }
0x23: {  	s9 =	sor.u32 $0xD0000000, s2;
	s6 =	simm.s32 $0x108;
	_ =	swait.ge @!p0 [sflag:s8], $0x0  }
0x24: {  	s3 =	sadd.s32 $0x88, s3;
	s6 =	simm.s32 @!p1 $0x1082;
	[sflag:s4] =	ssyncset.s32 $0xFFFFF086  }
0x25: {  	[simem:s6], [sflag:s4] =	dma.local [hbm:s3], $0xF7A  }
0x26: {  	[smem:$0x3F92] =	sst s1;
	(tag) =	ssettag s2;
	_ =	strace s9  }
0x27: {  	s1 =	sld [smem:$0x3FA2]  }
0x28: {  	s2 =	sld [smem:$0x3FA3]  }
0x29: {  	s4 =	sld [smem:$0x3FA5]  }
0x2a: {  	p0 =	seq.s32 s5, $0x0;
	s5 =	sld [smem:$0x3FA6]  }
0x2b: {  	s6 =	sld [smem:$0x3FA7]  }
0x2c: {  	s7 =	sld [smem:$0x3FA8]  }
0x2d: {  	s3 =	simm.s32 $0x108;
	s8 =	sld [smem:$0x3FA9]  }
0x2e: {  	s3 =	simm.s32 @!p0 $0x1082;
	s9 =	sld [smem:$0x3FAA]  }
0x2f: {  	lr =	sadd.s32 s0, s3;
	s0 =	sld [smem:$0x3FA1]  }
0x30: {  	s3 =	sld [smem:$0x3FA4]  }
0x31: {  	[smem:$0x3FAD] =	sst s10  }
0x32: {  	s10 =	sld [smem:$0x3FAB];
	_ =	sdelay $0x3  }
0x33: {  	p0 =	seq.s32 s10, $0x1;
	s10 =	sld [smem:$0x3FAD];
	_ =	sdelay $0x3  }
0x34: {  	[smem:$0x3FAD] =	sst s10  }
0x35: {  	s10 =	sld [smem:$0x3FAC];
	_ =	sdelay $0x3  }
0x36: {  	p1 =	seq.s32 s10, $0x1;
	s10 =	sld [smem:$0x3FAD];
	_ =	sdelay $0x3  }
0x37: {  	[smem:$0x3FAD] =	sst s10  }
0x38: {  	s10 =	sld [smem:$0x3FAE]  }
0x39: {  	_ = 	snop;
	(pc) =	sbr.ind lr, $3  }
0x3a: {  	_ = 	snop  }
0x3b: {  	_ = 	snop  }
0x3c: {  	p2 =	seq.s32 s10, $0x1;
	s10 =	sld [smem:$0x3FAD]  }
0x3d: {  	_ =	shalt  }
0x3e: {  	_ =	shalt  }
0x3f: {  	_ =	shalt  }
0x40: {  	_ =	shalt  }
0x41: {  	_ =	shalt  }
0x42: {  	_ =	shalt  }
0x43: {  	_ =	shalt  }
0x44: {  	_ =	shalt  }
0x45: {  	_ =	shalt  }
0x46: {  	_ =	shalt  }
0x47: {  	_ =	shalt  }
0x48: {  	_ =	shalt  }
0x49: {  	_ =	shalt  }
0x4a: {  	_ =	shalt  }
0x4b: {  	_ =	shalt  }
0x4c: {  	_ =	shalt  }
0x4d: {  	_ =	shalt  }
0x4e: {  	_ =	shalt  }
0x4f: {  	_ =	shalt  }
0x50: {  	_ =	shalt  }
0x51: {  	_ =	shalt  }
0x52: {  	_ =	shalt  }
0x53: {  	_ =	shalt  }
0x54: {  	_ =	shalt  }
0x55: {  	_ =	shalt  }
0x56: {  	_ =	shalt  }
0x57: {  	_ =	shalt  }
0x58: {  	_ =	shalt  }
0x59: {  	_ =	shalt  }
0x5a: {  	_ =	shalt  }
0x5b: {  	_ =	shalt  }
0x5c: {  	_ =	shalt  }
0x5d: {  	_ =	shalt  }
0x5e: {  	_ =	shalt  }
0x5f: {  	_ =	shalt  }
0x60: {  	_ =	shalt  }
0x61: {  	_ =	shalt  }
0x62: {  	_ =	shalt  }
0x63: {  	_ =	shalt  }
0x64: {  	_ =	shalt  }
0x65: {  	_ =	shalt  }
0x66: {  	_ =	shalt  }
0x67: {  	_ =	shalt  }
0x68: {  	_ =	shalt  }
0x69: {  	_ =	shalt  }
0x6a: {  	_ =	shalt  }
0x6b: {  	_ =	shalt  }
0x6c: {  	_ =	shalt  }
0x6d: {  	_ =	shalt  }
0x6e: {  	_ =	shalt  }
0x6f: {  	_ =	shalt  }
0x70: {  	_ =	shalt  }
0x71: {  	_ =	shalt  }
0x72: {  	_ =	shalt  }
0x73: {  	_ =	shalt  }
0x74: {  	_ =	shalt  }
0x75: {  	_ =	shalt  }
0x76: {  	_ =	shalt  }
0x77: {  	_ =	shalt  }
0x78: {  	_ =	shalt  }
0x79: {  	_ =	shalt  }
0x7a: {  	_ =	shalt  }
0x7b: {  	_ =	shalt  }
0x7c: {  	_ =	shalt  }
0x7d: {  	_ =	shalt  }
0x7e: {  	_ =	shalt  }
0x7f: {  	_ =	shalt  }
0x80: {  	_ =	shalt  }
0x81: {  	_ =	shalt  }
0x82: {  	_ =	shalt  }
0x83: {  	_ =	shalt  }
0x84: {  	_ =	shalt  }
0x85: {  	_ =	shalt  }
0x86: {  	_ =	shalt  }
0x87: {  	_ =	shalt  }
.Lfunc_end0:
.L_simem_size_0:
called_computation_lowered:
.L_overlay_start_0:
0x88: {  	s2 =	sld [smem:$0x3FD9]  }
0x89: {  	s3 =	sld [smem:$0x3FFE];
	_ =	sdelay $0x1  }
0x8a: {  	s1 =	srdreg.scid  }
0x8b: {  	s0 =	sand.u32 $0x1, s1  }
0x8c: {  	s17 =	sshll.u32 s0, $0xA;
	s2 =	sadd.s32 s3, s2  }
0x8d: {  	s2 =	sadd.s32 s2, s17  }
0x8e: {  	[smem:$0x3FB9] =	sst s2  }
0x8f: {  	_ = 	snop  }
0x90: {  	s2 =	sld [smem:$0x3FC9];
	(tm) =	ssettm $0x1  }
0x91: {  	s18 =	sld [smem:$0x3FFB];
	_ =	sdelay $0x3  }
0x92: {  	_ =	strace s18  }
0x93: {  	s3 =	sld [smem:$0x3FFC];
	_ =	sdelay $0x3  }
0x94: {  	_ =	strace s3  }
0x95: {  	s3 =	sld [smem:$0x3FFD];
	_ =	sdelay $0x3  }
0x96: {  	_ =	strace s3  }
0x97: {  	_ =	strace $0x8FFFFFFF  }
0x98: {  	s19 =	sld [smem:$0x3FDB];
	_ =	sdelay $0x1  }
0x99: {  	s4 =	simm.s32 $_scs_section_size  }
0x9a: {  	s5 =	simm.s32 $_size__tile_overlayer_lowered;
	s6 =	simm.s32 $_tile_overlayer_lowered  }
0x9b: {  	s22 =	simm.s32 $0x1BFF;
	s21 =	sshll.u32 s6, $0x1;
	s3 =	sadd.s32 s4, s19  }
0x9c: {  	s7 =	simm.s32 $0x0;
	s20 =	sshll.u32 s5, $0x1;
	s5 =	sadd.s32 s21, s3  }
0x9d: {  	[timem:s7], [sflag:s22] =	dma.local [hbm:s5], s20  }
0x9e: {  	_ =	swait.ge [sflag:s22], s20  }
0x9f: {  	s4 =	ssub.s32 $0x0, s20;
	[sflag:s22] =	ssyncset.done $0x0  }
0xa0: {  	[sflag:s22] =	ssyncadd.s32 s4;
	_ =	sdelay $0x1  }
0xa1: {  	s23 =	simm.s32 $0x1B8B  }
0xa2: {  	_ =	swait.ge [sflag:s23], $0x1  }
0xa3: {  	[sflag:s23] =	ssyncset.done $0x0  }
0xa4: {  	s25 =	simm.s32 $0x1B8E;
	s24 =	sld [smem:$0x3FFE];
	[sflag:s23] =	ssyncadd.s32 $0xFFFFFFFF  }
0xa5: {  	s26 =	simm.s32 $execute0_lowered;
	[smem:$0x3FD2] =	sst s25  }
0xa6: {  	s5 =	sshll.u32 s26, $0x1;
	_ =	strace $0x80000046;
	[dreg:$0x1] =	wrdreg $0xFFFFFFFF  }
0xa7: {  	s28 =	simm.s32 $_size_execute0_lowered;
	s3 =	sadd.s32 s3, s5;
	[dreg:$0x0] =	wrdreg $0x0  }
0xa8: {  	s5 =	sshll.u32 s28, $0x1;
	[dreg:$0x2] =	wrdreg s3  }
0xa9: {  	[dreg:$0x3] =	wrdreg s5  }
0xaa: {  	[dreg:$0x4] =	wrdreg $0xC0  }
0xab: {  	_ =	task [dreg:s7], $0x5FFFF  }
0xac: {  	[dreg:$0x1] =	wrdreg $0xFFFFFFFF  }
0xad: {  	[dreg:$0x0] =	wrdreg $0x60  }
0xae: {  	[dreg:$0x2] =	wrdreg s2  }
0xaf: {  	[dreg:$0x3] =	wrdreg s24  }
0xb0: {  	[dreg:$0x4] =	wrdreg $0x131500  }
0xb1: {  	[dreg:$0x5] =	wrdreg $0x1CD900  }
0xb2: {  	[dreg:$0x6] =	wrdreg $0x9  }
0xb3: {  	_ =	task.clear_ibuf [dreg:s7], $0x7FFFF;
	_ =	strace $0x90000046  }
0xb4: {  	s29 =	simm.s32 $0x9;
	_ =	strace $0x80000048  }
0xb5: {  	_ =	swait.ge [sflag:s29], $0x1  }
0xb6: {  	[sflag:s29] =	ssyncadd.s32 $0xFFFFFFFF  }
0xb7: {  	_ =	strace $0x90000048  }
0xb8: {  	_ =	sfence  }
0xb9: {  	s30 =	sld [smem:$0x0];
	_ =	sdelay $0x2  }
0xba: {  	s31 =	sshll.u32 s1, $0xD;
	s1 =	sshrl.u32 s1, $0x2  }
0xbb: {  	s3 =	sand.u32 $0x4000, s31;
	s1 =	sadd.s32 s1, s30  }
0xbc: {  	s0 =	sor.u32 s3, s0;
	s1 =	sshll.u32 s1, $0x11  }
0xbd: {  	s0 =	sor.u32 s1, s0  }
0xbe: {  	s0 =	sadd.s32 $0x8F2B, s0  }
0xbf: {  	[sflag:s0] =	ssyncadd.remote.s32 $0x1  }
0xc0: {  	_ =	sfence.sel $0xFFFF  }
0xc1: {  	[dreg:$0x0] =	wrdreg $0xFFFFFFFF;
	(pc) =	sbr.abs _section_cstart, $3  }
0xc2: {  	[dreg:$0x1] =	wrdreg $0xFFFFFFFF  }
0xc3: {  	_ =	task.clear_ibuf [dreg:s7], $0x2FFFF;
	_ =	strace $0x9FFFFFFF  }
0xc4: {  	(tm) =	ssettm $0x7FFFFFFF  }
0xc5: {  	_ =	shalt  }
tec
execute0_lowered:
.L_overlay_start_1:
0x0: {  	(tag) =	ssettag $0x1  }
0x1: {  	s1 =	rddreg [dreg:$0x0]  }
0x2: {  	s0 =	rddreg [dreg:$0x1]  }
0x3: {  	s3 =	rddreg [dreg:$0x2];
	s12 =	stileid.u32  }
0x4: {  	s2 =	srdreg.scid;
	s4 =	rddreg [dreg:$0x3]  }
0x5: {  	s7 =	simm.s32 $0x0;
	s16 =	simm.s32 $0x11D00;
	s17 =	simm.s32 $0xB  }
0x6: {  	s18 =	simm.s32 $0x12700;
	s19 =	simm.s32 $0x7D;
	s5 =	smul.u32 $0xA00, s12  }
0x7: {  	s29 =	simm.s32 $0xBF40;
	s31 =	simm.s32 $0xDE80;
	s25 =	smul.u32 $0xA000, s12  }
0x8: {  	s28 =	simm.s32 $0x1;
	s30 =	simm.s32 $0x2;
	s10 =	smul.u32 $0x2800, s12  }
0x9: {  	s2 =	sand.u32 $0x1, s2;
	p0 =	seq.s32 s12, $0xF;
	s12 =	smul.u32 $0x28000, s12  }
0xa: {  	[smem:$0x7FF] =	sst s7;
	s15 =	sadd.s32 $0x96000, s3;
	s6 =	smul.u32 $0x13880, s2  }
0xb: {  	s20 =	sadd.s32 $0x25800, s4;
	s23 =	smul.u32 $0x4E20, s2;
	_ =	strace $0x80000047  }
0xc: {  	s8 =	smul.u32 $0xA000, s2;
	s9 =	ssub.s32 $0x2, s2;
	p1 =	sne.s32 s2, $0x0  }
0xd: {  	p2 =	seq.s32 s2, $0x0;
	s2 =	sshrl.u32 @p0 s15, $0x3;
	s15 =	simm.s32 $0xFDC0  }
0xe: {  	s5 =	sadd.s32 s5, s0;
	s24 =	sshrl.u32 s9, $0x1;
	s11 =	sadd.s32 s25, s3  }
0xf: {  	s26 =	sshrl.u32 s12, $0x2;
	[dreg:$0xb] =	wrdreg s2;
	s2 =	sshrl.u32 @p0 s20, $0x3  }
0x10: {  	s12 =	simm.s32 $0x8;
	s6 =	sadd.s32 s6, s0;
	s0 =	sadd.s32 s23, s0  }
0x11: {  	s8 =	sadd.s32 s8, s5;
	s7 =	ssub.s32 s9, s24;
	s5 =	sadd.s32 $0x16C00, s5  }
0x12: {  	s9 =	simm.s32 $0xA;
	[dreg:$0xc] =	wrdreg s2;
	s8 =	sadd.s32 $0x2C00, s8  }
0x13: {  	[dreg:$0x6] =	wrdreg s5;
	s13 =	sadd.s32 $0x2AA00, s6;
	s6 =	sshrl.u32 s25, $0x3  }
0x14: {  	s21 =	sadd.s32 $0x20C00, s0;
	s0 =	sshrl.u32 s10, $0x3;
	s10 =	sadd.s32 s10, s4  }
0x15: {  	s7 =	smax.u32 s7, $0x1;
	s5 =	sshrl.u32 s25, $0x2;
	[dreg:$0x5] =	wrdreg s8  }
0x16: {  	s8 =	simm.s32 $0xA;
	[dreg:$0x9] =	wrdreg s7;
	s7 =	sadd.s32 s26, s3  }
0x17: {  	s14 =	sadd.s32 s5, s4;
	[dreg:$0x7] =	wrdreg s13;
	s2 =	sadd.s32 @!p0 s6, s13  }
0x18: {  	[dreg:$0x8] =	wrdreg s21;
	s0 =	sadd.s32 @!p0 s0, s21;
	s26 =	simm.s32 $0xA000  }
0x19: {  	s5 =	simm.s32 $0x5;
	s6 =	simm.s32 $0x6;
	[dreg:$0xa] =	wrdreg s7  }
0x1a: {  	s8 =	simm.s32 @!p0 $0x10;
	[dreg:$0xd] =	wrdreg s2;
	s2 =	sshrl.u32 @!p0 s11, $0x3  }
0x1b: {  	[dreg:$0xf] =	wrdreg s0;
	s0 =	sshrl.u32 @!p0 s10, $0x3;
	s7 =	simm.s32 $0x7  }
0x1c: {  	s10 =	simm.s32 $0x9;
	s11 =	simm.s32 $0x0;
	[dreg:$0xe] =	wrdreg s2  }
0x1d: {  	v0 =	vimm.f32 $0.0e+00;
	v1 =	vimm.f32 $1.000000000e+00;
	[dreg:$0x10] =	wrdreg s0;
	s2 =	simm.s32 $0x3;
	s0 =	simm.s32 $0x4  }
.LBB2_1:
0x1e: {  	s13 =	simm.s32 $0x0;
	s20 =	rddreg [dreg:$0x5]  }
0x1f: {  	[tilespmem:s13], [sflag:$0xA] =	stream.linear.gather [hbm4b:s20+s13], $0x5000, $0x38;
	[tilespmem:$0x1F4A0] =	vst v63  }
0x20: {  	s25 =	rddreg [dreg:$0x6];
	s21 =	simm.s32 $0x5000  }
0x21: {  	[tilespmem:s21], [sflag:$0xA] =	stream.linear.gather [hbm4b:s25+s13], $0x5000, $0x38;
	[tilespmem:$0x1F4A0] =	vst v63  }
0x22: {  	s20 =	simm.s32 $0x0;
	s21 =	simm.s32 $0x100  }
.LBB2_2:
0x23: {  	p3 =	sne.s32 s21, $0x2700;
	[tilespmem:s20+$0x11D30] =	vst v0;
	s22 =	smov.u32 s21;
	s21 =	sadd.s32 $0x100, s21  }
.Ltmp0:
0x24: {  	[tilespmem:s20+$0x11D20] =	vst v0;
	(pc) =	sbr.rel @p3 .LBB2_2-.Ltmp0, $3  }
0x25: {  	[tilespmem:s20+$0x11D00] =	vst v0  }
0x26: {  	[tilespmem:s20+$0x11D10] =	vst v0;
	_ =	sdelay $0x1  }
0x27: {  	s20 =	sshra.s32 s22, $0x2  }
0x28: {  	[tilespmem:s20+$0x11D30] =	vst v0  }
0x29: {  	[tilespmem:s20+$0x11D20] =	vst v0;
	p3 =	sne.s32 s8, $0x1  }
.Ltmp1:
0x2a: {  	[tilespmem:s20+$0x11D00] =	vst v0;
	(pc) =	sbr.rel @!p3 .LBB2_5-.Ltmp1, $4  }
0x2b: {  	[tilespmem:s20+$0x11D10] =	vst v0;
	s21 =	rddreg [dreg:$0xa]  }
0x2c: {  	[spmem:s21] =	stream.linear.scatter [tilespmem:s16], [sflag:$0xB], $0xA00, $0x38;
	[tilespmem:$0x1F4A0] =	vst v63  }
0x2d: {  	_ =	swait.ge [sflag:s17], $0xA00  }
0x2e: {  	s20 =	sadd.s32 $0xFFFFFFFF, s8;
	[sflag:s17] =	ssyncset.done $0x0  }
.LBB2_4:
0x2f: {  	p4 =	sne.s32 s20, $0x1;
	[sflag:s17] =	ssyncadd.s32 $0xFFFFF600;
	s21 =	sadd.s32 $0xA00, s21  }
.Ltmp2:
0x30: {  	s20 =	sadd.s32 $0xFFFFFFFF, s20;
	(pc) =	sbr.rel @p4 .LBB2_4-.Ltmp2, $4  }
0x31: {  	_ = 	snop  }
0x32: {  	[spmem:s21] =	stream.linear.scatter [tilespmem:s16], [sflag:$0xB], $0xA00, $0x38;
	[tilespmem:$0x1F4A0] =	vst v63  }
0x33: {  	_ =	swait.ge [sflag:s17], $0xA00  }
0x34: {  	[sflag:s17] =	ssyncset.done $0x0  }
.LBB2_5:
0x35: {  	[sflag:s17] =	ssyncadd.s32 $0xFFFFF600  }
0x36: {  	[tilespmem:$0x12700] =	vst v0  }
0x37: {  	[tilespmem:$0x12710] =	vst v0  }
0x38: {  	[tilespmem:$0x12720] =	vst v0  }
0x39: {  	[tilespmem:$0x12730] =	vst v0  }
0x3a: {  	[tilespmem:$0x12740] =	vst v0  }
0x3b: {  	[tilespmem:$0x12750] =	vst v0  }
0x3c: {  	[tilespmem:$0x12760] =	vst v0  }
0x3d: {  	[tilespmem:$0x12770] =	vst v0  }
0x3e: {  	[tilespmem:$0x12780] =	vst v0  }
0x3f: {  	[tilespmem:$0x12790] =	vst v0  }
0x40: {  	[tilespmem:$0x127A0] =	vst v0  }
0x41: {  	[tilespmem:$0x127B0] =	vst v0  }
0x42: {  	[tilespmem:$0x127C0] =	vst v0  }
0x43: {  	[tilespmem:$0x127D0] =	vst v0  }
0x44: {  	[tilespmem:$0x127E0] =	vst v0  }
0x45: {  	[tilespmem:$0x127F0] =	vst v0  }
0x46: {  	[tilespmem:$0x12800] =	vst v0  }
0x47: {  	[tilespmem:$0x12810] =	vst v0  }
0x48: {  	[tilespmem:$0x12820] =	vst v0  }
0x49: {  	[tilespmem:$0x12830] =	vst v0  }
0x4a: {  	[tilespmem:$0x12840] =	vst v0  }
0x4b: {  	[tilespmem:$0x12850] =	vst v0  }
0x4c: {  	[tilespmem:$0x12860] =	vst v0  }
0x4d: {  	[tilespmem:$0x12870] =	vst v0  }
0x4e: {  	[tilespmem:$0x12880] =	vst v0  }
0x4f: {  	[tilespmem:$0x12890] =	vst v0  }
0x50: {  	[tilespmem:$0x128A0] =	vst v0  }
0x51: {  	[tilespmem:$0x128B0] =	vst v0  }
0x52: {  	[tilespmem:$0x128C0] =	vst v0  }
0x53: {  	[tilespmem:$0x128D0] =	vst v0  }
0x54: {  	[tilespmem:$0x128E0] =	vst v0  }
0x55: {  	[tilespmem:$0x128F0] =	vst v0  }
0x56: {  	[tilespmem:$0x12900] =	vst v0  }
0x57: {  	[tilespmem:$0x12910] =	vst v0  }
0x58: {  	[tilespmem:$0x12920] =	vst v0  }
0x59: {  	[tilespmem:$0x12930] =	vst v0  }
0x5a: {  	[tilespmem:$0x12940] =	vst v0  }
0x5b: {  	[tilespmem:$0x12950] =	vst v0  }
0x5c: {  	[tilespmem:$0x12960] =	vst v0  }
0x5d: {  	s20 =	simm.s32 $0x40;
	s21 =	simm.s32 $0x0;
	[tilespmem:$0x12970] =	vst v0  }
.LBB2_6:
0x5e: {  	p4 =	sne.s32 s20, $0x1F00;
	[tilespmem:s21+$0x12980] =	vst v1;
	s21 =	smov.u32 s20;
	s20 =	sadd.s32 $0x40, s20  }
.Ltmp3:
0x5f: {  	(pc) =	sbr.rel @p4 .LBB2_6-.Ltmp3, $2  }
0x60: {  	_ =	sdelay $0x2  }
0x61: {  	s21 =	sshra.s32 s21, $0x2  }
.Ltmp4:
0x62: {  	(pc) =	sbr.rel @!p3 .LBB2_9-.Ltmp4, $4  }
0x63: {  	[tilespmem:s21+$0x12980] =	vst v1  }
0x64: {  	[spmem:s14] =	stream.linear.scatter [tilespmem:s18], [sflag:$0xB], $0x280, $0x38;
	[tilespmem:$0x1F4A0] =	vst v63  }
0x65: {  	_ =	swait.ge [sflag:s17], $0x280  }
0x66: {  	s20 =	sadd.s32 $0xFFFFFFFF, s8;
	s21 =	smov.u32 s14;
	[sflag:s17] =	ssyncset.done $0x0  }
.LBB2_8:
0x67: {  	p3 =	sne.s32 s20, $0x1;
	[sflag:s17] =	ssyncadd.s32 $0xFFFFFD80;
	s21 =	sadd.s32 $0x280, s21  }
.Ltmp5:
0x68: {  	s20 =	sadd.s32 $0xFFFFFFFF, s20;
	(pc) =	sbr.rel @p3 .LBB2_8-.Ltmp5, $4  }
0x69: {  	_ = 	snop  }
0x6a: {  	[spmem:s21] =	stream.linear.scatter [tilespmem:s18], [sflag:$0xB], $0x280, $0x38;
	[tilespmem:$0x1F4A0] =	vst v63  }
0x6b: {  	_ =	swait.ge [sflag:s17], $0x280  }
0x6c: {  	[sflag:s17] =	ssyncset.done $0x0  }
.LBB2_9:
0x6d: {  	[sflag:s17] =	ssyncadd.s32 $0xFFFFFD80  }
0x6e: {  	[bflag:$0x0] =	sbarrier.arrive $0xFFFF  }
0x6f: {  	_ =	swait.ge [sflag:s9], $0x5000  }
0x70: {  	[sflag:s9] =	ssyncset.done $0x0  }
0x71: {  	[sflag:s9] =	ssyncadd.s32 $0xFFFFB000  }
0x72: {  	_ =	swait.ge [sflag:s9], $0x5000  }
0x73: {  	[sflag:s9] =	ssyncset.done $0x0  }
0x74: {  	s20 =	simm.s32 $0x0;
	[sflag:s9] =	ssyncadd.s32 $0xFFFFB000  }
0x75: {  	[tilespmem:s26], [sflag:$0x1] =	stream.indirect.gather [hbm4b:s1+s19], $0x40, s20, s19, $0xb8;
	[tilespmem:$0x1F4A0] =	vst v63  }
0x76: {  	s13 =	simm.s32 $0x80  }
0x77: {  	[tilespmem:s29], [sflag:$0x2] =	stream.indirect.gather [hbm4b:s1+s19], $0x40, s13, s19, $0xb8;
	[tilespmem:$0x1F4A0] =	vst v63  }
0x78: {  	s23 =	simm.s32 $0x100  }
0x79: {  	[tilespmem:s31], [sflag:$0x3] =	stream.indirect.gather [hbm4b:s1+s19], $0x40, s23, s19, $0xb8;
	[tilespmem:$0x1F4A0] =	vst v63  }
0x7a: {  	s24 =	simm.s32 $0x180  }
0x7b: {  	[tilespmem:s15], [sflag:$0x4] =	stream.indirect.gather [hbm4b:s1+s19], $0x40, s24, s19, $0xb8;
	[tilespmem:$0x1F4A0] =	vst v63  }
0x7c: {  	_ =	swait.ge [sflag:s28], $0x1F40  }
0x7d: {  	[sflag:s28] =	ssyncset.done $0x0  }
0x7e: {  	s22 =	simm.s32 $0x5000;
	[sflag:s28] =	ssyncadd.s32 $0xFFFFE0C0  }
0x7f: {  	[spmem:s3] =	stream.indirect.scatter.add.f32 [tilespmem:s26], [sflag:$0x5], $0x40, s22, s19, $0xb8;
	[tilespmem:$0x1F4A0] =	vst v63  }
0x80: {  	s21 =	simm.s32 @!p1 $0x12980;
	s20 =	simm.s32 @!p1 $0x7D  }
0x81: {  	[spmem:s4] =	stream.indirect.scatter.add.f32 @!p1 [tilespmem:s21], [sflag:$0x9], $0x10, s22, s20, $0xb8;
	[tilespmem:$0x1F4A0] =	vst v63  }
0x82: {  	_ =	swait.ge [sflag:s30], $0x1F40  }
0x83: {  	[sflag:s30] =	ssyncset.done $0x0  }
0x84: {  	s24 =	simm.s32 $0x5080;
	[sflag:s30] =	ssyncadd.s32 $0xFFFFE0C0  }
0x85: {  	[spmem:s3] =	stream.indirect.scatter.add.f32 [tilespmem:s29], [sflag:$0x6], $0x40, s24, s19, $0xb8;
	[tilespmem:$0x1F4A0] =	vst v63  }
0x86: {  	s23 =	simm.s32 @!p2 $0x12980;
	s22 =	simm.s32 @!p2 $0x7D  }
0x87: {  	[spmem:s4] =	stream.indirect.scatter.add.f32 @!p2 [tilespmem:s23], [sflag:$0x9], $0x10, s24, s22, $0xb8;
	[tilespmem:$0x1F4A0] =	vst v63  }
0x88: {  	_ =	swait.ge [sflag:s2], $0x1F40  }
0x89: {  	[sflag:s2] =	ssyncset.done $0x0  }
0x8a: {  	s24 =	simm.s32 $0x5100;
	[sflag:s2] =	ssyncadd.s32 $0xFFFFE0C0  }
0x8b: {  	[spmem:s3] =	stream.indirect.scatter.add.f32 [tilespmem:s31], [sflag:$0x7], $0x40, s24, s19, $0xb8;
	[tilespmem:$0x1F4A0] =	vst v63  }
0x8c: {  	_ = 	snop  }
0x8d: {  	[spmem:s4] =	stream.indirect.scatter.add.f32 @!p1 [tilespmem:s21], [sflag:$0x9], $0x10, s24, s20, $0xb8;
	[tilespmem:$0x1F4A0] =	vst v63  }
0x8e: {  	_ =	swait.ge [sflag:s0], $0x1F40  }
0x8f: {  	[sflag:s0] =	ssyncset.done $0x0  }
0x90: {  	s24 =	simm.s32 $0x5180;
	[sflag:s0] =	ssyncadd.s32 $0xFFFFE0C0  }
0x91: {  	[spmem:s3] =	stream.indirect.scatter.add.f32 [tilespmem:s15], [sflag:$0x8], $0x40, s24, s19, $0xb8;
	[tilespmem:$0x1F4A0] =	vst v63  }
0x92: {  	_ = 	snop  }
0x93: {  	[spmem:s4] =	stream.indirect.scatter.add.f32 @!p2 [tilespmem:s23], [sflag:$0x9], $0x10, s24, s22, $0xb8;
	[tilespmem:$0x1F4A0] =	vst v63  }
0x94: {  	_ =	swait.ge [sflag:s5], $0x1F40  }
0x95: {  	[sflag:s5] =	ssyncset.done $0x0  }
0x96: {  	s25 =	simm.s32 $0x200;
	[sflag:s5] =	ssyncadd.s32 $0xFFFFE0C0  }
0x97: {  	[tilespmem:s26], [sflag:$0x1] =	stream.indirect.gather [hbm4b:s1+s19], $0x40, s25, s19, $0xb8;
	[tilespmem:$0x1F4A0] =	vst v63  }
0x98: {  	_ =	swait.ge [sflag:s6], $0x1F40  }
0x99: {  	[sflag:s6] =	ssyncset.done $0x0  }
0x9a: {  	s13 =	simm.s32 $0x280;
	[sflag:s6] =	ssyncadd.s32 $0xFFFFE0C0  }
0x9b: {  	[tilespmem:s29], [sflag:$0x2] =	stream.indirect.gather [hbm4b:s1+s19], $0x40, s13, s19, $0xb8;
	[tilespmem:$0x1F4A0] =	vst v63  }
0x9c: {  	_ =	swait.ge [sflag:s7], $0x1F40  }
0x9d: {  	[sflag:s7] =	ssyncset.done $0x0  }
0x9e: {  	s25 =	simm.s32 $0x300;
	[sflag:s7] =	ssyncadd.s32 $0xFFFFE0C0  }
0x9f: {  	[tilespmem:s31], [sflag:$0x3] =	stream.indirect.gather [hbm4b:s1+s19], $0x40, s25, s19, $0xb8;
	[tilespmem:$0x1F4A0] =	vst v63  }
0xa0: {  	_ =	swait.ge [sflag:s12], $0x1F40  }
0xa1: {  	[sflag:s12] =	ssyncset.done $0x0  }
0xa2: {  	s24 =	simm.s32 $0x800;
	s25 =	simm.s32 $0x380;
	[sflag:s12] =	ssyncadd.s32 $0xFFFFE0C0  }
.LBB2_10:
0xa3: {  	[tilespmem:s15], [sflag:$0x4] =	stream.indirect.gather [hbm4b:s1+s19], $0x40, s25, s19, $0xb8;
	[tilespmem:$0x1F4A0] =	vst v63  }
0xa4: {  	s25 =	smov.u32 s24;
	s24 =	sadd.s32 $0x800, s24;
	_ =	swait.ge [sflag:s28], $0x1F40  }
0xa5: {  	s25 =	sshra.s32 s25, $0x2;
	p3 =	sne.s32 s24, $0x13800;
	[sflag:s28] =	ssyncset.done $0x0  }
0xa6: {  	s13 =	sadd.s32 $0x5000, s25;
	[sflag:s28] =	ssyncadd.s32 $0xFFFFE0C0  }
0xa7: {  	[spmem:s3] =	stream.indirect.scatter.add.f32 [tilespmem:s26], [sflag:$0x5], $0x40, s13, s19, $0xb8;
	[tilespmem:$0x1F4A0] =	vst v63  }
0xa8: {  	_ = 	snop  }
0xa9: {  	[spmem:s4] =	stream.indirect.scatter.add.f32 @!p1 [tilespmem:s21], [sflag:$0x9], $0x10, s13, s20, $0xb8;
	[tilespmem:$0x1F4A0] =	vst v63  }
0xaa: {  	_ =	swait.ge [sflag:s30], $0x1F40  }
0xab: {  	[sflag:s30] =	ssyncset.done $0x0  }
0xac: {  	s13 =	sadd.s32 $0x5080, s25;
	[sflag:s30] =	ssyncadd.s32 $0xFFFFE0C0  }
0xad: {  	[spmem:s3] =	stream.indirect.scatter.add.f32 [tilespmem:s29], [sflag:$0x6], $0x40, s13, s19, $0xb8;
	[tilespmem:$0x1F4A0] =	vst v63  }
0xae: {  	_ = 	snop  }
0xaf: {  	[spmem:s4] =	stream.indirect.scatter.add.f32 @!p2 [tilespmem:s23], [sflag:$0x9], $0x10, s13, s22, $0xb8;
	[tilespmem:$0x1F4A0] =	vst v63  }
0xb0: {  	_ =	swait.ge [sflag:s2], $0x1F40  }
0xb1: {  	[sflag:s2] =	ssyncset.done $0x0  }
0xb2: {  	s13 =	sadd.s32 $0x5100, s25;
	[sflag:s2] =	ssyncadd.s32 $0xFFFFE0C0  }
0xb3: {  	[spmem:s3] =	stream.indirect.scatter.add.f32 [tilespmem:s31], [sflag:$0x7], $0x40, s13, s19, $0xb8;
	[tilespmem:$0x1F4A0] =	vst v63  }
0xb4: {  	_ = 	snop  }
0xb5: {  	[spmem:s4] =	stream.indirect.scatter.add.f32 @!p1 [tilespmem:s21], [sflag:$0x9], $0x10, s13, s20, $0xb8;
	[tilespmem:$0x1F4A0] =	vst v63  }
0xb6: {  	_ =	swait.ge [sflag:s0], $0x1F40  }
0xb7: {  	[sflag:s0] =	ssyncset.done $0x0  }
0xb8: {  	s13 =	sadd.s32 $0x5180, s25;
	[sflag:s0] =	ssyncadd.s32 $0xFFFFE0C0  }
0xb9: {  	[spmem:s3] =	stream.indirect.scatter.add.f32 [tilespmem:s15], [sflag:$0x8], $0x40, s13, s19, $0xb8;
	[tilespmem:$0x1F4A0] =	vst v63  }
0xba: {  	_ = 	snop  }
0xbb: {  	[spmem:s4] =	stream.indirect.scatter.add.f32 @!p2 [tilespmem:s23], [sflag:$0x9], $0x10, s13, s22, $0xb8;
	[tilespmem:$0x1F4A0] =	vst v63  }
0xbc: {  	_ =	swait.ge [sflag:s5], $0x1F40  }
0xbd: {  	[sflag:s5] =	ssyncset.done $0x0  }
0xbe: {  	s13 =	sadd.s32 $0x200, s25;
	[sflag:s5] =	ssyncadd.s32 $0xFFFFE0C0  }
0xbf: {  	[tilespmem:s26], [sflag:$0x1] =	stream.indirect.gather [hbm4b:s1+s19], $0x40, s13, s19, $0xb8;
	[tilespmem:$0x1F4A0] =	vst v63  }
0xc0: {  	_ =	swait.ge [sflag:s6], $0x1F40  }
0xc1: {  	[sflag:s6] =	ssyncset.done $0x0  }
0xc2: {  	s13 =	sadd.s32 $0x280, s25;
	[sflag:s6] =	ssyncadd.s32 $0xFFFFE0C0  }
0xc3: {  	[tilespmem:s29], [sflag:$0x2] =	stream.indirect.gather [hbm4b:s1+s19], $0x40, s13, s19, $0xb8;
	[tilespmem:$0x1F4A0] =	vst v63  }
0xc4: {  	_ =	swait.ge [sflag:s7], $0x1F40  }
0xc5: {  	[sflag:s7] =	ssyncset.done $0x0  }
.Ltmp6:
0xc6: {  	s13 =	sadd.s32 $0x300, s25;
	[sflag:s7] =	ssyncadd.s32 $0xFFFFE0C0;
	(pc) =	sbr.rel @p3 .LBB2_10-.Ltmp6, $4  }
0xc7: {  	[tilespmem:s31], [sflag:$0x3] =	stream.indirect.gather [hbm4b:s1+s19], $0x40, s13, s19, $0xb8;
	[tilespmem:$0x1F4A0] =	vst v63  }
0xc8: {  	_ =	swait.ge [sflag:s12], $0x1F40  }
0xc9: {  	[sflag:s12] =	ssyncset.done $0x0  }
0xca: {  	s25 =	sadd.s32 $0x380, s25;
	[sflag:s12] =	ssyncadd.s32 $0xFFFFE0C0  }
0xcb: {  	[tilespmem:s15], [sflag:$0x4] =	stream.indirect.gather [hbm4b:s1+s19], $0x40, s25, s19, $0xb8;
	[tilespmem:$0x1F4A0] =	vst v63  }
0xcc: {  	_ =	swait.ge [sflag:s28], $0x1F40  }
0xcd: {  	[sflag:s28] =	ssyncset.done $0x0  }
0xce: {  	s13 =	simm.s32 $0x9E00;
	[sflag:s28] =	ssyncadd.s32 $0xFFFFE0C0  }
0xcf: {  	[spmem:s3] =	stream.indirect.scatter.add.f32 [tilespmem:s26], [sflag:$0x5], $0x40, s13, s19, $0xb8;
	[tilespmem:$0x1F4A0] =	vst v63  }
0xd0: {  	s13 =	simm.s32 @p1 $0x2  }
0xd1: {  	_ =	swait.ge @p1 [sflag:s13], $0x1F40  }
0xd2: {  	s22 =	simm.s32 @p1 $0x9E80;
	[sflag:s13] =	ssyncset.done @p1 $0x0  }
0xd3: {  	s23 =	simm.s32 @p1 $0xBF40;
	[sflag:s13] =	ssyncadd.s32 @p1 $0xFFFFE0C0;
	s13 =	simm.s32 @p1 $0x7D  }
0xd4: {  	[spmem:s3] =	stream.indirect.scatter.add.f32 @p1 [tilespmem:s23], [sflag:$0x6], $0x40, s22, s13, $0xb8;
	[tilespmem:$0x1F4A0] =	vst v63  }
0xd5: {  	s23 =	simm.s32 @p1 $0x12980  }
0xd6: {  	[spmem:s4] =	stream.indirect.scatter.add.f32 @p1 [tilespmem:s23], [sflag:$0x9], $0x10, s22, s13, $0xb8;
	[tilespmem:$0x1F4A0] =	vst v63  }
0xd7: {  	s22 =	simm.s32 @p1 $0x3  }
0xd8: {  	_ =	swait.ge @p1 [sflag:s22], $0x1F40  }
0xd9: {  	[sflag:s22] =	ssyncset.done @p1 $0x0  }
0xda: {  	s24 =	simm.s32 @p1 $0xDE80;
	[sflag:s22] =	ssyncadd.s32 @p1 $0xFFFFE0C0;
	s22 =	simm.s32 @p1 $0x9F00  }
0xdb: {  	[spmem:s3] =	stream.indirect.scatter.add.f32 @p1 [tilespmem:s24], [sflag:$0x7], $0x40, s22, s13, $0xb8;
	[tilespmem:$0x1F4A0] =	vst v63  }
0xdc: {  	s22 =	simm.s32 @p1 $0x4  }
0xdd: {  	_ =	swait.ge @p1 [sflag:s22], $0x1F40  }
0xde: {  	[sflag:s22] =	ssyncset.done @p1 $0x0  }
0xdf: {  	s24 =	simm.s32 @p1 $0xFDC0;
	[sflag:s22] =	ssyncadd.s32 @p1 $0xFFFFE0C0;
	s22 =	simm.s32 @p1 $0x9F80  }
0xe0: {  	[spmem:s3] =	stream.indirect.scatter.add.f32 @p1 [tilespmem:s24], [sflag:$0x8], $0x40, s22, s13, $0xb8;
	[tilespmem:$0x1F4A0] =	vst v63  }
0xe1: {  	_ = 	snop  }
0xe2: {  	[spmem:s4] =	stream.indirect.scatter.add.f32 @p1 [tilespmem:s23], [sflag:$0x9], $0x10, s22, s13, $0xb8;
	[tilespmem:$0x1F4A0] =	vst v63  }
0xe3: {  	s13 =	simm.s32 @!p1 $0x9E00  }
0xe4: {  	[spmem:s4] =	stream.indirect.scatter.add.f32 @!p1 [tilespmem:s21], [sflag:$0x9], $0x10, s13, s20, $0xb8;
	[tilespmem:$0x1F4A0] =	vst v63  }
0xe5: {  	s13 =	simm.s32 @!p1 $0x2  }
0xe6: {  	_ =	swait.ge @!p1 [sflag:s13], $0x1F40  }
0xe7: {  	[sflag:s13] =	ssyncset.done @!p1 $0x0  }
0xe8: {  	s22 =	simm.s32 @!p1 $0xBF40;
	[sflag:s13] =	ssyncadd.s32 @!p1 $0xFFFFE0C0;
	s13 =	simm.s32 @!p1 $0x9E80  }
0xe9: {  	[spmem:s3] =	stream.indirect.scatter.add.f32 @!p1 [tilespmem:s22], [sflag:$0x6], $0x40, s13, s20, $0xb8;
	[tilespmem:$0x1F4A0] =	vst v63  }
0xea: {  	s13 =	simm.s32 @!p1 $0x3  }
0xeb: {  	_ =	swait.ge @!p1 [sflag:s13], $0x1F40  }
0xec: {  	[sflag:s13] =	ssyncset.done @!p1 $0x0  }
0xed: {  	s22 =	simm.s32 @!p1 $0xDE80;
	[sflag:s13] =	ssyncadd.s32 @!p1 $0xFFFFE0C0;
	s13 =	simm.s32 @!p1 $0x9F00  }
0xee: {  	[spmem:s3] =	stream.indirect.scatter.add.f32 @!p1 [tilespmem:s22], [sflag:$0x7], $0x40, s13, s20, $0xb8;
	[tilespmem:$0x1F4A0] =	vst v63  }
0xef: {  	_ = 	snop  }
0xf0: {  	[spmem:s4] =	stream.indirect.scatter.add.f32 @!p1 [tilespmem:s21], [sflag:$0x9], $0x10, s13, s20, $0xb8;
	[tilespmem:$0x1F4A0] =	vst v63  }
0xf1: {  	s13 =	simm.s32 @!p1 $0x4  }
0xf2: {  	_ =	swait.ge @!p1 [sflag:s13], $0x1F40  }
0xf3: {  	[sflag:s13] =	ssyncset.done @!p1 $0x0  }
0xf4: {  	s21 =	simm.s32 @!p1 $0xFDC0;
	[sflag:s13] =	ssyncadd.s32 @!p1 $0xFFFFE0C0;
	s13 =	simm.s32 @!p1 $0x9F80  }
0xf5: {  	[spmem:s3] =	stream.indirect.scatter.add.f32 @!p1 [tilespmem:s21], [sflag:$0x8], $0x40, s13, s20, $0xb8;
	[tilespmem:$0x1F4A0] =	vst v63  }
0xf6: {  	_ =	swait.ge [sflag:s5], $0x1F40  }
0xf7: {  	[sflag:s5] =	ssyncset.done $0x0  }
0xf8: {  	[sflag:s5] =	ssyncadd.s32 $0xFFFFE0C0  }
0xf9: {  	_ =	swait.ge [sflag:s6], $0x1F40  }
0xfa: {  	[sflag:s6] =	ssyncset.done $0x0  }
0xfb: {  	[sflag:s6] =	ssyncadd.s32 $0xFFFFE0C0  }
0xfc: {  	_ =	swait.ge [sflag:s7], $0x1F40  }
0xfd: {  	[sflag:s7] =	ssyncset.done $0x0  }
0xfe: {  	[sflag:s7] =	ssyncadd.s32 $0xFFFFE0C0  }
0xff: {  	_ =	swait.ge [sflag:s12], $0x1F40  }
0x100: {  	[sflag:s12] =	ssyncset.done $0x0  }
0x101: {  	[sflag:s12] =	ssyncadd.s32 $0xFFFFE0C0  }
0x102: {  	_ =	swait.ge [sflag:s10], $0x7D0  }
0x103: {  	s20 =	simm.s32 $0x4F;
	[sflag:s10] =	ssyncset.done $0x0  }
.LBB2_12:
0x104: {  	p3 =	sne.s32 s20, $0x1;
	s20 =	sadd.s32 $0xFFFFFFFF, s20;
	[sflag:s10] =	ssyncadd.s32 $0xFFFFF830  }
.Ltmp7:
0x105: {  	(pc) =	sbr.rel @p3 .LBB2_12-.Ltmp7, $3  }
0x106: {  	_ =	sdelay $0x1  }
0x107: {  	_ =	swait.ge [sflag:s10], $0x7D0  }
0x108: {  	[sflag:s10] =	ssyncset.done $0x0  }
0x109: {  	[sflag:s10] =	ssyncadd.s32 $0xFFFFF830  }
0x10a: {  	[bflag:$0x0] =	sbarrier.arrive $0xFFFF  }
0x10b: {  	s13 =	rddreg [dreg:$0x7]  }
0x10c: {  	s20 =	simm.s32 @p0 $0x1FCB;
	s21 =	rddreg [dreg:$0xb];
	s13 =	sadd.s32 @p0 $0x12C00, s13  }
0x10d: {  	[hbm:s13], [sflag:s20] =	dma.local @p0 [spmem:s21], $0xC80  }
0x10e: {  	s13 =	simm.s32 @p0 $0xB  }
0x10f: {  	_ =	swait.ge @p0 [sflag:s13], $0xC80  }
0x110: {  	[sflag:s13] =	ssyncset.done @p0 $0x0;
	s21 =	rddreg [dreg:$0x8]  }
0x111: {  	s22 =	rddreg [dreg:$0xc];
	[sflag:s13] =	ssyncadd.s32 @p0 $0xFFFFF380;
	s21 =	sadd.s32 @p0 $0x4B00, s21  }
0x112: {  	[hbm:s21], [sflag:s20] =	dma.local @p0 [spmem:s22], $0x320  }
0x113: {  	s20 =	stileid.u32;
	_ =	swait.ge @p0 [sflag:s13], $0x320  }
0x114: {  	s20 =	sshll.u32 @!p0 s20, $0x6;
	[sflag:s13] =	ssyncset.done @p0 $0x0;
	s21 =	rddreg [dreg:$0xe]  }
0x115: {  	[sflag:s13] =	ssyncadd.s32 @p0 $0xFFFFFCE0;
	s13 =	sor.u32 @!p0 $0x1C0B, s20;
	s20 =	rddreg [dreg:$0xd]  }
0x116: {  	[hbm:s20], [sflag:s13] =	dma.local @!p0 [spmem:s21], $0x1400  }
0x117: {  	s20 =	simm.s32 @!p0 $0xB  }
0x118: {  	_ =	swait.ge @!p0 [sflag:s20], $0x1400  }
0x119: {  	[sflag:s20] =	ssyncset.done @!p0 $0x0;
	s21 =	rddreg [dreg:$0xf]  }
0x11a: {  	s22 =	rddreg [dreg:$0x10];
	[sflag:s20] =	ssyncadd.s32 @!p0 $0xFFFFEC00  }
0x11b: {  	[hbm:s21], [sflag:s13] =	dma.local @!p0 [spmem:s22], $0x500  }
0x11c: {  	_ =	swait.ge @!p0 [sflag:s20], $0x500  }
0x11d: {  	s11 =	sadd.s32 $0x1, s11;
	s25 =	rddreg [dreg:$0x9]  }
0x11e: {  	p3 =	sne.s32 s11, s25  }
.Ltmp8:
0x11f: {  	_ = 	snop;
	(pc) =	sbr.rel @p3 .LBB2_1-.Ltmp8, $3  }
0x120: {  	_ =	sdelay $0x1  }
0x121: {  	[sflag:s20] =	ssyncset.done @!p0 $0x0  }
0x122: {  	[sflag:s20] =	ssyncadd.s32 @!p0 $0xFFFFFB00  }
0x123: {  	_ =	sfence.sel $0x180000  }
0x124: {  	[bflag:$0x0] =	sbarrier.arrive $0xFFFF  }
0x125: {  	_ =	strace $0x90000047  }
0x126: {  	s0 =	stileid.u32;
	[bflag:$0x2] =	sbarrier.arrive $0xFFFF  }
0x127: {  	p0 =	sne.s32 s0, $0x0;
	s0 =	rddreg [dreg:$0x4]  }
0x128: {  	s0 =	sadd.s32 @!p0 $0x100000, s0  }
0x129: {  	[sflag:s0] =	ssyncadd.tile.s32 @!p0 $0x1;
	_ =	shalt  }
.Lfunc_end2:
_tile_overlayer_lowered:
.L_overlay_start_2:
0x12a: {  	(tag) =	ssettag $0x2  }
0x12b: {  	s0 =	rddreg [dreg:$0x0];
	s2 =	stileid.u32  }
0x12c: {  	s1 =	rddreg [dreg:$0x1];
	p0 =	sne.s32 s2, $0x0  }
0x12d: {  	s3 =	rddreg [dreg:$0x2];
	[bflag:$0x3] =	sbarrier.arrive $0xFFFF;
	s2 =	simm.s32 @!p0 $0x1C0B  }
0x12e: {  	[timem:s3], [sflag:s2] =	dma.local @!p0 [hbm:s0], s1  }
0x12f: {  	s0 =	simm.s32 @!p0 $0xB  }
0x130: {  	_ =	swait.ge @!p0 [sflag:s0], s1  }
0x131: {  	s1 =	ssub.s32 @!p0 $0x0, s1;
	[sflag:s0] =	ssyncset.done @!p0 $0x0  }
0x132: {  	[sflag:s0] =	ssyncadd.s32 @!p0 s1  }
0x133: {  	[bflag:$0x3] =	sbarrier.arrive $0xFFFF  }
0x134: {  	_ =	shalt  }

</sc_bundles>
